<compile_context>
chip_gen: v7x
topology: tpu7x:2x2x1
jax: 0.10.2.dev20260603
libtpu: 0.0.44.dev20260713+nightly
codegen_flags: <defaults>
</compile_context>

<pallas_src>
import functools

import jax
import jax.numpy as jnp
from jax import lax
from jax.experimental import pallas as pl
from jax.experimental.pallas import tpu as pltpu
from jax.experimental.pallas import tpu_sc as plsc

N_NODES = 10000
D = 128
N_PAD = 10240
E_PAD = 327680
A_CH = 64
A_NCH = E_PAD // A_CH
CPT = A_NCH // 32
NBUF = 4
ROWS_PT = N_PAD // 16
DEG_R = 10016
DEG_W = 16
SCALE_X = 256.0
SCALE_H = 64.0

_SC_PARAMS = pltpu.CompilerParams(use_tc_tiling_on_sc=False,
                                  needs_layout_passes=False)


def _sc_aggregate(dataq, src2d, dst2d, with_deg):
    mesh = plsc.VectorSubcoreMesh(core_axis_name="c", subcore_axis_name="s")
    out_type = [jax.ShapeDtypeStruct((2, N_PAD, D), jnp.int16)]
    scratch = [
        pltpu.VMEM_SHARED((N_PAD, D), jnp.int16),
        pltpu.VMEM_SHARED((N_PAD, D), jnp.int16),
        pltpu.VMEM((CPT, A_CH), jnp.int32),
        pltpu.VMEM((CPT, A_CH), jnp.int32),
        pltpu.VMEM((NBUF, A_CH, D), jnp.int16),
    ] + [pltpu.SemaphoreType.DMA] * (2 * NBUF)
    if with_deg:
        out_type.append(jax.ShapeDtypeStruct((2, N_PAD, DEG_W), jnp.float32))
        scratch += [
            pltpu.VMEM_SHARED((DEG_R, DEG_W), jnp.float32),
            pltpu.VMEM((A_CH, DEG_W), jnp.float32),
        ] + [pltpu.SemaphoreType.DMA] * NBUF

    @functools.partial(pl.kernel, out_type=out_type, mesh=mesh,
                       scratch_types=scratch, compiler_params=_SC_PARAMS)
    def k(data_hbm, src_hbm, dst_hbm, *refs):
        if with_deg:
            (part_hbm, deg_hbm, x_sh, acc_sh, src_v, dst_v, rows_v,
             *rest) = refs
            gsem = rest[:NBUF]
            ssem = rest[NBUF:2 * NBUF]
            deg_sh, ones_v = rest[2 * NBUF:2 * NBUF + 2]
            dsem = rest[2 * NBUF + 2:]
        else:
            (part_hbm, x_sh, acc_sh, src_v, dst_v, rows_v, *rest) = refs
            gsem = rest[:NBUF]
            ssem = rest[NBUF:]
        core = lax.axis_index("c")
        sub = lax.axis_index("s")
        wid = sub * 2 + core

        base = sub * ROWS_PT
        pltpu.sync_copy(data_hbm.at[pl.ds(base, ROWS_PT)],
                        x_sh.at[pl.ds(base, ROWS_PT)])

        @pl.loop(0, A_CH)
        def _(i):
            for j in range(D // 32):
                rows_v[0, i, pl.ds(32 * j, 32)] = jnp.zeros((32,), jnp.int16)

        for c in range(ROWS_PT // A_CH):
            pltpu.sync_copy(rows_v.at[0],
                            acc_sh.at[pl.ds(base + c * A_CH, A_CH)])

        if with_deg:
            @pl.loop(0, A_CH)
            def _(i):
                ones_v[i, :] = jnp.zeros((DEG_W,), jnp.float32)
            dn = DEG_R // 16
            dbase = sub * dn
            for c in range(dn // A_CH):
                pltpu.sync_copy(ones_v,
                                deg_sh.at[pl.ds(dbase + c * A_CH, A_CH)])
            rem = dn % A_CH
            pltpu.sync_copy(ones_v.at[pl.ds(0, rem)],
                            deg_sh.at[pl.ds(dbase + dn - rem, rem)])

            @pl.loop(0, A_CH)
            def _(i):
                ones_v[i, :] = jnp.ones((DEG_W,), jnp.float32)

        pltpu.sync_copy(src_hbm.at[pl.ds(wid * CPT, CPT)], src_v)
        pltpu.sync_copy(dst_hbm.at[pl.ds(wid * CPT, CPT)], dst_v)

        plsc.subcore_barrier()

        def gather(g, b):
            pltpu.async_copy(x_sh.at[src_v.at[g]], rows_v.at[b], gsem[b])

        def gather_wait(g, b):
            pltpu.make_async_copy(x_sh.at[src_v.at[g]], rows_v.at[b],
                                  gsem[b]).wait()

        def scat(g, b):
            pltpu.async_copy(rows_v.at[b], acc_sh.at[dst_v.at[g]], ssem[b],
                             add=True)
            if with_deg:
                pltpu.async_copy(ones_v, deg_sh.at[dst_v.at[g]], dsem[b],
                                 add=True)

        def scat_drain(g, b):
            pltpu.make_async_copy(rows_v.at[b], acc_sh.at[dst_v.at[g]],
                                  ssem[b]).wait()
            if with_deg:
                pltpu.make_async_copy(ones_v, deg_sh.at[dst_v.at[g]],
                                      dsem[b]).wait()

        gather(0, 0)
        gather(1, 1)
        for b in range(2):
            gather_wait(b, b)
            scat(b, b)
            gather(b + 2, b + 2)
        for b in range(2):
            scat_drain(b, b)
            gather_wait(b + 2, b + 2)
            scat(b + 2, b + 2)
            gather(b + 4, b)

        @pl.loop(4, CPT - 4, step=NBUF)
        def _(gi):
            for b in range(NBUF):
                g = gi + b
                scat_drain(g - 2, (b + 2) % NBUF)
                gather_wait(g, b)
                scat(g, b)
                gather(g + 2, (b + 2) % NBUF)

        for b in range(NBUF):
            g = CPT - 4 + b
            scat_drain(g - 2, (b + 2) % NBUF)
            if b < 2:
                gather(g + 2, b + 2)
            gather_wait(g, b)
            scat(g, b)
        scat_drain(CPT - 2, 2)
        scat_drain(CPT - 1, 3)

        plsc.subcore_barrier()

        pltpu.sync_copy(acc_sh.at[pl.ds(base, ROWS_PT)],
                        part_hbm.at[core, pl.ds(base, ROWS_PT)])
        if with_deg:
            dn = DEG_R // 16
            pltpu.sync_copy(deg_sh.at[pl.ds(sub * dn, dn)],
                            deg_hbm.at[core, pl.ds(sub * dn, dn)])

    return k(dataq, src2d, dst2d)


BLK = 1280
GRID = N_PAD // BLK


def _tc_layer0(part, deg, x, w0l, w0r, b0):
    def body(p_ref, deg_ref, x_ref, wl_ref, wr_ref, b_ref, o_ref, o16_ref):
        d = deg_ref[0][:, 0:1] + deg_ref[1][:, 0:1]
        rdeg = (1.0 / SCALE_X) / jnp.maximum(d, 1.0)
        agg = (p_ref[0].astype(jnp.float32)
               + p_ref[1].astype(jnp.float32)) * rdeg
        h = lax.dot_general(agg, wl_ref[...], (((1,), (1,)), ((), ())),
                            precision=lax.Precision.HIGHEST,
                            preferred_element_type=jnp.float32)
        h += lax.dot_general(x_ref[...], wr_ref[...], (((1,), (1,)), ((), ())),
                             precision=lax.Precision.HIGHEST,
                             preferred_element_type=jnp.float32)
        h = jnp.maximum(h + b_ref[...], 0.0)
        o_ref[...] = h
        o16_ref[...] = jnp.minimum(h * SCALE_H + 0.5,
                                   32000.0).astype(jnp.int16)

    return pl.pallas_call(
        body,
        grid=(GRID,),
        in_specs=[
            pl.BlockSpec((2, BLK, D), lambda m: (0, m, 0)),
            pl.BlockSpec((2, BLK, DEG_W), lambda m: (0, m, 0)),
            pl.BlockSpec((BLK, D), lambda m: (m, 0)),
            pl.BlockSpec((D, D), lambda m: (0, 0)),
            pl.BlockSpec((D, D), lambda m: (0, 0)),
            pl.BlockSpec((1, D), lambda m: (0, 0)),
        ],
        out_specs=[pl.BlockSpec((BLK, D), lambda m: (m, 0)),
                   pl.BlockSpec((BLK, D), lambda m: (m, 0))],
        out_shape=[jax.ShapeDtypeStruct((N_PAD, D), jnp.float32),
                   jax.ShapeDtypeStruct((N_PAD, D), jnp.int16)],
    )(part, deg, x, w0l, w0r, b0)


def _tc_layer1(part, deg, h, w1l, w1r, b1, wlin, blin):
    def body(p_ref, deg_ref, h_ref, wl_ref, wr_ref, b_ref, wo_ref, bo_ref,
             o_ref):
        d = deg_ref[0][:, 0:1] + deg_ref[1][:, 0:1]
        rdeg = (1.0 / SCALE_H) / jnp.maximum(d, 1.0)
        agg = (p_ref[0].astype(jnp.float32)
               + p_ref[1].astype(jnp.float32)) * rdeg
        h_in = h_ref[...]
        h2 = lax.dot_general(agg, wl_ref[...], (((1,), (1,)), ((), ())),
                             precision=lax.Precision.HIGHEST,
                             preferred_element_type=jnp.float32)
        h2 += lax.dot_general(h_in, wr_ref[...], (((1,), (1,)), ((), ())),
                              precision=lax.Precision.HIGHEST,
                              preferred_element_type=jnp.float32)
        h2 += b_ref[...] + h_in
        mu = jnp.mean(h2, axis=1, keepdims=True)
        var = jnp.mean((h2 - mu) ** 2, axis=1, keepdims=True)
        hn = (h2 - mu) / jnp.sqrt(var + 1e-5)
        hn = jnp.maximum(hn, 0.0)
        o_ref[...] = lax.dot_general(hn, wo_ref[...], (((1,), (1,)), ((), ())),
                                     precision=lax.Precision.HIGHEST,
                                     preferred_element_type=jnp.float32) \
            + bo_ref[...]

    return pl.pallas_call(
        body,
        grid=(GRID,),
        in_specs=[
            pl.BlockSpec((2, BLK, D), lambda m: (0, m, 0)),
            pl.BlockSpec((2, BLK, DEG_W), lambda m: (0, m, 0)),
            pl.BlockSpec((BLK, D), lambda m: (m, 0)),
            pl.BlockSpec((D, D), lambda m: (0, 0)),
            pl.BlockSpec((D, D), lambda m: (0, 0)),
            pl.BlockSpec((1, D), lambda m: (0, 0)),
            pl.BlockSpec((2, D), lambda m: (0, 0)),
            pl.BlockSpec((1, 2), lambda m: (0, 0)),
        ],
        out_specs=pl.BlockSpec((BLK, 2), lambda m: (m, 0)),
        out_shape=jax.ShapeDtypeStruct((N_PAD, 2), jnp.float32),
    )(part, deg, h, w1l, w1r, b1, wlin, blin)


def kernel(x, edge_index, W0_l, b0_l, W0_r, b0_r, W1_l, b1_l, W1_r, b1_r,
           W_lin, b_lin):
    src = edge_index[0].astype(jnp.int32)
    dst = edge_index[1].astype(jnp.int32)
    n_edges = src.shape[0]
    pad_dst = N_NODES + (jnp.arange(E_PAD, dtype=jnp.int32) % 14)
    src_pad = jnp.pad(src, (0, E_PAD - n_edges))
    dst_pad = jnp.where(jnp.arange(E_PAD) < n_edges,
                        jnp.pad(dst, (0, E_PAD - n_edges)), pad_dst)
    src2d = src_pad.reshape(A_NCH, A_CH)
    dst2d = dst_pad.reshape(A_NCH, A_CH)
    x_pad = jnp.pad(x, ((0, N_PAD - N_NODES), (0, 0)))
    x_q = jnp.round(x_pad * SCALE_X).astype(jnp.int16)

    b0 = (b0_l + b0_r).reshape(1, D)
    b1 = (b1_l + b1_r).reshape(1, D)
    blin = b_lin.reshape(1, 2)

    part0, deg = _sc_aggregate(x_q, src2d, dst2d, with_deg=True)
    h, h16 = _tc_layer0(part0, deg, x_pad, W0_l, W0_r, b0)
    part1, = _sc_aggregate(h16, src2d, dst2d, with_deg=False)
    out = _tc_layer1(part1, deg, h, W1_l, W1_r, b1, W_lin, blin)
    return out[:N_NODES]

# --- scband reference (transcript-rebuilt; emitter-appended) ---
"""Pipeline reference for scband-improved-graph-sage-44822278701841 (READ-ONLY COPY).

The authoritative reference and input builder live on the scoring server;
editing this copy changes nothing except your own understanding.
"""

import jax, jax.numpy as jnp
import numpy as np

N_NODES = 10000
N_EDGES = 320000
D_IN = 128
D_HID = 128

def _kaiming(key, shape):
    fan_in = shape[1]
    bound = np.sqrt(6.0 / fan_in)
    return jax.random.uniform(key, shape, dtype=jnp.float32, minval=-bound, maxval=bound)

def setup_inputs(seed: int = 0) -> dict:
    key = jax.random.key(seed)
    ks = jax.random.split(key, 12)
    x = jax.random.normal(ks[0], (N_NODES, D_IN), dtype=jnp.float32)
    edge_index = jax.random.randint(ks[1], (2, N_EDGES), 0, N_NODES, dtype=jnp.int64) if jax.config.jax_enable_x64 else jax.random.randint(ks[1], (2, N_EDGES), 0, N_NODES).astype(jnp.int32)
    return {
        'x': x,
        'edge_index': edge_index,
        'W0_l': _kaiming(ks[2], (D_HID, D_IN)),  'b0_l': jnp.zeros((D_HID,), jnp.float32),
        'W0_r': _kaiming(ks[3], (D_HID, D_IN)),  'b0_r': jnp.zeros((D_HID,), jnp.float32),
        'W1_l': _kaiming(ks[4], (D_HID, D_HID)), 'b1_l': jnp.zeros((D_HID,), jnp.float32),
        'W1_r': _kaiming(ks[5], (D_HID, D_HID)), 'b1_r': jnp.zeros((D_HID,), jnp.float32),
        'W_lin': _kaiming(ks[6], (2, D_HID)),    'b_lin': jnp.zeros((2,), jnp.float32),
    }

def _sage_conv(x, edge_index, Wl, bl, Wr, br):
    # PyG SAGEConv with aggr='mean': out = lin_l(mean_j x_j) + lin_r(x_i)
    src = edge_index[0]
    dst = edge_index[1]
    msg = jnp.take(x, src, axis=0)                                  # gather (SparseCore)
    agg = jax.ops.segment_sum(msg, dst, num_segments=x.shape[0])    # scatter-add
    deg = jax.ops.segment_sum(jnp.ones((src.shape[0],), jnp.float32), dst, num_segments=x.shape[0])
    agg = agg / jnp.maximum(deg, 1.0)[:, None]
    return agg @ Wl.T + bl + x @ Wr.T + br

def _layer_norm(h, eps=1e-5):
    mu = jnp.mean(h, axis=-1, keepdims=True)
    var = jnp.var(h, axis=-1, keepdims=True)
    return (h - mu) / jnp.sqrt(var + eps)

def reference(x, edge_index, W0_l, b0_l, W0_r, b0_r, W1_l, b1_l, W1_r, b1_r, W_lin, b_lin):
    # layer 0 (dropout is identity in eval mode)
    h = jax.nn.relu(_sage_conv(x, edge_index, W0_l, b0_l, W0_r, b0_r))
    # layer 1 with residual + layer_norm + relu
    residual = h
    h = _sage_conv(h, edge_index, W1_l, b1_l, W1_r, b1_r)
    h = h + residual
    h = _layer_norm(h)
    h = jax.nn.relu(h)
    # classifier head
    return h @ W_lin.T + b_lin

if __name__ == "__main__":
    import jax
    _d = setup_inputs()
    print(jax.jit(kernel)(*tuple(_d.values())))

</pallas_src>

<mosaic_0001>
#map = affine_map<(d0, d1) -> (0, 0)>
#map1 = affine_map<(d0, d1) -> (0, 0, 0)>
module attributes {stable_mosaic.version = 14 : i64} {
  func.func @k(%arg0: i32, %arg1: i32, %arg2: memref<10240x128xi16, #tpu.memory_space<hbm>>, %arg3: memref<5120x64xi32, #tpu.memory_space<hbm>>, %arg4: memref<5120x64xi32, #tpu.memory_space<hbm>>, %arg5: memref<2x10240x128xi16, #tpu.memory_space<hbm>>, %arg6: memref<10240x128xi16, #tpu.memory_space<vmem_shared>>, %arg7: memref<10240x128xi16, #tpu.memory_space<vmem_shared>>, %arg8: memref<160x64xi32, #tpu.memory_space<vmem>>, %arg9: memref<160x64xi32, #tpu.memory_space<vmem>>, %arg10: memref<4x64x128xi16, #tpu.memory_space<vmem>>, %arg11: memref<!tpu.dma_semaphore, #tpu.memory_space<semaphore_mem>>, %arg12: memref<!tpu.dma_semaphore, #tpu.memory_space<semaphore_mem>>, %arg13: memref<!tpu.dma_semaphore, #tpu.memory_space<semaphore_mem>>, %arg14: memref<!tpu.dma_semaphore, #tpu.memory_space<semaphore_mem>>, %arg15: memref<!tpu.dma_semaphore, #tpu.memory_space<semaphore_mem>>, %arg16: memref<!tpu.dma_semaphore, #tpu.memory_space<semaphore_mem>>, %arg17: memref<!tpu.dma_semaphore, #tpu.memory_space<semaphore_mem>>, %arg18: memref<!tpu.dma_semaphore, #tpu.memory_space<semaphore_mem>>) attributes {dimension_semantics = [#tpu.dimension_semantics<core_parallel>, #tpu.dimension_semantics<subcore_parallel>], iteration_bounds = array<i64: 2, 16>, scalar_prefetch = 0 : i64, scratch_operands = 13 : i64, tpu.core_type = #tpu.core_type<sc_vector_subcore>, window_params = [{transform_indices = #map}, {transform_indices = #map}, {transform_indices = #map}, {transform_indices = #map1}]} {
    %mul3A = arith.constant 2 : i32
    %mul3A_0 = arith.muli %arg1, %mul3A : i32
    %add3A = arith.addi %mul3A_0, %arg0 : i32
    %mul3A_1 = arith.constant 640 : i32
    %mul3A_2 = arith.muli %arg1, %mul3A_1 : i32
    "tpu.region"() ({
      %run_scoped3A_428 = tpu.sem_alloc : memref<!tpu.dma_semaphore, #tpu.memory_space<semaphore_mem>>
      %dma_start3A_429 = arith.constant 0 : i32
      %dma_start3A_430 = tpu.memref_slice %arg6[%mul3A_2, %dma_start3A_429] : memref<10240x128xi16, #tpu.memory_space<vmem_shared>> -> memref<640x128xi16, #tpu.memory_space<vmem_shared>>
      %dma_start3A_431 = arith.constant 0 : i32
      %dma_start3A_432 = tpu.memref_slice %arg2[%mul3A_2, %dma_start3A_431] : memref<10240x128xi16, #tpu.memory_space<hbm>> -> memref<640x128xi16, #tpu.memory_space<hbm>>
      tpu.enqueue_dma source(%dma_start3A_432 : memref<640x128xi16, #tpu.memory_space<hbm>>) target(%dma_start3A_430 : memref<640x128xi16, #tpu.memory_space<vmem_shared>>) target_semaphore(%run_scoped3A_428 : memref<!tpu.dma_semaphore, #tpu.memory_space<semaphore_mem>>)
      %dma_wait3A_433 = arith.constant 0 : i32
      %dma_wait3A_434 = tpu.memref_slice %arg6[%mul3A_2, %dma_wait3A_433] : memref<10240x128xi16, #tpu.memory_space<vmem_shared>> -> memref<640x128xi16, #tpu.memory_space<vmem_shared>>
      %dma_wait3A_435 = arith.constant 0 : i32
      %dma_wait3A_436 = tpu.memref_slice %arg2[%mul3A_2, %dma_wait3A_435] : memref<10240x128xi16, #tpu.memory_space<hbm>> -> memref<640x128xi16, #tpu.memory_space<hbm>>
      tpu.wait_dma2 semaphore(%run_scoped3A_428 : memref<!tpu.dma_semaphore, #tpu.memory_space<semaphore_mem>>) src(%dma_wait3A_436 : memref<640x128xi16, #tpu.memory_space<hbm>>) dst(%dma_wait3A_434 : memref<640x128xi16, #tpu.memory_space<vmem_shared>>)
      tpu.yield
    }) : () -> ()
    %scan3A = arith.constant 0 : i32
    %scan3A_3 = arith.constant 64 : i32
    %scan3A_4 = arith.addi %scan3A, %scan3A_3 : i32
    %scan3A_5 = arith.constant 1 : i32
    scf.for %scan3A_428 = %scan3A to %scan3A_4 step %scan3A_5  : i32 {
      %mul3A_429 = arith.constant 1 : i32
      %mul3A_430 = arith.muli %scan3A_428, %mul3A_429 : i32
      %add3A_431 = arith.constant 0 : i32
      %add3A_432 = arith.addi %add3A_431, %mul3A_430 : i32
      %broadcast_in_dim3A = arith.constant 0 : i16
      %broadcast_in_dim3A_433 = vector.broadcast %broadcast_in_dim3A : i16 to vector<32xi16>
      %swap3A = arith.constant 0 : i32
      %swap3A_434 = arith.index_cast %swap3A : i32 to index
      %swap3A_435 = arith.index_cast %add3A_432 : i32 to index
      %swap3A_436 = arith.constant 0 : index
      %swap3A_437 = tpu.vector_load %arg10[%swap3A_434, %swap3A_435, %swap3A_436] {strides = array<i32>} : memref<4x64x128xi16, #tpu.memory_space<vmem>>, vector<32xi16>,
      tpu.vector_store %arg10[%swap3A_434, %swap3A_435, %swap3A_436], %broadcast_in_dim3A_433 {strides = array<i32>} : memref<4x64x128xi16, #tpu.memory_space<vmem>>, vector<32xi16>,
      %broadcast_in_dim3A_438 = arith.constant 0 : i16
      %broadcast_in_dim3A_439 = vector.broadcast %broadcast_in_dim3A_438 : i16 to vector<32xi16>
      %swap3A_440 = arith.constant 0 : i32
      %swap3A_441 = arith.index_cast %swap3A_440 : i32 to index
      %swap3A_442 = arith.index_cast %add3A_432 : i32 to index
      %swap3A_443 = arith.constant 32 : index
      %swap3A_444 = tpu.vector_load %arg10[%swap3A_441, %swap3A_442, %swap3A_443] {strides = array<i32>} : memref<4x64x128xi16, #tpu.memory_space<vmem>>, vector<32xi16>,
      tpu.vector_store %arg10[%swap3A_441, %swap3A_442, %swap3A_443], %broadcast_in_dim3A_439 {strides = array<i32>} : memref<4x64x128xi16, #tpu.memory_space<vmem>>, vector<32xi16>,
      %broadcast_in_dim3A_445 = arith.constant 0 : i16
      %broadcast_in_dim3A_446 = vector.broadcast %broadcast_in_dim3A_445 : i16 to vector<32xi16>
      %swap3A_447 = arith.constant 0 : i32
      %swap3A_448 = arith.index_cast %swap3A_447 : i32 to index
      %swap3A_449 = arith.index_cast %add3A_432 : i32 to index
      %swap3A_450 = arith.constant 64 : index
      %swap3A_451 = tpu.vector_load %arg10[%swap3A_448, %swap3A_449, %swap3A_450] {strides = array<i32>} : memref<4x64x128xi16, #tpu.memory_space<vmem>>, vector<32xi16>,
      tpu.vector_store %arg10[%swap3A_448, %swap3A_449, %swap3A_450], %broadcast_in_dim3A_446 {strides = array<i32>} : memref<4x64x128xi16, #tpu.memory_space<vmem>>, vector<32xi16>,
      %broadcast_in_dim3A_452 = arith.constant 0 : i16
      %broadcast_in_dim3A_453 = vector.broadcast %broadcast_in_dim3A_452 : i16 to vector<32xi16>
      %swap3A_454 = arith.constant 0 : i32
      %swap3A_455 = arith.index_cast %swap3A_454 : i32 to index
      %swap3A_456 = arith.index_cast %add3A_432 : i32 to index
      %swap3A_457 = arith.constant 96 : index
      %swap3A_458 = tpu.vector_load %arg10[%swap3A_455, %swap3A_456, %swap3A_457] {strides = array<i32>} : memref<4x64x128xi16, #tpu.memory_space<vmem>>, vector<32xi16>,
      tpu.vector_store %arg10[%swap3A_455, %swap3A_456, %swap3A_457], %broadcast_in_dim3A_453 {strides = array<i32>} : memref<4x64x128xi16, #tpu.memory_space<vmem>>, vector<32xi16>,
    }
    %scan3A_6 = arith.constant 64 : i32
    %add3A_7 = arith.constant 0 : i32
    %add3A_8 = arith.addi %mul3A_2, %add3A_7 : i32
    %run_scoped3A = arith.constant 0 : i32
    "tpu.region"() ({
      %run_scoped3A_428 = tpu.sem_alloc : memref<!tpu.dma_semaphore, #tpu.memory_space<semaphore_mem>>
      %dma_start3A_429 = arith.constant 0 : i32
      %dma_start3A_430 = arith.constant 0 : i32
      %dma_start3A_431 = tpu.memref_slice %arg10[%run_scoped3A, %dma_start3A_429, %dma_start3A_430] : memref<4x64x128xi16, #tpu.memory_space<vmem>> -> memref<1x64x128xi16, #tpu.memory_space<vmem>>
      %dma_start3A_432 = tpu.memref_squeeze %dma_start3A_431 : memref<1x64x128xi16, #tpu.memory_space<vmem>> -> memref<64x128xi16, #tpu.memory_space<vmem>>
      %dma_start3A_433 = arith.constant 0 : i32
      %dma_start3A_434 = tpu.memref_slice %arg7[%add3A_8, %dma_start3A_433] : memref<10240x128xi16, #tpu.memory_space<vmem_shared>> -> memref<64x128xi16, #tpu.memory_space<vmem_shared>>
      %dma_start3A_435 = arith.constant 0 : i32
      %dma_start3A_436 = tpu.memref_slice %arg7[%add3A_8, %dma_start3A_435] : memref<10240x128xi16, #tpu.memory_space<vmem_shared>> -> memref<64x128xi16, #tpu.memory_space<vmem_shared>>
      %dma_start3A_437 = arith.constant 0 : i32
      %dma_start3A_438 = arith.constant 0 : i32
      %dma_start3A_439 = tpu.memref_slice %arg10[%run_scoped3A, %dma_start3A_437, %dma_start3A_438] : memref<4x64x128xi16, #tpu.memory_space<vmem>> -> memref<1x64x128xi16, #tpu.memory_space<vmem>>
      %dma_start3A_440 = tpu.memref_squeeze %dma_start3A_439 : memref<1x64x128xi16, #tpu.memory_space<vmem>> -> memref<64x128xi16, #tpu.memory_space<vmem>>
      tpu.enqueue_dma source(%dma_start3A_440 : memref<64x128xi16, #tpu.memory_space<vmem>>) target(%dma_start3A_436 : memref<64x128xi16, #tpu.memory_space<vmem_shared>>) target_semaphore(%run_scoped3A_428 : memref<!tpu.dma_semaphore, #tpu.memory_space<semaphore_mem>>)
      %dma_wait3A_441 = arith.constant 0 : i32
      %dma_wait3A_442 = arith.constant 0 : i32
      %dma_wait3A_443 = tpu.memref_slice %arg10[%run_scoped3A, %dma_wait3A_441, %dma_wait3A_442] : memref<4x64x128xi16, #tpu.memory_space<vmem>> -> memref<1x64x128xi16, #tpu.memory_space<vmem>>
      %dma_wait3A_444 = tpu.memref_squeeze %dma_wait3A_443 : memref<1x64x128xi16, #tpu.memory_space<vmem>> -> memref<64x128xi16, #tpu.memory_space<vmem>>
      %dma_wait3A_445 = arith.constant 0 : i32
      %dma_wait3A_446 = tpu.memref_slice %arg7[%add3A_8, %dma_wait3A_445] : memref<10240x128xi16, #tpu.memory_space<vmem_shared>> -> memref<64x128xi16, #tpu.memory_space<vmem_shared>>
      %dma_wait3A_447 = arith.constant 0 : i32
      %dma_wait3A_448 = tpu.memref_slice %arg7[%add3A_8, %dma_wait3A_447] : memref<10240x128xi16, #tpu.memory_space<vmem_shared>> -> memref<64x128xi16, #tpu.memory_space<vmem_shared>>
      %dma_wait3A_449 = arith.constant 0 : i32
      %dma_wait3A_450 = arith.constant 0 : i32
      %dma_wait3A_451 = tpu.memref_slice %arg10[%run_scoped3A, %dma_wait3A_449, %dma_wait3A_450] : memref<4x64x128xi16, #tpu.memory_space<vmem>> -> memref<1x64x128xi16, #tpu.memory_space<vmem>>
      %dma_wait3A_452 = tpu.memref_squeeze %dma_wait3A_451 : memref<1x64x128xi16, #tpu.memory_space<vmem>> -> memref<64x128xi16, #tpu.memory_space<vmem>>
      tpu.wait_dma2 semaphore(%run_scoped3A_428 : memref<!tpu.dma_semaphore, #tpu.memory_space<semaphore_mem>>) src(%dma_wait3A_452 : memref<64x128xi16, #tpu.memory_space<vmem>>) dst(%dma_wait3A_448 : memref<64x128xi16, #tpu.memory_space<vmem_shared>>)
      tpu.yield
    }) : () -> ()
    %add3A_9 = arith.constant 64 : i32
    %add3A_10 = arith.addi %mul3A_2, %add3A_9 : i32
    %run_scoped3A_11 = arith.constant 0 : i32
    "tpu.region"() ({
      %run_scoped3A_428 = tpu.sem_alloc : memref<!tpu.dma_semaphore, #tpu.memory_space<semaphore_mem>>
      %dma_start3A_429 = arith.constant 0 : i32
      %dma_start3A_430 = arith.constant 0 : i32
      %dma_start3A_431 = tpu.memref_slice %arg10[%run_scoped3A_11, %dma_start3A_429, %dma_start3A_430] : memref<4x64x128xi16, #tpu.memory_space<vmem>> -> memref<1x64x128xi16, #tpu.memory_space<vmem>>
      %dma_start3A_432 = tpu.memref_squeeze %dma_start3A_431 : memref<1x64x128xi16, #tpu.memory_space<vmem>> -> memref<64x128xi16, #tpu.memory_space<vmem>>
      %dma_start3A_433 = arith.constant 0 : i32
      %dma_start3A_434 = tpu.memref_slice %arg7[%add3A_10, %dma_start3A_433] : memref<10240x128xi16, #tpu.memory_space<vmem_shared>> -> memref<64x128xi16, #tpu.memory_space<vmem_shared>>
      %dma_start3A_435 = arith.constant 0 : i32
      %dma_start3A_436 = tpu.memref_slice %arg7[%add3A_10, %dma_start3A_435] : memref<10240x128xi16, #tpu.memory_space<vmem_shared>> -> memref<64x128xi16, #tpu.memory_space<vmem_shared>>
      %dma_start3A_437 = arith.constant 0 : i32
      %dma_start3A_438 = arith.constant 0 : i32
      %dma_start3A_439 = tpu.memref_slice %arg10[%run_scoped3A_11, %dma_start3A_437, %dma_start3A_438] : memref<4x64x128xi16, #tpu.memory_space<vmem>> -> memref<1x64x128xi16, #tpu.memory_space<vmem>>
      %dma_start3A_440 = tpu.memref_squeeze %dma_start3A_439 : memref<1x64x128xi16, #tpu.memory_space<vmem>> -> memref<64x128xi16, #tpu.memory_space<vmem>>
      tpu.enqueue_dma source(%dma_start3A_440 : memref<64x128xi16, #tpu.memory_space<vmem>>) target(%dma_start3A_436 : memref<64x128xi16, #tpu.memory_space<vmem_shared>>) target_semaphore(%run_scoped3A_428 : memref<!tpu.dma_semaphore, #tpu.memory_space<semaphore_mem>>)
      %dma_wait3A_441 = arith.constant 0 : i32
      %dma_wait3A_442 = arith.constant 0 : i32
      %dma_wait3A_443 = tpu.memref_slice %arg10[%run_scoped3A_11, %dma_wait3A_441, %dma_wait3A_442] : memref<4x64x128xi16, #tpu.memory_space<vmem>> -> memref<1x64x128xi16, #tpu.memory_space<vmem>>
      %dma_wait3A_444 = tpu.memref_squeeze %dma_wait3A_443 : memref<1x64x128xi16, #tpu.memory_space<vmem>> -> memref<64x128xi16, #tpu.memory_space<vmem>>
      %dma_wait3A_445 = arith.constant 0 : i32
      %dma_wait3A_446 = tpu.memref_slice %arg7[%add3A_10, %dma_wait3A_445] : memref<10240x128xi16, #tpu.memory_space<vmem_shared>> -> memref<64x128xi16, #tpu.memory_space<vmem_shared>>
      %dma_wait3A_447 = arith.constant 0 : i32
      %dma_wait3A_448 = tpu.memref_slice %arg7[%add3A_10, %dma_wait3A_447] : memref<10240x128xi16, #tpu.memory_space<vmem_shared>> -> memref<64x128xi16, #tpu.memory_space<vmem_shared>>
      %dma_wait3A_449 = arith.constant 0 : i32
      %dma_wait3A_450 = arith.constant 0 : i32
      %dma_wait3A_451 = tpu.memref_slice %arg10[%run_scoped3A_11, %dma_wait3A_449, %dma_wait3A_450] : memref<4x64x128xi16, #tpu.memory_space<vmem>> -> memref<1x64x128xi16, #tpu.memory_space<vmem>>
      %dma_wait3A_452 = tpu.memref_squeeze %dma_wait3A_451 : memref<1x64x128xi16, #tpu.memory_space<vmem>> -> memref<64x128xi16, #tpu.memory_space<vmem>>
      tpu.wait_dma2 semaphore(%run_scoped3A_428 : memref<!tpu.dma_semaphore, #tpu.memory_space<semaphore_mem>>) src(%dma_wait3A_452 : memref<64x128xi16, #tpu.memory_space<vmem>>) dst(%dma_wait3A_448 : memref<64x128xi16, #tpu.memory_space<vmem_shared>>)
      tpu.yield
    }) : () -> ()
    %add3A_12 = arith.constant 128 : i32
    %add3A_13 = arith.addi %mul3A_2, %add3A_12 : i32
    %run_scoped3A_14 = arith.constant 0 : i32
    "tpu.region"() ({
      %run_scoped3A_428 = tpu.sem_alloc : memref<!tpu.dma_semaphore, #tpu.memory_space<semaphore_mem>>
      %dma_start3A_429 = arith.constant 0 : i32
      %dma_start3A_430 = arith.constant 0 : i32
      %dma_start3A_431 = tpu.memref_slice %arg10[%run_scoped3A_14, %dma_start3A_429, %dma_start3A_430] : memref<4x64x128xi16, #tpu.memory_space<vmem>> -> memref<1x64x128xi16, #tpu.memory_space<vmem>>
      %dma_start3A_432 = tpu.memref_squeeze %dma_start3A_431 : memref<1x64x128xi16, #tpu.memory_space<vmem>> -> memref<64x128xi16, #tpu.memory_space<vmem>>
      %dma_start3A_433 = arith.constant 0 : i32
      %dma_start3A_434 = tpu.memref_slice %arg7[%add3A_13, %dma_start3A_433] : memref<10240x128xi16, #tpu.memory_space<vmem_shared>> -> memref<64x128xi16, #tpu.memory_space<vmem_shared>>
      %dma_start3A_435 = arith.constant 0 : i32
      %dma_start3A_436 = tpu.memref_slice %arg7[%add3A_13, %dma_start3A_435] : memref<10240x128xi16, #tpu.memory_space<vmem_shared>> -> memref<64x128xi16, #tpu.memory_space<vmem_shared>>
      %dma_start3A_437 = arith.constant 0 : i32
      %dma_start3A_438 = arith.constant 0 : i32
      %dma_start3A_439 = tpu.memref_slice %arg10[%run_scoped3A_14, %dma_start3A_437, %dma_start3A_438] : memref<4x64x128xi16, #tpu.memory_space<vmem>> -> memref<1x64x128xi16, #tpu.memory_space<vmem>>
      %dma_start3A_440 = tpu.memref_squeeze %dma_start3A_439 : memref<1x64x128xi16, #tpu.memory_space<vmem>> -> memref<64x128xi16, #tpu.memory_space<vmem>>
      tpu.enqueue_dma source(%dma_start3A_440 : memref<64x128xi16, #tpu.memory_space<vmem>>) target(%dma_start3A_436 : memref<64x128xi16, #tpu.memory_space<vmem_shared>>) target_semaphore(%run_scoped3A_428 : memref<!tpu.dma_semaphore, #tpu.memory_space<semaphore_mem>>)
      %dma_wait3A_441 = arith.constant 0 : i32
      %dma_wait3A_442 = arith.constant 0 : i32
      %dma_wait3A_443 = tpu.memref_slice %arg10[%run_scoped3A_14, %dma_wait3A_441, %dma_wait3A_442] : memref<4x64x128xi16, #tpu.memory_space<vmem>> -> memref<1x64x128xi16, #tpu.memory_space<vmem>>
      %dma_wait3A_444 = tpu.memref_squeeze %dma_wait3A_443 : memref<1x64x128xi16, #tpu.memory_space<vmem>> -> memref<64x128xi16, #tpu.memory_space<vmem>>
      %dma_wait3A_445 = arith.constant 0 : i32
      %dma_wait3A_446 = tpu.memref_slice %arg7[%add3A_13, %dma_wait3A_445] : memref<10240x128xi16, #tpu.memory_space<vmem_shared>> -> memref<64x128xi16, #tpu.memory_space<vmem_shared>>
      %dma_wait3A_447 = arith.constant 0 : i32
      %dma_wait3A_448 = tpu.memref_slice %arg7[%add3A_13, %dma_wait3A_447] : memref<10240x128xi16, #tpu.memory_space<vmem_shared>> -> memref<64x128xi16, #tpu.memory_space<vmem_shared>>
      %dma_wait3A_449 = arith.constant 0 : i32
      %dma_wait3A_450 = arith.constant 0 : i32
      %dma_wait3A_451 = tpu.memref_slice %arg10[%run_scoped3A_14, %dma_wait3A_449, %dma_wait3A_450] : memref<4x64x128xi16, #tpu.memory_space<vmem>> -> memref<1x64x128xi16, #tpu.memory_space<vmem>>
      %dma_wait3A_452 = tpu.memref_squeeze %dma_wait3A_451 : memref<1x64x128xi16, #tpu.memory_space<vmem>> -> memref<64x128xi16, #tpu.memory_space<vmem>>
      tpu.wait_dma2 semaphore(%run_scoped3A_428 : memref<!tpu.dma_semaphore, #tpu.memory_space<semaphore_mem>>) src(%dma_wait3A_452 : memref<64x128xi16, #tpu.memory_space<vmem>>) dst(%dma_wait3A_448 : memref<64x128xi16, #tpu.memory_space<vmem_shared>>)
      tpu.yield
    }) : () -> ()
    %add3A_15 = arith.constant 192 : i32
    %add3A_16 = arith.addi %mul3A_2, %add3A_15 : i32
    %run_scoped3A_17 = arith.constant 0 : i32
    "tpu.region"() ({
      %run_scoped3A_428 = tpu.sem_alloc : memref<!tpu.dma_semaphore, #tpu.memory_space<semaphore_mem>>
      %dma_start3A_429 = arith.constant 0 : i32
      %dma_start3A_430 = arith.constant 0 : i32
      %dma_start3A_431 = tpu.memref_slice %arg10[%run_scoped3A_17, %dma_start3A_429, %dma_start3A_430] : memref<4x64x128xi16, #tpu.memory_space<vmem>> -> memref<1x64x128xi16, #tpu.memory_space<vmem>>
      %dma_start3A_432 = tpu.memref_squeeze %dma_start3A_431 : memref<1x64x128xi16, #tpu.memory_space<vmem>> -> memref<64x128xi16, #tpu.memory_space<vmem>>
      %dma_start3A_433 = arith.constant 0 : i32
      %dma_start3A_434 = tpu.memref_slice %arg7[%add3A_16, %dma_start3A_433] : memref<10240x128xi16, #tpu.memory_space<vmem_shared>> -> memref<64x128xi16, #tpu.memory_space<vmem_shared>>
      %dma_start3A_435 = arith.constant 0 : i32
      %dma_start3A_436 = tpu.memref_slice %arg7[%add3A_16, %dma_start3A_435] : memref<10240x128xi16, #tpu.memory_space<vmem_shared>> -> memref<64x128xi16, #tpu.memory_space<vmem_shared>>
      %dma_start3A_437 = arith.constant 0 : i32
      %dma_start3A_438 = arith.constant 0 : i32
      %dma_start3A_439 = tpu.memref_slice %arg10[%run_scoped3A_17, %dma_start3A_437, %dma_start3A_438] : memref<4x64x128xi16, #tpu.memory_space<vmem>> -> memref<1x64x128xi16, #tpu.memory_space<vmem>>
      %dma_start3A_440 = tpu.memref_squeeze %dma_start3A_439 : memref<1x64x128xi16, #tpu.memory_space<vmem>> -> memref<64x128xi16, #tpu.memory_space<vmem>>
      tpu.enqueue_dma source(%dma_start3A_440 : memref<64x128xi16, #tpu.memory_space<vmem>>) target(%dma_start3A_436 : memref<64x128xi16, #tpu.memory_space<vmem_shared>>) target_semaphore(%run_scoped3A_428 : memref<!tpu.dma_semaphore, #tpu.memory_space<semaphore_mem>>)
      %dma_wait3A_441 = arith.constant 0 : i32
      %dma_wait3A_442 = arith.constant 0 : i32
      %dma_wait3A_443 = tpu.memref_slice %arg10[%run_scoped3A_17, %dma_wait3A_441, %dma_wait3A_442] : memref<4x64x128xi16, #tpu.memory_space<vmem>> -> memref<1x64x128xi16, #tpu.memory_space<vmem>>
      %dma_wait3A_444 = tpu.memref_squeeze %dma_wait3A_443 : memref<1x64x128xi16, #tpu.memory_space<vmem>> -> memref<64x128xi16, #tpu.memory_space<vmem>>
      %dma_wait3A_445 = arith.constant 0 : i32
      %dma_wait3A_446 = tpu.memref_slice %arg7[%add3A_16, %dma_wait3A_445] : memref<10240x128xi16, #tpu.memory_space<vmem_shared>> -> memref<64x128xi16, #tpu.memory_space<vmem_shared>>
      %dma_wait3A_447 = arith.constant 0 : i32
      %dma_wait3A_448 = tpu.memref_slice %arg7[%add3A_16, %dma_wait3A_447] : memref<10240x128xi16, #tpu.memory_space<vmem_shared>> -> memref<64x128xi16, #tpu.memory_space<vmem_shared>>
      %dma_wait3A_449 = arith.constant 0 : i32
      %dma_wait3A_450 = arith.constant 0 : i32
      %dma_wait3A_451 = tpu.memref_slice %arg10[%run_scoped3A_17, %dma_wait3A_449, %dma_wait3A_450] : memref<4x64x128xi16, #tpu.memory_space<vmem>> -> memref<1x64x128xi16, #tpu.memory_space<vmem>>
      %dma_wait3A_452 = tpu.memref_squeeze %dma_wait3A_451 : memref<1x64x128xi16, #tpu.memory_space<vmem>> -> memref<64x128xi16, #tpu.memory_space<vmem>>
      tpu.wait_dma2 semaphore(%run_scoped3A_428 : memref<!tpu.dma_semaphore, #tpu.memory_space<semaphore_mem>>) src(%dma_wait3A_452 : memref<64x128xi16, #tpu.memory_space<vmem>>) dst(%dma_wait3A_448 : memref<64x128xi16, #tpu.memory_space<vmem_shared>>)
      tpu.yield
    }) : () -> ()
    %add3A_18 = arith.constant 256 : i32
    %add3A_19 = arith.addi %mul3A_2, %add3A_18 : i32
    %run_scoped3A_20 = arith.constant 0 : i32
    "tpu.region"() ({
      %run_scoped3A_428 = tpu.sem_alloc : memref<!tpu.dma_semaphore, #tpu.memory_space<semaphore_mem>>
      %dma_start3A_429 = arith.constant 0 : i32
      %dma_start3A_430 = arith.constant 0 : i32
      %dma_start3A_431 = tpu.memref_slice %arg10[%run_scoped3A_20, %dma_start3A_429, %dma_start3A_430] : memref<4x64x128xi16, #tpu.memory_space<vmem>> -> memref<1x64x128xi16, #tpu.memory_space<vmem>>
      %dma_start3A_432 = tpu.memref_squeeze %dma_start3A_431 : memref<1x64x128xi16, #tpu.memory_space<vmem>> -> memref<64x128xi16, #tpu.memory_space<vmem>>
      %dma_start3A_433 = arith.constant 0 : i32
      %dma_start3A_434 = tpu.memref_slice %arg7[%add3A_19, %dma_start3A_433] : memref<10240x128xi16, #tpu.memory_space<vmem_shared>> -> memref<64x128xi16, #tpu.memory_space<vmem_shared>>
      %dma_start3A_435 = arith.constant 0 : i32
      %dma_start3A_436 = tpu.memref_slice %arg7[%add3A_19, %dma_start3A_435] : memref<10240x128xi16, #tpu.memory_space<vmem_shared>> -> memref<64x128xi16, #tpu.memory_space<vmem_shared>>
      %dma_start3A_437 = arith.constant 0 : i32
      %dma_start3A_438 = arith.constant 0 : i32
      %dma_start3A_439 = tpu.memref_slice %arg10[%run_scoped3A_20, %dma_start3A_437, %dma_start3A_438] : memref<4x64x128xi16, #tpu.memory_space<vmem>> -> memref<1x64x128xi16, #tpu.memory_space<vmem>>
      %dma_start3A_440 = tpu.memref_squeeze %dma_start3A_439 : memref<1x64x128xi16, #tpu.memory_space<vmem>> -> memref<64x128xi16, #tpu.memory_space<vmem>>
      tpu.enqueue_dma source(%dma_start3A_440 : memref<64x128xi16, #tpu.memory_space<vmem>>) target(%dma_start3A_436 : memref<64x128xi16, #tpu.memory_space<vmem_shared>>) target_semaphore(%run_scoped3A_428 : memref<!tpu.dma_semaphore, #tpu.memory_space<semaphore_mem>>)
      %dma_wait3A_441 = arith.constant 0 : i32
      %dma_wait3A_442 = arith.constant 0 : i32
      %dma_wait3A_443 = tpu.memref_slice %arg10[%run_scoped3A_20, %dma_wait3A_441, %dma_wait3A_442] : memref<4x64x128xi16, #tpu.memory_space<vmem>> -> memref<1x64x128xi16, #tpu.memory_space<vmem>>
      %dma_wait3A_444 = tpu.memref_squeeze %dma_wait3A_443 : memref<1x64x128xi16, #tpu.memory_space<vmem>> -> memref<64x128xi16, #tpu.memory_space<vmem>>
      %dma_wait3A_445 = arith.constant 0 : i32
      %dma_wait3A_446 = tpu.memref_slice %arg7[%add3A_19, %dma_wait3A_445] : memref<10240x128xi16, #tpu.memory_space<vmem_shared>> -> memref<64x128xi16, #tpu.memory_space<vmem_shared>>
      %dma_wait3A_447 = arith.constant 0 : i32
      %dma_wait3A_448 = tpu.memref_slice %arg7[%add3A_19, %dma_wait3A_447] : memref<10240x128xi16, #tpu.memory_space<vmem_shared>> -> memref<64x128xi16, #tpu.memory_space<vmem_shared>>
      %dma_wait3A_449 = arith.constant 0 : i32
      %dma_wait3A_450 = arith.constant 0 : i32
      %dma_wait3A_451 = tpu.memref_slice %arg10[%run_scoped3A_20, %dma_wait3A_449, %dma_wait3A_450] : memref<4x64x128xi16, #tpu.memory_space<vmem>> -> memref<1x64x128xi16, #tpu.memory_space<vmem>>
      %dma_wait3A_452 = tpu.memref_squeeze %dma_wait3A_451 : memref<1x64x128xi16, #tpu.memory_space<vmem>> -> memref<64x128xi16, #tpu.memory_space<vmem>>
      tpu.wait_dma2 semaphore(%run_scoped3A_428 : memref<!tpu.dma_semaphore, #tpu.memory_space<semaphore_mem>>) src(%dma_wait3A_452 : memref<64x128xi16, #tpu.memory_space<vmem>>) dst(%dma_wait3A_448 : memref<64x128xi16, #tpu.memory_space<vmem_shared>>)
      tpu.yield
    }) : () -> ()
    %add3A_21 = arith.constant 320 : i32
    %add3A_22 = arith.addi %mul3A_2, %add3A_21 : i32
    %run_scoped3A_23 = arith.constant 0 : i32
    "tpu.region"() ({
      %run_scoped3A_428 = tpu.sem_alloc : memref<!tpu.dma_semaphore, #tpu.memory_space<semaphore_mem>>
      %dma_start3A_429 = arith.constant 0 : i32
      %dma_start3A_430 = arith.constant 0 : i32
      %dma_start3A_431 = tpu.memref_slice %arg10[%run_scoped3A_23, %dma_start3A_429, %dma_start3A_430] : memref<4x64x128xi16, #tpu.memory_space<vmem>> -> memref<1x64x128xi16, #tpu.memory_space<vmem>>
      %dma_start3A_432 = tpu.memref_squeeze %dma_start3A_431 : memref<1x64x128xi16, #tpu.memory_space<vmem>> -> memref<64x128xi16, #tpu.memory_space<vmem>>
      %dma_start3A_433 = arith.constant 0 : i32
      %dma_start3A_434 = tpu.memref_slice %arg7[%add3A_22, %dma_start3A_433] : memref<10240x128xi16, #tpu.memory_space<vmem_shared>> -> memref<64x128xi16, #tpu.memory_space<vmem_shared>>
      %dma_start3A_435 = arith.constant 0 : i32
      %dma_start3A_436 = tpu.memref_slice %arg7[%add3A_22, %dma_start3A_435] : memref<10240x128xi16, #tpu.memory_space<vmem_shared>> -> memref<64x128xi16, #tpu.memory_space<vmem_shared>>
      %dma_start3A_437 = arith.constant 0 : i32
      %dma_start3A_438 = arith.constant 0 : i32
      %dma_start3A_439 = tpu.memref_slice %arg10[%run_scoped3A_23, %dma_start3A_437, %dma_start3A_438] : memref<4x64x128xi16, #tpu.memory_space<vmem>> -> memref<1x64x128xi16, #tpu.memory_space<vmem>>
      %dma_start3A_440 = tpu.memref_squeeze %dma_start3A_439 : memref<1x64x128xi16, #tpu.memory_space<vmem>> -> memref<64x128xi16, #tpu.memory_space<vmem>>
      tpu.enqueue_dma source(%dma_start3A_440 : memref<64x128xi16, #tpu.memory_space<vmem>>) target(%dma_start3A_436 : memref<64x128xi16, #tpu.memory_space<vmem_shared>>) target_semaphore(%run_scoped3A_428 : memref<!tpu.dma_semaphore, #tpu.memory_space<semaphore_mem>>)
      %dma_wait3A_441 = arith.constant 0 : i32
      %dma_wait3A_442 = arith.constant 0 : i32
      %dma_wait3A_443 = tpu.memref_slice %arg10[%run_scoped3A_23, %dma_wait3A_441, %dma_wait3A_442] : memref<4x64x128xi16, #tpu.memory_space<vmem>> -> memref<1x64x128xi16, #tpu.memory_space<vmem>>
      %dma_wait3A_444 = tpu.memref_squeeze %dma_wait3A_443 : memref<1x64x128xi16, #tpu.memory_space<vmem>> -> memref<64x128xi16, #tpu.memory_space<vmem>>
      %dma_wait3A_445 = arith.constant 0 : i32
      %dma_wait3A_446 = tpu.memref_slice %arg7[%add3A_22, %dma_wait3A_445] : memref<10240x128xi16, #tpu.memory_space<vmem_shared>> -> memref<64x128xi16, #tpu.memory_space<vmem_shared>>
      %dma_wait3A_447 = arith.constant 0 : i32
      %dma_wait3A_448 = tpu.memref_slice %arg7[%add3A_22, %dma_wait3A_447] : memref<10240x128xi16, #tpu.memory_space<vmem_shared>> -> memref<64x128xi16, #tpu.memory_space<vmem_shared>>
      %dma_wait3A_449 = arith.constant 0 : i32
      %dma_wait3A_450 = arith.constant 0 : i32
      %dma_wait3A_451 = tpu.memref_slice %arg10[%run_scoped3A_23, %dma_wait3A_449, %dma_wait3A_450] : memref<4x64x128xi16, #tpu.memory_space<vmem>> -> memref<1x64x128xi16, #tpu.memory_space<vmem>>
      %dma_wait3A_452 = tpu.memref_squeeze %dma_wait3A_451 : memref<1x64x128xi16, #tpu.memory_space<vmem>> -> memref<64x128xi16, #tpu.memory_space<vmem>>
      tpu.wait_dma2 semaphore(%run_scoped3A_428 : memref<!tpu.dma_semaphore, #tpu.memory_space<semaphore_mem>>) src(%dma_wait3A_452 : memref<64x128xi16, #tpu.memory_space<vmem>>) dst(%dma_wait3A_448 : memref<64x128xi16, #tpu.memory_space<vmem_shared>>)
      tpu.yield
    }) : () -> ()
    %add3A_24 = arith.constant 384 : i32
    %add3A_25 = arith.addi %mul3A_2, %add3A_24 : i32
    %run_scoped3A_26 = arith.constant 0 : i32
    "tpu.region"() ({
      %run_scoped3A_428 = tpu.sem_alloc : memref<!tpu.dma_semaphore, #tpu.memory_space<semaphore_mem>>
      %dma_start3A_429 = arith.constant 0 : i32
      %dma_start3A_430 = arith.constant 0 : i32
      %dma_start3A_431 = tpu.memref_slice %arg10[%run_scoped3A_26, %dma_start3A_429, %dma_start3A_430] : memref<4x64x128xi16, #tpu.memory_space<vmem>> -> memref<1x64x128xi16, #tpu.memory_space<vmem>>
      %dma_start3A_432 = tpu.memref_squeeze %dma_start3A_431 : memref<1x64x128xi16, #tpu.memory_space<vmem>> -> memref<64x128xi16, #tpu.memory_space<vmem>>
      %dma_start3A_433 = arith.constant 0 : i32
      %dma_start3A_434 = tpu.memref_slice %arg7[%add3A_25, %dma_start3A_433] : memref<10240x128xi16, #tpu.memory_space<vmem_shared>> -> memref<64x128xi16, #tpu.memory_space<vmem_shared>>
      %dma_start3A_435 = arith.constant 0 : i32
      %dma_start3A_436 = tpu.memref_slice %arg7[%add3A_25, %dma_start3A_435] : memref<10240x128xi16, #tpu.memory_space<vmem_shared>> -> memref<64x128xi16, #tpu.memory_space<vmem_shared>>
      %dma_start3A_437 = arith.constant 0 : i32
      %dma_start3A_438 = arith.constant 0 : i32
      %dma_start3A_439 = tpu.memref_slice %arg10[%run_scoped3A_26, %dma_start3A_437, %dma_start3A_438] : memref<4x64x128xi16, #tpu.memory_space<vmem>> -> memref<1x64x128xi16, #tpu.memory_space<vmem>>
      %dma_start3A_440 = tpu.memref_squeeze %dma_start3A_439 : memref<1x64x128xi16, #tpu.memory_space<vmem>> -> memref<64x128xi16, #tpu.memory_space<vmem>>
      tpu.enqueue_dma source(%dma_start3A_440 : memref<64x128xi16, #tpu.memory_space<vmem>>) target(%dma_start3A_436 : memref<64x128xi16, #tpu.memory_space<vmem_shared>>) target_semaphore(%run_scoped3A_428 : memref<!tpu.dma_semaphore, #tpu.memory_space<semaphore_mem>>)
      %dma_wait3A_441 = arith.constant 0 : i32
      %dma_wait3A_442 = arith.constant 0 : i32
      %dma_wait3A_443 = tpu.memref_slice %arg10[%run_scoped3A_26, %dma_wait3A_441, %dma_wait3A_442] : memref<4x64x128xi16, #tpu.memory_space<vmem>> -> memref<1x64x128xi16, #tpu.memory_space<vmem>>
      %dma_wait3A_444 = tpu.memref_squeeze %dma_wait3A_443 : memref<1x64x128xi16, #tpu.memory_space<vmem>> -> memref<64x128xi16, #tpu.memory_space<vmem>>
      %dma_wait3A_445 = arith.constant 0 : i32
      %dma_wait3A_446 = tpu.memref_slice %arg7[%add3A_25, %dma_wait3A_445] : memref<10240x128xi16, #tpu.memory_space<vmem_shared>> -> memref<64x128xi16, #tpu.memory_space<vmem_shared>>
      %dma_wait3A_447 = arith.constant 0 : i32
      %dma_wait3A_448 = tpu.memref_slice %arg7[%add3A_25, %dma_wait3A_447] : memref<10240x128xi16, #tpu.memory_space<vmem_shared>> -> memref<64x128xi16, #tpu.memory_space<vmem_shared>>
      %dma_wait3A_449 = arith.constant 0 : i32
      %dma_wait3A_450 = arith.constant 0 : i32
      %dma_wait3A_451 = tpu.memref_slice %arg10[%run_scoped3A_26, %dma_wait3A_449, %dma_wait3A_450] : memref<4x64x128xi16, #tpu.memory_space<vmem>> -> memref<1x64x128xi16, #tpu.memory_space<vmem>>
      %dma_wait3A_452 = tpu.memref_squeeze %dma_wait3A_451 : memref<1x64x128xi16, #tpu.memory_space<vmem>> -> memref<64x128xi16, #tpu.memory_space<vmem>>
      tpu.wait_dma2 semaphore(%run_scoped3A_428 : memref<!tpu.dma_semaphore, #tpu.memory_space<semaphore_mem>>) src(%dma_wait3A_452 : memref<64x128xi16, #tpu.memory_space<vmem>>) dst(%dma_wait3A_448 : memref<64x128xi16, #tpu.memory_space<vmem_shared>>)
      tpu.yield
    }) : () -> ()
    %add3A_27 = arith.constant 448 : i32
    %add3A_28 = arith.addi %mul3A_2, %add3A_27 : i32
    %run_scoped3A_29 = arith.constant 0 : i32
    "tpu.region"() ({
      %run_scoped3A_428 = tpu.sem_alloc : memref<!tpu.dma_semaphore, #tpu.memory_space<semaphore_mem>>
      %dma_start3A_429 = arith.constant 0 : i32
      %dma_start3A_430 = arith.constant 0 : i32
      %dma_start3A_431 = tpu.memref_slice %arg10[%run_scoped3A_29, %dma_start3A_429, %dma_start3A_430] : memref<4x64x128xi16, #tpu.memory_space<vmem>> -> memref<1x64x128xi16, #tpu.memory_space<vmem>>
      %dma_start3A_432 = tpu.memref_squeeze %dma_start3A_431 : memref<1x64x128xi16, #tpu.memory_space<vmem>> -> memref<64x128xi16, #tpu.memory_space<vmem>>
      %dma_start3A_433 = arith.constant 0 : i32
      %dma_start3A_434 = tpu.memref_slice %arg7[%add3A_28, %dma_start3A_433] : memref<10240x128xi16, #tpu.memory_space<vmem_shared>> -> memref<64x128xi16, #tpu.memory_space<vmem_shared>>
      %dma_start3A_435 = arith.constant 0 : i32
      %dma_start3A_436 = tpu.memref_slice %arg7[%add3A_28, %dma_start3A_435] : memref<10240x128xi16, #tpu.memory_space<vmem_shared>> -> memref<64x128xi16, #tpu.memory_space<vmem_shared>>
      %dma_start3A_437 = arith.constant 0 : i32
      %dma_start3A_438 = arith.constant 0 : i32
      %dma_start3A_439 = tpu.memref_slice %arg10[%run_scoped3A_29, %dma_start3A_437, %dma_start3A_438] : memref<4x64x128xi16, #tpu.memory_space<vmem>> -> memref<1x64x128xi16, #tpu.memory_space<vmem>>
      %dma_start3A_440 = tpu.memref_squeeze %dma_start3A_439 : memref<1x64x128xi16, #tpu.memory_space<vmem>> -> memref<64x128xi16, #tpu.memory_space<vmem>>
      tpu.enqueue_dma source(%dma_start3A_440 : memref<64x128xi16, #tpu.memory_space<vmem>>) target(%dma_start3A_436 : memref<64x128xi16, #tpu.memory_space<vmem_shared>>) target_semaphore(%run_scoped3A_428 : memref<!tpu.dma_semaphore, #tpu.memory_space<semaphore_mem>>)
      %dma_wait3A_441 = arith.constant 0 : i32
      %dma_wait3A_442 = arith.constant 0 : i32
      %dma_wait3A_443 = tpu.memref_slice %arg10[%run_scoped3A_29, %dma_wait3A_441, %dma_wait3A_442] : memref<4x64x128xi16, #tpu.memory_space<vmem>> -> memref<1x64x128xi16, #tpu.memory_space<vmem>>
      %dma_wait3A_444 = tpu.memref_squeeze %dma_wait3A_443 : memref<1x64x128xi16, #tpu.memory_space<vmem>> -> memref<64x128xi16, #tpu.memory_space<vmem>>
      %dma_wait3A_445 = arith.constant 0 : i32
      %dma_wait3A_446 = tpu.memref_slice %arg7[%add3A_28, %dma_wait3A_445] : memref<10240x128xi16, #tpu.memory_space<vmem_shared>> -> memref<64x128xi16, #tpu.memory_space<vmem_shared>>
      %dma_wait3A_447 = arith.constant 0 : i32
      %dma_wait3A_448 = tpu.memref_slice %arg7[%add3A_28, %dma_wait3A_447] : memref<10240x128xi16, #tpu.memory_space<vmem_shared>> -> memref<64x128xi16, #tpu.memory_space<vmem_shared>>
      %dma_wait3A_449 = arith.constant 0 : i32
      %dma_wait3A_450 = arith.constant 0 : i32
      %dma_wait3A_451 = tpu.memref_slice %arg10[%run_scoped3A_29, %dma_wait3A_449, %dma_wait3A_450] : memref<4x64x128xi16, #tpu.memory_space<vmem>> -> memref<1x64x128xi16, #tpu.memory_space<vmem>>
      %dma_wait3A_452 = tpu.memref_squeeze %dma_wait3A_451 : memref<1x64x128xi16, #tpu.memory_space<vmem>> -> memref<64x128xi16, #tpu.memory_space<vmem>>
      tpu.wait_dma2 semaphore(%run_scoped3A_428 : memref<!tpu.dma_semaphore, #tpu.memory_space<semaphore_mem>>) src(%dma_wait3A_452 : memref<64x128xi16, #tpu.memory_space<vmem>>) dst(%dma_wait3A_448 : memref<64x128xi16, #tpu.memory_space<vmem_shared>>)
      tpu.yield
    }) : () -> ()
    %add3A_30 = arith.constant 512 : i32
    %add3A_31 = arith.addi %mul3A_2, %add3A_30 : i32
    %run_scoped3A_32 = arith.constant 0 : i32
    "tpu.region"() ({
      %run_scoped3A_428 = tpu.sem_alloc : memref<!tpu.dma_semaphore, #tpu.memory_space<semaphore_mem>>
      %dma_start3A_429 = arith.constant 0 : i32
      %dma_start3A_430 = arith.constant 0 : i32
      %dma_start3A_431 = tpu.memref_slice %arg10[%run_scoped3A_32, %dma_start3A_429, %dma_start3A_430] : memref<4x64x128xi16, #tpu.memory_space<vmem>> -> memref<1x64x128xi16, #tpu.memory_space<vmem>>
      %dma_start3A_432 = tpu.memref_squeeze %dma_start3A_431 : memref<1x64x128xi16, #tpu.memory_space<vmem>> -> memref<64x128xi16, #tpu.memory_space<vmem>>
      %dma_start3A_433 = arith.constant 0 : i32
      %dma_start3A_434 = tpu.memref_slice %arg7[%add3A_31, %dma_start3A_433] : memref<10240x128xi16, #tpu.memory_space<vmem_shared>> -> memref<64x128xi16, #tpu.memory_space<vmem_shared>>
      %dma_start3A_435 = arith.constant 0 : i32
      %dma_start3A_436 = tpu.memref_slice %arg7[%add3A_31, %dma_start3A_435] : memref<10240x128xi16, #tpu.memory_space<vmem_shared>> -> memref<64x128xi16, #tpu.memory_space<vmem_shared>>
      %dma_start3A_437 = arith.constant 0 : i32
      %dma_start3A_438 = arith.constant 0 : i32
      %dma_start3A_439 = tpu.memref_slice %arg10[%run_scoped3A_32, %dma_start3A_437, %dma_start3A_438] : memref<4x64x128xi16, #tpu.memory_space<vmem>> -> memref<1x64x128xi16, #tpu.memory_space<vmem>>
      %dma_start3A_440 = tpu.memref_squeeze %dma_start3A_439 : memref<1x64x128xi16, #tpu.memory_space<vmem>> -> memref<64x128xi16, #tpu.memory_space<vmem>>
      tpu.enqueue_dma source(%dma_start3A_440 : memref<64x128xi16, #tpu.memory_space<vmem>>) target(%dma_start3A_436 : memref<64x128xi16, #tpu.memory_space<vmem_shared>>) target_semaphore(%run_scoped3A_428 : memref<!tpu.dma_semaphore, #tpu.memory_space<semaphore_mem>>)
      %dma_wait3A_441 = arith.constant 0 : i32
      %dma_wait3A_442 = arith.constant 0 : i32
      %dma_wait3A_443 = tpu.memref_slice %arg10[%run_scoped3A_32, %dma_wait3A_441, %dma_wait3A_442] : memref<4x64x128xi16, #tpu.memory_space<vmem>> -> memref<1x64x128xi16, #tpu.memory_space<vmem>>
      %dma_wait3A_444 = tpu.memref_squeeze %dma_wait3A_443 : memref<1x64x128xi16, #tpu.memory_space<vmem>> -> memref<64x128xi16, #tpu.memory_space<vmem>>
      %dma_wait3A_445 = arith.constant 0 : i32
      %dma_wait3A_446 = tpu.memref_slice %arg7[%add3A_31, %dma_wait3A_445] : memref<10240x128xi16, #tpu.memory_space<vmem_shared>> -> memref<64x128xi16, #tpu.memory_space<vmem_shared>>
      %dma_wait3A_447 = arith.constant 0 : i32
      %dma_wait3A_448 = tpu.memref_slice %arg7[%add3A_31, %dma_wait3A_447] : memref<10240x128xi16, #tpu.memory_space<vmem_shared>> -> memref<64x128xi16, #tpu.memory_space<vmem_shared>>
      %dma_wait3A_449 = arith.constant 0 : i32
      %dma_wait3A_450 = arith.constant 0 : i32
      %dma_wait3A_451 = tpu.memref_slice %arg10[%run_scoped3A_32, %dma_wait3A_449, %dma_wait3A_450] : memref<4x64x128xi16, #tpu.memory_space<vmem>> -> memref<1x64x128xi16, #tpu.memory_space<vmem>>
      %dma_wait3A_452 = tpu.memref_squeeze %dma_wait3A_451 : memref<1x64x128xi16, #tpu.memory_space<vmem>> -> memref<64x128xi16, #tpu.memory_space<vmem>>
      tpu.wait_dma2 semaphore(%run_scoped3A_428 : memref<!tpu.dma_semaphore, #tpu.memory_space<semaphore_mem>>) src(%dma_wait3A_452 : memref<64x128xi16, #tpu.memory_space<vmem>>) dst(%dma_wait3A_448 : memref<64x128xi16, #tpu.memory_space<vmem_shared>>)
      tpu.yield
    }) : () -> ()
    %add3A_33 = arith.constant 576 : i32
    %add3A_34 = arith.addi %mul3A_2, %add3A_33 : i32
    %run_scoped3A_35 = arith.constant 0 : i32
    "tpu.region"() ({
      %run_scoped3A_428 = tpu.sem_alloc : memref<!tpu.dma_semaphore, #tpu.memory_space<semaphore_mem>>
      %dma_start3A_429 = arith.constant 0 : i32
      %dma_start3A_430 = arith.constant 0 : i32
      %dma_start3A_431 = tpu.memref_slice %arg10[%run_scoped3A_35, %dma_start3A_429, %dma_start3A_430] : memref<4x64x128xi16, #tpu.memory_space<vmem>> -> memref<1x64x128xi16, #tpu.memory_space<vmem>>
      %dma_start3A_432 = tpu.memref_squeeze %dma_start3A_431 : memref<1x64x128xi16, #tpu.memory_space<vmem>> -> memref<64x128xi16, #tpu.memory_space<vmem>>
      %dma_start3A_433 = arith.constant 0 : i32
      %dma_start3A_434 = tpu.memref_slice %arg7[%add3A_34, %dma_start3A_433] : memref<10240x128xi16, #tpu.memory_space<vmem_shared>> -> memref<64x128xi16, #tpu.memory_space<vmem_shared>>
      %dma_start3A_435 = arith.constant 0 : i32
      %dma_start3A_436 = tpu.memref_slice %arg7[%add3A_34, %dma_start3A_435] : memref<10240x128xi16, #tpu.memory_space<vmem_shared>> -> memref<64x128xi16, #tpu.memory_space<vmem_shared>>
      %dma_start3A_437 = arith.constant 0 : i32
      %dma_start3A_438 = arith.constant 0 : i32
      %dma_start3A_439 = tpu.memref_slice %arg10[%run_scoped3A_35, %dma_start3A_437, %dma_start3A_438] : memref<4x64x128xi16, #tpu.memory_space<vmem>> -> memref<1x64x128xi16, #tpu.memory_space<vmem>>
      %dma_start3A_440 = tpu.memref_squeeze %dma_start3A_439 : memref<1x64x128xi16, #tpu.memory_space<vmem>> -> memref<64x128xi16, #tpu.memory_space<vmem>>
      tpu.enqueue_dma source(%dma_start3A_440 : memref<64x128xi16, #tpu.memory_space<vmem>>) target(%dma_start3A_436 : memref<64x128xi16, #tpu.memory_space<vmem_shared>>) target_semaphore(%run_scoped3A_428 : memref<!tpu.dma_semaphore, #tpu.memory_space<semaphore_mem>>)
      %dma_wait3A_441 = arith.constant 0 : i32
      %dma_wait3A_442 = arith.constant 0 : i32
      %dma_wait3A_443 = tpu.memref_slice %arg10[%run_scoped3A_35, %dma_wait3A_441, %dma_wait3A_442] : memref<4x64x128xi16, #tpu.memory_space<vmem>> -> memref<1x64x128xi16, #tpu.memory_space<vmem>>
      %dma_wait3A_444 = tpu.memref_squeeze %dma_wait3A_443 : memref<1x64x128xi16, #tpu.memory_space<vmem>> -> memref<64x128xi16, #tpu.memory_space<vmem>>
      %dma_wait3A_445 = arith.constant 0 : i32
      %dma_wait3A_446 = tpu.memref_slice %arg7[%add3A_34, %dma_wait3A_445] : memref<10240x128xi16, #tpu.memory_space<vmem_shared>> -> memref<64x128xi16, #tpu.memory_space<vmem_shared>>
      %dma_wait3A_447 = arith.constant 0 : i32
      %dma_wait3A_448 = tpu.memref_slice %arg7[%add3A_34, %dma_wait3A_447] : memref<10240x128xi16, #tpu.memory_space<vmem_shared>> -> memref<64x128xi16, #tpu.memory_space<vmem_shared>>
      %dma_wait3A_449 = arith.constant 0 : i32
      %dma_wait3A_450 = arith.constant 0 : i32
      %dma_wait3A_451 = tpu.memref_slice %arg10[%run_scoped3A_35, %dma_wait3A_449, %dma_wait3A_450] : memref<4x64x128xi16, #tpu.memory_space<vmem>> -> memref<1x64x128xi16, #tpu.memory_space<vmem>>
      %dma_wait3A_452 = tpu.memref_squeeze %dma_wait3A_451 : memref<1x64x128xi16, #tpu.memory_space<vmem>> -> memref<64x128xi16, #tpu.memory_space<vmem>>
      tpu.wait_dma2 semaphore(%run_scoped3A_428 : memref<!tpu.dma_semaphore, #tpu.memory_space<semaphore_mem>>) src(%dma_wait3A_452 : memref<64x128xi16, #tpu.memory_space<vmem>>) dst(%dma_wait3A_448 : memref<64x128xi16, #tpu.memory_space<vmem_shared>>)
      tpu.yield
    }) : () -> ()
    %mul3A_36 = arith.constant 160 : i32
    %mul3A_37 = arith.muli %add3A, %mul3A_36 : i32
    "tpu.region"() ({
      %run_scoped3A_428 = tpu.sem_alloc : memref<!tpu.dma_semaphore, #tpu.memory_space<semaphore_mem>>
      %dma_start3A_429 = arith.constant 0 : i32
      %dma_start3A_430 = tpu.memref_slice %arg3[%mul3A_37, %dma_start3A_429] : memref<5120x64xi32, #tpu.memory_space<hbm>> -> memref<160x64xi32, #tpu.memory_space<hbm>>
      %dma_start3A_431 = arith.constant 0 : i32
      %dma_start3A_432 = tpu.memref_slice %arg3[%mul3A_37, %dma_start3A_431] : memref<5120x64xi32, #tpu.memory_space<hbm>> -> memref<160x64xi32, #tpu.memory_space<hbm>>
      tpu.enqueue_dma source(%dma_start3A_432 : memref<160x64xi32, #tpu.memory_space<hbm>>) target(%arg8 : memref<160x64xi32, #tpu.memory_space<vmem>>) target_semaphore(%run_scoped3A_428 : memref<!tpu.dma_semaphore, #tpu.memory_space<semaphore_mem>>)
      %dma_wait3A_433 = arith.constant 0 : i32
      %dma_wait3A_434 = tpu.memref_slice %arg3[%mul3A_37, %dma_wait3A_433] : memref<5120x64xi32, #tpu.memory_space<hbm>> -> memref<160x64xi32, #tpu.memory_space<hbm>>
      %dma_wait3A_435 = arith.constant 0 : i32
      %dma_wait3A_436 = tpu.memref_slice %arg3[%mul3A_37, %dma_wait3A_435] : memref<5120x64xi32, #tpu.memory_space<hbm>> -> memref<160x64xi32, #tpu.memory_space<hbm>>
      tpu.wait_dma2 semaphore(%run_scoped3A_428 : memref<!tpu.dma_semaphore, #tpu.memory_space<semaphore_mem>>) src(%dma_wait3A_436 : memref<160x64xi32, #tpu.memory_space<hbm>>) dst(%arg8 : memref<160x64xi32, #tpu.memory_space<vmem>>)
      tpu.yield
    }) : () -> ()
    %mul3A_38 = arith.constant 160 : i32
    %mul3A_39 = arith.muli %add3A, %mul3A_38 : i32
    "tpu.region"() ({
      %run_scoped3A_428 = tpu.sem_alloc : memref<!tpu.dma_semaphore, #tpu.memory_space<semaphore_mem>>
      %dma_start3A_429 = arith.constant 0 : i32
      %dma_start3A_430 = tpu.memref_slice %arg4[%mul3A_39, %dma_start3A_429] : memref<5120x64xi32, #tpu.memory_space<hbm>> -> memref<160x64xi32, #tpu.memory_space<hbm>>
      %dma_start3A_431 = arith.constant 0 : i32
      %dma_start3A_432 = tpu.memref_slice %arg4[%mul3A_39, %dma_start3A_431] : memref<5120x64xi32, #tpu.memory_space<hbm>> -> memref<160x64xi32, #tpu.memory_space<hbm>>
      tpu.enqueue_dma source(%dma_start3A_432 : memref<160x64xi32, #tpu.memory_space<hbm>>) target(%arg9 : memref<160x64xi32, #tpu.memory_space<vmem>>) target_semaphore(%run_scoped3A_428 : memref<!tpu.dma_semaphore, #tpu.memory_space<semaphore_mem>>)
      %dma_wait3A_433 = arith.constant 0 : i32
      %dma_wait3A_434 = tpu.memref_slice %arg4[%mul3A_39, %dma_wait3A_433] : memref<5120x64xi32, #tpu.memory_space<hbm>> -> memref<160x64xi32, #tpu.memory_space<hbm>>
      %dma_wait3A_435 = arith.constant 0 : i32
      %dma_wait3A_436 = tpu.memref_slice %arg4[%mul3A_39, %dma_wait3A_435] : memref<5120x64xi32, #tpu.memory_space<hbm>> -> memref<160x64xi32, #tpu.memory_space<hbm>>
      tpu.wait_dma2 semaphore(%run_scoped3A_428 : memref<!tpu.dma_semaphore, #tpu.memory_space<semaphore_mem>>) src(%dma_wait3A_436 : memref<160x64xi32, #tpu.memory_space<hbm>>) dst(%arg9 : memref<160x64xi32, #tpu.memory_space<vmem>>)
      tpu.yield
    }) : () -> ()
    %barrier3A = arith.constant 0 : index
    tpu.barrier barrier_id(%barrier3A)
    %dma_start3A = arith.constant 0 : i32
    %dma_start3A_40 = arith.constant 0 : i32
    %dma_start3A_41 = arith.constant 0 : i32
    %dma_start3A_42 = arith.constant 0 : i32
    %dma_start3A_43 = tpu.memref_slice %arg10[%dma_start3A_40, %dma_start3A_41, %dma_start3A_42] : memref<4x64x128xi16, #tpu.memory_space<vmem>> -> memref<1x64x128xi16, #tpu.memory_space<vmem>>
    %dma_start3A_44 = tpu.memref_squeeze %dma_start3A_43 : memref<1x64x128xi16, #tpu.memory_space<vmem>> -> memref<64x128xi16, #tpu.memory_space<vmem>>
    %dma_start3A_45 = arith.constant 0 : i32
    %dma_start3A_46 = tpu.memref_slice %arg8[%dma_start3A, %dma_start3A_45] : memref<160x64xi32, #tpu.memory_space<vmem>> -> memref<1x64xi32, #tpu.memory_space<vmem>>
    %dma_start3A_47 = tpu.memref_squeeze %dma_start3A_46 : memref<1x64xi32, #tpu.memory_space<vmem>> -> memref<64xi32, #tpu.memory_space<vmem>>
    %dma_start3A_48 = arith.constant 0 : i32
    %dma_start3A_49 = arith.constant 0 : i32
    %dma_start3A_50 = tpu.memref_slice %arg6[%dma_start3A_48, %dma_start3A_49] : memref<10240x128xi16, #tpu.memory_space<vmem_shared>> -> memref<10240x128xi16, #tpu.memory_space<vmem_shared>>
    tpu.enqueue_indirect_dma source(%dma_start3A_50 : memref<10240x128xi16, #tpu.memory_space<vmem_shared>>) target(%dma_start3A_44 : memref<64x128xi16, #tpu.memory_space<vmem>>) offsets(%dma_start3A_47 : memref<64xi32, #tpu.memory_space<vmem>>) semaphore(%arg11 : memref<!tpu.dma_semaphore, #tpu.memory_space<semaphore_mem>>)
    %dma_start3A_51 = arith.constant 1 : i32
    %dma_start3A_52 = arith.constant 1 : i32
    %dma_start3A_53 = arith.constant 0 : i32
    %dma_start3A_54 = arith.constant 0 : i32
    %dma_start3A_55 = tpu.memref_slice %arg10[%dma_start3A_52, %dma_start3A_53, %dma_start3A_54] : memref<4x64x128xi16, #tpu.memory_space<vmem>> -> memref<1x64x128xi16, #tpu.memory_space<vmem>>
    %dma_start3A_56 = tpu.memref_squeeze %dma_start3A_55 : memref<1x64x128xi16, #tpu.memory_space<vmem>> -> memref<64x128xi16, #tpu.memory_space<vmem>>
    %dma_start3A_57 = arith.constant 0 : i32
    %dma_start3A_58 = tpu.memref_slice %arg8[%dma_start3A_51, %dma_start3A_57] : memref<160x64xi32, #tpu.memory_space<vmem>> -> memref<1x64xi32, #tpu.memory_space<vmem>>
    %dma_start3A_59 = tpu.memref_squeeze %dma_start3A_58 : memref<1x64xi32, #tpu.memory_space<vmem>> -> memref<64xi32, #tpu.memory_space<vmem>>
    %dma_start3A_60 = arith.constant 0 : i32
    %dma_start3A_61 = arith.constant 0 : i32
    %dma_start3A_62 = tpu.memref_slice %arg6[%dma_start3A_60, %dma_start3A_61] : memref<10240x128xi16, #tpu.memory_space<vmem_shared>> -> memref<10240x128xi16, #tpu.memory_space<vmem_shared>>
    tpu.enqueue_indirect_dma source(%dma_start3A_62 : memref<10240x128xi16, #tpu.memory_space<vmem_shared>>) target(%dma_start3A_56 : memref<64x128xi16, #tpu.memory_space<vmem>>) offsets(%dma_start3A_59 : memref<64xi32, #tpu.memory_space<vmem>>) semaphore(%arg12 : memref<!tpu.dma_semaphore, #tpu.memory_space<semaphore_mem>>)
    %dma_wait3A = arith.constant 0 : i32
    %dma_wait3A_63 = arith.constant 0 : i32
    %dma_wait3A_64 = arith.constant 0 : i32
    %dma_wait3A_65 = arith.constant 0 : i32
    %dma_wait3A_66 = tpu.memref_slice %arg10[%dma_wait3A_63, %dma_wait3A_64, %dma_wait3A_65] : memref<4x64x128xi16, #tpu.memory_space<vmem>> -> memref<1x64x128xi16, #tpu.memory_space<vmem>>
    %dma_wait3A_67 = tpu.memref_squeeze %dma_wait3A_66 : memref<1x64x128xi16, #tpu.memory_space<vmem>> -> memref<64x128xi16, #tpu.memory_space<vmem>>
    %dma_wait3A_68 = arith.constant 0 : i32
    %dma_wait3A_69 = tpu.memref_slice %arg8[%dma_wait3A, %dma_wait3A_68] : memref<160x64xi32, #tpu.memory_space<vmem>> -> memref<1x64xi32, #tpu.memory_space<vmem>>
    %dma_wait3A_70 = tpu.memref_squeeze %dma_wait3A_69 : memref<1x64xi32, #tpu.memory_space<vmem>> -> memref<64xi32, #tpu.memory_space<vmem>>
    %dma_wait3A_71 = arith.constant 0 : i32
    %dma_wait3A_72 = arith.constant 0 : i32
    %dma_wait3A_73 = tpu.memref_slice %arg6[%dma_wait3A_71, %dma_wait3A_72] : memref<10240x128xi16, #tpu.memory_space<vmem_shared>> -> memref<10240x128xi16, #tpu.memory_space<vmem_shared>>
    tpu.wait_indirect_dma semaphore(%arg11 : memref<!tpu.dma_semaphore, #tpu.memory_space<semaphore_mem>>) src(%dma_wait3A_73 : memref<10240x128xi16, #tpu.memory_space<vmem_shared>>) dst(%dma_wait3A_67 : memref<64x128xi16, #tpu.memory_space<vmem>>)
    %dma_start3A_74 = arith.constant 0 : i32
    %dma_start3A_75 = arith.constant 0 : i32
    %dma_start3A_76 = arith.constant 0 : i32
    %dma_start3A_77 = arith.constant 0 : i32
    %dma_start3A_78 = tpu.memref_slice %arg10[%dma_start3A_74, %dma_start3A_76, %dma_start3A_77] : memref<4x64x128xi16, #tpu.memory_space<vmem>> -> memref<1x64x128xi16, #tpu.memory_space<vmem>>
    %dma_start3A_79 = tpu.memref_squeeze %dma_start3A_78 : memref<1x64x128xi16, #tpu.memory_space<vmem>> -> memref<64x128xi16, #tpu.memory_space<vmem>>
    %dma_start3A_80 = arith.constant 0 : i32
    %dma_start3A_81 = tpu.memref_slice %arg9[%dma_start3A_75, %dma_start3A_80] : memref<160x64xi32, #tpu.memory_space<vmem>> -> memref<1x64xi32, #tpu.memory_space<vmem>>
    %dma_start3A_82 = tpu.memref_squeeze %dma_start3A_81 : memref<1x64xi32, #tpu.memory_space<vmem>> -> memref<64xi32, #tpu.memory_space<vmem>>
    %dma_start3A_83 = arith.constant 0 : i32
    %dma_start3A_84 = arith.constant 0 : i32
    %dma_start3A_85 = tpu.memref_slice %arg7[%dma_start3A_83, %dma_start3A_84] : memref<10240x128xi16, #tpu.memory_space<vmem_shared>> -> memref<10240x128xi16, #tpu.memory_space<vmem_shared>>
    tpu.enqueue_indirect_dma source(%dma_start3A_79 : memref<64x128xi16, #tpu.memory_space<vmem>>) target(%dma_start3A_85 : memref<10240x128xi16, #tpu.memory_space<vmem_shared>>) offsets(%dma_start3A_82 : memref<64xi32, #tpu.memory_space<vmem>>) semaphore(%arg15 : memref<!tpu.dma_semaphore, #tpu.memory_space<semaphore_mem>>) {add = true}
    %dma_start3A_86 = arith.constant 2 : i32
    %dma_start3A_87 = arith.constant 2 : i32
    %dma_start3A_88 = arith.constant 0 : i32
    %dma_start3A_89 = arith.constant 0 : i32
    %dma_start3A_90 = tpu.memref_slice %arg10[%dma_start3A_87, %dma_start3A_88, %dma_start3A_89] : memref<4x64x128xi16, #tpu.memory_space<vmem>> -> memref<1x64x128xi16, #tpu.memory_space<vmem>>
    %dma_start3A_91 = tpu.memref_squeeze %dma_start3A_90 : memref<1x64x128xi16, #tpu.memory_space<vmem>> -> memref<64x128xi16, #tpu.memory_space<vmem>>
    %dma_start3A_92 = arith.constant 0 : i32
    %dma_start3A_93 = tpu.memref_slice %arg8[%dma_start3A_86, %dma_start3A_92] : memref<160x64xi32, #tpu.memory_space<vmem>> -> memref<1x64xi32, #tpu.memory_space<vmem>>
    %dma_start3A_94 = tpu.memref_squeeze %dma_start3A_93 : memref<1x64xi32, #tpu.memory_space<vmem>> -> memref<64xi32, #tpu.memory_space<vmem>>
    %dma_start3A_95 = arith.constant 0 : i32
    %dma_start3A_96 = arith.constant 0 : i32
    %dma_start3A_97 = tpu.memref_slice %arg6[%dma_start3A_95, %dma_start3A_96] : memref<10240x128xi16, #tpu.memory_space<vmem_shared>> -> memref<10240x128xi16, #tpu.memory_space<vmem_shared>>
    tpu.enqueue_indirect_dma source(%dma_start3A_97 : memref<10240x128xi16, #tpu.memory_space<vmem_shared>>) target(%dma_start3A_91 : memref<64x128xi16, #tpu.memory_space<vmem>>) offsets(%dma_start3A_94 : memref<64xi32, #tpu.memory_space<vmem>>) semaphore(%arg13 : memref<!tpu.dma_semaphore, #tpu.memory_space<semaphore_mem>>)
    %dma_wait3A_98 = arith.constant 1 : i32
    %dma_wait3A_99 = arith.constant 1 : i32
    %dma_wait3A_100 = arith.constant 0 : i32
    %dma_wait3A_101 = arith.constant 0 : i32
    %dma_wait3A_102 = tpu.memref_slice %arg10[%dma_wait3A_99, %dma_wait3A_100, %dma_wait3A_101] : memref<4x64x128xi16, #tpu.memory_space<vmem>> -> memref<1x64x128xi16, #tpu.memory_space<vmem>>
    %dma_wait3A_103 = tpu.memref_squeeze %dma_wait3A_102 : memref<1x64x128xi16, #tpu.memory_space<vmem>> -> memref<64x128xi16, #tpu.memory_space<vmem>>
    %dma_wait3A_104 = arith.constant 0 : i32
    %dma_wait3A_105 = tpu.memref_slice %arg8[%dma_wait3A_98, %dma_wait3A_104] : memref<160x64xi32, #tpu.memory_space<vmem>> -> memref<1x64xi32, #tpu.memory_space<vmem>>
    %dma_wait3A_106 = tpu.memref_squeeze %dma_wait3A_105 : memref<1x64xi32, #tpu.memory_space<vmem>> -> memref<64xi32, #tpu.memory_space<vmem>>
    %dma_wait3A_107 = arith.constant 0 : i32
    %dma_wait3A_108 = arith.constant 0 : i32
    %dma_wait3A_109 = tpu.memref_slice %arg6[%dma_wait3A_107, %dma_wait3A_108] : memref<10240x128xi16, #tpu.memory_space<vmem_shared>> -> memref<10240x128xi16, #tpu.memory_space<vmem_shared>>
    tpu.wait_indirect_dma semaphore(%arg12 : memref<!tpu.dma_semaphore, #tpu.memory_space<semaphore_mem>>) src(%dma_wait3A_109 : memref<10240x128xi16, #tpu.memory_space<vmem_shared>>) dst(%dma_wait3A_103 : memref<64x128xi16, #tpu.memory_space<vmem>>)
    %dma_start3A_110 = arith.constant 1 : i32
    %dma_start3A_111 = arith.constant 1 : i32
    %dma_start3A_112 = arith.constant 0 : i32
    %dma_start3A_113 = arith.constant 0 : i32
    %dma_start3A_114 = tpu.memref_slice %arg10[%dma_start3A_110, %dma_start3A_112, %dma_start3A_113] : memref<4x64x128xi16, #tpu.memory_space<vmem>> -> memref<1x64x128xi16, #tpu.memory_space<vmem>>
    %dma_start3A_115 = tpu.memref_squeeze %dma_start3A_114 : memref<1x64x128xi16, #tpu.memory_space<vmem>> -> memref<64x128xi16, #tpu.memory_space<vmem>>
    %dma_start3A_116 = arith.constant 0 : i32
    %dma_start3A_117 = tpu.memref_slice %arg9[%dma_start3A_111, %dma_start3A_116] : memref<160x64xi32, #tpu.memory_space<vmem>> -> memref<1x64xi32, #tpu.memory_space<vmem>>
    %dma_start3A_118 = tpu.memref_squeeze %dma_start3A_117 : memref<1x64xi32, #tpu.memory_space<vmem>> -> memref<64xi32, #tpu.memory_space<vmem>>
    %dma_start3A_119 = arith.constant 0 : i32
    %dma_start3A_120 = arith.constant 0 : i32
    %dma_start3A_121 = tpu.memref_slice %arg7[%dma_start3A_119, %dma_start3A_120] : memref<10240x128xi16, #tpu.memory_space<vmem_shared>> -> memref<10240x128xi16, #tpu.memory_space<vmem_shared>>
    tpu.enqueue_indirect_dma source(%dma_start3A_115 : memref<64x128xi16, #tpu.memory_space<vmem>>) target(%dma_start3A_121 : memref<10240x128xi16, #tpu.memory_space<vmem_shared>>) offsets(%dma_start3A_118 : memref<64xi32, #tpu.memory_space<vmem>>) semaphore(%arg16 : memref<!tpu.dma_semaphore, #tpu.memory_space<semaphore_mem>>) {add = true}
    %dma_start3A_122 = arith.constant 3 : i32
    %dma_start3A_123 = arith.constant 3 : i32
    %dma_start3A_124 = arith.constant 0 : i32
    %dma_start3A_125 = arith.constant 0 : i32
    %dma_start3A_126 = tpu.memref_slice %arg10[%dma_start3A_123, %dma_start3A_124, %dma_start3A_125] : memref<4x64x128xi16, #tpu.memory_space<vmem>> -> memref<1x64x128xi16, #tpu.memory_space<vmem>>
    %dma_start3A_127 = tpu.memref_squeeze %dma_start3A_126 : memref<1x64x128xi16, #tpu.memory_space<vmem>> -> memref<64x128xi16, #tpu.memory_space<vmem>>
    %dma_start3A_128 = arith.constant 0 : i32
    %dma_start3A_129 = tpu.memref_slice %arg8[%dma_start3A_122, %dma_start3A_128] : memref<160x64xi32, #tpu.memory_space<vmem>> -> memref<1x64xi32, #tpu.memory_space<vmem>>
    %dma_start3A_130 = tpu.memref_squeeze %dma_start3A_129 : memref<1x64xi32, #tpu.memory_space<vmem>> -> memref<64xi32, #tpu.memory_space<vmem>>
    %dma_start3A_131 = arith.constant 0 : i32
    %dma_start3A_132 = arith.constant 0 : i32
    %dma_start3A_133 = tpu.memref_slice %arg6[%dma_start3A_131, %dma_start3A_132] : memref<10240x128xi16, #tpu.memory_space<vmem_shared>> -> memref<10240x128xi16, #tpu.memory_space<vmem_shared>>
    tpu.enqueue_indirect_dma source(%dma_start3A_133 : memref<10240x128xi16, #tpu.memory_space<vmem_shared>>) target(%dma_start3A_127 : memref<64x128xi16, #tpu.memory_space<vmem>>) offsets(%dma_start3A_130 : memref<64xi32, #tpu.memory_space<vmem>>) semaphore(%arg14 : memref<!tpu.dma_semaphore, #tpu.memory_space<semaphore_mem>>)
    %dma_wait3A_134 = arith.constant 0 : i32
    %dma_wait3A_135 = arith.constant 0 : i32
    %dma_wait3A_136 = arith.constant 0 : i32
    %dma_wait3A_137 = arith.constant 0 : i32
    %dma_wait3A_138 = tpu.memref_slice %arg10[%dma_wait3A_134, %dma_wait3A_136, %dma_wait3A_137] : memref<4x64x128xi16, #tpu.memory_space<vmem>> -> memref<1x64x128xi16, #tpu.memory_space<vmem>>
    %dma_wait3A_139 = tpu.memref_squeeze %dma_wait3A_138 : memref<1x64x128xi16, #tpu.memory_space<vmem>> -> memref<64x128xi16, #tpu.memory_space<vmem>>
    %dma_wait3A_140 = arith.constant 0 : i32
    %dma_wait3A_141 = tpu.memref_slice %arg9[%dma_wait3A_135, %dma_wait3A_140] : memref<160x64xi32, #tpu.memory_space<vmem>> -> memref<1x64xi32, #tpu.memory_space<vmem>>
    %dma_wait3A_142 = tpu.memref_squeeze %dma_wait3A_141 : memref<1x64xi32, #tpu.memory_space<vmem>> -> memref<64xi32, #tpu.memory_space<vmem>>
    %dma_wait3A_143 = arith.constant 0 : i32
    %dma_wait3A_144 = arith.constant 0 : i32
    %dma_wait3A_145 = tpu.memref_slice %arg7[%dma_wait3A_143, %dma_wait3A_144] : memref<10240x128xi16, #tpu.memory_space<vmem_shared>> -> memref<10240x128xi16, #tpu.memory_space<vmem_shared>>
    tpu.wait_indirect_dma semaphore(%arg15 : memref<!tpu.dma_semaphore, #tpu.memory_space<semaphore_mem>>) src(%dma_wait3A_139 : memref<64x128xi16, #tpu.memory_space<vmem>>) dst(%dma_wait3A_145 : memref<10240x128xi16, #tpu.memory_space<vmem_shared>>)
    %dma_wait3A_146 = arith.constant 2 : i32
    %dma_wait3A_147 = arith.constant 2 : i32
    %dma_wait3A_148 = arith.constant 0 : i32
    %dma_wait3A_149 = arith.constant 0 : i32
    %dma_wait3A_150 = tpu.memref_slice %arg10[%dma_wait3A_147, %dma_wait3A_148, %dma_wait3A_149] : memref<4x64x128xi16, #tpu.memory_space<vmem>> -> memref<1x64x128xi16, #tpu.memory_space<vmem>>
    %dma_wait3A_151 = tpu.memref_squeeze %dma_wait3A_150 : memref<1x64x128xi16, #tpu.memory_space<vmem>> -> memref<64x128xi16, #tpu.memory_space<vmem>>
    %dma_wait3A_152 = arith.constant 0 : i32
    %dma_wait3A_153 = tpu.memref_slice %arg8[%dma_wait3A_146, %dma_wait3A_152] : memref<160x64xi32, #tpu.memory_space<vmem>> -> memref<1x64xi32, #tpu.memory_space<vmem>>
    %dma_wait3A_154 = tpu.memref_squeeze %dma_wait3A_153 : memref<1x64xi32, #tpu.memory_space<vmem>> -> memref<64xi32, #tpu.memory_space<vmem>>
    %dma_wait3A_155 = arith.constant 0 : i32
    %dma_wait3A_156 = arith.constant 0 : i32
    %dma_wait3A_157 = tpu.memref_slice %arg6[%dma_wait3A_155, %dma_wait3A_156] : memref<10240x128xi16, #tpu.memory_space<vmem_shared>> -> memref<10240x128xi16, #tpu.memory_space<vmem_shared>>
    tpu.wait_indirect_dma semaphore(%arg13 : memref<!tpu.dma_semaphore, #tpu.memory_space<semaphore_mem>>) src(%dma_wait3A_157 : memref<10240x128xi16, #tpu.memory_space<vmem_shared>>) dst(%dma_wait3A_151 : memref<64x128xi16, #tpu.memory_space<vmem>>)
    %dma_start3A_158 = arith.constant 2 : i32
    %dma_start3A_159 = arith.constant 2 : i32
    %dma_start3A_160 = arith.constant 0 : i32
    %dma_start3A_161 = arith.constant 0 : i32
    %dma_start3A_162 = tpu.memref_slice %arg10[%dma_start3A_158, %dma_start3A_160, %dma_start3A_161] : memref<4x64x128xi16, #tpu.memory_space<vmem>> -> memref<1x64x128xi16, #tpu.memory_space<vmem>>
    %dma_start3A_163 = tpu.memref_squeeze %dma_start3A_162 : memref<1x64x128xi16, #tpu.memory_space<vmem>> -> memref<64x128xi16, #tpu.memory_space<vmem>>
    %dma_start3A_164 = arith.constant 0 : i32
    %dma_start3A_165 = tpu.memref_slice %arg9[%dma_start3A_159, %dma_start3A_164] : memref<160x64xi32, #tpu.memory_space<vmem>> -> memref<1x64xi32, #tpu.memory_space<vmem>>
    %dma_start3A_166 = tpu.memref_squeeze %dma_start3A_165 : memref<1x64xi32, #tpu.memory_space<vmem>> -> memref<64xi32, #tpu.memory_space<vmem>>
    %dma_start3A_167 = arith.constant 0 : i32
    %dma_start3A_168 = arith.constant 0 : i32
    %dma_start3A_169 = tpu.memref_slice %arg7[%dma_start3A_167, %dma_start3A_168] : memref<10240x128xi16, #tpu.memory_space<vmem_shared>> -> memref<10240x128xi16, #tpu.memory_space<vmem_shared>>
    tpu.enqueue_indirect_dma source(%dma_start3A_163 : memref<64x128xi16, #tpu.memory_space<vmem>>) target(%dma_start3A_169 : memref<10240x128xi16, #tpu.memory_space<vmem_shared>>) offsets(%dma_start3A_166 : memref<64xi32, #tpu.memory_space<vmem>>) semaphore(%arg17 : memref<!tpu.dma_semaphore, #tpu.memory_space<semaphore_mem>>) {add = true}
    %dma_start3A_170 = arith.constant 4 : i32
    %dma_start3A_171 = arith.constant 0 : i32
    %dma_start3A_172 = arith.constant 0 : i32
    %dma_start3A_173 = arith.constant 0 : i32
    %dma_start3A_174 = tpu.memref_slice %arg10[%dma_start3A_171, %dma_start3A_172, %dma_start3A_173] : memref<4x64x128xi16, #tpu.memory_space<vmem>> -> memref<1x64x128xi16, #tpu.memory_space<vmem>>
    %dma_start3A_175 = tpu.memref_squeeze %dma_start3A_174 : memref<1x64x128xi16, #tpu.memory_space<vmem>> -> memref<64x128xi16, #tpu.memory_space<vmem>>
    %dma_start3A_176 = arith.constant 0 : i32
    %dma_start3A_177 = tpu.memref_slice %arg8[%dma_start3A_170, %dma_start3A_176] : memref<160x64xi32, #tpu.memory_space<vmem>> -> memref<1x64xi32, #tpu.memory_space<vmem>>
    %dma_start3A_178 = tpu.memref_squeeze %dma_start3A_177 : memref<1x64xi32, #tpu.memory_space<vmem>> -> memref<64xi32, #tpu.memory_space<vmem>>
    %dma_start3A_179 = arith.constant 0 : i32
    %dma_start3A_180 = arith.constant 0 : i32
    %dma_start3A_181 = tpu.memref_slice %arg6[%dma_start3A_179, %dma_start3A_180] : memref<10240x128xi16, #tpu.memory_space<vmem_shared>> -> memref<10240x128xi16, #tpu.memory_space<vmem_shared>>
    tpu.enqueue_indirect_dma source(%dma_start3A_181 : memref<10240x128xi16, #tpu.memory_space<vmem_shared>>) target(%dma_start3A_175 : memref<64x128xi16, #tpu.memory_space<vmem>>) offsets(%dma_start3A_178 : memref<64xi32, #tpu.memory_space<vmem>>) semaphore(%arg11 : memref<!tpu.dma_semaphore, #tpu.memory_space<semaphore_mem>>)
    %dma_wait3A_182 = arith.constant 1 : i32
    %dma_wait3A_183 = arith.constant 1 : i32
    %dma_wait3A_184 = arith.constant 0 : i32
    %dma_wait3A_185 = arith.constant 0 : i32
    %dma_wait3A_186 = tpu.memref_slice %arg10[%dma_wait3A_182, %dma_wait3A_184, %dma_wait3A_185] : memref<4x64x128xi16, #tpu.memory_space<vmem>> -> memref<1x64x128xi16, #tpu.memory_space<vmem>>
    %dma_wait3A_187 = tpu.memref_squeeze %dma_wait3A_186 : memref<1x64x128xi16, #tpu.memory_space<vmem>> -> memref<64x128xi16, #tpu.memory_space<vmem>>
    %dma_wait3A_188 = arith.constant 0 : i32
    %dma_wait3A_189 = tpu.memref_slice %arg9[%dma_wait3A_183, %dma_wait3A_188] : memref<160x64xi32, #tpu.memory_space<vmem>> -> memref<1x64xi32, #tpu.memory_space<vmem>>
    %dma_wait3A_190 = tpu.memref_squeeze %dma_wait3A_189 : memref<1x64xi32, #tpu.memory_space<vmem>> -> memref<64xi32, #tpu.memory_space<vmem>>
    %dma_wait3A_191 = arith.constant 0 : i32
    %dma_wait3A_192 = arith.constant 0 : i32
    %dma_wait3A_193 = tpu.memref_slice %arg7[%dma_wait3A_191, %dma_wait3A_192] : memref<10240x128xi16, #tpu.memory_space<vmem_shared>> -> memref<10240x128xi16, #tpu.memory_space<vmem_shared>>
    tpu.wait_indirect_dma semaphore(%arg16 : memref<!tpu.dma_semaphore, #tpu.memory_space<semaphore_mem>>) src(%dma_wait3A_187 : memref<64x128xi16, #tpu.memory_space<vmem>>) dst(%dma_wait3A_193 : memref<10240x128xi16, #tpu.memory_space<vmem_shared>>)
    %dma_wait3A_194 = arith.constant 3 : i32
    %dma_wait3A_195 = arith.constant 3 : i32
    %dma_wait3A_196 = arith.constant 0 : i32
    %dma_wait3A_197 = arith.constant 0 : i32
    %dma_wait3A_198 = tpu.memref_slice %arg10[%dma_wait3A_195, %dma_wait3A_196, %dma_wait3A_197] : memref<4x64x128xi16, #tpu.memory_space<vmem>> -> memref<1x64x128xi16, #tpu.memory_space<vmem>>
    %dma_wait3A_199 = tpu.memref_squeeze %dma_wait3A_198 : memref<1x64x128xi16, #tpu.memory_space<vmem>> -> memref<64x128xi16, #tpu.memory_space<vmem>>
    %dma_wait3A_200 = arith.constant 0 : i32
    %dma_wait3A_201 = tpu.memref_slice %arg8[%dma_wait3A_194, %dma_wait3A_200] : memref<160x64xi32, #tpu.memory_space<vmem>> -> memref<1x64xi32, #tpu.memory_space<vmem>>
    %dma_wait3A_202 = tpu.memref_squeeze %dma_wait3A_201 : memref<1x64xi32, #tpu.memory_space<vmem>> -> memref<64xi32, #tpu.memory_space<vmem>>
    %dma_wait3A_203 = arith.constant 0 : i32
    %dma_wait3A_204 = arith.constant 0 : i32
    %dma_wait3A_205 = tpu.memref_slice %arg6[%dma_wait3A_203, %dma_wait3A_204] : memref<10240x128xi16, #tpu.memory_space<vmem_shared>> -> memref<10240x128xi16, #tpu.memory_space<vmem_shared>>
    tpu.wait_indirect_dma semaphore(%arg14 : memref<!tpu.dma_semaphore, #tpu.memory_space<semaphore_mem>>) src(%dma_wait3A_205 : memref<10240x128xi16, #tpu.memory_space<vmem_shared>>) dst(%dma_wait3A_199 : memref<64x128xi16, #tpu.memory_space<vmem>>)
    %dma_start3A_206 = arith.constant 3 : i32
    %dma_start3A_207 = arith.constant 3 : i32
    %dma_start3A_208 = arith.constant 0 : i32
    %dma_start3A_209 = arith.constant 0 : i32
    %dma_start3A_210 = tpu.memref_slice %arg10[%dma_start3A_206, %dma_start3A_208, %dma_start3A_209] : memref<4x64x128xi16, #tpu.memory_space<vmem>> -> memref<1x64x128xi16, #tpu.memory_space<vmem>>
    %dma_start3A_211 = tpu.memref_squeeze %dma_start3A_210 : memref<1x64x128xi16, #tpu.memory_space<vmem>> -> memref<64x128xi16, #tpu.memory_space<vmem>>
    %dma_start3A_212 = arith.constant 0 : i32
    %dma_start3A_213 = tpu.memref_slice %arg9[%dma_start3A_207, %dma_start3A_212] : memref<160x64xi32, #tpu.memory_space<vmem>> -> memref<1x64xi32, #tpu.memory_space<vmem>>
    %dma_start3A_214 = tpu.memref_squeeze %dma_start3A_213 : memref<1x64xi32, #tpu.memory_space<vmem>> -> memref<64xi32, #tpu.memory_space<vmem>>
    %dma_start3A_215 = arith.constant 0 : i32
    %dma_start3A_216 = arith.constant 0 : i32
    %dma_start3A_217 = tpu.memref_slice %arg7[%dma_start3A_215, %dma_start3A_216] : memref<10240x128xi16, #tpu.memory_space<vmem_shared>> -> memref<10240x128xi16, #tpu.memory_space<vmem_shared>>
    tpu.enqueue_indirect_dma source(%dma_start3A_211 : memref<64x128xi16, #tpu.memory_space<vmem>>) target(%dma_start3A_217 : memref<10240x128xi16, #tpu.memory_space<vmem_shared>>) offsets(%dma_start3A_214 : memref<64xi32, #tpu.memory_space<vmem>>) semaphore(%arg18 : memref<!tpu.dma_semaphore, #tpu.memory_space<semaphore_mem>>) {add = true}
    %dma_start3A_218 = arith.constant 5 : i32
    %dma_start3A_219 = arith.constant 1 : i32
    %dma_start3A_220 = arith.constant 0 : i32
    %dma_start3A_221 = arith.constant 0 : i32
    %dma_start3A_222 = tpu.memref_slice %arg10[%dma_start3A_219, %dma_start3A_220, %dma_start3A_221] : memref<4x64x128xi16, #tpu.memory_space<vmem>> -> memref<1x64x128xi16, #tpu.memory_space<vmem>>
    %dma_start3A_223 = tpu.memref_squeeze %dma_start3A_222 : memref<1x64x128xi16, #tpu.memory_space<vmem>> -> memref<64x128xi16, #tpu.memory_space<vmem>>
    %dma_start3A_224 = arith.constant 0 : i32
    %dma_start3A_225 = tpu.memref_slice %arg8[%dma_start3A_218, %dma_start3A_224] : memref<160x64xi32, #tpu.memory_space<vmem>> -> memref<1x64xi32, #tpu.memory_space<vmem>>
    %dma_start3A_226 = tpu.memref_squeeze %dma_start3A_225 : memref<1x64xi32, #tpu.memory_space<vmem>> -> memref<64xi32, #tpu.memory_space<vmem>>
    %dma_start3A_227 = arith.constant 0 : i32
    %dma_start3A_228 = arith.constant 0 : i32
    %dma_start3A_229 = tpu.memref_slice %arg6[%dma_start3A_227, %dma_start3A_228] : memref<10240x128xi16, #tpu.memory_space<vmem_shared>> -> memref<10240x128xi16, #tpu.memory_space<vmem_shared>>
    tpu.enqueue_indirect_dma source(%dma_start3A_229 : memref<10240x128xi16, #tpu.memory_space<vmem_shared>>) target(%dma_start3A_223 : memref<64x128xi16, #tpu.memory_space<vmem>>) offsets(%dma_start3A_226 : memref<64xi32, #tpu.memory_space<vmem>>) semaphore(%arg12 : memref<!tpu.dma_semaphore, #tpu.memory_space<semaphore_mem>>)
    %scan3A_230 = arith.constant 0 : i32
    %scan3A_231 = arith.constant 38 : i32
    %scan3A_232 = arith.addi %scan3A_230, %scan3A_231 : i32
    %scan3A_233 = arith.constant 1 : i32
    scf.for %scan3A_428 = %scan3A_230 to %scan3A_232 step %scan3A_233  : i32 {
      %mul3A_429 = arith.constant 4 : i32
      %mul3A_430 = arith.muli %scan3A_428, %mul3A_429 : i32
      %add3A_431 = arith.constant 4 : i32
      %add3A_432 = arith.addi %add3A_431, %mul3A_430 : i32
      %add3A_433 = arith.constant 0 : i32
      %add3A_434 = arith.addi %add3A_432, %add3A_433 : i32
      %sub3A = arith.constant 2 : i32
      %sub3A_435 = arith.subi %add3A_434, %sub3A : i32
      %dma_wait3A_436 = arith.constant 2 : i32
      %dma_wait3A_437 = arith.constant 0 : i32
      %dma_wait3A_438 = arith.constant 0 : i32
      %dma_wait3A_439 = tpu.memref_slice %arg10[%dma_wait3A_436, %dma_wait3A_437, %dma_wait3A_438] : memref<4x64x128xi16, #tpu.memory_space<vmem>> -> memref<1x64x128xi16, #tpu.memory_space<vmem>>
      %dma_wait3A_440 = tpu.memref_squeeze %dma_wait3A_439 : memref<1x64x128xi16, #tpu.memory_space<vmem>> -> memref<64x128xi16, #tpu.memory_space<vmem>>
      %dma_wait3A_441 = arith.constant 0 : i32
      %dma_wait3A_442 = tpu.memref_slice %arg9[%sub3A_435, %dma_wait3A_441] : memref<160x64xi32, #tpu.memory_space<vmem>> -> memref<1x64xi32, #tpu.memory_space<vmem>>
      %dma_wait3A_443 = tpu.memref_squeeze %dma_wait3A_442 : memref<1x64xi32, #tpu.memory_space<vmem>> -> memref<64xi32, #tpu.memory_space<vmem>>
      %dma_wait3A_444 = arith.constant 0 : i32
      %dma_wait3A_445 = arith.constant 0 : i32
      %dma_wait3A_446 = tpu.memref_slice %arg7[%dma_wait3A_444, %dma_wait3A_445] : memref<10240x128xi16, #tpu.memory_space<vmem_shared>> -> memref<10240x128xi16, #tpu.memory_space<vmem_shared>>
      tpu.wait_indirect_dma semaphore(%arg17 : memref<!tpu.dma_semaphore, #tpu.memory_space<semaphore_mem>>) src(%dma_wait3A_440 : memref<64x128xi16, #tpu.memory_space<vmem>>) dst(%dma_wait3A_446 : memref<10240x128xi16, #tpu.memory_space<vmem_shared>>)
      %dma_wait3A_447 = arith.constant 0 : i32
      %dma_wait3A_448 = arith.constant 0 : i32
      %dma_wait3A_449 = arith.constant 0 : i32
      %dma_wait3A_450 = tpu.memref_slice %arg10[%dma_wait3A_447, %dma_wait3A_448, %dma_wait3A_449] : memref<4x64x128xi16, #tpu.memory_space<vmem>> -> memref<1x64x128xi16, #tpu.memory_space<vmem>>
      %dma_wait3A_451 = tpu.memref_squeeze %dma_wait3A_450 : memref<1x64x128xi16, #tpu.memory_space<vmem>> -> memref<64x128xi16, #tpu.memory_space<vmem>>
      %dma_wait3A_452 = arith.constant 0 : i32
      %dma_wait3A_453 = tpu.memref_slice %arg8[%add3A_434, %dma_wait3A_452] : memref<160x64xi32, #tpu.memory_space<vmem>> -> memref<1x64xi32, #tpu.memory_space<vmem>>
      %dma_wait3A_454 = tpu.memref_squeeze %dma_wait3A_453 : memref<1x64xi32, #tpu.memory_space<vmem>> -> memref<64xi32, #tpu.memory_space<vmem>>
      %dma_wait3A_455 = arith.constant 0 : i32
      %dma_wait3A_456 = arith.constant 0 : i32
      %dma_wait3A_457 = tpu.memref_slice %arg6[%dma_wait3A_455, %dma_wait3A_456] : memref<10240x128xi16, #tpu.memory_space<vmem_shared>> -> memref<10240x128xi16, #tpu.memory_space<vmem_shared>>
      tpu.wait_indirect_dma semaphore(%arg11 : memref<!tpu.dma_semaphore, #tpu.memory_space<semaphore_mem>>) src(%dma_wait3A_457 : memref<10240x128xi16, #tpu.memory_space<vmem_shared>>) dst(%dma_wait3A_451 : memref<64x128xi16, #tpu.memory_space<vmem>>)
      %dma_start3A_458 = arith.constant 0 : i32
      %dma_start3A_459 = arith.constant 0 : i32
      %dma_start3A_460 = arith.constant 0 : i32
      %dma_start3A_461 = tpu.memref_slice %arg10[%dma_start3A_458, %dma_start3A_459, %dma_start3A_460] : memref<4x64x128xi16, #tpu.memory_space<vmem>> -> memref<1x64x128xi16, #tpu.memory_space<vmem>>
      %dma_start3A_462 = tpu.memref_squeeze %dma_start3A_461 : memref<1x64x128xi16, #tpu.memory_space<vmem>> -> memref<64x128xi16, #tpu.memory_space<vmem>>
      %dma_start3A_463 = arith.constant 0 : i32
      %dma_start3A_464 = tpu.memref_slice %arg9[%add3A_434, %dma_start3A_463] : memref<160x64xi32, #tpu.memory_space<vmem>> -> memref<1x64xi32, #tpu.memory_space<vmem>>
      %dma_start3A_465 = tpu.memref_squeeze %dma_start3A_464 : memref<1x64xi32, #tpu.memory_space<vmem>> -> memref<64xi32, #tpu.memory_space<vmem>>
      %dma_start3A_466 = arith.constant 0 : i32
      %dma_start3A_467 = arith.constant 0 : i32
      %dma_start3A_468 = tpu.memref_slice %arg7[%dma_start3A_466, %dma_start3A_467] : memref<10240x128xi16, #tpu.memory_space<vmem_shared>> -> memref<10240x128xi16, #tpu.memory_space<vmem_shared>>
      tpu.enqueue_indirect_dma source(%dma_start3A_462 : memref<64x128xi16, #tpu.memory_space<vmem>>) target(%dma_start3A_468 : memref<10240x128xi16, #tpu.memory_space<vmem_shared>>) offsets(%dma_start3A_465 : memref<64xi32, #tpu.memory_space<vmem>>) semaphore(%arg15 : memref<!tpu.dma_semaphore, #tpu.memory_space<semaphore_mem>>) {add = true}
      %add3A_469 = arith.constant 2 : i32
      %add3A_470 = arith.addi %add3A_434, %add3A_469 : i32
      %dma_start3A_471 = arith.constant 2 : i32
      %dma_start3A_472 = arith.constant 0 : i32
      %dma_start3A_473 = arith.constant 0 : i32
      %dma_start3A_474 = tpu.memref_slice %arg10[%dma_start3A_471, %dma_start3A_472, %dma_start3A_473] : memref<4x64x128xi16, #tpu.memory_space<vmem>> -> memref<1x64x128xi16, #tpu.memory_space<vmem>>
      %dma_start3A_475 = tpu.memref_squeeze %dma_start3A_474 : memref<1x64x128xi16, #tpu.memory_space<vmem>> -> memref<64x128xi16, #tpu.memory_space<vmem>>
      %dma_start3A_476 = arith.constant 0 : i32
      %dma_start3A_477 = tpu.memref_slice %arg8[%add3A_470, %dma_start3A_476] : memref<160x64xi32, #tpu.memory_space<vmem>> -> memref<1x64xi32, #tpu.memory_space<vmem>>
      %dma_start3A_478 = tpu.memref_squeeze %dma_start3A_477 : memref<1x64xi32, #tpu.memory_space<vmem>> -> memref<64xi32, #tpu.memory_space<vmem>>
      %dma_start3A_479 = arith.constant 0 : i32
      %dma_start3A_480 = arith.constant 0 : i32
      %dma_start3A_481 = tpu.memref_slice %arg6[%dma_start3A_479, %dma_start3A_480] : memref<10240x128xi16, #tpu.memory_space<vmem_shared>> -> memref<10240x128xi16, #tpu.memory_space<vmem_shared>>
      tpu.enqueue_indirect_dma source(%dma_start3A_481 : memref<10240x128xi16, #tpu.memory_space<vmem_shared>>) target(%dma_start3A_475 : memref<64x128xi16, #tpu.memory_space<vmem>>) offsets(%dma_start3A_478 : memref<64xi32, #tpu.memory_space<vmem>>) semaphore(%arg13 : memref<!tpu.dma_semaphore, #tpu.memory_space<semaphore_mem>>)
      %add3A_482 = arith.constant 1 : i32
      %add3A_483 = arith.addi %add3A_432, %add3A_482 : i32
      %sub3A_484 = arith.constant 2 : i32
      %sub3A_485 = arith.subi %add3A_483, %sub3A_484 : i32
      %dma_wait3A_486 = arith.constant 3 : i32
      %dma_wait3A_487 = arith.constant 0 : i32
      %dma_wait3A_488 = arith.constant 0 : i32
      %dma_wait3A_489 = tpu.memref_slice %arg10[%dma_wait3A_486, %dma_wait3A_487, %dma_wait3A_488] : memref<4x64x128xi16, #tpu.memory_space<vmem>> -> memref<1x64x128xi16, #tpu.memory_space<vmem>>
      %dma_wait3A_490 = tpu.memref_squeeze %dma_wait3A_489 : memref<1x64x128xi16, #tpu.memory_space<vmem>> -> memref<64x128xi16, #tpu.memory_space<vmem>>
      %dma_wait3A_491 = arith.constant 0 : i32
      %dma_wait3A_492 = tpu.memref_slice %arg9[%sub3A_485, %dma_wait3A_491] : memref<160x64xi32, #tpu.memory_space<vmem>> -> memref<1x64xi32, #tpu.memory_space<vmem>>
      %dma_wait3A_493 = tpu.memref_squeeze %dma_wait3A_492 : memref<1x64xi32, #tpu.memory_space<vmem>> -> memref<64xi32, #tpu.memory_space<vmem>>
      %dma_wait3A_494 = arith.constant 0 : i32
      %dma_wait3A_495 = arith.constant 0 : i32
      %dma_wait3A_496 = tpu.memref_slice %arg7[%dma_wait3A_494, %dma_wait3A_495] : memref<10240x128xi16, #tpu.memory_space<vmem_shared>> -> memref<10240x128xi16, #tpu.memory_space<vmem_shared>>
      tpu.wait_indirect_dma semaphore(%arg18 : memref<!tpu.dma_semaphore, #tpu.memory_space<semaphore_mem>>) src(%dma_wait3A_490 : memref<64x128xi16, #tpu.memory_space<vmem>>) dst(%dma_wait3A_496 : memref<10240x128xi16, #tpu.memory_space<vmem_shared>>)
      %dma_wait3A_497 = arith.constant 1 : i32
      %dma_wait3A_498 = arith.constant 0 : i32
      %dma_wait3A_499 = arith.constant 0 : i32
      %dma_wait3A_500 = tpu.memref_slice %arg10[%dma_wait3A_497, %dma_wait3A_498, %dma_wait3A_499] : memref<4x64x128xi16, #tpu.memory_space<vmem>> -> memref<1x64x128xi16, #tpu.memory_space<vmem>>
      %dma_wait3A_501 = tpu.memref_squeeze %dma_wait3A_500 : memref<1x64x128xi16, #tpu.memory_space<vmem>> -> memref<64x128xi16, #tpu.memory_space<vmem>>
      %dma_wait3A_502 = arith.constant 0 : i32
      %dma_wait3A_503 = tpu.memref_slice %arg8[%add3A_483, %dma_wait3A_502] : memref<160x64xi32, #tpu.memory_space<vmem>> -> memref<1x64xi32, #tpu.memory_space<vmem>>
      %dma_wait3A_504 = tpu.memref_squeeze %dma_wait3A_503 : memref<1x64xi32, #tpu.memory_space<vmem>> -> memref<64xi32, #tpu.memory_space<vmem>>
      %dma_wait3A_505 = arith.constant 0 : i32
      %dma_wait3A_506 = arith.constant 0 : i32
      %dma_wait3A_507 = tpu.memref_slice %arg6[%dma_wait3A_505, %dma_wait3A_506] : memref<10240x128xi16, #tpu.memory_space<vmem_shared>> -> memref<10240x128xi16, #tpu.memory_space<vmem_shared>>
      tpu.wait_indirect_dma semaphore(%arg12 : memref<!tpu.dma_semaphore, #tpu.memory_space<semaphore_mem>>) src(%dma_wait3A_507 : memref<10240x128xi16, #tpu.memory_space<vmem_shared>>) dst(%dma_wait3A_501 : memref<64x128xi16, #tpu.memory_space<vmem>>)
      %dma_start3A_508 = arith.constant 1 : i32
      %dma_start3A_509 = arith.constant 0 : i32
      %dma_start3A_510 = arith.constant 0 : i32
      %dma_start3A_511 = tpu.memref_slice %arg10[%dma_start3A_508, %dma_start3A_509, %dma_start3A_510] : memref<4x64x128xi16, #tpu.memory_space<vmem>> -> memref<1x64x128xi16, #tpu.memory_space<vmem>>
      %dma_start3A_512 = tpu.memref_squeeze %dma_start3A_511 : memref<1x64x128xi16, #tpu.memory_space<vmem>> -> memref<64x128xi16, #tpu.memory_space<vmem>>
      %dma_start3A_513 = arith.constant 0 : i32
      %dma_start3A_514 = tpu.memref_slice %arg9[%add3A_483, %dma_start3A_513] : memref<160x64xi32, #tpu.memory_space<vmem>> -> memref<1x64xi32, #tpu.memory_space<vmem>>
      %dma_start3A_515 = tpu.memref_squeeze %dma_start3A_514 : memref<1x64xi32, #tpu.memory_space<vmem>> -> memref<64xi32, #tpu.memory_space<vmem>>
      %dma_start3A_516 = arith.constant 0 : i32
      %dma_start3A_517 = arith.constant 0 : i32
      %dma_start3A_518 = tpu.memref_slice %arg7[%dma_start3A_516, %dma_start3A_517] : memref<10240x128xi16, #tpu.memory_space<vmem_shared>> -> memref<10240x128xi16, #tpu.memory_space<vmem_shared>>
      tpu.enqueue_indirect_dma source(%dma_start3A_512 : memref<64x128xi16, #tpu.memory_space<vmem>>) target(%dma_start3A_518 : memref<10240x128xi16, #tpu.memory_space<vmem_shared>>) offsets(%dma_start3A_515 : memref<64xi32, #tpu.memory_space<vmem>>) semaphore(%arg16 : memref<!tpu.dma_semaphore, #tpu.memory_space<semaphore_mem>>) {add = true}
      %add3A_519 = arith.constant 2 : i32
      %add3A_520 = arith.addi %add3A_483, %add3A_519 : i32
      %dma_start3A_521 = arith.constant 3 : i32
      %dma_start3A_522 = arith.constant 0 : i32
      %dma_start3A_523 = arith.constant 0 : i32
      %dma_start3A_524 = tpu.memref_slice %arg10[%dma_start3A_521, %dma_start3A_522, %dma_start3A_523] : memref<4x64x128xi16, #tpu.memory_space<vmem>> -> memref<1x64x128xi16, #tpu.memory_space<vmem>>
      %dma_start3A_525 = tpu.memref_squeeze %dma_start3A_524 : memref<1x64x128xi16, #tpu.memory_space<vmem>> -> memref<64x128xi16, #tpu.memory_space<vmem>>
      %dma_start3A_526 = arith.constant 0 : i32
      %dma_start3A_527 = tpu.memref_slice %arg8[%add3A_520, %dma_start3A_526] : memref<160x64xi32, #tpu.memory_space<vmem>> -> memref<1x64xi32, #tpu.memory_space<vmem>>
      %dma_start3A_528 = tpu.memref_squeeze %dma_start3A_527 : memref<1x64xi32, #tpu.memory_space<vmem>> -> memref<64xi32, #tpu.memory_space<vmem>>
      %dma_start3A_529 = arith.constant 0 : i32
      %dma_start3A_530 = arith.constant 0 : i32
      %dma_start3A_531 = tpu.memref_slice %arg6[%dma_start3A_529, %dma_start3A_530] : memref<10240x128xi16, #tpu.memory_space<vmem_shared>> -> memref<10240x128xi16, #tpu.memory_space<vmem_shared>>
      tpu.enqueue_indirect_dma source(%dma_start3A_531 : memref<10240x128xi16, #tpu.memory_space<vmem_shared>>) target(%dma_start3A_525 : memref<64x128xi16, #tpu.memory_space<vmem>>) offsets(%dma_start3A_528 : memref<64xi32, #tpu.memory_space<vmem>>) semaphore(%arg14 : memref<!tpu.dma_semaphore, #tpu.memory_space<semaphore_mem>>)
      %add3A_532 = arith.constant 2 : i32
      %add3A_533 = arith.addi %add3A_432, %add3A_532 : i32
      %sub3A_534 = arith.constant 2 : i32
      %sub3A_535 = arith.subi %add3A_533, %sub3A_534 : i32
      %dma_wait3A_536 = arith.constant 0 : i32
      %dma_wait3A_537 = arith.constant 0 : i32
      %dma_wait3A_538 = arith.constant 0 : i32
      %dma_wait3A_539 = tpu.memref_slice %arg10[%dma_wait3A_536, %dma_wait3A_537, %dma_wait3A_538] : memref<4x64x128xi16, #tpu.memory_space<vmem>> -> memref<1x64x128xi16, #tpu.memory_space<vmem>>
      %dma_wait3A_540 = tpu.memref_squeeze %dma_wait3A_539 : memref<1x64x128xi16, #tpu.memory_space<vmem>> -> memref<64x128xi16, #tpu.memory_space<vmem>>
      %dma_wait3A_541 = arith.constant 0 : i32
      %dma_wait3A_542 = tpu.memref_slice %arg9[%sub3A_535, %dma_wait3A_541] : memref<160x64xi32, #tpu.memory_space<vmem>> -> memref<1x64xi32, #tpu.memory_space<vmem>>
      %dma_wait3A_543 = tpu.memref_squeeze %dma_wait3A_542 : memref<1x64xi32, #tpu.memory_space<vmem>> -> memref<64xi32, #tpu.memory_space<vmem>>
      %dma_wait3A_544 = arith.constant 0 : i32
      %dma_wait3A_545 = arith.constant 0 : i32
      %dma_wait3A_546 = tpu.memref_slice %arg7[%dma_wait3A_544, %dma_wait3A_545] : memref<10240x128xi16, #tpu.memory_space<vmem_shared>> -> memref<10240x128xi16, #tpu.memory_space<vmem_shared>>
      tpu.wait_indirect_dma semaphore(%arg15 : memref<!tpu.dma_semaphore, #tpu.memory_space<semaphore_mem>>) src(%dma_wait3A_540 : memref<64x128xi16, #tpu.memory_space<vmem>>) dst(%dma_wait3A_546 : memref<10240x128xi16, #tpu.memory_space<vmem_shared>>)
      %dma_wait3A_547 = arith.constant 2 : i32
      %dma_wait3A_548 = arith.constant 0 : i32
      %dma_wait3A_549 = arith.constant 0 : i32
      %dma_wait3A_550 = tpu.memref_slice %arg10[%dma_wait3A_547, %dma_wait3A_548, %dma_wait3A_549] : memref<4x64x128xi16, #tpu.memory_space<vmem>> -> memref<1x64x128xi16, #tpu.memory_space<vmem>>
      %dma_wait3A_551 = tpu.memref_squeeze %dma_wait3A_550 : memref<1x64x128xi16, #tpu.memory_space<vmem>> -> memref<64x128xi16, #tpu.memory_space<vmem>>
      %dma_wait3A_552 = arith.constant 0 : i32
      %dma_wait3A_553 = tpu.memref_slice %arg8[%add3A_533, %dma_wait3A_552] : memref<160x64xi32, #tpu.memory_space<vmem>> -> memref<1x64xi32, #tpu.memory_space<vmem>>
      %dma_wait3A_554 = tpu.memref_squeeze %dma_wait3A_553 : memref<1x64xi32, #tpu.memory_space<vmem>> -> memref<64xi32, #tpu.memory_space<vmem>>
      %dma_wait3A_555 = arith.constant 0 : i32
      %dma_wait3A_556 = arith.constant 0 : i32
      %dma_wait3A_557 = tpu.memref_slice %arg6[%dma_wait3A_555, %dma_wait3A_556] : memref<10240x128xi16, #tpu.memory_space<vmem_shared>> -> memref<10240x128xi16, #tpu.memory_space<vmem_shared>>
      tpu.wait_indirect_dma semaphore(%arg13 : memref<!tpu.dma_semaphore, #tpu.memory_space<semaphore_mem>>) src(%dma_wait3A_557 : memref<10240x128xi16, #tpu.memory_space<vmem_shared>>) dst(%dma_wait3A_551 : memref<64x128xi16, #tpu.memory_space<vmem>>)
      %dma_start3A_558 = arith.constant 2 : i32
      %dma_start3A_559 = arith.constant 0 : i32
      %dma_start3A_560 = arith.constant 0 : i32
      %dma_start3A_561 = tpu.memref_slice %arg10[%dma_start3A_558, %dma_start3A_559, %dma_start3A_560] : memref<4x64x128xi16, #tpu.memory_space<vmem>> -> memref<1x64x128xi16, #tpu.memory_space<vmem>>
      %dma_start3A_562 = tpu.memref_squeeze %dma_start3A_561 : memref<1x64x128xi16, #tpu.memory_space<vmem>> -> memref<64x128xi16, #tpu.memory_space<vmem>>
      %dma_start3A_563 = arith.constant 0 : i32
      %dma_start3A_564 = tpu.memref_slice %arg9[%add3A_533, %dma_start3A_563] : memref<160x64xi32, #tpu.memory_space<vmem>> -> memref<1x64xi32, #tpu.memory_space<vmem>>
      %dma_start3A_565 = tpu.memref_squeeze %dma_start3A_564 : memref<1x64xi32, #tpu.memory_space<vmem>> -> memref<64xi32, #tpu.memory_space<vmem>>
      %dma_start3A_566 = arith.constant 0 : i32
      %dma_start3A_567 = arith.constant 0 : i32
      %dma_start3A_568 = tpu.memref_slice %arg7[%dma_start3A_566, %dma_start3A_567] : memref<10240x128xi16, #tpu.memory_space<vmem_shared>> -> memref<10240x128xi16, #tpu.memory_space<vmem_shared>>
      tpu.enqueue_indirect_dma source(%dma_start3A_562 : memref<64x128xi16, #tpu.memory_space<vmem>>) target(%dma_start3A_568 : memref<10240x128xi16, #tpu.memory_space<vmem_shared>>) offsets(%dma_start3A_565 : memref<64xi32, #tpu.memory_space<vmem>>) semaphore(%arg17 : memref<!tpu.dma_semaphore, #tpu.memory_space<semaphore_mem>>) {add = true}
      %add3A_569 = arith.constant 2 : i32
      %add3A_570 = arith.addi %add3A_533, %add3A_569 : i32
      %dma_start3A_571 = arith.constant 0 : i32
      %dma_start3A_572 = arith.constant 0 : i32
      %dma_start3A_573 = arith.constant 0 : i32
      %dma_start3A_574 = tpu.memref_slice %arg10[%dma_start3A_571, %dma_start3A_572, %dma_start3A_573] : memref<4x64x128xi16, #tpu.memory_space<vmem>> -> memref<1x64x128xi16, #tpu.memory_space<vmem>>
      %dma_start3A_575 = tpu.memref_squeeze %dma_start3A_574 : memref<1x64x128xi16, #tpu.memory_space<vmem>> -> memref<64x128xi16, #tpu.memory_space<vmem>>
      %dma_start3A_576 = arith.constant 0 : i32
      %dma_start3A_577 = tpu.memref_slice %arg8[%add3A_570, %dma_start3A_576] : memref<160x64xi32, #tpu.memory_space<vmem>> -> memref<1x64xi32, #tpu.memory_space<vmem>>
      %dma_start3A_578 = tpu.memref_squeeze %dma_start3A_577 : memref<1x64xi32, #tpu.memory_space<vmem>> -> memref<64xi32, #tpu.memory_space<vmem>>
      %dma_start3A_579 = arith.constant 0 : i32
      %dma_start3A_580 = arith.constant 0 : i32
      %dma_start3A_581 = tpu.memref_slice %arg6[%dma_start3A_579, %dma_start3A_580] : memref<10240x128xi16, #tpu.memory_space<vmem_shared>> -> memref<10240x128xi16, #tpu.memory_space<vmem_shared>>
      tpu.enqueue_indirect_dma source(%dma_start3A_581 : memref<10240x128xi16, #tpu.memory_space<vmem_shared>>) target(%dma_start3A_575 : memref<64x128xi16, #tpu.memory_space<vmem>>) offsets(%dma_start3A_578 : memref<64xi32, #tpu.memory_space<vmem>>) semaphore(%arg11 : memref<!tpu.dma_semaphore, #tpu.memory_space<semaphore_mem>>)
      %add3A_582 = arith.constant 3 : i32
      %add3A_583 = arith.addi %add3A_432, %add3A_582 : i32
      %sub3A_584 = arith.constant 2 : i32
      %sub3A_585 = arith.subi %add3A_583, %sub3A_584 : i32
      %dma_wait3A_586 = arith.constant 1 : i32
      %dma_wait3A_587 = arith.constant 0 : i32
      %dma_wait3A_588 = arith.constant 0 : i32
      %dma_wait3A_589 = tpu.memref_slice %arg10[%dma_wait3A_586, %dma_wait3A_587, %dma_wait3A_588] : memref<4x64x128xi16, #tpu.memory_space<vmem>> -> memref<1x64x128xi16, #tpu.memory_space<vmem>>
      %dma_wait3A_590 = tpu.memref_squeeze %dma_wait3A_589 : memref<1x64x128xi16, #tpu.memory_space<vmem>> -> memref<64x128xi16, #tpu.memory_space<vmem>>
      %dma_wait3A_591 = arith.constant 0 : i32
      %dma_wait3A_592 = tpu.memref_slice %arg9[%sub3A_585, %dma_wait3A_591] : memref<160x64xi32, #tpu.memory_space<vmem>> -> memref<1x64xi32, #tpu.memory_space<vmem>>
      %dma_wait3A_593 = tpu.memref_squeeze %dma_wait3A_592 : memref<1x64xi32, #tpu.memory_space<vmem>> -> memref<64xi32, #tpu.memory_space<vmem>>
      %dma_wait3A_594 = arith.constant 0 : i32
      %dma_wait3A_595 = arith.constant 0 : i32
      %dma_wait3A_596 = tpu.memref_slice %arg7[%dma_wait3A_594, %dma_wait3A_595] : memref<10240x128xi16, #tpu.memory_space<vmem_shared>> -> memref<10240x128xi16, #tpu.memory_space<vmem_shared>>
      tpu.wait_indirect_dma semaphore(%arg16 : memref<!tpu.dma_semaphore, #tpu.memory_space<semaphore_mem>>) src(%dma_wait3A_590 : memref<64x128xi16, #tpu.memory_space<vmem>>) dst(%dma_wait3A_596 : memref<10240x128xi16, #tpu.memory_space<vmem_shared>>)
      %dma_wait3A_597 = arith.constant 3 : i32
      %dma_wait3A_598 = arith.constant 0 : i32
      %dma_wait3A_599 = arith.constant 0 : i32
      %dma_wait3A_600 = tpu.memref_slice %arg10[%dma_wait3A_597, %dma_wait3A_598, %dma_wait3A_599] : memref<4x64x128xi16, #tpu.memory_space<vmem>> -> memref<1x64x128xi16, #tpu.memory_space<vmem>>
      %dma_wait3A_601 = tpu.memref_squeeze %dma_wait3A_600 : memref<1x64x128xi16, #tpu.memory_space<vmem>> -> memref<64x128xi16, #tpu.memory_space<vmem>>
      %dma_wait3A_602 = arith.constant 0 : i32
      %dma_wait3A_603 = tpu.memref_slice %arg8[%add3A_583, %dma_wait3A_602] : memref<160x64xi32, #tpu.memory_space<vmem>> -> memref<1x64xi32, #tpu.memory_space<vmem>>
      %dma_wait3A_604 = tpu.memref_squeeze %dma_wait3A_603 : memref<1x64xi32, #tpu.memory_space<vmem>> -> memref<64xi32, #tpu.memory_space<vmem>>
      %dma_wait3A_605 = arith.constant 0 : i32
      %dma_wait3A_606 = arith.constant 0 : i32
      %dma_wait3A_607 = tpu.memref_slice %arg6[%dma_wait3A_605, %dma_wait3A_606] : memref<10240x128xi16, #tpu.memory_space<vmem_shared>> -> memref<10240x128xi16, #tpu.memory_space<vmem_shared>>
      tpu.wait_indirect_dma semaphore(%arg14 : memref<!tpu.dma_semaphore, #tpu.memory_space<semaphore_mem>>) src(%dma_wait3A_607 : memref<10240x128xi16, #tpu.memory_space<vmem_shared>>) dst(%dma_wait3A_601 : memref<64x128xi16, #tpu.memory_space<vmem>>)
      %dma_start3A_608 = arith.constant 3 : i32
      %dma_start3A_609 = arith.constant 0 : i32
      %dma_start3A_610 = arith.constant 0 : i32
      %dma_start3A_611 = tpu.memref_slice %arg10[%dma_start3A_608, %dma_start3A_609, %dma_start3A_610] : memref<4x64x128xi16, #tpu.memory_space<vmem>> -> memref<1x64x128xi16, #tpu.memory_space<vmem>>
      %dma_start3A_612 = tpu.memref_squeeze %dma_start3A_611 : memref<1x64x128xi16, #tpu.memory_space<vmem>> -> memref<64x128xi16, #tpu.memory_space<vmem>>
      %dma_start3A_613 = arith.constant 0 : i32
      %dma_start3A_614 = tpu.memref_slice %arg9[%add3A_583, %dma_start3A_613] : memref<160x64xi32, #tpu.memory_space<vmem>> -> memref<1x64xi32, #tpu.memory_space<vmem>>
      %dma_start3A_615 = tpu.memref_squeeze %dma_start3A_614 : memref<1x64xi32, #tpu.memory_space<vmem>> -> memref<64xi32, #tpu.memory_space<vmem>>
      %dma_start3A_616 = arith.constant 0 : i32
      %dma_start3A_617 = arith.constant 0 : i32
      %dma_start3A_618 = tpu.memref_slice %arg7[%dma_start3A_616, %dma_start3A_617] : memref<10240x128xi16, #tpu.memory_space<vmem_shared>> -> memref<10240x128xi16, #tpu.memory_space<vmem_shared>>
      tpu.enqueue_indirect_dma source(%dma_start3A_612 : memref<64x128xi16, #tpu.memory_space<vmem>>) target(%dma_start3A_618 : memref<10240x128xi16, #tpu.memory_space<vmem_shared>>) offsets(%dma_start3A_615 : memref<64xi32, #tpu.memory_space<vmem>>) semaphore(%arg18 : memref<!tpu.dma_semaphore, #tpu.memory_space<semaphore_mem>>) {add = true}
      %add3A_619 = arith.constant 2 : i32
      %add3A_620 = arith.addi %add3A_583, %add3A_619 : i32
      %dma_start3A_621 = arith.constant 1 : i32
      %dma_start3A_622 = arith.constant 0 : i32
      %dma_start3A_623 = arith.constant 0 : i32
      %dma_start3A_624 = tpu.memref_slice %arg10[%dma_start3A_621, %dma_start3A_622, %dma_start3A_623] : memref<4x64x128xi16, #tpu.memory_space<vmem>> -> memref<1x64x128xi16, #tpu.memory_space<vmem>>
      %dma_start3A_625 = tpu.memref_squeeze %dma_start3A_624 : memref<1x64x128xi16, #tpu.memory_space<vmem>> -> memref<64x128xi16, #tpu.memory_space<vmem>>
      %dma_start3A_626 = arith.constant 0 : i32
      %dma_start3A_627 = tpu.memref_slice %arg8[%add3A_620, %dma_start3A_626] : memref<160x64xi32, #tpu.memory_space<vmem>> -> memref<1x64xi32, #tpu.memory_space<vmem>>
      %dma_start3A_628 = tpu.memref_squeeze %dma_start3A_627 : memref<1x64xi32, #tpu.memory_space<vmem>> -> memref<64xi32, #tpu.memory_space<vmem>>
      %dma_start3A_629 = arith.constant 0 : i32
      %dma_start3A_630 = arith.constant 0 : i32
      %dma_start3A_631 = tpu.memref_slice %arg6[%dma_start3A_629, %dma_start3A_630] : memref<10240x128xi16, #tpu.memory_space<vmem_shared>> -> memref<10240x128xi16, #tpu.memory_space<vmem_shared>>
      tpu.enqueue_indirect_dma source(%dma_start3A_631 : memref<10240x128xi16, #tpu.memory_space<vmem_shared>>) target(%dma_start3A_625 : memref<64x128xi16, #tpu.memory_space<vmem>>) offsets(%dma_start3A_628 : memref<64xi32, #tpu.memory_space<vmem>>) semaphore(%arg12 : memref<!tpu.dma_semaphore, #tpu.memory_space<semaphore_mem>>)
    }
    %scan3A_234 = arith.constant 38 : i32
    %dma_wait3A_235 = arith.constant 2 : i32
    %dma_wait3A_236 = arith.constant 154 : i32
    %dma_wait3A_237 = arith.constant 0 : i32
    %dma_wait3A_238 = arith.constant 0 : i32
    %dma_wait3A_239 = tpu.memref_slice %arg10[%dma_wait3A_235, %dma_wait3A_237, %dma_wait3A_238] : memref<4x64x128xi16, #tpu.memory_space<vmem>> -> memref<1x64x128xi16, #tpu.memory_space<vmem>>
    %dma_wait3A_240 = tpu.memref_squeeze %dma_wait3A_239 : memref<1x64x128xi16, #tpu.memory_space<vmem>> -> memref<64x128xi16, #tpu.memory_space<vmem>>
    %dma_wait3A_241 = arith.constant 0 : i32
    %dma_wait3A_242 = tpu.memref_slice %arg9[%dma_wait3A_236, %dma_wait3A_241] : memref<160x64xi32, #tpu.memory_space<vmem>> -> memref<1x64xi32, #tpu.memory_space<vmem>>
    %dma_wait3A_243 = tpu.memref_squeeze %dma_wait3A_242 : memref<1x64xi32, #tpu.memory_space<vmem>> -> memref<64xi32, #tpu.memory_space<vmem>>
    %dma_wait3A_244 = arith.constant 0 : i32
    %dma_wait3A_245 = arith.constant 0 : i32
    %dma_wait3A_246 = tpu.memref_slice %arg7[%dma_wait3A_244, %dma_wait3A_245] : memref<10240x128xi16, #tpu.memory_space<vmem_shared>> -> memref<10240x128xi16, #tpu.memory_space<vmem_shared>>
    tpu.wait_indirect_dma semaphore(%arg17 : memref<!tpu.dma_semaphore, #tpu.memory_space<semaphore_mem>>) src(%dma_wait3A_240 : memref<64x128xi16, #tpu.memory_space<vmem>>) dst(%dma_wait3A_246 : memref<10240x128xi16, #tpu.memory_space<vmem_shared>>)
    %dma_start3A_247 = arith.constant 158 : i32
    %dma_start3A_248 = arith.constant 2 : i32
    %dma_start3A_249 = arith.constant 0 : i32
    %dma_start3A_250 = arith.constant 0 : i32
    %dma_start3A_251 = tpu.memref_slice %arg10[%dma_start3A_248, %dma_start3A_249, %dma_start3A_250] : memref<4x64x128xi16, #tpu.memory_space<vmem>> -> memref<1x64x128xi16, #tpu.memory_space<vmem>>
    %dma_start3A_252 = tpu.memref_squeeze %dma_start3A_251 : memref<1x64x128xi16, #tpu.memory_space<vmem>> -> memref<64x128xi16, #tpu.memory_space<vmem>>
    %dma_start3A_253 = arith.constant 0 : i32
    %dma_start3A_254 = tpu.memref_slice %arg8[%dma_start3A_247, %dma_start3A_253] : memref<160x64xi32, #tpu.memory_space<vmem>> -> memref<1x64xi32, #tpu.memory_space<vmem>>
    %dma_start3A_255 = tpu.memref_squeeze %dma_start3A_254 : memref<1x64xi32, #tpu.memory_space<vmem>> -> memref<64xi32, #tpu.memory_space<vmem>>
    %dma_start3A_256 = arith.constant 0 : i32
    %dma_start3A_257 = arith.constant 0 : i32
    %dma_start3A_258 = tpu.memref_slice %arg6[%dma_start3A_256, %dma_start3A_257] : memref<10240x128xi16, #tpu.memory_space<vmem_shared>> -> memref<10240x128xi16, #tpu.memory_space<vmem_shared>>
    tpu.enqueue_indirect_dma source(%dma_start3A_258 : memref<10240x128xi16, #tpu.memory_space<vmem_shared>>) target(%dma_start3A_252 : memref<64x128xi16, #tpu.memory_space<vmem>>) offsets(%dma_start3A_255 : memref<64xi32, #tpu.memory_space<vmem>>) semaphore(%arg13 : memref<!tpu.dma_semaphore, #tpu.memory_space<semaphore_mem>>)
    %dma_wait3A_259 = arith.constant 156 : i32
    %dma_wait3A_260 = arith.constant 0 : i32
    %dma_wait3A_261 = arith.constant 0 : i32
    %dma_wait3A_262 = arith.constant 0 : i32
    %dma_wait3A_263 = tpu.memref_slice %arg10[%dma_wait3A_260, %dma_wait3A_261, %dma_wait3A_262] : memref<4x64x128xi16, #tpu.memory_space<vmem>> -> memref<1x64x128xi16, #tpu.memory_space<vmem>>
    %dma_wait3A_264 = tpu.memref_squeeze %dma_wait3A_263 : memref<1x64x128xi16, #tpu.memory_space<vmem>> -> memref<64x128xi16, #tpu.memory_space<vmem>>
    %dma_wait3A_265 = arith.constant 0 : i32
    %dma_wait3A_266 = tpu.memref_slice %arg8[%dma_wait3A_259, %dma_wait3A_265] : memref<160x64xi32, #tpu.memory_space<vmem>> -> memref<1x64xi32, #tpu.memory_space<vmem>>
    %dma_wait3A_267 = tpu.memref_squeeze %dma_wait3A_266 : memref<1x64xi32, #tpu.memory_space<vmem>> -> memref<64xi32, #tpu.memory_space<vmem>>
    %dma_wait3A_268 = arith.constant 0 : i32
    %dma_wait3A_269 = arith.constant 0 : i32
    %dma_wait3A_270 = tpu.memref_slice %arg6[%dma_wait3A_268, %dma_wait3A_269] : memref<10240x128xi16, #tpu.memory_space<vmem_shared>> -> memref<10240x128xi16, #tpu.memory_space<vmem_shared>>
    tpu.wait_indirect_dma semaphore(%arg11 : memref<!tpu.dma_semaphore, #tpu.memory_space<semaphore_mem>>) src(%dma_wait3A_270 : memref<10240x128xi16, #tpu.memory_space<vmem_shared>>) dst(%dma_wait3A_264 : memref<64x128xi16, #tpu.memory_space<vmem>>)
    %dma_start3A_271 = arith.constant 0 : i32
    %dma_start3A_272 = arith.constant 156 : i32
    %dma_start3A_273 = arith.constant 0 : i32
    %dma_start3A_274 = arith.constant 0 : i32
    %dma_start3A_275 = tpu.memref_slice %arg10[%dma_start3A_271, %dma_start3A_273, %dma_start3A_274] : memref<4x64x128xi16, #tpu.memory_space<vmem>> -> memref<1x64x128xi16, #tpu.memory_space<vmem>>
    %dma_start3A_276 = tpu.memref_squeeze %dma_start3A_275 : memref<1x64x128xi16, #tpu.memory_space<vmem>> -> memref<64x128xi16, #tpu.memory_space<vmem>>
    %dma_start3A_277 = arith.constant 0 : i32
    %dma_start3A_278 = tpu.memref_slice %arg9[%dma_start3A_272, %dma_start3A_277] : memref<160x64xi32, #tpu.memory_space<vmem>> -> memref<1x64xi32, #tpu.memory_space<vmem>>
    %dma_start3A_279 = tpu.memref_squeeze %dma_start3A_278 : memref<1x64xi32, #tpu.memory_space<vmem>> -> memref<64xi32, #tpu.memory_space<vmem>>
    %dma_start3A_280 = arith.constant 0 : i32
    %dma_start3A_281 = arith.constant 0 : i32
    %dma_start3A_282 = tpu.memref_slice %arg7[%dma_start3A_280, %dma_start3A_281] : memref<10240x128xi16, #tpu.memory_space<vmem_shared>> -> memref<10240x128xi16, #tpu.memory_space<vmem_shared>>
    tpu.enqueue_indirect_dma source(%dma_start3A_276 : memref<64x128xi16, #tpu.memory_space<vmem>>) target(%dma_start3A_282 : memref<10240x128xi16, #tpu.memory_space<vmem_shared>>) offsets(%dma_start3A_279 : memref<64xi32, #tpu.memory_space<vmem>>) semaphore(%arg15 : memref<!tpu.dma_semaphore, #tpu.memory_space<semaphore_mem>>) {add = true}
    %dma_wait3A_283 = arith.constant 3 : i32
    %dma_wait3A_284 = arith.constant 155 : i32
    %dma_wait3A_285 = arith.constant 0 : i32
    %dma_wait3A_286 = arith.constant 0 : i32
    %dma_wait3A_287 = tpu.memref_slice %arg10[%dma_wait3A_283, %dma_wait3A_285, %dma_wait3A_286] : memref<4x64x128xi16, #tpu.memory_space<vmem>> -> memref<1x64x128xi16, #tpu.memory_space<vmem>>
    %dma_wait3A_288 = tpu.memref_squeeze %dma_wait3A_287 : memref<1x64x128xi16, #tpu.memory_space<vmem>> -> memref<64x128xi16, #tpu.memory_space<vmem>>
    %dma_wait3A_289 = arith.constant 0 : i32
    %dma_wait3A_290 = tpu.memref_slice %arg9[%dma_wait3A_284, %dma_wait3A_289] : memref<160x64xi32, #tpu.memory_space<vmem>> -> memref<1x64xi32, #tpu.memory_space<vmem>>
    %dma_wait3A_291 = tpu.memref_squeeze %dma_wait3A_290 : memref<1x64xi32, #tpu.memory_space<vmem>> -> memref<64xi32, #tpu.memory_space<vmem>>
    %dma_wait3A_292 = arith.constant 0 : i32
    %dma_wait3A_293 = arith.constant 0 : i32
    %dma_wait3A_294 = tpu.memref_slice %arg7[%dma_wait3A_292, %dma_wait3A_293] : memref<10240x128xi16, #tpu.memory_space<vmem_shared>> -> memref<10240x128xi16, #tpu.memory_space<vmem_shared>>
    tpu.wait_indirect_dma semaphore(%arg18 : memref<!tpu.dma_semaphore, #tpu.memory_space<semaphore_mem>>) src(%dma_wait3A_288 : memref<64x128xi16, #tpu.memory_space<vmem>>) dst(%dma_wait3A_294 : memref<10240x128xi16, #tpu.memory_space<vmem_shared>>)
    %dma_start3A_295 = arith.constant 159 : i32
    %dma_start3A_296 = arith.constant 3 : i32
    %dma_start3A_297 = arith.constant 0 : i32
    %dma_start3A_298 = arith.constant 0 : i32
    %dma_start3A_299 = tpu.memref_slice %arg10[%dma_start3A_296, %dma_start3A_297, %dma_start3A_298] : memref<4x64x128xi16, #tpu.memory_space<vmem>> -> memref<1x64x128xi16, #tpu.memory_space<vmem>>
    %dma_start3A_300 = tpu.memref_squeeze %dma_start3A_299 : memref<1x64x128xi16, #tpu.memory_space<vmem>> -> memref<64x128xi16, #tpu.memory_space<vmem>>
    %dma_start3A_301 = arith.constant 0 : i32
    %dma_start3A_302 = tpu.memref_slice %arg8[%dma_start3A_295, %dma_start3A_301] : memref<160x64xi32, #tpu.memory_space<vmem>> -> memref<1x64xi32, #tpu.memory_space<vmem>>
    %dma_start3A_303 = tpu.memref_squeeze %dma_start3A_302 : memref<1x64xi32, #tpu.memory_space<vmem>> -> memref<64xi32, #tpu.memory_space<vmem>>
    %dma_start3A_304 = arith.constant 0 : i32
    %dma_start3A_305 = arith.constant 0 : i32
    %dma_start3A_306 = tpu.memref_slice %arg6[%dma_start3A_304, %dma_start3A_305] : memref<10240x128xi16, #tpu.memory_space<vmem_shared>> -> memref<10240x128xi16, #tpu.memory_space<vmem_shared>>
    tpu.enqueue_indirect_dma source(%dma_start3A_306 : memref<10240x128xi16, #tpu.memory_space<vmem_shared>>) target(%dma_start3A_300 : memref<64x128xi16, #tpu.memory_space<vmem>>) offsets(%dma_start3A_303 : memref<64xi32, #tpu.memory_space<vmem>>) semaphore(%arg14 : memref<!tpu.dma_semaphore, #tpu.memory_space<semaphore_mem>>)
    %dma_wait3A_307 = arith.constant 157 : i32
    %dma_wait3A_308 = arith.constant 1 : i32
    %dma_wait3A_309 = arith.constant 0 : i32
    %dma_wait3A_310 = arith.constant 0 : i32
    %dma_wait3A_311 = tpu.memref_slice %arg10[%dma_wait3A_308, %dma_wait3A_309, %dma_wait3A_310] : memref<4x64x128xi16, #tpu.memory_space<vmem>> -> memref<1x64x128xi16, #tpu.memory_space<vmem>>
    %dma_wait3A_312 = tpu.memref_squeeze %dma_wait3A_311 : memref<1x64x128xi16, #tpu.memory_space<vmem>> -> memref<64x128xi16, #tpu.memory_space<vmem>>
    %dma_wait3A_313 = arith.constant 0 : i32
    %dma_wait3A_314 = tpu.memref_slice %arg8[%dma_wait3A_307, %dma_wait3A_313] : memref<160x64xi32, #tpu.memory_space<vmem>> -> memref<1x64xi32, #tpu.memory_space<vmem>>
    %dma_wait3A_315 = tpu.memref_squeeze %dma_wait3A_314 : memref<1x64xi32, #tpu.memory_space<vmem>> -> memref<64xi32, #tpu.memory_space<vmem>>
    %dma_wait3A_316 = arith.constant 0 : i32
    %dma_wait3A_317 = arith.constant 0 : i32
    %dma_wait3A_318 = tpu.memref_slice %arg6[%dma_wait3A_316, %dma_wait3A_317] : memref<10240x128xi16, #tpu.memory_space<vmem_shared>> -> memref<10240x128xi16, #tpu.memory_space<vmem_shared>>
    tpu.wait_indirect_dma semaphore(%arg12 : memref<!tpu.dma_semaphore, #tpu.memory_space<semaphore_mem>>) src(%dma_wait3A_318 : memref<10240x128xi16, #tpu.memory_space<vmem_shared>>) dst(%dma_wait3A_312 : memref<64x128xi16, #tpu.memory_space<vmem>>)
    %dma_start3A_319 = arith.constant 1 : i32
    %dma_start3A_320 = arith.constant 157 : i32
    %dma_start3A_321 = arith.constant 0 : i32
    %dma_start3A_322 = arith.constant 0 : i32
    %dma_start3A_323 = tpu.memref_slice %arg10[%dma_start3A_319, %dma_start3A_321, %dma_start3A_322] : memref<4x64x128xi16, #tpu.memory_space<vmem>> -> memref<1x64x128xi16, #tpu.memory_space<vmem>>
    %dma_start3A_324 = tpu.memref_squeeze %dma_start3A_323 : memref<1x64x128xi16, #tpu.memory_space<vmem>> -> memref<64x128xi16, #tpu.memory_space<vmem>>
    %dma_start3A_325 = arith.constant 0 : i32
    %dma_start3A_326 = tpu.memref_slice %arg9[%dma_start3A_320, %dma_start3A_325] : memref<160x64xi32, #tpu.memory_space<vmem>> -> memref<1x64xi32, #tpu.memory_space<vmem>>
    %dma_start3A_327 = tpu.memref_squeeze %dma_start3A_326 : memref<1x64xi32, #tpu.memory_space<vmem>> -> memref<64xi32, #tpu.memory_space<vmem>>
    %dma_start3A_328 = arith.constant 0 : i32
    %dma_start3A_329 = arith.constant 0 : i32
    %dma_start3A_330 = tpu.memref_slice %arg7[%dma_start3A_328, %dma_start3A_329] : memref<10240x128xi16, #tpu.memory_space<vmem_shared>> -> memref<10240x128xi16, #tpu.memory_space<vmem_shared>>
    tpu.enqueue_indirect_dma source(%dma_start3A_324 : memref<64x128xi16, #tpu.memory_space<vmem>>) target(%dma_start3A_330 : memref<10240x128xi16, #tpu.memory_space<vmem_shared>>) offsets(%dma_start3A_327 : memref<64xi32, #tpu.memory_space<vmem>>) semaphore(%arg16 : memref<!tpu.dma_semaphore, #tpu.memory_space<semaphore_mem>>) {add = true}
    %dma_wait3A_331 = arith.constant 0 : i32
    %dma_wait3A_332 = arith.constant 156 : i32
    %dma_wait3A_333 = arith.constant 0 : i32
    %dma_wait3A_334 = arith.constant 0 : i32
    %dma_wait3A_335 = tpu.memref_slice %arg10[%dma_wait3A_331, %dma_wait3A_333, %dma_wait3A_334] : memref<4x64x128xi16, #tpu.memory_space<vmem>> -> memref<1x64x128xi16, #tpu.memory_space<vmem>>
    %dma_wait3A_336 = tpu.memref_squeeze %dma_wait3A_335 : memref<1x64x128xi16, #tpu.memory_space<vmem>> -> memref<64x128xi16, #tpu.memory_space<vmem>>
    %dma_wait3A_337 = arith.constant 0 : i32
    %dma_wait3A_338 = tpu.memref_slice %arg9[%dma_wait3A_332, %dma_wait3A_337] : memref<160x64xi32, #tpu.memory_space<vmem>> -> memref<1x64xi32, #tpu.memory_space<vmem>>
    %dma_wait3A_339 = tpu.memref_squeeze %dma_wait3A_338 : memref<1x64xi32, #tpu.memory_space<vmem>> -> memref<64xi32, #tpu.memory_space<vmem>>
    %dma_wait3A_340 = arith.constant 0 : i32
    %dma_wait3A_341 = arith.constant 0 : i32
    %dma_wait3A_342 = tpu.memref_slice %arg7[%dma_wait3A_340, %dma_wait3A_341] : memref<10240x128xi16, #tpu.memory_space<vmem_shared>> -> memref<10240x128xi16, #tpu.memory_space<vmem_shared>>
    tpu.wait_indirect_dma semaphore(%arg15 : memref<!tpu.dma_semaphore, #tpu.memory_space<semaphore_mem>>) src(%dma_wait3A_336 : memref<64x128xi16, #tpu.memory_space<vmem>>) dst(%dma_wait3A_342 : memref<10240x128xi16, #tpu.memory_space<vmem_shared>>)
    %dma_wait3A_343 = arith.constant 158 : i32
    %dma_wait3A_344 = arith.constant 2 : i32
    %dma_wait3A_345 = arith.constant 0 : i32
    %dma_wait3A_346 = arith.constant 0 : i32
    %dma_wait3A_347 = tpu.memref_slice %arg10[%dma_wait3A_344, %dma_wait3A_345, %dma_wait3A_346] : memref<4x64x128xi16, #tpu.memory_space<vmem>> -> memref<1x64x128xi16, #tpu.memory_space<vmem>>
    %dma_wait3A_348 = tpu.memref_squeeze %dma_wait3A_347 : memref<1x64x128xi16, #tpu.memory_space<vmem>> -> memref<64x128xi16, #tpu.memory_space<vmem>>
    %dma_wait3A_349 = arith.constant 0 : i32
    %dma_wait3A_350 = tpu.memref_slice %arg8[%dma_wait3A_343, %dma_wait3A_349] : memref<160x64xi32, #tpu.memory_space<vmem>> -> memref<1x64xi32, #tpu.memory_space<vmem>>
    %dma_wait3A_351 = tpu.memref_squeeze %dma_wait3A_350 : memref<1x64xi32, #tpu.memory_space<vmem>> -> memref<64xi32, #tpu.memory_space<vmem>>
    %dma_wait3A_352 = arith.constant 0 : i32
    %dma_wait3A_353 = arith.constant 0 : i32
    %dma_wait3A_354 = tpu.memref_slice %arg6[%dma_wait3A_352, %dma_wait3A_353] : memref<10240x128xi16, #tpu.memory_space<vmem_shared>> -> memref<10240x128xi16, #tpu.memory_space<vmem_shared>>
    tpu.wait_indirect_dma semaphore(%arg13 : memref<!tpu.dma_semaphore, #tpu.memory_space<semaphore_mem>>) src(%dma_wait3A_354 : memref<10240x128xi16, #tpu.memory_space<vmem_shared>>) dst(%dma_wait3A_348 : memref<64x128xi16, #tpu.memory_space<vmem>>)
    %dma_start3A_355 = arith.constant 2 : i32
    %dma_start3A_356 = arith.constant 158 : i32
    %dma_start3A_357 = arith.constant 0 : i32
    %dma_start3A_358 = arith.constant 0 : i32
    %dma_start3A_359 = tpu.memref_slice %arg10[%dma_start3A_355, %dma_start3A_357, %dma_start3A_358] : memref<4x64x128xi16, #tpu.memory_space<vmem>> -> memref<1x64x128xi16, #tpu.memory_space<vmem>>
    %dma_start3A_360 = tpu.memref_squeeze %dma_start3A_359 : memref<1x64x128xi16, #tpu.memory_space<vmem>> -> memref<64x128xi16, #tpu.memory_space<vmem>>
    %dma_start3A_361 = arith.constant 0 : i32
    %dma_start3A_362 = tpu.memref_slice %arg9[%dma_start3A_356, %dma_start3A_361] : memref<160x64xi32, #tpu.memory_space<vmem>> -> memref<1x64xi32, #tpu.memory_space<vmem>>
    %dma_start3A_363 = tpu.memref_squeeze %dma_start3A_362 : memref<1x64xi32, #tpu.memory_space<vmem>> -> memref<64xi32, #tpu.memory_space<vmem>>
    %dma_start3A_364 = arith.constant 0 : i32
    %dma_start3A_365 = arith.constant 0 : i32
    %dma_start3A_366 = tpu.memref_slice %arg7[%dma_start3A_364, %dma_start3A_365] : memref<10240x128xi16, #tpu.memory_space<vmem_shared>> -> memref<10240x128xi16, #tpu.memory_space<vmem_shared>>
    tpu.enqueue_indirect_dma source(%dma_start3A_360 : memref<64x128xi16, #tpu.memory_space<vmem>>) target(%dma_start3A_366 : memref<10240x128xi16, #tpu.memory_space<vmem_shared>>) offsets(%dma_start3A_363 : memref<64xi32, #tpu.memory_space<vmem>>) semaphore(%arg17 : memref<!tpu.dma_semaphore, #tpu.memory_space<semaphore_mem>>) {add = true}
    %dma_wait3A_367 = arith.constant 1 : i32
    %dma_wait3A_368 = arith.constant 157 : i32
    %dma_wait3A_369 = arith.constant 0 : i32
    %dma_wait3A_370 = arith.constant 0 : i32
    %dma_wait3A_371 = tpu.memref_slice %arg10[%dma_wait3A_367, %dma_wait3A_369, %dma_wait3A_370] : memref<4x64x128xi16, #tpu.memory_space<vmem>> -> memref<1x64x128xi16, #tpu.memory_space<vmem>>
    %dma_wait3A_372 = tpu.memref_squeeze %dma_wait3A_371 : memref<1x64x128xi16, #tpu.memory_space<vmem>> -> memref<64x128xi16, #tpu.memory_space<vmem>>
    %dma_wait3A_373 = arith.constant 0 : i32
    %dma_wait3A_374 = tpu.memref_slice %arg9[%dma_wait3A_368, %dma_wait3A_373] : memref<160x64xi32, #tpu.memory_space<vmem>> -> memref<1x64xi32, #tpu.memory_space<vmem>>
    %dma_wait3A_375 = tpu.memref_squeeze %dma_wait3A_374 : memref<1x64xi32, #tpu.memory_space<vmem>> -> memref<64xi32, #tpu.memory_space<vmem>>
    %dma_wait3A_376 = arith.constant 0 : i32
    %dma_wait3A_377 = arith.constant 0 : i32
    %dma_wait3A_378 = tpu.memref_slice %arg7[%dma_wait3A_376, %dma_wait3A_377] : memref<10240x128xi16, #tpu.memory_space<vmem_shared>> -> memref<10240x128xi16, #tpu.memory_space<vmem_shared>>
    tpu.wait_indirect_dma semaphore(%arg16 : memref<!tpu.dma_semaphore, #tpu.memory_space<semaphore_mem>>) src(%dma_wait3A_372 : memref<64x128xi16, #tpu.memory_space<vmem>>) dst(%dma_wait3A_378 : memref<10240x128xi16, #tpu.memory_space<vmem_shared>>)
    %dma_wait3A_379 = arith.constant 159 : i32
    %dma_wait3A_380 = arith.constant 3 : i32
    %dma_wait3A_381 = arith.constant 0 : i32
    %dma_wait3A_382 = arith.constant 0 : i32
    %dma_wait3A_383 = tpu.memref_slice %arg10[%dma_wait3A_380, %dma_wait3A_381, %dma_wait3A_382] : memref<4x64x128xi16, #tpu.memory_space<vmem>> -> memref<1x64x128xi16, #tpu.memory_space<vmem>>
    %dma_wait3A_384 = tpu.memref_squeeze %dma_wait3A_383 : memref<1x64x128xi16, #tpu.memory_space<vmem>> -> memref<64x128xi16, #tpu.memory_space<vmem>>
    %dma_wait3A_385 = arith.constant 0 : i32
    %dma_wait3A_386 = tpu.memref_slice %arg8[%dma_wait3A_379, %dma_wait3A_385] : memref<160x64xi32, #tpu.memory_space<vmem>> -> memref<1x64xi32, #tpu.memory_space<vmem>>
    %dma_wait3A_387 = tpu.memref_squeeze %dma_wait3A_386 : memref<1x64xi32, #tpu.memory_space<vmem>> -> memref<64xi32, #tpu.memory_space<vmem>>
    %dma_wait3A_388 = arith.constant 0 : i32
    %dma_wait3A_389 = arith.constant 0 : i32
    %dma_wait3A_390 = tpu.memref_slice %arg6[%dma_wait3A_388, %dma_wait3A_389] : memref<10240x128xi16, #tpu.memory_space<vmem_shared>> -> memref<10240x128xi16, #tpu.memory_space<vmem_shared>>
    tpu.wait_indirect_dma semaphore(%arg14 : memref<!tpu.dma_semaphore, #tpu.memory_space<semaphore_mem>>) src(%dma_wait3A_390 : memref<10240x128xi16, #tpu.memory_space<vmem_shared>>) dst(%dma_wait3A_384 : memref<64x128xi16, #tpu.memory_space<vmem>>)
    %dma_start3A_391 = arith.constant 3 : i32
    %dma_start3A_392 = arith.constant 159 : i32
    %dma_start3A_393 = arith.constant 0 : i32
    %dma_start3A_394 = arith.constant 0 : i32
    %dma_start3A_395 = tpu.memref_slice %arg10[%dma_start3A_391, %dma_start3A_393, %dma_start3A_394] : memref<4x64x128xi16, #tpu.memory_space<vmem>> -> memref<1x64x128xi16, #tpu.memory_space<vmem>>
    %dma_start3A_396 = tpu.memref_squeeze %dma_start3A_395 : memref<1x64x128xi16, #tpu.memory_space<vmem>> -> memref<64x128xi16, #tpu.memory_space<vmem>>
    %dma_start3A_397 = arith.constant 0 : i32
    %dma_start3A_398 = tpu.memref_slice %arg9[%dma_start3A_392, %dma_start3A_397] : memref<160x64xi32, #tpu.memory_space<vmem>> -> memref<1x64xi32, #tpu.memory_space<vmem>>
    %dma_start3A_399 = tpu.memref_squeeze %dma_start3A_398 : memref<1x64xi32, #tpu.memory_space<vmem>> -> memref<64xi32, #tpu.memory_space<vmem>>
    %dma_start3A_400 = arith.constant 0 : i32
    %dma_start3A_401 = arith.constant 0 : i32
    %dma_start3A_402 = tpu.memref_slice %arg7[%dma_start3A_400, %dma_start3A_401] : memref<10240x128xi16, #tpu.memory_space<vmem_shared>> -> memref<10240x128xi16, #tpu.memory_space<vmem_shared>>
    tpu.enqueue_indirect_dma source(%dma_start3A_396 : memref<64x128xi16, #tpu.memory_space<vmem>>) target(%dma_start3A_402 : memref<10240x128xi16, #tpu.memory_space<vmem_shared>>) offsets(%dma_start3A_399 : memref<64xi32, #tpu.memory_space<vmem>>) semaphore(%arg18 : memref<!tpu.dma_semaphore, #tpu.memory_space<semaphore_mem>>) {add = true}
    %dma_wait3A_403 = arith.constant 2 : i32
    %dma_wait3A_404 = arith.constant 158 : i32
    %dma_wait3A_405 = arith.constant 0 : i32
    %dma_wait3A_406 = arith.constant 0 : i32
    %dma_wait3A_407 = tpu.memref_slice %arg10[%dma_wait3A_403, %dma_wait3A_405, %dma_wait3A_406] : memref<4x64x128xi16, #tpu.memory_space<vmem>> -> memref<1x64x128xi16, #tpu.memory_space<vmem>>
    %dma_wait3A_408 = tpu.memref_squeeze %dma_wait3A_407 : memref<1x64x128xi16, #tpu.memory_space<vmem>> -> memref<64x128xi16, #tpu.memory_space<vmem>>
    %dma_wait3A_409 = arith.constant 0 : i32
    %dma_wait3A_410 = tpu.memref_slice %arg9[%dma_wait3A_404, %dma_wait3A_409] : memref<160x64xi32, #tpu.memory_space<vmem>> -> memref<1x64xi32, #tpu.memory_space<vmem>>
    %dma_wait3A_411 = tpu.memref_squeeze %dma_wait3A_410 : memref<1x64xi32, #tpu.memory_space<vmem>> -> memref<64xi32, #tpu.memory_space<vmem>>
    %dma_wait3A_412 = arith.constant 0 : i32
    %dma_wait3A_413 = arith.constant 0 : i32
    %dma_wait3A_414 = tpu.memref_slice %arg7[%dma_wait3A_412, %dma_wait3A_413] : memref<10240x128xi16, #tpu.memory_space<vmem_shared>> -> memref<10240x128xi16, #tpu.memory_space<vmem_shared>>
    tpu.wait_indirect_dma semaphore(%arg17 : memref<!tpu.dma_semaphore, #tpu.memory_space<semaphore_mem>>) src(%dma_wait3A_408 : memref<64x128xi16, #tpu.memory_space<vmem>>) dst(%dma_wait3A_414 : memref<10240x128xi16, #tpu.memory_space<vmem_shared>>)
    %dma_wait3A_415 = arith.constant 3 : i32
    %dma_wait3A_416 = arith.constant 159 : i32
    %dma_wait3A_417 = arith.constant 0 : i32
    %dma_wait3A_418 = arith.constant 0 : i32
    %dma_wait3A_419 = tpu.memref_slice %arg10[%dma_wait3A_415, %dma_wait3A_417, %dma_wait3A_418] : memref<4x64x128xi16, #tpu.memory_space<vmem>> -> memref<1x64x128xi16, #tpu.memory_space<vmem>>
    %dma_wait3A_420 = tpu.memref_squeeze %dma_wait3A_419 : memref<1x64x128xi16, #tpu.memory_space<vmem>> -> memref<64x128xi16, #tpu.memory_space<vmem>>
    %dma_wait3A_421 = arith.constant 0 : i32
    %dma_wait3A_422 = tpu.memref_slice %arg9[%dma_wait3A_416, %dma_wait3A_421] : memref<160x64xi32, #tpu.memory_space<vmem>> -> memref<1x64xi32, #tpu.memory_space<vmem>>
    %dma_wait3A_423 = tpu.memref_squeeze %dma_wait3A_422 : memref<1x64xi32, #tpu.memory_space<vmem>> -> memref<64xi32, #tpu.memory_space<vmem>>
    %dma_wait3A_424 = arith.constant 0 : i32
    %dma_wait3A_425 = arith.constant 0 : i32
    %dma_wait3A_426 = tpu.memref_slice %arg7[%dma_wait3A_424, %dma_wait3A_425] : memref<10240x128xi16, #tpu.memory_space<vmem_shared>> -> memref<10240x128xi16, #tpu.memory_space<vmem_shared>>
    tpu.wait_indirect_dma semaphore(%arg18 : memref<!tpu.dma_semaphore, #tpu.memory_space<semaphore_mem>>) src(%dma_wait3A_420 : memref<64x128xi16, #tpu.memory_space<vmem>>) dst(%dma_wait3A_426 : memref<10240x128xi16, #tpu.memory_space<vmem_shared>>)
    %barrier3A_427 = arith.constant 0 : index
    tpu.barrier barrier_id(%barrier3A_427)
    "tpu.region"() ({
      %run_scoped3A_428 = tpu.sem_alloc : memref<!tpu.dma_semaphore, #tpu.memory_space<semaphore_mem>>
      %dma_start3A_429 = arith.constant 0 : i32
      %dma_start3A_430 = tpu.memref_slice %arg5[%arg0, %mul3A_2, %dma_start3A_429] : memref<2x10240x128xi16, #tpu.memory_space<hbm>> -> memref<1x640x128xi16, #tpu.memory_space<hbm>>
      %dma_start3A_431 = tpu.memref_squeeze %dma_start3A_430 : memref<1x640x128xi16, #tpu.memory_space<hbm>> -> memref<640x128xi16, #tpu.memory_space<hbm>>
      %dma_start3A_432 = arith.constant 0 : i32
      %dma_start3A_433 = tpu.memref_slice %arg7[%mul3A_2, %dma_start3A_432] : memref<10240x128xi16, #tpu.memory_space<vmem_shared>> -> memref<640x128xi16, #tpu.memory_space<vmem_shared>>
      tpu.enqueue_dma source(%dma_start3A_433 : memref<640x128xi16, #tpu.memory_space<vmem_shared>>) target(%dma_start3A_431 : memref<640x128xi16, #tpu.memory_space<hbm>>) target_semaphore(%run_scoped3A_428 : memref<!tpu.dma_semaphore, #tpu.memory_space<semaphore_mem>>)
      %dma_wait3A_434 = arith.constant 0 : i32
      %dma_wait3A_435 = tpu.memref_slice %arg5[%arg0, %mul3A_2, %dma_wait3A_434] : memref<2x10240x128xi16, #tpu.memory_space<hbm>> -> memref<1x640x128xi16, #tpu.memory_space<hbm>>
      %dma_wait3A_436 = tpu.memref_squeeze %dma_wait3A_435 : memref<1x640x128xi16, #tpu.memory_space<hbm>> -> memref<640x128xi16, #tpu.memory_space<hbm>>
      %dma_wait3A_437 = arith.constant 0 : i32
      %dma_wait3A_438 = tpu.memref_slice %arg7[%mul3A_2, %dma_wait3A_437] : memref<10240x128xi16, #tpu.memory_space<vmem_shared>> -> memref<640x128xi16, #tpu.memory_space<vmem_shared>>
      tpu.wait_dma2 semaphore(%run_scoped3A_428 : memref<!tpu.dma_semaphore, #tpu.memory_space<semaphore_mem>>) src(%dma_wait3A_438 : memref<640x128xi16, #tpu.memory_space<vmem_shared>>) dst(%dma_wait3A_436 : memref<640x128xi16, #tpu.memory_space<hbm>>)
      tpu.yield
    }) : () -> ()
    return
  }
}

#map = affine_map<(d0, d1) -> (0, 0)>
#map1 = affine_map<(d0, d1) -> (0, 0, 0)>
module attributes {stable_mosaic.version = 14 : i64} {
  func.func @k(%arg0: i32, %arg1: i32, %arg2: memref<10240x128xi16, #tpu.memory_space<hbm>>, %arg3: memref<5120x64xi32, #tpu.memory_space<hbm>>, %arg4: memref<5120x64xi32, #tpu.memory_space<hbm>>, %arg5: memref<2x10240x128xi16, #tpu.memory_space<hbm>>, %arg6: memref<2x10240x16xf32, #tpu.memory_space<hbm>>, %arg7: memref<10240x128xi16, #tpu.memory_space<vmem_shared>>, %arg8: memref<10240x128xi16, #tpu.memory_space<vmem_shared>>, %arg9: memref<160x64xi32, #tpu.memory_space<vmem>>, %arg10: memref<160x64xi32, #tpu.memory_space<vmem>>, %arg11: memref<4x64x128xi16, #tpu.memory_space<vmem>>, %arg12: memref<!tpu.dma_semaphore, #tpu.memory_space<semaphore_mem>>, %arg13: memref<!tpu.dma_semaphore, #tpu.memory_space<semaphore_mem>>, %arg14: memref<!tpu.dma_semaphore, #tpu.memory_space<semaphore_mem>>, %arg15: memref<!tpu.dma_semaphore, #tpu.memory_space<semaphore_mem>>, %arg16: memref<!tpu.dma_semaphore, #tpu.memory_space<semaphore_mem>>, %arg17: memref<!tpu.dma_semaphore, #tpu.memory_space<semaphore_mem>>, %arg18: memref<!tpu.dma_semaphore, #tpu.memory_space<semaphore_mem>>, %arg19: memref<!tpu.dma_semaphore, #tpu.memory_space<semaphore_mem>>, %arg20: memref<10016x16xf32, #tpu.memory_space<vmem_shared>>, %arg21: memref<64x16xf32, #tpu.memory_space<vmem>>, %arg22: memref<!tpu.dma_semaphore, #tpu.memory_space<semaphore_mem>>, %arg23: memref<!tpu.dma_semaphore, #tpu.memory_space<semaphore_mem>>, %arg24: memref<!tpu.dma_semaphore, #tpu.memory_space<semaphore_mem>>, %arg25: memref<!tpu.dma_semaphore, #tpu.memory_space<semaphore_mem>>) attributes {dimension_semantics = [#tpu.dimension_semantics<core_parallel>, #tpu.dimension_semantics<subcore_parallel>], iteration_bounds = array<i64: 2, 16>, scalar_prefetch = 0 : i64, scratch_operands = 19 : i64, tpu.core_type = #tpu.core_type<sc_vector_subcore>, window_params = [{transform_indices = #map}, {transform_indices = #map}, {transform_indices = #map}, {transform_indices = #map1}, {transform_indices = #map1}]} {
    %mul3A = arith.constant 2 : i32
    %mul3A_0 = arith.muli %arg1, %mul3A : i32
    %add3A = arith.addi %mul3A_0, %arg0 : i32
    %mul3A_1 = arith.constant 640 : i32
    %mul3A_2 = arith.muli %arg1, %mul3A_1 : i32
    "tpu.region"() ({
      %run_scoped3A_577 = tpu.sem_alloc : memref<!tpu.dma_semaphore, #tpu.memory_space<semaphore_mem>>
      %dma_start3A_578 = arith.constant 0 : i32
      %dma_start3A_579 = tpu.memref_slice %arg7[%mul3A_2, %dma_start3A_578] : memref<10240x128xi16, #tpu.memory_space<vmem_shared>> -> memref<640x128xi16, #tpu.memory_space<vmem_shared>>
      %dma_start3A_580 = arith.constant 0 : i32
      %dma_start3A_581 = tpu.memref_slice %arg2[%mul3A_2, %dma_start3A_580] : memref<10240x128xi16, #tpu.memory_space<hbm>> -> memref<640x128xi16, #tpu.memory_space<hbm>>
      tpu.enqueue_dma source(%dma_start3A_581 : memref<640x128xi16, #tpu.memory_space<hbm>>) target(%dma_start3A_579 : memref<640x128xi16, #tpu.memory_space<vmem_shared>>) target_semaphore(%run_scoped3A_577 : memref<!tpu.dma_semaphore, #tpu.memory_space<semaphore_mem>>)
      %dma_wait3A_582 = arith.constant 0 : i32
      %dma_wait3A_583 = tpu.memref_slice %arg7[%mul3A_2, %dma_wait3A_582] : memref<10240x128xi16, #tpu.memory_space<vmem_shared>> -> memref<640x128xi16, #tpu.memory_space<vmem_shared>>
      %dma_wait3A_584 = arith.constant 0 : i32
      %dma_wait3A_585 = tpu.memref_slice %arg2[%mul3A_2, %dma_wait3A_584] : memref<10240x128xi16, #tpu.memory_space<hbm>> -> memref<640x128xi16, #tpu.memory_space<hbm>>
      tpu.wait_dma2 semaphore(%run_scoped3A_577 : memref<!tpu.dma_semaphore, #tpu.memory_space<semaphore_mem>>) src(%dma_wait3A_585 : memref<640x128xi16, #tpu.memory_space<hbm>>) dst(%dma_wait3A_583 : memref<640x128xi16, #tpu.memory_space<vmem_shared>>)
      tpu.yield
    }) : () -> ()
    %scan3A = arith.constant 0 : i32
    %scan3A_3 = arith.constant 64 : i32
    %scan3A_4 = arith.addi %scan3A, %scan3A_3 : i32
    %scan3A_5 = arith.constant 1 : i32
    scf.for %scan3A_577 = %scan3A to %scan3A_4 step %scan3A_5  : i32 {
      %mul3A_578 = arith.constant 1 : i32
      %mul3A_579 = arith.muli %scan3A_577, %mul3A_578 : i32
      %add3A_580 = arith.constant 0 : i32
      %add3A_581 = arith.addi %add3A_580, %mul3A_579 : i32
      %broadcast_in_dim3A = arith.constant 0 : i16
      %broadcast_in_dim3A_582 = vector.broadcast %broadcast_in_dim3A : i16 to vector<32xi16>
      %swap3A = arith.constant 0 : i32
      %swap3A_583 = arith.index_cast %swap3A : i32 to index
      %swap3A_584 = arith.index_cast %add3A_581 : i32 to index
      %swap3A_585 = arith.constant 0 : index
      %swap3A_586 = tpu.vector_load %arg11[%swap3A_583, %swap3A_584, %swap3A_585] {strides = array<i32>} : memref<4x64x128xi16, #tpu.memory_space<vmem>>, vector<32xi16>,
      tpu.vector_store %arg11[%swap3A_583, %swap3A_584, %swap3A_585], %broadcast_in_dim3A_582 {strides = array<i32>} : memref<4x64x128xi16, #tpu.memory_space<vmem>>, vector<32xi16>,
      %broadcast_in_dim3A_587 = arith.constant 0 : i16
      %broadcast_in_dim3A_588 = vector.broadcast %broadcast_in_dim3A_587 : i16 to vector<32xi16>
      %swap3A_589 = arith.constant 0 : i32
      %swap3A_590 = arith.index_cast %swap3A_589 : i32 to index
      %swap3A_591 = arith.index_cast %add3A_581 : i32 to index
      %swap3A_592 = arith.constant 32 : index
      %swap3A_593 = tpu.vector_load %arg11[%swap3A_590, %swap3A_591, %swap3A_592] {strides = array<i32>} : memref<4x64x128xi16, #tpu.memory_space<vmem>>, vector<32xi16>,
      tpu.vector_store %arg11[%swap3A_590, %swap3A_591, %swap3A_592], %broadcast_in_dim3A_588 {strides = array<i32>} : memref<4x64x128xi16, #tpu.memory_space<vmem>>, vector<32xi16>,
      %broadcast_in_dim3A_594 = arith.constant 0 : i16
      %broadcast_in_dim3A_595 = vector.broadcast %broadcast_in_dim3A_594 : i16 to vector<32xi16>
      %swap3A_596 = arith.constant 0 : i32
      %swap3A_597 = arith.index_cast %swap3A_596 : i32 to index
      %swap3A_598 = arith.index_cast %add3A_581 : i32 to index
      %swap3A_599 = arith.constant 64 : index
      %swap3A_600 = tpu.vector_load %arg11[%swap3A_597, %swap3A_598, %swap3A_599] {strides = array<i32>} : memref<4x64x128xi16, #tpu.memory_space<vmem>>, vector<32xi16>,
      tpu.vector_store %arg11[%swap3A_597, %swap3A_598, %swap3A_599], %broadcast_in_dim3A_595 {strides = array<i32>} : memref<4x64x128xi16, #tpu.memory_space<vmem>>, vector<32xi16>,
      %broadcast_in_dim3A_601 = arith.constant 0 : i16
      %broadcast_in_dim3A_602 = vector.broadcast %broadcast_in_dim3A_601 : i16 to vector<32xi16>
      %swap3A_603 = arith.constant 0 : i32
      %swap3A_604 = arith.index_cast %swap3A_603 : i32 to index
      %swap3A_605 = arith.index_cast %add3A_581 : i32 to index
      %swap3A_606 = arith.constant 96 : index
      %swap3A_607 = tpu.vector_load %arg11[%swap3A_604, %swap3A_605, %swap3A_606] {strides = array<i32>} : memref<4x64x128xi16, #tpu.memory_space<vmem>>, vector<32xi16>,
      tpu.vector_store %arg11[%swap3A_604, %swap3A_605, %swap3A_606], %broadcast_in_dim3A_602 {strides = array<i32>} : memref<4x64x128xi16, #tpu.memory_space<vmem>>, vector<32xi16>,
    }
    %scan3A_6 = arith.constant 64 : i32
    %add3A_7 = arith.constant 0 : i32
    %add3A_8 = arith.addi %mul3A_2, %add3A_7 : i32
    %run_scoped3A = arith.constant 0 : i32
    "tpu.region"() ({
      %run_scoped3A_577 = tpu.sem_alloc : memref<!tpu.dma_semaphore, #tpu.memory_space<semaphore_mem>>
      %dma_start3A_578 = arith.constant 0 : i32
      %dma_start3A_579 = arith.constant 0 : i32
      %dma_start3A_580 = tpu.memref_slice %arg11[%run_scoped3A, %dma_start3A_578, %dma_start3A_579] : memref<4x64x128xi16, #tpu.memory_space<vmem>> -> memref<1x64x128xi16, #tpu.memory_space<vmem>>
      %dma_start3A_581 = tpu.memref_squeeze %dma_start3A_580 : memref<1x64x128xi16, #tpu.memory_space<vmem>> -> memref<64x128xi16, #tpu.memory_space<vmem>>
      %dma_start3A_582 = arith.constant 0 : i32
      %dma_start3A_583 = tpu.memref_slice %arg8[%add3A_8, %dma_start3A_582] : memref<10240x128xi16, #tpu.memory_space<vmem_shared>> -> memref<64x128xi16, #tpu.memory_space<vmem_shared>>
      %dma_start3A_584 = arith.constant 0 : i32
      %dma_start3A_585 = tpu.memref_slice %arg8[%add3A_8, %dma_start3A_584] : memref<10240x128xi16, #tpu.memory_space<vmem_shared>> -> memref<64x128xi16, #tpu.memory_space<vmem_shared>>
      %dma_start3A_586 = arith.constant 0 : i32
      %dma_start3A_587 = arith.constant 0 : i32
      %dma_start3A_588 = tpu.memref_slice %arg11[%run_scoped3A, %dma_start3A_586, %dma_start3A_587] : memref<4x64x128xi16, #tpu.memory_space<vmem>> -> memref<1x64x128xi16, #tpu.memory_space<vmem>>
      %dma_start3A_589 = tpu.memref_squeeze %dma_start3A_588 : memref<1x64x128xi16, #tpu.memory_space<vmem>> -> memref<64x128xi16, #tpu.memory_space<vmem>>
      tpu.enqueue_dma source(%dma_start3A_589 : memref<64x128xi16, #tpu.memory_space<vmem>>) target(%dma_start3A_585 : memref<64x128xi16, #tpu.memory_space<vmem_shared>>) target_semaphore(%run_scoped3A_577 : memref<!tpu.dma_semaphore, #tpu.memory_space<semaphore_mem>>)
      %dma_wait3A_590 = arith.constant 0 : i32
      %dma_wait3A_591 = arith.constant 0 : i32
      %dma_wait3A_592 = tpu.memref_slice %arg11[%run_scoped3A, %dma_wait3A_590, %dma_wait3A_591] : memref<4x64x128xi16, #tpu.memory_space<vmem>> -> memref<1x64x128xi16, #tpu.memory_space<vmem>>
      %dma_wait3A_593 = tpu.memref_squeeze %dma_wait3A_592 : memref<1x64x128xi16, #tpu.memory_space<vmem>> -> memref<64x128xi16, #tpu.memory_space<vmem>>
      %dma_wait3A_594 = arith.constant 0 : i32
      %dma_wait3A_595 = tpu.memref_slice %arg8[%add3A_8, %dma_wait3A_594] : memref<10240x128xi16, #tpu.memory_space<vmem_shared>> -> memref<64x128xi16, #tpu.memory_space<vmem_shared>>
      %dma_wait3A_596 = arith.constant 0 : i32
      %dma_wait3A_597 = tpu.memref_slice %arg8[%add3A_8, %dma_wait3A_596] : memref<10240x128xi16, #tpu.memory_space<vmem_shared>> -> memref<64x128xi16, #tpu.memory_space<vmem_shared>>
      %dma_wait3A_598 = arith.constant 0 : i32
      %dma_wait3A_599 = arith.constant 0 : i32
      %dma_wait3A_600 = tpu.memref_slice %arg11[%run_scoped3A, %dma_wait3A_598, %dma_wait3A_599] : memref<4x64x128xi16, #tpu.memory_space<vmem>> -> memref<1x64x128xi16, #tpu.memory_space<vmem>>
      %dma_wait3A_601 = tpu.memref_squeeze %dma_wait3A_600 : memref<1x64x128xi16, #tpu.memory_space<vmem>> -> memref<64x128xi16, #tpu.memory_space<vmem>>
      tpu.wait_dma2 semaphore(%run_scoped3A_577 : memref<!tpu.dma_semaphore, #tpu.memory_space<semaphore_mem>>) src(%dma_wait3A_601 : memref<64x128xi16, #tpu.memory_space<vmem>>) dst(%dma_wait3A_597 : memref<64x128xi16, #tpu.memory_space<vmem_shared>>)
      tpu.yield
    }) : () -> ()
    %add3A_9 = arith.constant 64 : i32
    %add3A_10 = arith.addi %mul3A_2, %add3A_9 : i32
    %run_scoped3A_11 = arith.constant 0 : i32
    "tpu.region"() ({
      %run_scoped3A_577 = tpu.sem_alloc : memref<!tpu.dma_semaphore, #tpu.memory_space<semaphore_mem>>
      %dma_start3A_578 = arith.constant 0 : i32
      %dma_start3A_579 = arith.constant 0 : i32
      %dma_start3A_580 = tpu.memref_slice %arg11[%run_scoped3A_11, %dma_start3A_578, %dma_start3A_579] : memref<4x64x128xi16, #tpu.memory_space<vmem>> -> memref<1x64x128xi16, #tpu.memory_space<vmem>>
      %dma_start3A_581 = tpu.memref_squeeze %dma_start3A_580 : memref<1x64x128xi16, #tpu.memory_space<vmem>> -> memref<64x128xi16, #tpu.memory_space<vmem>>
      %dma_start3A_582 = arith.constant 0 : i32
      %dma_start3A_583 = tpu.memref_slice %arg8[%add3A_10, %dma_start3A_582] : memref<10240x128xi16, #tpu.memory_space<vmem_shared>> -> memref<64x128xi16, #tpu.memory_space<vmem_shared>>
      %dma_start3A_584 = arith.constant 0 : i32
      %dma_start3A_585 = tpu.memref_slice %arg8[%add3A_10, %dma_start3A_584] : memref<10240x128xi16, #tpu.memory_space<vmem_shared>> -> memref<64x128xi16, #tpu.memory_space<vmem_shared>>
      %dma_start3A_586 = arith.constant 0 : i32
      %dma_start3A_587 = arith.constant 0 : i32
      %dma_start3A_588 = tpu.memref_slice %arg11[%run_scoped3A_11, %dma_start3A_586, %dma_start3A_587] : memref<4x64x128xi16, #tpu.memory_space<vmem>> -> memref<1x64x128xi16, #tpu.memory_space<vmem>>
      %dma_start3A_589 = tpu.memref_squeeze %dma_start3A_588 : memref<1x64x128xi16, #tpu.memory_space<vmem>> -> memref<64x128xi16, #tpu.memory_space<vmem>>
      tpu.enqueue_dma source(%dma_start3A_589 : memref<64x128xi16, #tpu.memory_space<vmem>>) target(%dma_start3A_585 : memref<64x128xi16, #tpu.memory_space<vmem_shared>>) target_semaphore(%run_scoped3A_577 : memref<!tpu.dma_semaphore, #tpu.memory_space<semaphore_mem>>)
      %dma_wait3A_590 = arith.constant 0 : i32
      %dma_wait3A_591 = arith.constant 0 : i32
      %dma_wait3A_592 = tpu.memref_slice %arg11[%run_scoped3A_11, %dma_wait3A_590, %dma_wait3A_591] : memref<4x64x128xi16, #tpu.memory_space<vmem>> -> memref<1x64x128xi16, #tpu.memory_space<vmem>>
      %dma_wait3A_593 = tpu.memref_squeeze %dma_wait3A_592 : memref<1x64x128xi16, #tpu.memory_space<vmem>> -> memref<64x128xi16, #tpu.memory_space<vmem>>
      %dma_wait3A_594 = arith.constant 0 : i32
      %dma_wait3A_595 = tpu.memref_slice %arg8[%add3A_10, %dma_wait3A_594] : memref<10240x128xi16, #tpu.memory_space<vmem_shared>> -> memref<64x128xi16, #tpu.memory_space<vmem_shared>>
      %dma_wait3A_596 = arith.constant 0 : i32
      %dma_wait3A_597 = tpu.memref_slice %arg8[%add3A_10, %dma_wait3A_596] : memref<10240x128xi16, #tpu.memory_space<vmem_shared>> -> memref<64x128xi16, #tpu.memory_space<vmem_shared>>
      %dma_wait3A_598 = arith.constant 0 : i32
      %dma_wait3A_599 = arith.constant 0 : i32
      %dma_wait3A_600 = tpu.memref_slice %arg11[%run_scoped3A_11, %dma_wait3A_598, %dma_wait3A_599] : memref<4x64x128xi16, #tpu.memory_space<vmem>> -> memref<1x64x128xi16, #tpu.memory_space<vmem>>
      %dma_wait3A_601 = tpu.memref_squeeze %dma_wait3A_600 : memref<1x64x128xi16, #tpu.memory_space<vmem>> -> memref<64x128xi16, #tpu.memory_space<vmem>>
      tpu.wait_dma2 semaphore(%run_scoped3A_577 : memref<!tpu.dma_semaphore, #tpu.memory_space<semaphore_mem>>) src(%dma_wait3A_601 : memref<64x128xi16, #tpu.memory_space<vmem>>) dst(%dma_wait3A_597 : memref<64x128xi16, #tpu.memory_space<vmem_shared>>)
      tpu.yield
    }) : () -> ()
    %add3A_12 = arith.constant 128 : i32
    %add3A_13 = arith.addi %mul3A_2, %add3A_12 : i32
    %run_scoped3A_14 = arith.constant 0 : i32
    "tpu.region"() ({
      %run_scoped3A_577 = tpu.sem_alloc : memref<!tpu.dma_semaphore, #tpu.memory_space<semaphore_mem>>
      %dma_start3A_578 = arith.constant 0 : i32
      %dma_start3A_579 = arith.constant 0 : i32
      %dma_start3A_580 = tpu.memref_slice %arg11[%run_scoped3A_14, %dma_start3A_578, %dma_start3A_579] : memref<4x64x128xi16, #tpu.memory_space<vmem>> -> memref<1x64x128xi16, #tpu.memory_space<vmem>>
      %dma_start3A_581 = tpu.memref_squeeze %dma_start3A_580 : memref<1x64x128xi16, #tpu.memory_space<vmem>> -> memref<64x128xi16, #tpu.memory_space<vmem>>
      %dma_start3A_582 = arith.constant 0 : i32
      %dma_start3A_583 = tpu.memref_slice %arg8[%add3A_13, %dma_start3A_582] : memref<10240x128xi16, #tpu.memory_space<vmem_shared>> -> memref<64x128xi16, #tpu.memory_space<vmem_shared>>
      %dma_start3A_584 = arith.constant 0 : i32
      %dma_start3A_585 = tpu.memref_slice %arg8[%add3A_13, %dma_start3A_584] : memref<10240x128xi16, #tpu.memory_space<vmem_shared>> -> memref<64x128xi16, #tpu.memory_space<vmem_shared>>
      %dma_start3A_586 = arith.constant 0 : i32
      %dma_start3A_587 = arith.constant 0 : i32
      %dma_start3A_588 = tpu.memref_slice %arg11[%run_scoped3A_14, %dma_start3A_586, %dma_start3A_587] : memref<4x64x128xi16, #tpu.memory_space<vmem>> -> memref<1x64x128xi16, #tpu.memory_space<vmem>>
      %dma_start3A_589 = tpu.memref_squeeze %dma_start3A_588 : memref<1x64x128xi16, #tpu.memory_space<vmem>> -> memref<64x128xi16, #tpu.memory_space<vmem>>
      tpu.enqueue_dma source(%dma_start3A_589 : memref<64x128xi16, #tpu.memory_space<vmem>>) target(%dma_start3A_585 : memref<64x128xi16, #tpu.memory_space<vmem_shared>>) target_semaphore(%run_scoped3A_577 : memref<!tpu.dma_semaphore, #tpu.memory_space<semaphore_mem>>)
      %dma_wait3A_590 = arith.constant 0 : i32
      %dma_wait3A_591 = arith.constant 0 : i32
      %dma_wait3A_592 = tpu.memref_slice %arg11[%run_scoped3A_14, %dma_wait3A_590, %dma_wait3A_591] : memref<4x64x128xi16, #tpu.memory_space<vmem>> -> memref<1x64x128xi16, #tpu.memory_space<vmem>>
      %dma_wait3A_593 = tpu.memref_squeeze %dma_wait3A_592 : memref<1x64x128xi16, #tpu.memory_space<vmem>> -> memref<64x128xi16, #tpu.memory_space<vmem>>
      %dma_wait3A_594 = arith.constant 0 : i32
      %dma_wait3A_595 = tpu.memref_slice %arg8[%add3A_13, %dma_wait3A_594] : memref<10240x128xi16, #tpu.memory_space<vmem_shared>> -> memref<64x128xi16, #tpu.memory_space<vmem_shared>>
      %dma_wait3A_596 = arith.constant 0 : i32
      %dma_wait3A_597 = tpu.memref_slice %arg8[%add3A_13, %dma_wait3A_596] : memref<10240x128xi16, #tpu.memory_space<vmem_shared>> -> memref<64x128xi16, #tpu.memory_space<vmem_shared>>
      %dma_wait3A_598 = arith.constant 0 : i32
      %dma_wait3A_599 = arith.constant 0 : i32
      %dma_wait3A_600 = tpu.memref_slice %arg11[%run_scoped3A_14, %dma_wait3A_598, %dma_wait3A_599] : memref<4x64x128xi16, #tpu.memory_space<vmem>> -> memref<1x64x128xi16, #tpu.memory_space<vmem>>
      %dma_wait3A_601 = tpu.memref_squeeze %dma_wait3A_600 : memref<1x64x128xi16, #tpu.memory_space<vmem>> -> memref<64x128xi16, #tpu.memory_space<vmem>>
      tpu.wait_dma2 semaphore(%run_scoped3A_577 : memref<!tpu.dma_semaphore, #tpu.memory_space<semaphore_mem>>) src(%dma_wait3A_601 : memref<64x128xi16, #tpu.memory_space<vmem>>) dst(%dma_wait3A_597 : memref<64x128xi16, #tpu.memory_space<vmem_shared>>)
      tpu.yield
    }) : () -> ()
    %add3A_15 = arith.constant 192 : i32
    %add3A_16 = arith.addi %mul3A_2, %add3A_15 : i32
    %run_scoped3A_17 = arith.constant 0 : i32
    "tpu.region"() ({
      %run_scoped3A_577 = tpu.sem_alloc : memref<!tpu.dma_semaphore, #tpu.memory_space<semaphore_mem>>
      %dma_start3A_578 = arith.constant 0 : i32
      %dma_start3A_579 = arith.constant 0 : i32
      %dma_start3A_580 = tpu.memref_slice %arg11[%run_scoped3A_17, %dma_start3A_578, %dma_start3A_579] : memref<4x64x128xi16, #tpu.memory_space<vmem>> -> memref<1x64x128xi16, #tpu.memory_space<vmem>>
      %dma_start3A_581 = tpu.memref_squeeze %dma_start3A_580 : memref<1x64x128xi16, #tpu.memory_space<vmem>> -> memref<64x128xi16, #tpu.memory_space<vmem>>
      %dma_start3A_582 = arith.constant 0 : i32
      %dma_start3A_583 = tpu.memref_slice %arg8[%add3A_16, %dma_start3A_582] : memref<10240x128xi16, #tpu.memory_space<vmem_shared>> -> memref<64x128xi16, #tpu.memory_space<vmem_shared>>
      %dma_start3A_584 = arith.constant 0 : i32
      %dma_start3A_585 = tpu.memref_slice %arg8[%add3A_16, %dma_start3A_584] : memref<10240x128xi16, #tpu.memory_space<vmem_shared>> -> memref<64x128xi16, #tpu.memory_space<vmem_shared>>
      %dma_start3A_586 = arith.constant 0 : i32
      %dma_start3A_587 = arith.constant 0 : i32
      %dma_start3A_588 = tpu.memref_slice %arg11[%run_scoped3A_17, %dma_start3A_586, %dma_start3A_587] : memref<4x64x128xi16, #tpu.memory_space<vmem>> -> memref<1x64x128xi16, #tpu.memory_space<vmem>>
      %dma_start3A_589 = tpu.memref_squeeze %dma_start3A_588 : memref<1x64x128xi16, #tpu.memory_space<vmem>> -> memref<64x128xi16, #tpu.memory_space<vmem>>
      tpu.enqueue_dma source(%dma_start3A_589 : memref<64x128xi16, #tpu.memory_space<vmem>>) target(%dma_start3A_585 : memref<64x128xi16, #tpu.memory_space<vmem_shared>>) target_semaphore(%run_scoped3A_577 : memref<!tpu.dma_semaphore, #tpu.memory_space<semaphore_mem>>)
      %dma_wait3A_590 = arith.constant 0 : i32
      %dma_wait3A_591 = arith.constant 0 : i32
      %dma_wait3A_592 = tpu.memref_slice %arg11[%run_scoped3A_17, %dma_wait3A_590, %dma_wait3A_591] : memref<4x64x128xi16, #tpu.memory_space<vmem>> -> memref<1x64x128xi16, #tpu.memory_space<vmem>>
      %dma_wait3A_593 = tpu.memref_squeeze %dma_wait3A_592 : memref<1x64x128xi16, #tpu.memory_space<vmem>> -> memref<64x128xi16, #tpu.memory_space<vmem>>
      %dma_wait3A_594 = arith.constant 0 : i32
      %dma_wait3A_595 = tpu.memref_slice %arg8[%add3A_16, %dma_wait3A_594] : memref<10240x128xi16, #tpu.memory_space<vmem_shared>> -> memref<64x128xi16, #tpu.memory_space<vmem_shared>>
      %dma_wait3A_596 = arith.constant 0 : i32
      %dma_wait3A_597 = tpu.memref_slice %arg8[%add3A_16, %dma_wait3A_596] : memref<10240x128xi16, #tpu.memory_space<vmem_shared>> -> memref<64x128xi16, #tpu.memory_space<vmem_shared>>
      %dma_wait3A_598 = arith.constant 0 : i32
      %dma_wait3A_599 = arith.constant 0 : i32
      %dma_wait3A_600 = tpu.memref_slice %arg11[%run_scoped3A_17, %dma_wait3A_598, %dma_wait3A_599] : memref<4x64x128xi16, #tpu.memory_space<vmem>> -> memref<1x64x128xi16, #tpu.memory_space<vmem>>
      %dma_wait3A_601 = tpu.memref_squeeze %dma_wait3A_600 : memref<1x64x128xi16, #tpu.memory_space<vmem>> -> memref<64x128xi16, #tpu.memory_space<vmem>>
      tpu.wait_dma2 semaphore(%run_scoped3A_577 : memref<!tpu.dma_semaphore, #tpu.memory_space<semaphore_mem>>) src(%dma_wait3A_601 : memref<64x128xi16, #tpu.memory_space<vmem>>) dst(%dma_wait3A_597 : memref<64x128xi16, #tpu.memory_space<vmem_shared>>)
      tpu.yield
    }) : () -> ()
    %add3A_18 = arith.constant 256 : i32
    %add3A_19 = arith.addi %mul3A_2, %add3A_18 : i32
    %run_scoped3A_20 = arith.constant 0 : i32
    "tpu.region"() ({
      %run_scoped3A_577 = tpu.sem_alloc : memref<!tpu.dma_semaphore, #tpu.memory_space<semaphore_mem>>
      %dma_start3A_578 = arith.constant 0 : i32
      %dma_start3A_579 = arith.constant 0 : i32
      %dma_start3A_580 = tpu.memref_slice %arg11[%run_scoped3A_20, %dma_start3A_578, %dma_start3A_579] : memref<4x64x128xi16, #tpu.memory_space<vmem>> -> memref<1x64x128xi16, #tpu.memory_space<vmem>>
      %dma_start3A_581 = tpu.memref_squeeze %dma_start3A_580 : memref<1x64x128xi16, #tpu.memory_space<vmem>> -> memref<64x128xi16, #tpu.memory_space<vmem>>
      %dma_start3A_582 = arith.constant 0 : i32
      %dma_start3A_583 = tpu.memref_slice %arg8[%add3A_19, %dma_start3A_582] : memref<10240x128xi16, #tpu.memory_space<vmem_shared>> -> memref<64x128xi16, #tpu.memory_space<vmem_shared>>
      %dma_start3A_584 = arith.constant 0 : i32
      %dma_start3A_585 = tpu.memref_slice %arg8[%add3A_19, %dma_start3A_584] : memref<10240x128xi16, #tpu.memory_space<vmem_shared>> -> memref<64x128xi16, #tpu.memory_space<vmem_shared>>
      %dma_start3A_586 = arith.constant 0 : i32
      %dma_start3A_587 = arith.constant 0 : i32
      %dma_start3A_588 = tpu.memref_slice %arg11[%run_scoped3A_20, %dma_start3A_586, %dma_start3A_587] : memref<4x64x128xi16, #tpu.memory_space<vmem>> -> memref<1x64x128xi16, #tpu.memory_space<vmem>>
      %dma_start3A_589 = tpu.memref_squeeze %dma_start3A_588 : memref<1x64x128xi16, #tpu.memory_space<vmem>> -> memref<64x128xi16, #tpu.memory_space<vmem>>
      tpu.enqueue_dma source(%dma_start3A_589 : memref<64x128xi16, #tpu.memory_space<vmem>>) target(%dma_start3A_585 : memref<64x128xi16, #tpu.memory_space<vmem_shared>>) target_semaphore(%run_scoped3A_577 : memref<!tpu.dma_semaphore, #tpu.memory_space<semaphore_mem>>)
      %dma_wait3A_590 = arith.constant 0 : i32
      %dma_wait3A_591 = arith.constant 0 : i32
      %dma_wait3A_592 = tpu.memref_slice %arg11[%run_scoped3A_20, %dma_wait3A_590, %dma_wait3A_591] : memref<4x64x128xi16, #tpu.memory_space<vmem>> -> memref<1x64x128xi16, #tpu.memory_space<vmem>>
      %dma_wait3A_593 = tpu.memref_squeeze %dma_wait3A_592 : memref<1x64x128xi16, #tpu.memory_space<vmem>> -> memref<64x128xi16, #tpu.memory_space<vmem>>
      %dma_wait3A_594 = arith.constant 0 : i32
      %dma_wait3A_595 = tpu.memref_slice %arg8[%add3A_19, %dma_wait3A_594] : memref<10240x128xi16, #tpu.memory_space<vmem_shared>> -> memref<64x128xi16, #tpu.memory_space<vmem_shared>>
      %dma_wait3A_596 = arith.constant 0 : i32
      %dma_wait3A_597 = tpu.memref_slice %arg8[%add3A_19, %dma_wait3A_596] : memref<10240x128xi16, #tpu.memory_space<vmem_shared>> -> memref<64x128xi16, #tpu.memory_space<vmem_shared>>
      %dma_wait3A_598 = arith.constant 0 : i32
      %dma_wait3A_599 = arith.constant 0 : i32
      %dma_wait3A_600 = tpu.memref_slice %arg11[%run_scoped3A_20, %dma_wait3A_598, %dma_wait3A_599] : memref<4x64x128xi16, #tpu.memory_space<vmem>> -> memref<1x64x128xi16, #tpu.memory_space<vmem>>
      %dma_wait3A_601 = tpu.memref_squeeze %dma_wait3A_600 : memref<1x64x128xi16, #tpu.memory_space<vmem>> -> memref<64x128xi16, #tpu.memory_space<vmem>>
      tpu.wait_dma2 semaphore(%run_scoped3A_577 : memref<!tpu.dma_semaphore, #tpu.memory_space<semaphore_mem>>) src(%dma_wait3A_601 : memref<64x128xi16, #tpu.memory_space<vmem>>) dst(%dma_wait3A_597 : memref<64x128xi16, #tpu.memory_space<vmem_shared>>)
      tpu.yield
    }) : () -> ()
    %add3A_21 = arith.constant 320 : i32
    %add3A_22 = arith.addi %mul3A_2, %add3A_21 : i32
    %run_scoped3A_23 = arith.constant 0 : i32
    "tpu.region"() ({
      %run_scoped3A_577 = tpu.sem_alloc : memref<!tpu.dma_semaphore, #tpu.memory_space<semaphore_mem>>
      %dma_start3A_578 = arith.constant 0 : i32
      %dma_start3A_579 = arith.constant 0 : i32
      %dma_start3A_580 = tpu.memref_slice %arg11[%run_scoped3A_23, %dma_start3A_578, %dma_start3A_579] : memref<4x64x128xi16, #tpu.memory_space<vmem>> -> memref<1x64x128xi16, #tpu.memory_space<vmem>>
      %dma_start3A_581 = tpu.memref_squeeze %dma_start3A_580 : memref<1x64x128xi16, #tpu.memory_space<vmem>> -> memref<64x128xi16, #tpu.memory_space<vmem>>
      %dma_start3A_582 = arith.constant 0 : i32
      %dma_start3A_583 = tpu.memref_slice %arg8[%add3A_22, %dma_start3A_582] : memref<10240x128xi16, #tpu.memory_space<vmem_shared>> -> memref<64x128xi16, #tpu.memory_space<vmem_shared>>
      %dma_start3A_584 = arith.constant 0 : i32
      %dma_start3A_585 = tpu.memref_slice %arg8[%add3A_22, %dma_start3A_584] : memref<10240x128xi16, #tpu.memory_space<vmem_shared>> -> memref<64x128xi16, #tpu.memory_space<vmem_shared>>
      %dma_start3A_586 = arith.constant 0 : i32
      %dma_start3A_587 = arith.constant 0 : i32
      %dma_start3A_588 = tpu.memref_slice %arg11[%run_scoped3A_23, %dma_start3A_586, %dma_start3A_587] : memref<4x64x128xi16, #tpu.memory_space<vmem>> -> memref<1x64x128xi16, #tpu.memory_space<vmem>>
      %dma_start3A_589 = tpu.memref_squeeze %dma_start3A_588 : memref<1x64x128xi16, #tpu.memory_space<vmem>> -> memref<64x128xi16, #tpu.memory_space<vmem>>
      tpu.enqueue_dma source(%dma_start3A_589 : memref<64x128xi16, #tpu.memory_space<vmem>>) target(%dma_start3A_585 : memref<64x128xi16, #tpu.memory_space<vmem_shared>>) target_semaphore(%run_scoped3A_577 : memref<!tpu.dma_semaphore, #tpu.memory_space<semaphore_mem>>)
      %dma_wait3A_590 = arith.constant 0 : i32
      %dma_wait3A_591 = arith.constant 0 : i32
      %dma_wait3A_592 = tpu.memref_slice %arg11[%run_scoped3A_23, %dma_wait3A_590, %dma_wait3A_591] : memref<4x64x128xi16, #tpu.memory_space<vmem>> -> memref<1x64x128xi16, #tpu.memory_space<vmem>>
      %dma_wait3A_593 = tpu.memref_squeeze %dma_wait3A_592 : memref<1x64x128xi16, #tpu.memory_space<vmem>> -> memref<64x128xi16, #tpu.memory_space<vmem>>
      %dma_wait3A_594 = arith.constant 0 : i32
      %dma_wait3A_595 = tpu.memref_slice %arg8[%add3A_22, %dma_wait3A_594] : memref<10240x128xi16, #tpu.memory_space<vmem_shared>> -> memref<64x128xi16, #tpu.memory_space<vmem_shared>>
      %dma_wait3A_596 = arith.constant 0 : i32
      %dma_wait3A_597 = tpu.memref_slice %arg8[%add3A_22, %dma_wait3A_596] : memref<10240x128xi16, #tpu.memory_space<vmem_shared>> -> memref<64x128xi16, #tpu.memory_space<vmem_shared>>
      %dma_wait3A_598 = arith.constant 0 : i32
      %dma_wait3A_599 = arith.constant 0 : i32
      %dma_wait3A_600 = tpu.memref_slice %arg11[%run_scoped3A_23, %dma_wait3A_598, %dma_wait3A_599] : memref<4x64x128xi16, #tpu.memory_space<vmem>> -> memref<1x64x128xi16, #tpu.memory_space<vmem>>
      %dma_wait3A_601 = tpu.memref_squeeze %dma_wait3A_600 : memref<1x64x128xi16, #tpu.memory_space<vmem>> -> memref<64x128xi16, #tpu.memory_space<vmem>>
      tpu.wait_dma2 semaphore(%run_scoped3A_577 : memref<!tpu.dma_semaphore, #tpu.memory_space<semaphore_mem>>) src(%dma_wait3A_601 : memref<64x128xi16, #tpu.memory_space<vmem>>) dst(%dma_wait3A_597 : memref<64x128xi16, #tpu.memory_space<vmem_shared>>)
      tpu.yield
    }) : () -> ()
    %add3A_24 = arith.constant 384 : i32
    %add3A_25 = arith.addi %mul3A_2, %add3A_24 : i32
    %run_scoped3A_26 = arith.constant 0 : i32
    "tpu.region"() ({
      %run_scoped3A_577 = tpu.sem_alloc : memref<!tpu.dma_semaphore, #tpu.memory_space<semaphore_mem>>
      %dma_start3A_578 = arith.constant 0 : i32
      %dma_start3A_579 = arith.constant 0 : i32
      %dma_start3A_580 = tpu.memref_slice %arg11[%run_scoped3A_26, %dma_start3A_578, %dma_start3A_579] : memref<4x64x128xi16, #tpu.memory_space<vmem>> -> memref<1x64x128xi16, #tpu.memory_space<vmem>>
      %dma_start3A_581 = tpu.memref_squeeze %dma_start3A_580 : memref<1x64x128xi16, #tpu.memory_space<vmem>> -> memref<64x128xi16, #tpu.memory_space<vmem>>
      %dma_start3A_582 = arith.constant 0 : i32
      %dma_start3A_583 = tpu.memref_slice %arg8[%add3A_25, %dma_start3A_582] : memref<10240x128xi16, #tpu.memory_space<vmem_shared>> -> memref<64x128xi16, #tpu.memory_space<vmem_shared>>
      %dma_start3A_584 = arith.constant 0 : i32
      %dma_start3A_585 = tpu.memref_slice %arg8[%add3A_25, %dma_start3A_584] : memref<10240x128xi16, #tpu.memory_space<vmem_shared>> -> memref<64x128xi16, #tpu.memory_space<vmem_shared>>
      %dma_start3A_586 = arith.constant 0 : i32
      %dma_start3A_587 = arith.constant 0 : i32
      %dma_start3A_588 = tpu.memref_slice %arg11[%run_scoped3A_26, %dma_start3A_586, %dma_start3A_587] : memref<4x64x128xi16, #tpu.memory_space<vmem>> -> memref<1x64x128xi16, #tpu.memory_space<vmem>>
      %dma_start3A_589 = tpu.memref_squeeze %dma_start3A_588 : memref<1x64x128xi16, #tpu.memory_space<vmem>> -> memref<64x128xi16, #tpu.memory_space<vmem>>
      tpu.enqueue_dma source(%dma_start3A_589 : memref<64x128xi16, #tpu.memory_space<vmem>>) target(%dma_start3A_585 : memref<64x128xi16, #tpu.memory_space<vmem_shared>>) target_semaphore(%run_scoped3A_577 : memref<!tpu.dma_semaphore, #tpu.memory_space<semaphore_mem>>)
      %dma_wait3A_590 = arith.constant 0 : i32
      %dma_wait3A_591 = arith.constant 0 : i32
      %dma_wait3A_592 = tpu.memref_slice %arg11[%run_scoped3A_26, %dma_wait3A_590, %dma_wait3A_591] : memref<4x64x128xi16, #tpu.memory_space<vmem>> -> memref<1x64x128xi16, #tpu.memory_space<vmem>>
      %dma_wait3A_593 = tpu.memref_squeeze %dma_wait3A_592 : memref<1x64x128xi16, #tpu.memory_space<vmem>> -> memref<64x128xi16, #tpu.memory_space<vmem>>
      %dma_wait3A_594 = arith.constant 0 : i32
      %dma_wait3A_595 = tpu.memref_slice %arg8[%add3A_25, %dma_wait3A_594] : memref<10240x128xi16, #tpu.memory_space<vmem_shared>> -> memref<64x128xi16, #tpu.memory_space<vmem_shared>>
      %dma_wait3A_596 = arith.constant 0 : i32
      %dma_wait3A_597 = tpu.memref_slice %arg8[%add3A_25, %dma_wait3A_596] : memref<10240x128xi16, #tpu.memory_space<vmem_shared>> -> memref<64x128xi16, #tpu.memory_space<vmem_shared>>
      %dma_wait3A_598 = arith.constant 0 : i32
      %dma_wait3A_599 = arith.constant 0 : i32
      %dma_wait3A_600 = tpu.memref_slice %arg11[%run_scoped3A_26, %dma_wait3A_598, %dma_wait3A_599] : memref<4x64x128xi16, #tpu.memory_space<vmem>> -> memref<1x64x128xi16, #tpu.memory_space<vmem>>
      %dma_wait3A_601 = tpu.memref_squeeze %dma_wait3A_600 : memref<1x64x128xi16, #tpu.memory_space<vmem>> -> memref<64x128xi16, #tpu.memory_space<vmem>>
      tpu.wait_dma2 semaphore(%run_scoped3A_577 : memref<!tpu.dma_semaphore, #tpu.memory_space<semaphore_mem>>) src(%dma_wait3A_601 : memref<64x128xi16, #tpu.memory_space<vmem>>) dst(%dma_wait3A_597 : memref<64x128xi16, #tpu.memory_space<vmem_shared>>)
      tpu.yield
    }) : () -> ()
    %add3A_27 = arith.constant 448 : i32
    %add3A_28 = arith.addi %mul3A_2, %add3A_27 : i32
    %run_scoped3A_29 = arith.constant 0 : i32
    "tpu.region"() ({
      %run_scoped3A_577 = tpu.sem_alloc : memref<!tpu.dma_semaphore, #tpu.memory_space<semaphore_mem>>
      %dma_start3A_578 = arith.constant 0 : i32
      %dma_start3A_579 = arith.constant 0 : i32
      %dma_start3A_580 = tpu.memref_slice %arg11[%run_scoped3A_29, %dma_start3A_578, %dma_start3A_579] : memref<4x64x128xi16, #tpu.memory_space<vmem>> -> memref<1x64x128xi16, #tpu.memory_space<vmem>>
      %dma_start3A_581 = tpu.memref_squeeze %dma_start3A_580 : memref<1x64x128xi16, #tpu.memory_space<vmem>> -> memref<64x128xi16, #tpu.memory_space<vmem>>
      %dma_start3A_582 = arith.constant 0 : i32
      %dma_start3A_583 = tpu.memref_slice %arg8[%add3A_28, %dma_start3A_582] : memref<10240x128xi16, #tpu.memory_space<vmem_shared>> -> memref<64x128xi16, #tpu.memory_space<vmem_shared>>
      %dma_start3A_584 = arith.constant 0 : i32
      %dma_start3A_585 = tpu.memref_slice %arg8[%add3A_28, %dma_start3A_584] : memref<10240x128xi16, #tpu.memory_space<vmem_shared>> -> memref<64x128xi16, #tpu.memory_space<vmem_shared>>
      %dma_start3A_586 = arith.constant 0 : i32
      %dma_start3A_587 = arith.constant 0 : i32
      %dma_start3A_588 = tpu.memref_slice %arg11[%run_scoped3A_29, %dma_start3A_586, %dma_start3A_587] : memref<4x64x128xi16, #tpu.memory_space<vmem>> -> memref<1x64x128xi16, #tpu.memory_space<vmem>>
      %dma_start3A_589 = tpu.memref_squeeze %dma_start3A_588 : memref<1x64x128xi16, #tpu.memory_space<vmem>> -> memref<64x128xi16, #tpu.memory_space<vmem>>
      tpu.enqueue_dma source(%dma_start3A_589 : memref<64x128xi16, #tpu.memory_space<vmem>>) target(%dma_start3A_585 : memref<64x128xi16, #tpu.memory_space<vmem_shared>>) target_semaphore(%run_scoped3A_577 : memref<!tpu.dma_semaphore, #tpu.memory_space<semaphore_mem>>)
      %dma_wait3A_590 = arith.constant 0 : i32
      %dma_wait3A_591 = arith.constant 0 : i32
      %dma_wait3A_592 = tpu.memref_slice %arg11[%run_scoped3A_29, %dma_wait3A_590, %dma_wait3A_591] : memref<4x64x128xi16, #tpu.memory_space<vmem>> -> memref<1x64x128xi16, #tpu.memory_space<vmem>>
      %dma_wait3A_593 = tpu.memref_squeeze %dma_wait3A_592 : memref<1x64x128xi16, #tpu.memory_space<vmem>> -> memref<64x128xi16, #tpu.memory_space<vmem>>
      %dma_wait3A_594 = arith.constant 0 : i32
      %dma_wait3A_595 = tpu.memref_slice %arg8[%add3A_28, %dma_wait3A_594] : memref<10240x128xi16, #tpu.memory_space<vmem_shared>> -> memref<64x128xi16, #tpu.memory_space<vmem_shared>>
      %dma_wait3A_596 = arith.constant 0 : i32
      %dma_wait3A_597 = tpu.memref_slice %arg8[%add3A_28, %dma_wait3A_596] : memref<10240x128xi16, #tpu.memory_space<vmem_shared>> -> memref<64x128xi16, #tpu.memory_space<vmem_shared>>
      %dma_wait3A_598 = arith.constant 0 : i32
      %dma_wait3A_599 = arith.constant 0 : i32
      %dma_wait3A_600 = tpu.memref_slice %arg11[%run_scoped3A_29, %dma_wait3A_598, %dma_wait3A_599] : memref<4x64x128xi16, #tpu.memory_space<vmem>> -> memref<1x64x128xi16, #tpu.memory_space<vmem>>
      %dma_wait3A_601 = tpu.memref_squeeze %dma_wait3A_600 : memref<1x64x128xi16, #tpu.memory_space<vmem>> -> memref<64x128xi16, #tpu.memory_space<vmem>>
      tpu.wait_dma2 semaphore(%run_scoped3A_577 : memref<!tpu.dma_semaphore, #tpu.memory_space<semaphore_mem>>) src(%dma_wait3A_601 : memref<64x128xi16, #tpu.memory_space<vmem>>) dst(%dma_wait3A_597 : memref<64x128xi16, #tpu.memory_space<vmem_shared>>)
      tpu.yield
    }) : () -> ()
    %add3A_30 = arith.constant 512 : i32
    %add3A_31 = arith.addi %mul3A_2, %add3A_30 : i32
    %run_scoped3A_32 = arith.constant 0 : i32
    "tpu.region"() ({
      %run_scoped3A_577 = tpu.sem_alloc : memref<!tpu.dma_semaphore, #tpu.memory_space<semaphore_mem>>
      %dma_start3A_578 = arith.constant 0 : i32
      %dma_start3A_579 = arith.constant 0 : i32
      %dma_start3A_580 = tpu.memref_slice %arg11[%run_scoped3A_32, %dma_start3A_578, %dma_start3A_579] : memref<4x64x128xi16, #tpu.memory_space<vmem>> -> memref<1x64x128xi16, #tpu.memory_space<vmem>>
      %dma_start3A_581 = tpu.memref_squeeze %dma_start3A_580 : memref<1x64x128xi16, #tpu.memory_space<vmem>> -> memref<64x128xi16, #tpu.memory_space<vmem>>
      %dma_start3A_582 = arith.constant 0 : i32
      %dma_start3A_583 = tpu.memref_slice %arg8[%add3A_31, %dma_start3A_582] : memref<10240x128xi16, #tpu.memory_space<vmem_shared>> -> memref<64x128xi16, #tpu.memory_space<vmem_shared>>
      %dma_start3A_584 = arith.constant 0 : i32
      %dma_start3A_585 = tpu.memref_slice %arg8[%add3A_31, %dma_start3A_584] : memref<10240x128xi16, #tpu.memory_space<vmem_shared>> -> memref<64x128xi16, #tpu.memory_space<vmem_shared>>
      %dma_start3A_586 = arith.constant 0 : i32
      %dma_start3A_587 = arith.constant 0 : i32
      %dma_start3A_588 = tpu.memref_slice %arg11[%run_scoped3A_32, %dma_start3A_586, %dma_start3A_587] : memref<4x64x128xi16, #tpu.memory_space<vmem>> -> memref<1x64x128xi16, #tpu.memory_space<vmem>>
      %dma_start3A_589 = tpu.memref_squeeze %dma_start3A_588 : memref<1x64x128xi16, #tpu.memory_space<vmem>> -> memref<64x128xi16, #tpu.memory_space<vmem>>
      tpu.enqueue_dma source(%dma_start3A_589 : memref<64x128xi16, #tpu.memory_space<vmem>>) target(%dma_start3A_585 : memref<64x128xi16, #tpu.memory_space<vmem_shared>>) target_semaphore(%run_scoped3A_577 : memref<!tpu.dma_semaphore, #tpu.memory_space<semaphore_mem>>)
      %dma_wait3A_590 = arith.constant 0 : i32
      %dma_wait3A_591 = arith.constant 0 : i32
      %dma_wait3A_592 = tpu.memref_slice %arg11[%run_scoped3A_32, %dma_wait3A_590, %dma_wait3A_591] : memref<4x64x128xi16, #tpu.memory_space<vmem>> -> memref<1x64x128xi16, #tpu.memory_space<vmem>>
      %dma_wait3A_593 = tpu.memref_squeeze %dma_wait3A_592 : memref<1x64x128xi16, #tpu.memory_space<vmem>> -> memref<64x128xi16, #tpu.memory_space<vmem>>
      %dma_wait3A_594 = arith.constant 0 : i32
      %dma_wait3A_595 = tpu.memref_slice %arg8[%add3A_31, %dma_wait3A_594] : memref<10240x128xi16, #tpu.memory_space<vmem_shared>> -> memref<64x128xi16, #tpu.memory_space<vmem_shared>>
      %dma_wait3A_596 = arith.constant 0 : i32
      %dma_wait3A_597 = tpu.memref_slice %arg8[%add3A_31, %dma_wait3A_596] : memref<10240x128xi16, #tpu.memory_space<vmem_shared>> -> memref<64x128xi16, #tpu.memory_space<vmem_shared>>
      %dma_wait3A_598 = arith.constant 0 : i32
      %dma_wait3A_599 = arith.constant 0 : i32
      %dma_wait3A_600 = tpu.memref_slice %arg11[%run_scoped3A_32, %dma_wait3A_598, %dma_wait3A_599] : memref<4x64x128xi16, #tpu.memory_space<vmem>> -> memref<1x64x128xi16, #tpu.memory_space<vmem>>
      %dma_wait3A_601 = tpu.memref_squeeze %dma_wait3A_600 : memref<1x64x128xi16, #tpu.memory_space<vmem>> -> memref<64x128xi16, #tpu.memory_space<vmem>>
      tpu.wait_dma2 semaphore(%run_scoped3A_577 : memref<!tpu.dma_semaphore, #tpu.memory_space<semaphore_mem>>) src(%dma_wait3A_601 : memref<64x128xi16, #tpu.memory_space<vmem>>) dst(%dma_wait3A_597 : memref<64x128xi16, #tpu.memory_space<vmem_shared>>)
      tpu.yield
    }) : () -> ()
    %add3A_33 = arith.constant 576 : i32
    %add3A_34 = arith.addi %mul3A_2, %add3A_33 : i32
    %run_scoped3A_35 = arith.constant 0 : i32
    "tpu.region"() ({
      %run_scoped3A_577 = tpu.sem_alloc : memref<!tpu.dma_semaphore, #tpu.memory_space<semaphore_mem>>
      %dma_start3A_578 = arith.constant 0 : i32
      %dma_start3A_579 = arith.constant 0 : i32
      %dma_start3A_580 = tpu.memref_slice %arg11[%run_scoped3A_35, %dma_start3A_578, %dma_start3A_579] : memref<4x64x128xi16, #tpu.memory_space<vmem>> -> memref<1x64x128xi16, #tpu.memory_space<vmem>>
      %dma_start3A_581 = tpu.memref_squeeze %dma_start3A_580 : memref<1x64x128xi16, #tpu.memory_space<vmem>> -> memref<64x128xi16, #tpu.memory_space<vmem>>
      %dma_start3A_582 = arith.constant 0 : i32
      %dma_start3A_583 = tpu.memref_slice %arg8[%add3A_34, %dma_start3A_582] : memref<10240x128xi16, #tpu.memory_space<vmem_shared>> -> memref<64x128xi16, #tpu.memory_space<vmem_shared>>
      %dma_start3A_584 = arith.constant 0 : i32
      %dma_start3A_585 = tpu.memref_slice %arg8[%add3A_34, %dma_start3A_584] : memref<10240x128xi16, #tpu.memory_space<vmem_shared>> -> memref<64x128xi16, #tpu.memory_space<vmem_shared>>
      %dma_start3A_586 = arith.constant 0 : i32
      %dma_start3A_587 = arith.constant 0 : i32
      %dma_start3A_588 = tpu.memref_slice %arg11[%run_scoped3A_35, %dma_start3A_586, %dma_start3A_587] : memref<4x64x128xi16, #tpu.memory_space<vmem>> -> memref<1x64x128xi16, #tpu.memory_space<vmem>>
      %dma_start3A_589 = tpu.memref_squeeze %dma_start3A_588 : memref<1x64x128xi16, #tpu.memory_space<vmem>> -> memref<64x128xi16, #tpu.memory_space<vmem>>
      tpu.enqueue_dma source(%dma_start3A_589 : memref<64x128xi16, #tpu.memory_space<vmem>>) target(%dma_start3A_585 : memref<64x128xi16, #tpu.memory_space<vmem_shared>>) target_semaphore(%run_scoped3A_577 : memref<!tpu.dma_semaphore, #tpu.memory_space<semaphore_mem>>)
      %dma_wait3A_590 = arith.constant 0 : i32
      %dma_wait3A_591 = arith.constant 0 : i32
      %dma_wait3A_592 = tpu.memref_slice %arg11[%run_scoped3A_35, %dma_wait3A_590, %dma_wait3A_591] : memref<4x64x128xi16, #tpu.memory_space<vmem>> -> memref<1x64x128xi16, #tpu.memory_space<vmem>>
      %dma_wait3A_593 = tpu.memref_squeeze %dma_wait3A_592 : memref<1x64x128xi16, #tpu.memory_space<vmem>> -> memref<64x128xi16, #tpu.memory_space<vmem>>
      %dma_wait3A_594 = arith.constant 0 : i32
      %dma_wait3A_595 = tpu.memref_slice %arg8[%add3A_34, %dma_wait3A_594] : memref<10240x128xi16, #tpu.memory_space<vmem_shared>> -> memref<64x128xi16, #tpu.memory_space<vmem_shared>>
      %dma_wait3A_596 = arith.constant 0 : i32
      %dma_wait3A_597 = tpu.memref_slice %arg8[%add3A_34, %dma_wait3A_596] : memref<10240x128xi16, #tpu.memory_space<vmem_shared>> -> memref<64x128xi16, #tpu.memory_space<vmem_shared>>
      %dma_wait3A_598 = arith.constant 0 : i32
      %dma_wait3A_599 = arith.constant 0 : i32
      %dma_wait3A_600 = tpu.memref_slice %arg11[%run_scoped3A_35, %dma_wait3A_598, %dma_wait3A_599] : memref<4x64x128xi16, #tpu.memory_space<vmem>> -> memref<1x64x128xi16, #tpu.memory_space<vmem>>
      %dma_wait3A_601 = tpu.memref_squeeze %dma_wait3A_600 : memref<1x64x128xi16, #tpu.memory_space<vmem>> -> memref<64x128xi16, #tpu.memory_space<vmem>>
      tpu.wait_dma2 semaphore(%run_scoped3A_577 : memref<!tpu.dma_semaphore, #tpu.memory_space<semaphore_mem>>) src(%dma_wait3A_601 : memref<64x128xi16, #tpu.memory_space<vmem>>) dst(%dma_wait3A_597 : memref<64x128xi16, #tpu.memory_space<vmem_shared>>)
      tpu.yield
    }) : () -> ()
    %scan3A_36 = arith.constant 0 : i32
    %scan3A_37 = arith.constant 64 : i32
    %scan3A_38 = arith.addi %scan3A_36, %scan3A_37 : i32
    %scan3A_39 = arith.constant 1 : i32
    scf.for %scan3A_577 = %scan3A_36 to %scan3A_38 step %scan3A_39  : i32 {
      %mul3A_578 = arith.constant 1 : i32
      %mul3A_579 = arith.muli %scan3A_577, %mul3A_578 : i32
      %add3A_580 = arith.constant 0 : i32
      %add3A_581 = arith.addi %add3A_580, %mul3A_579 : i32
      %broadcast_in_dim3A = arith.constant 0.000000e+00 : f32
      %broadcast_in_dim3A_582 = vector.broadcast %broadcast_in_dim3A : f32 to vector<16xf32>
      %swap3A = arith.index_cast %add3A_581 : i32 to index
      %swap3A_583 = arith.constant 0 : index
      %swap3A_584 = tpu.vector_load %arg21[%swap3A, %swap3A_583] {strides = array<i32>} : memref<64x16xf32, #tpu.memory_space<vmem>>, vector<16xf32>,
      tpu.vector_store %arg21[%swap3A, %swap3A_583], %broadcast_in_dim3A_582 {strides = array<i32>} : memref<64x16xf32, #tpu.memory_space<vmem>>, vector<16xf32>,
    }
    %scan3A_40 = arith.constant 64 : i32
    %mul3A_41 = arith.constant 626 : i32
    %mul3A_42 = arith.muli %arg1, %mul3A_41 : i32
    %add3A_43 = arith.constant 0 : i32
    %add3A_44 = arith.addi %mul3A_42, %add3A_43 : i32
    "tpu.region"() ({
      %run_scoped3A_577 = tpu.sem_alloc : memref<!tpu.dma_semaphore, #tpu.memory_space<semaphore_mem>>
      %dma_start3A_578 = arith.constant 0 : i32
      %dma_start3A_579 = tpu.memref_slice %arg20[%add3A_44, %dma_start3A_578] : memref<10016x16xf32, #tpu.memory_space<vmem_shared>> -> memref<64x16xf32, #tpu.memory_space<vmem_shared>>
      %dma_start3A_580 = arith.constant 0 : i32
      %dma_start3A_581 = tpu.memref_slice %arg20[%add3A_44, %dma_start3A_580] : memref<10016x16xf32, #tpu.memory_space<vmem_shared>> -> memref<64x16xf32, #tpu.memory_space<vmem_shared>>
      tpu.enqueue_dma source(%arg21 : memref<64x16xf32, #tpu.memory_space<vmem>>) target(%dma_start3A_581 : memref<64x16xf32, #tpu.memory_space<vmem_shared>>) target_semaphore(%run_scoped3A_577 : memref<!tpu.dma_semaphore, #tpu.memory_space<semaphore_mem>>)
      %dma_wait3A_582 = arith.constant 0 : i32
      %dma_wait3A_583 = tpu.memref_slice %arg20[%add3A_44, %dma_wait3A_582] : memref<10016x16xf32, #tpu.memory_space<vmem_shared>> -> memref<64x16xf32, #tpu.memory_space<vmem_shared>>
      %dma_wait3A_584 = arith.constant 0 : i32
      %dma_wait3A_585 = tpu.memref_slice %arg20[%add3A_44, %dma_wait3A_584] : memref<10016x16xf32, #tpu.memory_space<vmem_shared>> -> memref<64x16xf32, #tpu.memory_space<vmem_shared>>
      tpu.wait_dma2 semaphore(%run_scoped3A_577 : memref<!tpu.dma_semaphore, #tpu.memory_space<semaphore_mem>>) src(%arg21 : memref<64x16xf32, #tpu.memory_space<vmem>>) dst(%dma_wait3A_585 : memref<64x16xf32, #tpu.memory_space<vmem_shared>>)
      tpu.yield
    }) : () -> ()
    %add3A_45 = arith.constant 64 : i32
    %add3A_46 = arith.addi %mul3A_42, %add3A_45 : i32
    "tpu.region"() ({
      %run_scoped3A_577 = tpu.sem_alloc : memref<!tpu.dma_semaphore, #tpu.memory_space<semaphore_mem>>
      %dma_start3A_578 = arith.constant 0 : i32
      %dma_start3A_579 = tpu.memref_slice %arg20[%add3A_46, %dma_start3A_578] : memref<10016x16xf32, #tpu.memory_space<vmem_shared>> -> memref<64x16xf32, #tpu.memory_space<vmem_shared>>
      %dma_start3A_580 = arith.constant 0 : i32
      %dma_start3A_581 = tpu.memref_slice %arg20[%add3A_46, %dma_start3A_580] : memref<10016x16xf32, #tpu.memory_space<vmem_shared>> -> memref<64x16xf32, #tpu.memory_space<vmem_shared>>
      tpu.enqueue_dma source(%arg21 : memref<64x16xf32, #tpu.memory_space<vmem>>) target(%dma_start3A_581 : memref<64x16xf32, #tpu.memory_space<vmem_shared>>) target_semaphore(%run_scoped3A_577 : memref<!tpu.dma_semaphore, #tpu.memory_space<semaphore_mem>>)
      %dma_wait3A_582 = arith.constant 0 : i32
      %dma_wait3A_583 = tpu.memref_slice %arg20[%add3A_46, %dma_wait3A_582] : memref<10016x16xf32, #tpu.memory_space<vmem_shared>> -> memref<64x16xf32, #tpu.memory_space<vmem_shared>>
      %dma_wait3A_584 = arith.constant 0 : i32
      %dma_wait3A_585 = tpu.memref_slice %arg20[%add3A_46, %dma_wait3A_584] : memref<10016x16xf32, #tpu.memory_space<vmem_shared>> -> memref<64x16xf32, #tpu.memory_space<vmem_shared>>
      tpu.wait_dma2 semaphore(%run_scoped3A_577 : memref<!tpu.dma_semaphore, #tpu.memory_space<semaphore_mem>>) src(%arg21 : memref<64x16xf32, #tpu.memory_space<vmem>>) dst(%dma_wait3A_585 : memref<64x16xf32, #tpu.memory_space<vmem_shared>>)
      tpu.yield
    }) : () -> ()
    %add3A_47 = arith.constant 128 : i32
    %add3A_48 = arith.addi %mul3A_42, %add3A_47 : i32
    "tpu.region"() ({
      %run_scoped3A_577 = tpu.sem_alloc : memref<!tpu.dma_semaphore, #tpu.memory_space<semaphore_mem>>
      %dma_start3A_578 = arith.constant 0 : i32
      %dma_start3A_579 = tpu.memref_slice %arg20[%add3A_48, %dma_start3A_578] : memref<10016x16xf32, #tpu.memory_space<vmem_shared>> -> memref<64x16xf32, #tpu.memory_space<vmem_shared>>
      %dma_start3A_580 = arith.constant 0 : i32
      %dma_start3A_581 = tpu.memref_slice %arg20[%add3A_48, %dma_start3A_580] : memref<10016x16xf32, #tpu.memory_space<vmem_shared>> -> memref<64x16xf32, #tpu.memory_space<vmem_shared>>
      tpu.enqueue_dma source(%arg21 : memref<64x16xf32, #tpu.memory_space<vmem>>) target(%dma_start3A_581 : memref<64x16xf32, #tpu.memory_space<vmem_shared>>) target_semaphore(%run_scoped3A_577 : memref<!tpu.dma_semaphore, #tpu.memory_space<semaphore_mem>>)
      %dma_wait3A_582 = arith.constant 0 : i32
      %dma_wait3A_583 = tpu.memref_slice %arg20[%add3A_48, %dma_wait3A_582] : memref<10016x16xf32, #tpu.memory_space<vmem_shared>> -> memref<64x16xf32, #tpu.memory_space<vmem_shared>>
      %dma_wait3A_584 = arith.constant 0 : i32
      %dma_wait3A_585 = tpu.memref_slice %arg20[%add3A_48, %dma_wait3A_584] : memref<10016x16xf32, #tpu.memory_space<vmem_shared>> -> memref<64x16xf32, #tpu.memory_space<vmem_shared>>
      tpu.wait_dma2 semaphore(%run_scoped3A_577 : memref<!tpu.dma_semaphore, #tpu.memory_space<semaphore_mem>>) src(%arg21 : memref<64x16xf32, #tpu.memory_space<vmem>>) dst(%dma_wait3A_585 : memref<64x16xf32, #tpu.memory_space<vmem_shared>>)
      tpu.yield
    }) : () -> ()
    %add3A_49 = arith.constant 192 : i32
    %add3A_50 = arith.addi %mul3A_42, %add3A_49 : i32
    "tpu.region"() ({
      %run_scoped3A_577 = tpu.sem_alloc : memref<!tpu.dma_semaphore, #tpu.memory_space<semaphore_mem>>
      %dma_start3A_578 = arith.constant 0 : i32
      %dma_start3A_579 = tpu.memref_slice %arg20[%add3A_50, %dma_start3A_578] : memref<10016x16xf32, #tpu.memory_space<vmem_shared>> -> memref<64x16xf32, #tpu.memory_space<vmem_shared>>
      %dma_start3A_580 = arith.constant 0 : i32
      %dma_start3A_581 = tpu.memref_slice %arg20[%add3A_50, %dma_start3A_580] : memref<10016x16xf32, #tpu.memory_space<vmem_shared>> -> memref<64x16xf32, #tpu.memory_space<vmem_shared>>
      tpu.enqueue_dma source(%arg21 : memref<64x16xf32, #tpu.memory_space<vmem>>) target(%dma_start3A_581 : memref<64x16xf32, #tpu.memory_space<vmem_shared>>) target_semaphore(%run_scoped3A_577 : memref<!tpu.dma_semaphore, #tpu.memory_space<semaphore_mem>>)
      %dma_wait3A_582 = arith.constant 0 : i32
      %dma_wait3A_583 = tpu.memref_slice %arg20[%add3A_50, %dma_wait3A_582] : memref<10016x16xf32, #tpu.memory_space<vmem_shared>> -> memref<64x16xf32, #tpu.memory_space<vmem_shared>>
      %dma_wait3A_584 = arith.constant 0 : i32
      %dma_wait3A_585 = tpu.memref_slice %arg20[%add3A_50, %dma_wait3A_584] : memref<10016x16xf32, #tpu.memory_space<vmem_shared>> -> memref<64x16xf32, #tpu.memory_space<vmem_shared>>
      tpu.wait_dma2 semaphore(%run_scoped3A_577 : memref<!tpu.dma_semaphore, #tpu.memory_space<semaphore_mem>>) src(%arg21 : memref<64x16xf32, #tpu.memory_space<vmem>>) dst(%dma_wait3A_585 : memref<64x16xf32, #tpu.memory_space<vmem_shared>>)
      tpu.yield
    }) : () -> ()
    %add3A_51 = arith.constant 256 : i32
    %add3A_52 = arith.addi %mul3A_42, %add3A_51 : i32
    "tpu.region"() ({
      %run_scoped3A_577 = tpu.sem_alloc : memref<!tpu.dma_semaphore, #tpu.memory_space<semaphore_mem>>
      %dma_start3A_578 = arith.constant 0 : i32
      %dma_start3A_579 = tpu.memref_slice %arg20[%add3A_52, %dma_start3A_578] : memref<10016x16xf32, #tpu.memory_space<vmem_shared>> -> memref<64x16xf32, #tpu.memory_space<vmem_shared>>
      %dma_start3A_580 = arith.constant 0 : i32
      %dma_start3A_581 = tpu.memref_slice %arg20[%add3A_52, %dma_start3A_580] : memref<10016x16xf32, #tpu.memory_space<vmem_shared>> -> memref<64x16xf32, #tpu.memory_space<vmem_shared>>
      tpu.enqueue_dma source(%arg21 : memref<64x16xf32, #tpu.memory_space<vmem>>) target(%dma_start3A_581 : memref<64x16xf32, #tpu.memory_space<vmem_shared>>) target_semaphore(%run_scoped3A_577 : memref<!tpu.dma_semaphore, #tpu.memory_space<semaphore_mem>>)
      %dma_wait3A_582 = arith.constant 0 : i32
      %dma_wait3A_583 = tpu.memref_slice %arg20[%add3A_52, %dma_wait3A_582] : memref<10016x16xf32, #tpu.memory_space<vmem_shared>> -> memref<64x16xf32, #tpu.memory_space<vmem_shared>>
      %dma_wait3A_584 = arith.constant 0 : i32
      %dma_wait3A_585 = tpu.memref_slice %arg20[%add3A_52, %dma_wait3A_584] : memref<10016x16xf32, #tpu.memory_space<vmem_shared>> -> memref<64x16xf32, #tpu.memory_space<vmem_shared>>
      tpu.wait_dma2 semaphore(%run_scoped3A_577 : memref<!tpu.dma_semaphore, #tpu.memory_space<semaphore_mem>>) src(%arg21 : memref<64x16xf32, #tpu.memory_space<vmem>>) dst(%dma_wait3A_585 : memref<64x16xf32, #tpu.memory_space<vmem_shared>>)
      tpu.yield
    }) : () -> ()
    %add3A_53 = arith.constant 320 : i32
    %add3A_54 = arith.addi %mul3A_42, %add3A_53 : i32
    "tpu.region"() ({
      %run_scoped3A_577 = tpu.sem_alloc : memref<!tpu.dma_semaphore, #tpu.memory_space<semaphore_mem>>
      %dma_start3A_578 = arith.constant 0 : i32
      %dma_start3A_579 = tpu.memref_slice %arg20[%add3A_54, %dma_start3A_578] : memref<10016x16xf32, #tpu.memory_space<vmem_shared>> -> memref<64x16xf32, #tpu.memory_space<vmem_shared>>
      %dma_start3A_580 = arith.constant 0 : i32
      %dma_start3A_581 = tpu.memref_slice %arg20[%add3A_54, %dma_start3A_580] : memref<10016x16xf32, #tpu.memory_space<vmem_shared>> -> memref<64x16xf32, #tpu.memory_space<vmem_shared>>
      tpu.enqueue_dma source(%arg21 : memref<64x16xf32, #tpu.memory_space<vmem>>) target(%dma_start3A_581 : memref<64x16xf32, #tpu.memory_space<vmem_shared>>) target_semaphore(%run_scoped3A_577 : memref<!tpu.dma_semaphore, #tpu.memory_space<semaphore_mem>>)
      %dma_wait3A_582 = arith.constant 0 : i32
      %dma_wait3A_583 = tpu.memref_slice %arg20[%add3A_54, %dma_wait3A_582] : memref<10016x16xf32, #tpu.memory_space<vmem_shared>> -> memref<64x16xf32, #tpu.memory_space<vmem_shared>>
      %dma_wait3A_584 = arith.constant 0 : i32
      %dma_wait3A_585 = tpu.memref_slice %arg20[%add3A_54, %dma_wait3A_584] : memref<10016x16xf32, #tpu.memory_space<vmem_shared>> -> memref<64x16xf32, #tpu.memory_space<vmem_shared>>
      tpu.wait_dma2 semaphore(%run_scoped3A_577 : memref<!tpu.dma_semaphore, #tpu.memory_space<semaphore_mem>>) src(%arg21 : memref<64x16xf32, #tpu.memory_space<vmem>>) dst(%dma_wait3A_585 : memref<64x16xf32, #tpu.memory_space<vmem_shared>>)
      tpu.yield
    }) : () -> ()
    %add3A_55 = arith.constant 384 : i32
    %add3A_56 = arith.addi %mul3A_42, %add3A_55 : i32
    "tpu.region"() ({
      %run_scoped3A_577 = tpu.sem_alloc : memref<!tpu.dma_semaphore, #tpu.memory_space<semaphore_mem>>
      %dma_start3A_578 = arith.constant 0 : i32
      %dma_start3A_579 = tpu.memref_slice %arg20[%add3A_56, %dma_start3A_578] : memref<10016x16xf32, #tpu.memory_space<vmem_shared>> -> memref<64x16xf32, #tpu.memory_space<vmem_shared>>
      %dma_start3A_580 = arith.constant 0 : i32
      %dma_start3A_581 = tpu.memref_slice %arg20[%add3A_56, %dma_start3A_580] : memref<10016x16xf32, #tpu.memory_space<vmem_shared>> -> memref<64x16xf32, #tpu.memory_space<vmem_shared>>
      tpu.enqueue_dma source(%arg21 : memref<64x16xf32, #tpu.memory_space<vmem>>) target(%dma_start3A_581 : memref<64x16xf32, #tpu.memory_space<vmem_shared>>) target_semaphore(%run_scoped3A_577 : memref<!tpu.dma_semaphore, #tpu.memory_space<semaphore_mem>>)
      %dma_wait3A_582 = arith.constant 0 : i32
      %dma_wait3A_583 = tpu.memref_slice %arg20[%add3A_56, %dma_wait3A_582] : memref<10016x16xf32, #tpu.memory_space<vmem_shared>> -> memref<64x16xf32, #tpu.memory_space<vmem_shared>>
      %dma_wait3A_584 = arith.constant 0 : i32
      %dma_wait3A_585 = tpu.memref_slice %arg20[%add3A_56, %dma_wait3A_584] : memref<10016x16xf32, #tpu.memory_space<vmem_shared>> -> memref<64x16xf32, #tpu.memory_space<vmem_shared>>
      tpu.wait_dma2 semaphore(%run_scoped3A_577 : memref<!tpu.dma_semaphore, #tpu.memory_space<semaphore_mem>>) src(%arg21 : memref<64x16xf32, #tpu.memory_space<vmem>>) dst(%dma_wait3A_585 : memref<64x16xf32, #tpu.memory_space<vmem_shared>>)
      tpu.yield
    }) : () -> ()
    %add3A_57 = arith.constant 448 : i32
    %add3A_58 = arith.addi %mul3A_42, %add3A_57 : i32
    "tpu.region"() ({
      %run_scoped3A_577 = tpu.sem_alloc : memref<!tpu.dma_semaphore, #tpu.memory_space<semaphore_mem>>
      %dma_start3A_578 = arith.constant 0 : i32
      %dma_start3A_579 = tpu.memref_slice %arg20[%add3A_58, %dma_start3A_578] : memref<10016x16xf32, #tpu.memory_space<vmem_shared>> -> memref<64x16xf32, #tpu.memory_space<vmem_shared>>
      %dma_start3A_580 = arith.constant 0 : i32
      %dma_start3A_581 = tpu.memref_slice %arg20[%add3A_58, %dma_start3A_580] : memref<10016x16xf32, #tpu.memory_space<vmem_shared>> -> memref<64x16xf32, #tpu.memory_space<vmem_shared>>
      tpu.enqueue_dma source(%arg21 : memref<64x16xf32, #tpu.memory_space<vmem>>) target(%dma_start3A_581 : memref<64x16xf32, #tpu.memory_space<vmem_shared>>) target_semaphore(%run_scoped3A_577 : memref<!tpu.dma_semaphore, #tpu.memory_space<semaphore_mem>>)
      %dma_wait3A_582 = arith.constant 0 : i32
      %dma_wait3A_583 = tpu.memref_slice %arg20[%add3A_58, %dma_wait3A_582] : memref<10016x16xf32, #tpu.memory_space<vmem_shared>> -> memref<64x16xf32, #tpu.memory_space<vmem_shared>>
      %dma_wait3A_584 = arith.constant 0 : i32
      %dma_wait3A_585 = tpu.memref_slice %arg20[%add3A_58, %dma_wait3A_584] : memref<10016x16xf32, #tpu.memory_space<vmem_shared>> -> memref<64x16xf32, #tpu.memory_space<vmem_shared>>
      tpu.wait_dma2 semaphore(%run_scoped3A_577 : memref<!tpu.dma_semaphore, #tpu.memory_space<semaphore_mem>>) src(%arg21 : memref<64x16xf32, #tpu.memory_space<vmem>>) dst(%dma_wait3A_585 : memref<64x16xf32, #tpu.memory_space<vmem_shared>>)
      tpu.yield
    }) : () -> ()
    %add3A_59 = arith.constant 512 : i32
    %add3A_60 = arith.addi %mul3A_42, %add3A_59 : i32
    "tpu.region"() ({
      %run_scoped3A_577 = tpu.sem_alloc : memref<!tpu.dma_semaphore, #tpu.memory_space<semaphore_mem>>
      %dma_start3A_578 = arith.constant 0 : i32
      %dma_start3A_579 = tpu.memref_slice %arg20[%add3A_60, %dma_start3A_578] : memref<10016x16xf32, #tpu.memory_space<vmem_shared>> -> memref<64x16xf32, #tpu.memory_space<vmem_shared>>
      %dma_start3A_580 = arith.constant 0 : i32
      %dma_start3A_581 = tpu.memref_slice %arg20[%add3A_60, %dma_start3A_580] : memref<10016x16xf32, #tpu.memory_space<vmem_shared>> -> memref<64x16xf32, #tpu.memory_space<vmem_shared>>
      tpu.enqueue_dma source(%arg21 : memref<64x16xf32, #tpu.memory_space<vmem>>) target(%dma_start3A_581 : memref<64x16xf32, #tpu.memory_space<vmem_shared>>) target_semaphore(%run_scoped3A_577 : memref<!tpu.dma_semaphore, #tpu.memory_space<semaphore_mem>>)
      %dma_wait3A_582 = arith.constant 0 : i32
      %dma_wait3A_583 = tpu.memref_slice %arg20[%add3A_60, %dma_wait3A_582] : memref<10016x16xf32, #tpu.memory_space<vmem_shared>> -> memref<64x16xf32, #tpu.memory_space<vmem_shared>>
      %dma_wait3A_584 = arith.constant 0 : i32
      %dma_wait3A_585 = tpu.memref_slice %arg20[%add3A_60, %dma_wait3A_584] : memref<10016x16xf32, #tpu.memory_space<vmem_shared>> -> memref<64x16xf32, #tpu.memory_space<vmem_shared>>
      tpu.wait_dma2 semaphore(%run_scoped3A_577 : memref<!tpu.dma_semaphore, #tpu.memory_space<semaphore_mem>>) src(%arg21 : memref<64x16xf32, #tpu.memory_space<vmem>>) dst(%dma_wait3A_585 : memref<64x16xf32, #tpu.memory_space<vmem_shared>>)
      tpu.yield
    }) : () -> ()
    %add3A_61 = arith.constant 626 : i32
    %add3A_62 = arith.addi %mul3A_42, %add3A_61 : i32
    %sub3A = arith.constant 50 : i32
    %sub3A_63 = arith.subi %add3A_62, %sub3A : i32
    "tpu.region"() ({
      %run_scoped3A_577 = tpu.sem_alloc : memref<!tpu.dma_semaphore, #tpu.memory_space<semaphore_mem>>
      %dma_start3A_578 = arith.constant 0 : i32
      %dma_start3A_579 = arith.constant 0 : i32
      %dma_start3A_580 = tpu.memref_slice %arg21[%dma_start3A_578, %dma_start3A_579] : memref<64x16xf32, #tpu.memory_space<vmem>> -> memref<50x16xf32, #tpu.memory_space<vmem>>
      %dma_start3A_581 = arith.constant 0 : i32
      %dma_start3A_582 = tpu.memref_slice %arg20[%sub3A_63, %dma_start3A_581] : memref<10016x16xf32, #tpu.memory_space<vmem_shared>> -> memref<50x16xf32, #tpu.memory_space<vmem_shared>>
      %dma_start3A_583 = arith.constant 0 : i32
      %dma_start3A_584 = tpu.memref_slice %arg20[%sub3A_63, %dma_start3A_583] : memref<10016x16xf32, #tpu.memory_space<vmem_shared>> -> memref<50x16xf32, #tpu.memory_space<vmem_shared>>
      %dma_start3A_585 = arith.constant 0 : i32
      %dma_start3A_586 = arith.constant 0 : i32
      %dma_start3A_587 = tpu.memref_slice %arg21[%dma_start3A_585, %dma_start3A_586] : memref<64x16xf32, #tpu.memory_space<vmem>> -> memref<50x16xf32, #tpu.memory_space<vmem>>
      tpu.enqueue_dma source(%dma_start3A_587 : memref<50x16xf32, #tpu.memory_space<vmem>>) target(%dma_start3A_584 : memref<50x16xf32, #tpu.memory_space<vmem_shared>>) target_semaphore(%run_scoped3A_577 : memref<!tpu.dma_semaphore, #tpu.memory_space<semaphore_mem>>)
      %dma_wait3A_588 = arith.constant 0 : i32
      %dma_wait3A_589 = arith.constant 0 : i32
      %dma_wait3A_590 = tpu.memref_slice %arg21[%dma_wait3A_588, %dma_wait3A_589] : memref<64x16xf32, #tpu.memory_space<vmem>> -> memref<50x16xf32, #tpu.memory_space<vmem>>
      %dma_wait3A_591 = arith.constant 0 : i32
      %dma_wait3A_592 = tpu.memref_slice %arg20[%sub3A_63, %dma_wait3A_591] : memref<10016x16xf32, #tpu.memory_space<vmem_shared>> -> memref<50x16xf32, #tpu.memory_space<vmem_shared>>
      %dma_wait3A_593 = arith.constant 0 : i32
      %dma_wait3A_594 = tpu.memref_slice %arg20[%sub3A_63, %dma_wait3A_593] : memref<10016x16xf32, #tpu.memory_space<vmem_shared>> -> memref<50x16xf32, #tpu.memory_space<vmem_shared>>
      %dma_wait3A_595 = arith.constant 0 : i32
      %dma_wait3A_596 = arith.constant 0 : i32
      %dma_wait3A_597 = tpu.memref_slice %arg21[%dma_wait3A_595, %dma_wait3A_596] : memref<64x16xf32, #tpu.memory_space<vmem>> -> memref<50x16xf32, #tpu.memory_space<vmem>>
      tpu.wait_dma2 semaphore(%run_scoped3A_577 : memref<!tpu.dma_semaphore, #tpu.memory_space<semaphore_mem>>) src(%dma_wait3A_597 : memref<50x16xf32, #tpu.memory_space<vmem>>) dst(%dma_wait3A_594 : memref<50x16xf32, #tpu.memory_space<vmem_shared>>)
      tpu.yield
    }) : () -> ()
    %scan3A_64 = arith.constant 0 : i32
    %scan3A_65 = arith.constant 64 : i32
    %scan3A_66 = arith.addi %scan3A_64, %scan3A_65 : i32
    %scan3A_67 = arith.constant 1 : i32
    scf.for %scan3A_577 = %scan3A_64 to %scan3A_66 step %scan3A_67  : i32 {
      %mul3A_578 = arith.constant 1 : i32
      %mul3A_579 = arith.muli %scan3A_577, %mul3A_578 : i32
      %add3A_580 = arith.constant 0 : i32
      %add3A_581 = arith.addi %add3A_580, %mul3A_579 : i32
      %broadcast_in_dim3A = arith.constant 1.000000e+00 : f32
      %broadcast_in_dim3A_582 = vector.broadcast %broadcast_in_dim3A : f32 to vector<16xf32>
      %swap3A = arith.index_cast %add3A_581 : i32 to index
      %swap3A_583 = arith.constant 0 : index
      %swap3A_584 = tpu.vector_load %arg21[%swap3A, %swap3A_583] {strides = array<i32>} : memref<64x16xf32, #tpu.memory_space<vmem>>, vector<16xf32>,
      tpu.vector_store %arg21[%swap3A, %swap3A_583], %broadcast_in_dim3A_582 {strides = array<i32>} : memref<64x16xf32, #tpu.memory_space<vmem>>, vector<16xf32>,
    }
    %scan3A_68 = arith.constant 64 : i32
    %mul3A_69 = arith.constant 160 : i32
    %mul3A_70 = arith.muli %add3A, %mul3A_69 : i32
    "tpu.region"() ({
      %run_scoped3A_577 = tpu.sem_alloc : memref<!tpu.dma_semaphore, #tpu.memory_space<semaphore_mem>>
      %dma_start3A_578 = arith.constant 0 : i32
      %dma_start3A_579 = tpu.memref_slice %arg3[%mul3A_70, %dma_start3A_578] : memref<5120x64xi32, #tpu.memory_space<hbm>> -> memref<160x64xi32, #tpu.memory_space<hbm>>
      %dma_start3A_580 = arith.constant 0 : i32
      %dma_start3A_581 = tpu.memref_slice %arg3[%mul3A_70, %dma_start3A_580] : memref<5120x64xi32, #tpu.memory_space<hbm>> -> memref<160x64xi32, #tpu.memory_space<hbm>>
      tpu.enqueue_dma source(%dma_start3A_581 : memref<160x64xi32, #tpu.memory_space<hbm>>) target(%arg9 : memref<160x64xi32, #tpu.memory_space<vmem>>) target_semaphore(%run_scoped3A_577 : memref<!tpu.dma_semaphore, #tpu.memory_space<semaphore_mem>>)
      %dma_wait3A_582 = arith.constant 0 : i32
      %dma_wait3A_583 = tpu.memref_slice %arg3[%mul3A_70, %dma_wait3A_582] : memref<5120x64xi32, #tpu.memory_space<hbm>> -> memref<160x64xi32, #tpu.memory_space<hbm>>
      %dma_wait3A_584 = arith.constant 0 : i32
      %dma_wait3A_585 = tpu.memref_slice %arg3[%mul3A_70, %dma_wait3A_584] : memref<5120x64xi32, #tpu.memory_space<hbm>> -> memref<160x64xi32, #tpu.memory_space<hbm>>
      tpu.wait_dma2 semaphore(%run_scoped3A_577 : memref<!tpu.dma_semaphore, #tpu.memory_space<semaphore_mem>>) src(%dma_wait3A_585 : memref<160x64xi32, #tpu.memory_space<hbm>>) dst(%arg9 : memref<160x64xi32, #tpu.memory_space<vmem>>)
      tpu.yield
    }) : () -> ()
    %mul3A_71 = arith.constant 160 : i32
    %mul3A_72 = arith.muli %add3A, %mul3A_71 : i32
    "tpu.region"() ({
      %run_scoped3A_577 = tpu.sem_alloc : memref<!tpu.dma_semaphore, #tpu.memory_space<semaphore_mem>>
      %dma_start3A_578 = arith.constant 0 : i32
      %dma_start3A_579 = tpu.memref_slice %arg4[%mul3A_72, %dma_start3A_578] : memref<5120x64xi32, #tpu.memory_space<hbm>> -> memref<160x64xi32, #tpu.memory_space<hbm>>
      %dma_start3A_580 = arith.constant 0 : i32
      %dma_start3A_581 = tpu.memref_slice %arg4[%mul3A_72, %dma_start3A_580] : memref<5120x64xi32, #tpu.memory_space<hbm>> -> memref<160x64xi32, #tpu.memory_space<hbm>>
      tpu.enqueue_dma source(%dma_start3A_581 : memref<160x64xi32, #tpu.memory_space<hbm>>) target(%arg10 : memref<160x64xi32, #tpu.memory_space<vmem>>) target_semaphore(%run_scoped3A_577 : memref<!tpu.dma_semaphore, #tpu.memory_space<semaphore_mem>>)
      %dma_wait3A_582 = arith.constant 0 : i32
      %dma_wait3A_583 = tpu.memref_slice %arg4[%mul3A_72, %dma_wait3A_582] : memref<5120x64xi32, #tpu.memory_space<hbm>> -> memref<160x64xi32, #tpu.memory_space<hbm>>
      %dma_wait3A_584 = arith.constant 0 : i32
      %dma_wait3A_585 = tpu.memref_slice %arg4[%mul3A_72, %dma_wait3A_584] : memref<5120x64xi32, #tpu.memory_space<hbm>> -> memref<160x64xi32, #tpu.memory_space<hbm>>
      tpu.wait_dma2 semaphore(%run_scoped3A_577 : memref<!tpu.dma_semaphore, #tpu.memory_space<semaphore_mem>>) src(%dma_wait3A_585 : memref<160x64xi32, #tpu.memory_space<hbm>>) dst(%arg10 : memref<160x64xi32, #tpu.memory_space<vmem>>)
      tpu.yield
    }) : () -> ()
    %barrier3A = arith.constant 0 : index
    tpu.barrier barrier_id(%barrier3A)
    %dma_start3A = arith.constant 0 : i32
    %dma_start3A_73 = arith.constant 0 : i32
    %dma_start3A_74 = arith.constant 0 : i32
    %dma_start3A_75 = arith.constant 0 : i32
    %dma_start3A_76 = tpu.memref_slice %arg11[%dma_start3A_73, %dma_start3A_74, %dma_start3A_75] : memref<4x64x128xi16, #tpu.memory_space<vmem>> -> memref<1x64x128xi16, #tpu.memory_space<vmem>>
    %dma_start3A_77 = tpu.memref_squeeze %dma_start3A_76 : memref<1x64x128xi16, #tpu.memory_space<vmem>> -> memref<64x128xi16, #tpu.memory_space<vmem>>
    %dma_start3A_78 = arith.constant 0 : i32
    %dma_start3A_79 = tpu.memref_slice %arg9[%dma_start3A, %dma_start3A_78] : memref<160x64xi32, #tpu.memory_space<vmem>> -> memref<1x64xi32, #tpu.memory_space<vmem>>
    %dma_start3A_80 = tpu.memref_squeeze %dma_start3A_79 : memref<1x64xi32, #tpu.memory_space<vmem>> -> memref<64xi32, #tpu.memory_space<vmem>>
    %dma_start3A_81 = arith.constant 0 : i32
    %dma_start3A_82 = arith.constant 0 : i32
    %dma_start3A_83 = tpu.memref_slice %arg7[%dma_start3A_81, %dma_start3A_82] : memref<10240x128xi16, #tpu.memory_space<vmem_shared>> -> memref<10240x128xi16, #tpu.memory_space<vmem_shared>>
    tpu.enqueue_indirect_dma source(%dma_start3A_83 : memref<10240x128xi16, #tpu.memory_space<vmem_shared>>) target(%dma_start3A_77 : memref<64x128xi16, #tpu.memory_space<vmem>>) offsets(%dma_start3A_80 : memref<64xi32, #tpu.memory_space<vmem>>) semaphore(%arg12 : memref<!tpu.dma_semaphore, #tpu.memory_space<semaphore_mem>>)
    %dma_start3A_84 = arith.constant 1 : i32
    %dma_start3A_85 = arith.constant 1 : i32
    %dma_start3A_86 = arith.constant 0 : i32
    %dma_start3A_87 = arith.constant 0 : i32
    %dma_start3A_88 = tpu.memref_slice %arg11[%dma_start3A_85, %dma_start3A_86, %dma_start3A_87] : memref<4x64x128xi16, #tpu.memory_space<vmem>> -> memref<1x64x128xi16, #tpu.memory_space<vmem>>
    %dma_start3A_89 = tpu.memref_squeeze %dma_start3A_88 : memref<1x64x128xi16, #tpu.memory_space<vmem>> -> memref<64x128xi16, #tpu.memory_space<vmem>>
    %dma_start3A_90 = arith.constant 0 : i32
    %dma_start3A_91 = tpu.memref_slice %arg9[%dma_start3A_84, %dma_start3A_90] : memref<160x64xi32, #tpu.memory_space<vmem>> -> memref<1x64xi32, #tpu.memory_space<vmem>>
    %dma_start3A_92 = tpu.memref_squeeze %dma_start3A_91 : memref<1x64xi32, #tpu.memory_space<vmem>> -> memref<64xi32, #tpu.memory_space<vmem>>
    %dma_start3A_93 = arith.constant 0 : i32
    %dma_start3A_94 = arith.constant 0 : i32
    %dma_start3A_95 = tpu.memref_slice %arg7[%dma_start3A_93, %dma_start3A_94] : memref<10240x128xi16, #tpu.memory_space<vmem_shared>> -> memref<10240x128xi16, #tpu.memory_space<vmem_shared>>
    tpu.enqueue_indirect_dma source(%dma_start3A_95 : memref<10240x128xi16, #tpu.memory_space<vmem_shared>>) target(%dma_start3A_89 : memref<64x128xi16, #tpu.memory_space<vmem>>) offsets(%dma_start3A_92 : memref<64xi32, #tpu.memory_space<vmem>>) semaphore(%arg13 : memref<!tpu.dma_semaphore, #tpu.memory_space<semaphore_mem>>)
    %dma_wait3A = arith.constant 0 : i32
    %dma_wait3A_96 = arith.constant 0 : i32
    %dma_wait3A_97 = arith.constant 0 : i32
    %dma_wait3A_98 = arith.constant 0 : i32
    %dma_wait3A_99 = tpu.memref_slice %arg11[%dma_wait3A_96, %dma_wait3A_97, %dma_wait3A_98] : memref<4x64x128xi16, #tpu.memory_space<vmem>> -> memref<1x64x128xi16, #tpu.memory_space<vmem>>
    %dma_wait3A_100 = tpu.memref_squeeze %dma_wait3A_99 : memref<1x64x128xi16, #tpu.memory_space<vmem>> -> memref<64x128xi16, #tpu.memory_space<vmem>>
    %dma_wait3A_101 = arith.constant 0 : i32
    %dma_wait3A_102 = tpu.memref_slice %arg9[%dma_wait3A, %dma_wait3A_101] : memref<160x64xi32, #tpu.memory_space<vmem>> -> memref<1x64xi32, #tpu.memory_space<vmem>>
    %dma_wait3A_103 = tpu.memref_squeeze %dma_wait3A_102 : memref<1x64xi32, #tpu.memory_space<vmem>> -> memref<64xi32, #tpu.memory_space<vmem>>
    %dma_wait3A_104 = arith.constant 0 : i32
    %dma_wait3A_105 = arith.constant 0 : i32
    %dma_wait3A_106 = tpu.memref_slice %arg7[%dma_wait3A_104, %dma_wait3A_105] : memref<10240x128xi16, #tpu.memory_space<vmem_shared>> -> memref<10240x128xi16, #tpu.memory_space<vmem_shared>>
    tpu.wait_indirect_dma semaphore(%arg12 : memref<!tpu.dma_semaphore, #tpu.memory_space<semaphore_mem>>) src(%dma_wait3A_106 : memref<10240x128xi16, #tpu.memory_space<vmem_shared>>) dst(%dma_wait3A_100 : memref<64x128xi16, #tpu.memory_space<vmem>>)
    %dma_start3A_107 = arith.constant 0 : i32
    %dma_start3A_108 = arith.constant 0 : i32
    %dma_start3A_109 = arith.constant 0 : i32
    %dma_start3A_110 = arith.constant 0 : i32
    %dma_start3A_111 = tpu.memref_slice %arg11[%dma_start3A_107, %dma_start3A_109, %dma_start3A_110] : memref<4x64x128xi16, #tpu.memory_space<vmem>> -> memref<1x64x128xi16, #tpu.memory_space<vmem>>
    %dma_start3A_112 = tpu.memref_squeeze %dma_start3A_111 : memref<1x64x128xi16, #tpu.memory_space<vmem>> -> memref<64x128xi16, #tpu.memory_space<vmem>>
    %dma_start3A_113 = arith.constant 0 : i32
    %dma_start3A_114 = tpu.memref_slice %arg10[%dma_start3A_108, %dma_start3A_113] : memref<160x64xi32, #tpu.memory_space<vmem>> -> memref<1x64xi32, #tpu.memory_space<vmem>>
    %dma_start3A_115 = tpu.memref_squeeze %dma_start3A_114 : memref<1x64xi32, #tpu.memory_space<vmem>> -> memref<64xi32, #tpu.memory_space<vmem>>
    %dma_start3A_116 = arith.constant 0 : i32
    %dma_start3A_117 = arith.constant 0 : i32
    %dma_start3A_118 = tpu.memref_slice %arg8[%dma_start3A_116, %dma_start3A_117] : memref<10240x128xi16, #tpu.memory_space<vmem_shared>> -> memref<10240x128xi16, #tpu.memory_space<vmem_shared>>
    tpu.enqueue_indirect_dma source(%dma_start3A_112 : memref<64x128xi16, #tpu.memory_space<vmem>>) target(%dma_start3A_118 : memref<10240x128xi16, #tpu.memory_space<vmem_shared>>) offsets(%dma_start3A_115 : memref<64xi32, #tpu.memory_space<vmem>>) semaphore(%arg16 : memref<!tpu.dma_semaphore, #tpu.memory_space<semaphore_mem>>) {add = true}
    %dma_start3A_119 = arith.constant 0 : i32
    %dma_start3A_120 = arith.constant 0 : i32
    %dma_start3A_121 = tpu.memref_slice %arg10[%dma_start3A_119, %dma_start3A_120] : memref<160x64xi32, #tpu.memory_space<vmem>> -> memref<1x64xi32, #tpu.memory_space<vmem>>
    %dma_start3A_122 = tpu.memref_squeeze %dma_start3A_121 : memref<1x64xi32, #tpu.memory_space<vmem>> -> memref<64xi32, #tpu.memory_space<vmem>>
    %dma_start3A_123 = arith.constant 0 : i32
    %dma_start3A_124 = arith.constant 0 : i32
    %dma_start3A_125 = tpu.memref_slice %arg20[%dma_start3A_123, %dma_start3A_124] : memref<10016x16xf32, #tpu.memory_space<vmem_shared>> -> memref<10016x16xf32, #tpu.memory_space<vmem_shared>>
    tpu.enqueue_indirect_dma source(%arg21 : memref<64x16xf32, #tpu.memory_space<vmem>>) target(%dma_start3A_125 : memref<10016x16xf32, #tpu.memory_space<vmem_shared>>) offsets(%dma_start3A_122 : memref<64xi32, #tpu.memory_space<vmem>>) semaphore(%arg22 : memref<!tpu.dma_semaphore, #tpu.memory_space<semaphore_mem>>) {add = true}
    %dma_start3A_126 = arith.constant 2 : i32
    %dma_start3A_127 = arith.constant 2 : i32
    %dma_start3A_128 = arith.constant 0 : i32
    %dma_start3A_129 = arith.constant 0 : i32
    %dma_start3A_130 = tpu.memref_slice %arg11[%dma_start3A_127, %dma_start3A_128, %dma_start3A_129] : memref<4x64x128xi16, #tpu.memory_space<vmem>> -> memref<1x64x128xi16, #tpu.memory_space<vmem>>
    %dma_start3A_131 = tpu.memref_squeeze %dma_start3A_130 : memref<1x64x128xi16, #tpu.memory_space<vmem>> -> memref<64x128xi16, #tpu.memory_space<vmem>>
    %dma_start3A_132 = arith.constant 0 : i32
    %dma_start3A_133 = tpu.memref_slice %arg9[%dma_start3A_126, %dma_start3A_132] : memref<160x64xi32, #tpu.memory_space<vmem>> -> memref<1x64xi32, #tpu.memory_space<vmem>>
    %dma_start3A_134 = tpu.memref_squeeze %dma_start3A_133 : memref<1x64xi32, #tpu.memory_space<vmem>> -> memref<64xi32, #tpu.memory_space<vmem>>
    %dma_start3A_135 = arith.constant 0 : i32
    %dma_start3A_136 = arith.constant 0 : i32
    %dma_start3A_137 = tpu.memref_slice %arg7[%dma_start3A_135, %dma_start3A_136] : memref<10240x128xi16, #tpu.memory_space<vmem_shared>> -> memref<10240x128xi16, #tpu.memory_space<vmem_shared>>
    tpu.enqueue_indirect_dma source(%dma_start3A_137 : memref<10240x128xi16, #tpu.memory_space<vmem_shared>>) target(%dma_start3A_131 : memref<64x128xi16, #tpu.memory_space<vmem>>) offsets(%dma_start3A_134 : memref<64xi32, #tpu.memory_space<vmem>>) semaphore(%arg14 : memref<!tpu.dma_semaphore, #tpu.memory_space<semaphore_mem>>)
    %dma_wait3A_138 = arith.constant 1 : i32
    %dma_wait3A_139 = arith.constant 1 : i32
    %dma_wait3A_140 = arith.constant 0 : i32
    %dma_wait3A_141 = arith.constant 0 : i32
    %dma_wait3A_142 = tpu.memref_slice %arg11[%dma_wait3A_139, %dma_wait3A_140, %dma_wait3A_141] : memref<4x64x128xi16, #tpu.memory_space<vmem>> -> memref<1x64x128xi16, #tpu.memory_space<vmem>>
    %dma_wait3A_143 = tpu.memref_squeeze %dma_wait3A_142 : memref<1x64x128xi16, #tpu.memory_space<vmem>> -> memref<64x128xi16, #tpu.memory_space<vmem>>
    %dma_wait3A_144 = arith.constant 0 : i32
    %dma_wait3A_145 = tpu.memref_slice %arg9[%dma_wait3A_138, %dma_wait3A_144] : memref<160x64xi32, #tpu.memory_space<vmem>> -> memref<1x64xi32, #tpu.memory_space<vmem>>
    %dma_wait3A_146 = tpu.memref_squeeze %dma_wait3A_145 : memref<1x64xi32, #tpu.memory_space<vmem>> -> memref<64xi32, #tpu.memory_space<vmem>>
    %dma_wait3A_147 = arith.constant 0 : i32
    %dma_wait3A_148 = arith.constant 0 : i32
    %dma_wait3A_149 = tpu.memref_slice %arg7[%dma_wait3A_147, %dma_wait3A_148] : memref<10240x128xi16, #tpu.memory_space<vmem_shared>> -> memref<10240x128xi16, #tpu.memory_space<vmem_shared>>
    tpu.wait_indirect_dma semaphore(%arg13 : memref<!tpu.dma_semaphore, #tpu.memory_space<semaphore_mem>>) src(%dma_wait3A_149 : memref<10240x128xi16, #tpu.memory_space<vmem_shared>>) dst(%dma_wait3A_143 : memref<64x128xi16, #tpu.memory_space<vmem>>)
    %dma_start3A_150 = arith.constant 1 : i32
    %dma_start3A_151 = arith.constant 1 : i32
    %dma_start3A_152 = arith.constant 0 : i32
    %dma_start3A_153 = arith.constant 0 : i32
    %dma_start3A_154 = tpu.memref_slice %arg11[%dma_start3A_150, %dma_start3A_152, %dma_start3A_153] : memref<4x64x128xi16, #tpu.memory_space<vmem>> -> memref<1x64x128xi16, #tpu.memory_space<vmem>>
    %dma_start3A_155 = tpu.memref_squeeze %dma_start3A_154 : memref<1x64x128xi16, #tpu.memory_space<vmem>> -> memref<64x128xi16, #tpu.memory_space<vmem>>
    %dma_start3A_156 = arith.constant 0 : i32
    %dma_start3A_157 = tpu.memref_slice %arg10[%dma_start3A_151, %dma_start3A_156] : memref<160x64xi32, #tpu.memory_space<vmem>> -> memref<1x64xi32, #tpu.memory_space<vmem>>
    %dma_start3A_158 = tpu.memref_squeeze %dma_start3A_157 : memref<1x64xi32, #tpu.memory_space<vmem>> -> memref<64xi32, #tpu.memory_space<vmem>>
    %dma_start3A_159 = arith.constant 0 : i32
    %dma_start3A_160 = arith.constant 0 : i32
    %dma_start3A_161 = tpu.memref_slice %arg8[%dma_start3A_159, %dma_start3A_160] : memref<10240x128xi16, #tpu.memory_space<vmem_shared>> -> memref<10240x128xi16, #tpu.memory_space<vmem_shared>>
    tpu.enqueue_indirect_dma source(%dma_start3A_155 : memref<64x128xi16, #tpu.memory_space<vmem>>) target(%dma_start3A_161 : memref<10240x128xi16, #tpu.memory_space<vmem_shared>>) offsets(%dma_start3A_158 : memref<64xi32, #tpu.memory_space<vmem>>) semaphore(%arg17 : memref<!tpu.dma_semaphore, #tpu.memory_space<semaphore_mem>>) {add = true}
    %dma_start3A_162 = arith.constant 1 : i32
    %dma_start3A_163 = arith.constant 0 : i32
    %dma_start3A_164 = tpu.memref_slice %arg10[%dma_start3A_162, %dma_start3A_163] : memref<160x64xi32, #tpu.memory_space<vmem>> -> memref<1x64xi32, #tpu.memory_space<vmem>>
    %dma_start3A_165 = tpu.memref_squeeze %dma_start3A_164 : memref<1x64xi32, #tpu.memory_space<vmem>> -> memref<64xi32, #tpu.memory_space<vmem>>
    %dma_start3A_166 = arith.constant 0 : i32
    %dma_start3A_167 = arith.constant 0 : i32
    %dma_start3A_168 = tpu.memref_slice %arg20[%dma_start3A_166, %dma_start3A_167] : memref<10016x16xf32, #tpu.memory_space<vmem_shared>> -> memref<10016x16xf32, #tpu.memory_space<vmem_shared>>
    tpu.enqueue_indirect_dma source(%arg21 : memref<64x16xf32, #tpu.memory_space<vmem>>) target(%dma_start3A_168 : memref<10016x16xf32, #tpu.memory_space<vmem_shared>>) offsets(%dma_start3A_165 : memref<64xi32, #tpu.memory_space<vmem>>) semaphore(%arg23 : memref<!tpu.dma_semaphore, #tpu.memory_space<semaphore_mem>>) {add = true}
    %dma_start3A_169 = arith.constant 3 : i32
    %dma_start3A_170 = arith.constant 3 : i32
    %dma_start3A_171 = arith.constant 0 : i32
    %dma_start3A_172 = arith.constant 0 : i32
    %dma_start3A_173 = tpu.memref_slice %arg11[%dma_start3A_170, %dma_start3A_171, %dma_start3A_172] : memref<4x64x128xi16, #tpu.memory_space<vmem>> -> memref<1x64x128xi16, #tpu.memory_space<vmem>>
    %dma_start3A_174 = tpu.memref_squeeze %dma_start3A_173 : memref<1x64x128xi16, #tpu.memory_space<vmem>> -> memref<64x128xi16, #tpu.memory_space<vmem>>
    %dma_start3A_175 = arith.constant 0 : i32
    %dma_start3A_176 = tpu.memref_slice %arg9[%dma_start3A_169, %dma_start3A_175] : memref<160x64xi32, #tpu.memory_space<vmem>> -> memref<1x64xi32, #tpu.memory_space<vmem>>
    %dma_start3A_177 = tpu.memref_squeeze %dma_start3A_176 : memref<1x64xi32, #tpu.memory_space<vmem>> -> memref<64xi32, #tpu.memory_space<vmem>>
    %dma_start3A_178 = arith.constant 0 : i32
    %dma_start3A_179 = arith.constant 0 : i32
    %dma_start3A_180 = tpu.memref_slice %arg7[%dma_start3A_178, %dma_start3A_179] : memref<10240x128xi16, #tpu.memory_space<vmem_shared>> -> memref<10240x128xi16, #tpu.memory_space<vmem_shared>>
    tpu.enqueue_indirect_dma source(%dma_start3A_180 : memref<10240x128xi16, #tpu.memory_space<vmem_shared>>) target(%dma_start3A_174 : memref<64x128xi16, #tpu.memory_space<vmem>>) offsets(%dma_start3A_177 : memref<64xi32, #tpu.memory_space<vmem>>) semaphore(%arg15 : memref<!tpu.dma_semaphore, #tpu.memory_space<semaphore_mem>>)
    %dma_wait3A_181 = arith.constant 0 : i32
    %dma_wait3A_182 = arith.constant 0 : i32
    %dma_wait3A_183 = arith.constant 0 : i32
    %dma_wait3A_184 = arith.constant 0 : i32
    %dma_wait3A_185 = tpu.memref_slice %arg11[%dma_wait3A_181, %dma_wait3A_183, %dma_wait3A_184] : memref<4x64x128xi16, #tpu.memory_space<vmem>> -> memref<1x64x128xi16, #tpu.memory_space<vmem>>
    %dma_wait3A_186 = tpu.memref_squeeze %dma_wait3A_185 : memref<1x64x128xi16, #tpu.memory_space<vmem>> -> memref<64x128xi16, #tpu.memory_space<vmem>>
    %dma_wait3A_187 = arith.constant 0 : i32
    %dma_wait3A_188 = tpu.memref_slice %arg10[%dma_wait3A_182, %dma_wait3A_187] : memref<160x64xi32, #tpu.memory_space<vmem>> -> memref<1x64xi32, #tpu.memory_space<vmem>>
    %dma_wait3A_189 = tpu.memref_squeeze %dma_wait3A_188 : memref<1x64xi32, #tpu.memory_space<vmem>> -> memref<64xi32, #tpu.memory_space<vmem>>
    %dma_wait3A_190 = arith.constant 0 : i32
    %dma_wait3A_191 = arith.constant 0 : i32
    %dma_wait3A_192 = tpu.memref_slice %arg8[%dma_wait3A_190, %dma_wait3A_191] : memref<10240x128xi16, #tpu.memory_space<vmem_shared>> -> memref<10240x128xi16, #tpu.memory_space<vmem_shared>>
    tpu.wait_indirect_dma semaphore(%arg16 : memref<!tpu.dma_semaphore, #tpu.memory_space<semaphore_mem>>) src(%dma_wait3A_186 : memref<64x128xi16, #tpu.memory_space<vmem>>) dst(%dma_wait3A_192 : memref<10240x128xi16, #tpu.memory_space<vmem_shared>>)
    %dma_wait3A_193 = arith.constant 0 : i32
    %dma_wait3A_194 = arith.constant 0 : i32
    %dma_wait3A_195 = tpu.memref_slice %arg10[%dma_wait3A_193, %dma_wait3A_194] : memref<160x64xi32, #tpu.memory_space<vmem>> -> memref<1x64xi32, #tpu.memory_space<vmem>>
    %dma_wait3A_196 = tpu.memref_squeeze %dma_wait3A_195 : memref<1x64xi32, #tpu.memory_space<vmem>> -> memref<64xi32, #tpu.memory_space<vmem>>
    %dma_wait3A_197 = arith.constant 0 : i32
    %dma_wait3A_198 = arith.constant 0 : i32
    %dma_wait3A_199 = tpu.memref_slice %arg20[%dma_wait3A_197, %dma_wait3A_198] : memref<10016x16xf32, #tpu.memory_space<vmem_shared>> -> memref<10016x16xf32, #tpu.memory_space<vmem_shared>>
    tpu.wait_indirect_dma semaphore(%arg22 : memref<!tpu.dma_semaphore, #tpu.memory_space<semaphore_mem>>) src(%arg21 : memref<64x16xf32, #tpu.memory_space<vmem>>) dst(%dma_wait3A_199 : memref<10016x16xf32, #tpu.memory_space<vmem_shared>>)
    %dma_wait3A_200 = arith.constant 2 : i32
    %dma_wait3A_201 = arith.constant 2 : i32
    %dma_wait3A_202 = arith.constant 0 : i32
    %dma_wait3A_203 = arith.constant 0 : i32
    %dma_wait3A_204 = tpu.memref_slice %arg11[%dma_wait3A_201, %dma_wait3A_202, %dma_wait3A_203] : memref<4x64x128xi16, #tpu.memory_space<vmem>> -> memref<1x64x128xi16, #tpu.memory_space<vmem>>
    %dma_wait3A_205 = tpu.memref_squeeze %dma_wait3A_204 : memref<1x64x128xi16, #tpu.memory_space<vmem>> -> memref<64x128xi16, #tpu.memory_space<vmem>>
    %dma_wait3A_206 = arith.constant 0 : i32
    %dma_wait3A_207 = tpu.memref_slice %arg9[%dma_wait3A_200, %dma_wait3A_206] : memref<160x64xi32, #tpu.memory_space<vmem>> -> memref<1x64xi32, #tpu.memory_space<vmem>>
    %dma_wait3A_208 = tpu.memref_squeeze %dma_wait3A_207 : memref<1x64xi32, #tpu.memory_space<vmem>> -> memref<64xi32, #tpu.memory_space<vmem>>
    %dma_wait3A_209 = arith.constant 0 : i32
    %dma_wait3A_210 = arith.constant 0 : i32
    %dma_wait3A_211 = tpu.memref_slice %arg7[%dma_wait3A_209, %dma_wait3A_210] : memref<10240x128xi16, #tpu.memory_space<vmem_shared>> -> memref<10240x128xi16, #tpu.memory_space<vmem_shared>>
    tpu.wait_indirect_dma semaphore(%arg14 : memref<!tpu.dma_semaphore, #tpu.memory_space<semaphore_mem>>) src(%dma_wait3A_211 : memref<10240x128xi16, #tpu.memory_space<vmem_shared>>) dst(%dma_wait3A_205 : memref<64x128xi16, #tpu.memory_space<vmem>>)
    %dma_start3A_212 = arith.constant 2 : i32
    %dma_start3A_213 = arith.constant 2 : i32
    %dma_start3A_214 = arith.constant 0 : i32
    %dma_start3A_215 = arith.constant 0 : i32
    %dma_start3A_216 = tpu.memref_slice %arg11[%dma_start3A_212, %dma_start3A_214, %dma_start3A_215] : memref<4x64x128xi16, #tpu.memory_space<vmem>> -> memref<1x64x128xi16, #tpu.memory_space<vmem>>
    %dma_start3A_217 = tpu.memref_squeeze %dma_start3A_216 : memref<1x64x128xi16, #tpu.memory_space<vmem>> -> memref<64x128xi16, #tpu.memory_space<vmem>>
    %dma_start3A_218 = arith.constant 0 : i32
    %dma_start3A_219 = tpu.memref_slice %arg10[%dma_start3A_213, %dma_start3A_218] : memref<160x64xi32, #tpu.memory_space<vmem>> -> memref<1x64xi32, #tpu.memory_space<vmem>>
    %dma_start3A_220 = tpu.memref_squeeze %dma_start3A_219 : memref<1x64xi32, #tpu.memory_space<vmem>> -> memref<64xi32, #tpu.memory_space<vmem>>
    %dma_start3A_221 = arith.constant 0 : i32
    %dma_start3A_222 = arith.constant 0 : i32
    %dma_start3A_223 = tpu.memref_slice %arg8[%dma_start3A_221, %dma_start3A_222] : memref<10240x128xi16, #tpu.memory_space<vmem_shared>> -> memref<10240x128xi16, #tpu.memory_space<vmem_shared>>
    tpu.enqueue_indirect_dma source(%dma_start3A_217 : memref<64x128xi16, #tpu.memory_space<vmem>>) target(%dma_start3A_223 : memref<10240x128xi16, #tpu.memory_space<vmem_shared>>) offsets(%dma_start3A_220 : memref<64xi32, #tpu.memory_space<vmem>>) semaphore(%arg18 : memref<!tpu.dma_semaphore, #tpu.memory_space<semaphore_mem>>) {add = true}
    %dma_start3A_224 = arith.constant 2 : i32
    %dma_start3A_225 = arith.constant 0 : i32
    %dma_start3A_226 = tpu.memref_slice %arg10[%dma_start3A_224, %dma_start3A_225] : memref<160x64xi32, #tpu.memory_space<vmem>> -> memref<1x64xi32, #tpu.memory_space<vmem>>
    %dma_start3A_227 = tpu.memref_squeeze %dma_start3A_226 : memref<1x64xi32, #tpu.memory_space<vmem>> -> memref<64xi32, #tpu.memory_space<vmem>>
    %dma_start3A_228 = arith.constant 0 : i32
    %dma_start3A_229 = arith.constant 0 : i32
    %dma_start3A_230 = tpu.memref_slice %arg20[%dma_start3A_228, %dma_start3A_229] : memref<10016x16xf32, #tpu.memory_space<vmem_shared>> -> memref<10016x16xf32, #tpu.memory_space<vmem_shared>>
    tpu.enqueue_indirect_dma source(%arg21 : memref<64x16xf32, #tpu.memory_space<vmem>>) target(%dma_start3A_230 : memref<10016x16xf32, #tpu.memory_space<vmem_shared>>) offsets(%dma_start3A_227 : memref<64xi32, #tpu.memory_space<vmem>>) semaphore(%arg24 : memref<!tpu.dma_semaphore, #tpu.memory_space<semaphore_mem>>) {add = true}
    %dma_start3A_231 = arith.constant 4 : i32
    %dma_start3A_232 = arith.constant 0 : i32
    %dma_start3A_233 = arith.constant 0 : i32
    %dma_start3A_234 = arith.constant 0 : i32
    %dma_start3A_235 = tpu.memref_slice %arg11[%dma_start3A_232, %dma_start3A_233, %dma_start3A_234] : memref<4x64x128xi16, #tpu.memory_space<vmem>> -> memref<1x64x128xi16, #tpu.memory_space<vmem>>
    %dma_start3A_236 = tpu.memref_squeeze %dma_start3A_235 : memref<1x64x128xi16, #tpu.memory_space<vmem>> -> memref<64x128xi16, #tpu.memory_space<vmem>>
    %dma_start3A_237 = arith.constant 0 : i32
    %dma_start3A_238 = tpu.memref_slice %arg9[%dma_start3A_231, %dma_start3A_237] : memref<160x64xi32, #tpu.memory_space<vmem>> -> memref<1x64xi32, #tpu.memory_space<vmem>>
    %dma_start3A_239 = tpu.memref_squeeze %dma_start3A_238 : memref<1x64xi32, #tpu.memory_space<vmem>> -> memref<64xi32, #tpu.memory_space<vmem>>
    %dma_start3A_240 = arith.constant 0 : i32
    %dma_start3A_241 = arith.constant 0 : i32
    %dma_start3A_242 = tpu.memref_slice %arg7[%dma_start3A_240, %dma_start3A_241] : memref<10240x128xi16, #tpu.memory_space<vmem_shared>> -> memref<10240x128xi16, #tpu.memory_space<vmem_shared>>
    tpu.enqueue_indirect_dma source(%dma_start3A_242 : memref<10240x128xi16, #tpu.memory_space<vmem_shared>>) target(%dma_start3A_236 : memref<64x128xi16, #tpu.memory_space<vmem>>) offsets(%dma_start3A_239 : memref<64xi32, #tpu.memory_space<vmem>>) semaphore(%arg12 : memref<!tpu.dma_semaphore, #tpu.memory_space<semaphore_mem>>)
    %dma_wait3A_243 = arith.constant 1 : i32
    %dma_wait3A_244 = arith.constant 1 : i32
    %dma_wait3A_245 = arith.constant 0 : i32
    %dma_wait3A_246 = arith.constant 0 : i32
    %dma_wait3A_247 = tpu.memref_slice %arg11[%dma_wait3A_243, %dma_wait3A_245, %dma_wait3A_246] : memref<4x64x128xi16, #tpu.memory_space<vmem>> -> memref<1x64x128xi16, #tpu.memory_space<vmem>>
    %dma_wait3A_248 = tpu.memref_squeeze %dma_wait3A_247 : memref<1x64x128xi16, #tpu.memory_space<vmem>> -> memref<64x128xi16, #tpu.memory_space<vmem>>
    %dma_wait3A_249 = arith.constant 0 : i32
    %dma_wait3A_250 = tpu.memref_slice %arg10[%dma_wait3A_244, %dma_wait3A_249] : memref<160x64xi32, #tpu.memory_space<vmem>> -> memref<1x64xi32, #tpu.memory_space<vmem>>
    %dma_wait3A_251 = tpu.memref_squeeze %dma_wait3A_250 : memref<1x64xi32, #tpu.memory_space<vmem>> -> memref<64xi32, #tpu.memory_space<vmem>>
    %dma_wait3A_252 = arith.constant 0 : i32
    %dma_wait3A_253 = arith.constant 0 : i32
    %dma_wait3A_254 = tpu.memref_slice %arg8[%dma_wait3A_252, %dma_wait3A_253] : memref<10240x128xi16, #tpu.memory_space<vmem_shared>> -> memref<10240x128xi16, #tpu.memory_space<vmem_shared>>
    tpu.wait_indirect_dma semaphore(%arg17 : memref<!tpu.dma_semaphore, #tpu.memory_space<semaphore_mem>>) src(%dma_wait3A_248 : memref<64x128xi16, #tpu.memory_space<vmem>>) dst(%dma_wait3A_254 : memref<10240x128xi16, #tpu.memory_space<vmem_shared>>)
    %dma_wait3A_255 = arith.constant 1 : i32
    %dma_wait3A_256 = arith.constant 0 : i32
    %dma_wait3A_257 = tpu.memref_slice %arg10[%dma_wait3A_255, %dma_wait3A_256] : memref<160x64xi32, #tpu.memory_space<vmem>> -> memref<1x64xi32, #tpu.memory_space<vmem>>
    %dma_wait3A_258 = tpu.memref_squeeze %dma_wait3A_257 : memref<1x64xi32, #tpu.memory_space<vmem>> -> memref<64xi32, #tpu.memory_space<vmem>>
    %dma_wait3A_259 = arith.constant 0 : i32
    %dma_wait3A_260 = arith.constant 0 : i32
    %dma_wait3A_261 = tpu.memref_slice %arg20[%dma_wait3A_259, %dma_wait3A_260] : memref<10016x16xf32, #tpu.memory_space<vmem_shared>> -> memref<10016x16xf32, #tpu.memory_space<vmem_shared>>
    tpu.wait_indirect_dma semaphore(%arg23 : memref<!tpu.dma_semaphore, #tpu.memory_space<semaphore_mem>>) src(%arg21 : memref<64x16xf32, #tpu.memory_space<vmem>>) dst(%dma_wait3A_261 : memref<10016x16xf32, #tpu.memory_space<vmem_shared>>)
    %dma_wait3A_262 = arith.constant 3 : i32
    %dma_wait3A_263 = arith.constant 3 : i32
    %dma_wait3A_264 = arith.constant 0 : i32
    %dma_wait3A_265 = arith.constant 0 : i32
    %dma_wait3A_266 = tpu.memref_slice %arg11[%dma_wait3A_263, %dma_wait3A_264, %dma_wait3A_265] : memref<4x64x128xi16, #tpu.memory_space<vmem>> -> memref<1x64x128xi16, #tpu.memory_space<vmem>>
    %dma_wait3A_267 = tpu.memref_squeeze %dma_wait3A_266 : memref<1x64x128xi16, #tpu.memory_space<vmem>> -> memref<64x128xi16, #tpu.memory_space<vmem>>
    %dma_wait3A_268 = arith.constant 0 : i32
    %dma_wait3A_269 = tpu.memref_slice %arg9[%dma_wait3A_262, %dma_wait3A_268] : memref<160x64xi32, #tpu.memory_space<vmem>> -> memref<1x64xi32, #tpu.memory_space<vmem>>
    %dma_wait3A_270 = tpu.memref_squeeze %dma_wait3A_269 : memref<1x64xi32, #tpu.memory_space<vmem>> -> memref<64xi32, #tpu.memory_space<vmem>>
    %dma_wait3A_271 = arith.constant 0 : i32
    %dma_wait3A_272 = arith.constant 0 : i32
    %dma_wait3A_273 = tpu.memref_slice %arg7[%dma_wait3A_271, %dma_wait3A_272] : memref<10240x128xi16, #tpu.memory_space<vmem_shared>> -> memref<10240x128xi16, #tpu.memory_space<vmem_shared>>
    tpu.wait_indirect_dma semaphore(%arg15 : memref<!tpu.dma_semaphore, #tpu.memory_space<semaphore_mem>>) src(%dma_wait3A_273 : memref<10240x128xi16, #tpu.memory_space<vmem_shared>>) dst(%dma_wait3A_267 : memref<64x128xi16, #tpu.memory_space<vmem>>)
    %dma_start3A_274 = arith.constant 3 : i32
    %dma_start3A_275 = arith.constant 3 : i32
    %dma_start3A_276 = arith.constant 0 : i32
    %dma_start3A_277 = arith.constant 0 : i32
    %dma_start3A_278 = tpu.memref_slice %arg11[%dma_start3A_274, %dma_start3A_276, %dma_start3A_277] : memref<4x64x128xi16, #tpu.memory_space<vmem>> -> memref<1x64x128xi16, #tpu.memory_space<vmem>>
    %dma_start3A_279 = tpu.memref_squeeze %dma_start3A_278 : memref<1x64x128xi16, #tpu.memory_space<vmem>> -> memref<64x128xi16, #tpu.memory_space<vmem>>
    %dma_start3A_280 = arith.constant 0 : i32
    %dma_start3A_281 = tpu.memref_slice %arg10[%dma_start3A_275, %dma_start3A_280] : memref<160x64xi32, #tpu.memory_space<vmem>> -> memref<1x64xi32, #tpu.memory_space<vmem>>
    %dma_start3A_282 = tpu.memref_squeeze %dma_start3A_281 : memref<1x64xi32, #tpu.memory_space<vmem>> -> memref<64xi32, #tpu.memory_space<vmem>>
    %dma_start3A_283 = arith.constant 0 : i32
    %dma_start3A_284 = arith.constant 0 : i32
    %dma_start3A_285 = tpu.memref_slice %arg8[%dma_start3A_283, %dma_start3A_284] : memref<10240x128xi16, #tpu.memory_space<vmem_shared>> -> memref<10240x128xi16, #tpu.memory_space<vmem_shared>>
    tpu.enqueue_indirect_dma source(%dma_start3A_279 : memref<64x128xi16, #tpu.memory_space<vmem>>) target(%dma_start3A_285 : memref<10240x128xi16, #tpu.memory_space<vmem_shared>>) offsets(%dma_start3A_282 : memref<64xi32, #tpu.memory_space<vmem>>) semaphore(%arg19 : memref<!tpu.dma_semaphore, #tpu.memory_space<semaphore_mem>>) {add = true}
    %dma_start3A_286 = arith.constant 3 : i32
    %dma_start3A_287 = arith.constant 0 : i32
    %dma_start3A_288 = tpu.memref_slice %arg10[%dma_start3A_286, %dma_start3A_287] : memref<160x64xi32, #tpu.memory_space<vmem>> -> memref<1x64xi32, #tpu.memory_space<vmem>>
    %dma_start3A_289 = tpu.memref_squeeze %dma_start3A_288 : memref<1x64xi32, #tpu.memory_space<vmem>> -> memref<64xi32, #tpu.memory_space<vmem>>
    %dma_start3A_290 = arith.constant 0 : i32
    %dma_start3A_291 = arith.constant 0 : i32
    %dma_start3A_292 = tpu.memref_slice %arg20[%dma_start3A_290, %dma_start3A_291] : memref<10016x16xf32, #tpu.memory_space<vmem_shared>> -> memref<10016x16xf32, #tpu.memory_space<vmem_shared>>
    tpu.enqueue_indirect_dma source(%arg21 : memref<64x16xf32, #tpu.memory_space<vmem>>) target(%dma_start3A_292 : memref<10016x16xf32, #tpu.memory_space<vmem_shared>>) offsets(%dma_start3A_289 : memref<64xi32, #tpu.memory_space<vmem>>) semaphore(%arg25 : memref<!tpu.dma_semaphore, #tpu.memory_space<semaphore_mem>>) {add = true}
    %dma_start3A_293 = arith.constant 5 : i32
    %dma_start3A_294 = arith.constant 1 : i32
    %dma_start3A_295 = arith.constant 0 : i32
    %dma_start3A_296 = arith.constant 0 : i32
    %dma_start3A_297 = tpu.memref_slice %arg11[%dma_start3A_294, %dma_start3A_295, %dma_start3A_296] : memref<4x64x128xi16, #tpu.memory_space<vmem>> -> memref<1x64x128xi16, #tpu.memory_space<vmem>>
    %dma_start3A_298 = tpu.memref_squeeze %dma_start3A_297 : memref<1x64x128xi16, #tpu.memory_space<vmem>> -> memref<64x128xi16, #tpu.memory_space<vmem>>
    %dma_start3A_299 = arith.constant 0 : i32
    %dma_start3A_300 = tpu.memref_slice %arg9[%dma_start3A_293, %dma_start3A_299] : memref<160x64xi32, #tpu.memory_space<vmem>> -> memref<1x64xi32, #tpu.memory_space<vmem>>
    %dma_start3A_301 = tpu.memref_squeeze %dma_start3A_300 : memref<1x64xi32, #tpu.memory_space<vmem>> -> memref<64xi32, #tpu.memory_space<vmem>>
    %dma_start3A_302 = arith.constant 0 : i32
    %dma_start3A_303 = arith.constant 0 : i32
    %dma_start3A_304 = tpu.memref_slice %arg7[%dma_start3A_302, %dma_start3A_303] : memref<10240x128xi16, #tpu.memory_space<vmem_shared>> -> memref<10240x128xi16, #tpu.memory_space<vmem_shared>>
    tpu.enqueue_indirect_dma source(%dma_start3A_304 : memref<10240x128xi16, #tpu.memory_space<vmem_shared>>) target(%dma_start3A_298 : memref<64x128xi16, #tpu.memory_space<vmem>>) offsets(%dma_start3A_301 : memref<64xi32, #tpu.memory_space<vmem>>) semaphore(%arg13 : memref<!tpu.dma_semaphore, #tpu.memory_space<semaphore_mem>>)
    %scan3A_305 = arith.constant 0 : i32
    %scan3A_306 = arith.constant 38 : i32
    %scan3A_307 = arith.addi %scan3A_305, %scan3A_306 : i32
    %scan3A_308 = arith.constant 1 : i32
    scf.for %scan3A_577 = %scan3A_305 to %scan3A_307 step %scan3A_308  : i32 {
      %mul3A_578 = arith.constant 4 : i32
      %mul3A_579 = arith.muli %scan3A_577, %mul3A_578 : i32
      %add3A_580 = arith.constant 4 : i32
      %add3A_581 = arith.addi %add3A_580, %mul3A_579 : i32
      %add3A_582 = arith.constant 0 : i32
      %add3A_583 = arith.addi %add3A_581, %add3A_582 : i32
      %sub3A_584 = arith.constant 2 : i32
      %sub3A_585 = arith.subi %add3A_583, %sub3A_584 : i32
      %dma_wait3A_586 = arith.constant 2 : i32
      %dma_wait3A_587 = arith.constant 0 : i32
      %dma_wait3A_588 = arith.constant 0 : i32
      %dma_wait3A_589 = tpu.memref_slice %arg11[%dma_wait3A_586, %dma_wait3A_587, %dma_wait3A_588] : memref<4x64x128xi16, #tpu.memory_space<vmem>> -> memref<1x64x128xi16, #tpu.memory_space<vmem>>
      %dma_wait3A_590 = tpu.memref_squeeze %dma_wait3A_589 : memref<1x64x128xi16, #tpu.memory_space<vmem>> -> memref<64x128xi16, #tpu.memory_space<vmem>>
      %dma_wait3A_591 = arith.constant 0 : i32
      %dma_wait3A_592 = tpu.memref_slice %arg10[%sub3A_585, %dma_wait3A_591] : memref<160x64xi32, #tpu.memory_space<vmem>> -> memref<1x64xi32, #tpu.memory_space<vmem>>
      %dma_wait3A_593 = tpu.memref_squeeze %dma_wait3A_592 : memref<1x64xi32, #tpu.memory_space<vmem>> -> memref<64xi32, #tpu.memory_space<vmem>>
      %dma_wait3A_594 = arith.constant 0 : i32
      %dma_wait3A_595 = arith.constant 0 : i32
      %dma_wait3A_596 = tpu.memref_slice %arg8[%dma_wait3A_594, %dma_wait3A_595] : memref<10240x128xi16, #tpu.memory_space<vmem_shared>> -> memref<10240x128xi16, #tpu.memory_space<vmem_shared>>
      tpu.wait_indirect_dma semaphore(%arg18 : memref<!tpu.dma_semaphore, #tpu.memory_space<semaphore_mem>>) src(%dma_wait3A_590 : memref<64x128xi16, #tpu.memory_space<vmem>>) dst(%dma_wait3A_596 : memref<10240x128xi16, #tpu.memory_space<vmem_shared>>)
      %dma_wait3A_597 = arith.constant 0 : i32
      %dma_wait3A_598 = tpu.memref_slice %arg10[%sub3A_585, %dma_wait3A_597] : memref<160x64xi32, #tpu.memory_space<vmem>> -> memref<1x64xi32, #tpu.memory_space<vmem>>
      %dma_wait3A_599 = tpu.memref_squeeze %dma_wait3A_598 : memref<1x64xi32, #tpu.memory_space<vmem>> -> memref<64xi32, #tpu.memory_space<vmem>>
      %dma_wait3A_600 = arith.constant 0 : i32
      %dma_wait3A_601 = arith.constant 0 : i32
      %dma_wait3A_602 = tpu.memref_slice %arg20[%dma_wait3A_600, %dma_wait3A_601] : memref<10016x16xf32, #tpu.memory_space<vmem_shared>> -> memref<10016x16xf32, #tpu.memory_space<vmem_shared>>
      tpu.wait_indirect_dma semaphore(%arg24 : memref<!tpu.dma_semaphore, #tpu.memory_space<semaphore_mem>>) src(%arg21 : memref<64x16xf32, #tpu.memory_space<vmem>>) dst(%dma_wait3A_602 : memref<10016x16xf32, #tpu.memory_space<vmem_shared>>)
      %dma_wait3A_603 = arith.constant 0 : i32
      %dma_wait3A_604 = arith.constant 0 : i32
      %dma_wait3A_605 = arith.constant 0 : i32
      %dma_wait3A_606 = tpu.memref_slice %arg11[%dma_wait3A_603, %dma_wait3A_604, %dma_wait3A_605] : memref<4x64x128xi16, #tpu.memory_space<vmem>> -> memref<1x64x128xi16, #tpu.memory_space<vmem>>
      %dma_wait3A_607 = tpu.memref_squeeze %dma_wait3A_606 : memref<1x64x128xi16, #tpu.memory_space<vmem>> -> memref<64x128xi16, #tpu.memory_space<vmem>>
      %dma_wait3A_608 = arith.constant 0 : i32
      %dma_wait3A_609 = tpu.memref_slice %arg9[%add3A_583, %dma_wait3A_608] : memref<160x64xi32, #tpu.memory_space<vmem>> -> memref<1x64xi32, #tpu.memory_space<vmem>>
      %dma_wait3A_610 = tpu.memref_squeeze %dma_wait3A_609 : memref<1x64xi32, #tpu.memory_space<vmem>> -> memref<64xi32, #tpu.memory_space<vmem>>
      %dma_wait3A_611 = arith.constant 0 : i32
      %dma_wait3A_612 = arith.constant 0 : i32
      %dma_wait3A_613 = tpu.memref_slice %arg7[%dma_wait3A_611, %dma_wait3A_612] : memref<10240x128xi16, #tpu.memory_space<vmem_shared>> -> memref<10240x128xi16, #tpu.memory_space<vmem_shared>>
      tpu.wait_indirect_dma semaphore(%arg12 : memref<!tpu.dma_semaphore, #tpu.memory_space<semaphore_mem>>) src(%dma_wait3A_613 : memref<10240x128xi16, #tpu.memory_space<vmem_shared>>) dst(%dma_wait3A_607 : memref<64x128xi16, #tpu.memory_space<vmem>>)
      %dma_start3A_614 = arith.constant 0 : i32
      %dma_start3A_615 = arith.constant 0 : i32
      %dma_start3A_616 = arith.constant 0 : i32
      %dma_start3A_617 = tpu.memref_slice %arg11[%dma_start3A_614, %dma_start3A_615, %dma_start3A_616] : memref<4x64x128xi16, #tpu.memory_space<vmem>> -> memref<1x64x128xi16, #tpu.memory_space<vmem>>
      %dma_start3A_618 = tpu.memref_squeeze %dma_start3A_617 : memref<1x64x128xi16, #tpu.memory_space<vmem>> -> memref<64x128xi16, #tpu.memory_space<vmem>>
      %dma_start3A_619 = arith.constant 0 : i32
      %dma_start3A_620 = tpu.memref_slice %arg10[%add3A_583, %dma_start3A_619] : memref<160x64xi32, #tpu.memory_space<vmem>> -> memref<1x64xi32, #tpu.memory_space<vmem>>
      %dma_start3A_621 = tpu.memref_squeeze %dma_start3A_620 : memref<1x64xi32, #tpu.memory_space<vmem>> -> memref<64xi32, #tpu.memory_space<vmem>>
      %dma_start3A_622 = arith.constant 0 : i32
      %dma_start3A_623 = arith.constant 0 : i32
      %dma_start3A_624 = tpu.memref_slice %arg8[%dma_start3A_622, %dma_start3A_623] : memref<10240x128xi16, #tpu.memory_space<vmem_shared>> -> memref<10240x128xi16, #tpu.memory_space<vmem_shared>>
      tpu.enqueue_indirect_dma source(%dma_start3A_618 : memref<64x128xi16, #tpu.memory_space<vmem>>) target(%dma_start3A_624 : memref<10240x128xi16, #tpu.memory_space<vmem_shared>>) offsets(%dma_start3A_621 : memref<64xi32, #tpu.memory_space<vmem>>) semaphore(%arg16 : memref<!tpu.dma_semaphore, #tpu.memory_space<semaphore_mem>>) {add = true}
      %dma_start3A_625 = arith.constant 0 : i32
      %dma_start3A_626 = tpu.memref_slice %arg10[%add3A_583, %dma_start3A_625] : memref<160x64xi32, #tpu.memory_space<vmem>> -> memref<1x64xi32, #tpu.memory_space<vmem>>
      %dma_start3A_627 = tpu.memref_squeeze %dma_start3A_626 : memref<1x64xi32, #tpu.memory_space<vmem>> -> memref<64xi32, #tpu.memory_space<vmem>>
      %dma_start3A_628 = arith.constant 0 : i32
      %dma_start3A_629 = arith.constant 0 : i32
      %dma_start3A_630 = tpu.memref_slice %arg20[%dma_start3A_628, %dma_start3A_629] : memref<10016x16xf32, #tpu.memory_space<vmem_shared>> -> memref<10016x16xf32, #tpu.memory_space<vmem_shared>>
      tpu.enqueue_indirect_dma source(%arg21 : memref<64x16xf32, #tpu.memory_space<vmem>>) target(%dma_start3A_630 : memref<10016x16xf32, #tpu.memory_space<vmem_shared>>) offsets(%dma_start3A_627 : memref<64xi32, #tpu.memory_space<vmem>>) semaphore(%arg22 : memref<!tpu.dma_semaphore, #tpu.memory_space<semaphore_mem>>) {add = true}
      %add3A_631 = arith.constant 2 : i32
      %add3A_632 = arith.addi %add3A_583, %add3A_631 : i32
      %dma_start3A_633 = arith.constant 2 : i32
      %dma_start3A_634 = arith.constant 0 : i32
      %dma_start3A_635 = arith.constant 0 : i32
      %dma_start3A_636 = tpu.memref_slice %arg11[%dma_start3A_633, %dma_start3A_634, %dma_start3A_635] : memref<4x64x128xi16, #tpu.memory_space<vmem>> -> memref<1x64x128xi16, #tpu.memory_space<vmem>>
      %dma_start3A_637 = tpu.memref_squeeze %dma_start3A_636 : memref<1x64x128xi16, #tpu.memory_space<vmem>> -> memref<64x128xi16, #tpu.memory_space<vmem>>
      %dma_start3A_638 = arith.constant 0 : i32
      %dma_start3A_639 = tpu.memref_slice %arg9[%add3A_632, %dma_start3A_638] : memref<160x64xi32, #tpu.memory_space<vmem>> -> memref<1x64xi32, #tpu.memory_space<vmem>>
      %dma_start3A_640 = tpu.memref_squeeze %dma_start3A_639 : memref<1x64xi32, #tpu.memory_space<vmem>> -> memref<64xi32, #tpu.memory_space<vmem>>
      %dma_start3A_641 = arith.constant 0 : i32
      %dma_start3A_642 = arith.constant 0 : i32
      %dma_start3A_643 = tpu.memref_slice %arg7[%dma_start3A_641, %dma_start3A_642] : memref<10240x128xi16, #tpu.memory_space<vmem_shared>> -> memref<10240x128xi16, #tpu.memory_space<vmem_shared>>
      tpu.enqueue_indirect_dma source(%dma_start3A_643 : memref<10240x128xi16, #tpu.memory_space<vmem_shared>>) target(%dma_start3A_637 : memref<64x128xi16, #tpu.memory_space<vmem>>) offsets(%dma_start3A_640 : memref<64xi32, #tpu.memory_space<vmem>>) semaphore(%arg14 : memref<!tpu.dma_semaphore, #tpu.memory_space<semaphore_mem>>)
      %add3A_644 = arith.constant 1 : i32
      %add3A_645 = arith.addi %add3A_581, %add3A_644 : i32
      %sub3A_646 = arith.constant 2 : i32
      %sub3A_647 = arith.subi %add3A_645, %sub3A_646 : i32
      %dma_wait3A_648 = arith.constant 3 : i32
      %dma_wait3A_649 = arith.constant 0 : i32
      %dma_wait3A_650 = arith.constant 0 : i32
      %dma_wait3A_651 = tpu.memref_slice %arg11[%dma_wait3A_648, %dma_wait3A_649, %dma_wait3A_650] : memref<4x64x128xi16, #tpu.memory_space<vmem>> -> memref<1x64x128xi16, #tpu.memory_space<vmem>>
      %dma_wait3A_652 = tpu.memref_squeeze %dma_wait3A_651 : memref<1x64x128xi16, #tpu.memory_space<vmem>> -> memref<64x128xi16, #tpu.memory_space<vmem>>
      %dma_wait3A_653 = arith.constant 0 : i32
      %dma_wait3A_654 = tpu.memref_slice %arg10[%sub3A_647, %dma_wait3A_653] : memref<160x64xi32, #tpu.memory_space<vmem>> -> memref<1x64xi32, #tpu.memory_space<vmem>>
      %dma_wait3A_655 = tpu.memref_squeeze %dma_wait3A_654 : memref<1x64xi32, #tpu.memory_space<vmem>> -> memref<64xi32, #tpu.memory_space<vmem>>
      %dma_wait3A_656 = arith.constant 0 : i32
      %dma_wait3A_657 = arith.constant 0 : i32
      %dma_wait3A_658 = tpu.memref_slice %arg8[%dma_wait3A_656, %dma_wait3A_657] : memref<10240x128xi16, #tpu.memory_space<vmem_shared>> -> memref<10240x128xi16, #tpu.memory_space<vmem_shared>>
      tpu.wait_indirect_dma semaphore(%arg19 : memref<!tpu.dma_semaphore, #tpu.memory_space<semaphore_mem>>) src(%dma_wait3A_652 : memref<64x128xi16, #tpu.memory_space<vmem>>) dst(%dma_wait3A_658 : memref<10240x128xi16, #tpu.memory_space<vmem_shared>>)
      %dma_wait3A_659 = arith.constant 0 : i32
      %dma_wait3A_660 = tpu.memref_slice %arg10[%sub3A_647, %dma_wait3A_659] : memref<160x64xi32, #tpu.memory_space<vmem>> -> memref<1x64xi32, #tpu.memory_space<vmem>>
      %dma_wait3A_661 = tpu.memref_squeeze %dma_wait3A_660 : memref<1x64xi32, #tpu.memory_space<vmem>> -> memref<64xi32, #tpu.memory_space<vmem>>
      %dma_wait3A_662 = arith.constant 0 : i32
      %dma_wait3A_663 = arith.constant 0 : i32
      %dma_wait3A_664 = tpu.memref_slice %arg20[%dma_wait3A_662, %dma_wait3A_663] : memref<10016x16xf32, #tpu.memory_space<vmem_shared>> -> memref<10016x16xf32, #tpu.memory_space<vmem_shared>>
      tpu.wait_indirect_dma semaphore(%arg25 : memref<!tpu.dma_semaphore, #tpu.memory_space<semaphore_mem>>) src(%arg21 : memref<64x16xf32, #tpu.memory_space<vmem>>) dst(%dma_wait3A_664 : memref<10016x16xf32, #tpu.memory_space<vmem_shared>>)
      %dma_wait3A_665 = arith.constant 1 : i32
      %dma_wait3A_666 = arith.constant 0 : i32
      %dma_wait3A_667 = arith.constant 0 : i32
      %dma_wait3A_668 = tpu.memref_slice %arg11[%dma_wait3A_665, %dma_wait3A_666, %dma_wait3A_667] : memref<4x64x128xi16, #tpu.memory_space<vmem>> -> memref<1x64x128xi16, #tpu.memory_space<vmem>>
      %dma_wait3A_669 = tpu.memref_squeeze %dma_wait3A_668 : memref<1x64x128xi16, #tpu.memory_space<vmem>> -> memref<64x128xi16, #tpu.memory_space<vmem>>
      %dma_wait3A_670 = arith.constant 0 : i32
      %dma_wait3A_671 = tpu.memref_slice %arg9[%add3A_645, %dma_wait3A_670] : memref<160x64xi32, #tpu.memory_space<vmem>> -> memref<1x64xi32, #tpu.memory_space<vmem>>
      %dma_wait3A_672 = tpu.memref_squeeze %dma_wait3A_671 : memref<1x64xi32, #tpu.memory_space<vmem>> -> memref<64xi32, #tpu.memory_space<vmem>>
      %dma_wait3A_673 = arith.constant 0 : i32
      %dma_wait3A_674 = arith.constant 0 : i32
      %dma_wait3A_675 = tpu.memref_slice %arg7[%dma_wait3A_673, %dma_wait3A_674] : memref<10240x128xi16, #tpu.memory_space<vmem_shared>> -> memref<10240x128xi16, #tpu.memory_space<vmem_shared>>
      tpu.wait_indirect_dma semaphore(%arg13 : memref<!tpu.dma_semaphore, #tpu.memory_space<semaphore_mem>>) src(%dma_wait3A_675 : memref<10240x128xi16, #tpu.memory_space<vmem_shared>>) dst(%dma_wait3A_669 : memref<64x128xi16, #tpu.memory_space<vmem>>)
      %dma_start3A_676 = arith.constant 1 : i32
      %dma_start3A_677 = arith.constant 0 : i32
      %dma_start3A_678 = arith.constant 0 : i32
      %dma_start3A_679 = tpu.memref_slice %arg11[%dma_start3A_676, %dma_start3A_677, %dma_start3A_678] : memref<4x64x128xi16, #tpu.memory_space<vmem>> -> memref<1x64x128xi16, #tpu.memory_space<vmem>>
      %dma_start3A_680 = tpu.memref_squeeze %dma_start3A_679 : memref<1x64x128xi16, #tpu.memory_space<vmem>> -> memref<64x128xi16, #tpu.memory_space<vmem>>
      %dma_start3A_681 = arith.constant 0 : i32
      %dma_start3A_682 = tpu.memref_slice %arg10[%add3A_645, %dma_start3A_681] : memref<160x64xi32, #tpu.memory_space<vmem>> -> memref<1x64xi32, #tpu.memory_space<vmem>>
      %dma_start3A_683 = tpu.memref_squeeze %dma_start3A_682 : memref<1x64xi32, #tpu.memory_space<vmem>> -> memref<64xi32, #tpu.memory_space<vmem>>
      %dma_start3A_684 = arith.constant 0 : i32
      %dma_start3A_685 = arith.constant 0 : i32
      %dma_start3A_686 = tpu.memref_slice %arg8[%dma_start3A_684, %dma_start3A_685] : memref<10240x128xi16, #tpu.memory_space<vmem_shared>> -> memref<10240x128xi16, #tpu.memory_space<vmem_shared>>
      tpu.enqueue_indirect_dma source(%dma_start3A_680 : memref<64x128xi16, #tpu.memory_space<vmem>>) target(%dma_start3A_686 : memref<10240x128xi16, #tpu.memory_space<vmem_shared>>) offsets(%dma_start3A_683 : memref<64xi32, #tpu.memory_space<vmem>>) semaphore(%arg17 : memref<!tpu.dma_semaphore, #tpu.memory_space<semaphore_mem>>) {add = true}
      %dma_start3A_687 = arith.constant 0 : i32
      %dma_start3A_688 = tpu.memref_slice %arg10[%add3A_645, %dma_start3A_687] : memref<160x64xi32, #tpu.memory_space<vmem>> -> memref<1x64xi32, #tpu.memory_space<vmem>>
      %dma_start3A_689 = tpu.memref_squeeze %dma_start3A_688 : memref<1x64xi32, #tpu.memory_space<vmem>> -> memref<64xi32, #tpu.memory_space<vmem>>
      %dma_start3A_690 = arith.constant 0 : i32
      %dma_start3A_691 = arith.constant 0 : i32
      %dma_start3A_692 = tpu.memref_slice %arg20[%dma_start3A_690, %dma_start3A_691] : memref<10016x16xf32, #tpu.memory_space<vmem_shared>> -> memref<10016x16xf32, #tpu.memory_space<vmem_shared>>
      tpu.enqueue_indirect_dma source(%arg21 : memref<64x16xf32, #tpu.memory_space<vmem>>) target(%dma_start3A_692 : memref<10016x16xf32, #tpu.memory_space<vmem_shared>>) offsets(%dma_start3A_689 : memref<64xi32, #tpu.memory_space<vmem>>) semaphore(%arg23 : memref<!tpu.dma_semaphore, #tpu.memory_space<semaphore_mem>>) {add = true}
      %add3A_693 = arith.constant 2 : i32
      %add3A_694 = arith.addi %add3A_645, %add3A_693 : i32
      %dma_start3A_695 = arith.constant 3 : i32
      %dma_start3A_696 = arith.constant 0 : i32
      %dma_start3A_697 = arith.constant 0 : i32
      %dma_start3A_698 = tpu.memref_slice %arg11[%dma_start3A_695, %dma_start3A_696, %dma_start3A_697] : memref<4x64x128xi16, #tpu.memory_space<vmem>> -> memref<1x64x128xi16, #tpu.memory_space<vmem>>
      %dma_start3A_699 = tpu.memref_squeeze %dma_start3A_698 : memref<1x64x128xi16, #tpu.memory_space<vmem>> -> memref<64x128xi16, #tpu.memory_space<vmem>>
      %dma_start3A_700 = arith.constant 0 : i32
      %dma_start3A_701 = tpu.memref_slice %arg9[%add3A_694, %dma_start3A_700] : memref<160x64xi32, #tpu.memory_space<vmem>> -> memref<1x64xi32, #tpu.memory_space<vmem>>
      %dma_start3A_702 = tpu.memref_squeeze %dma_start3A_701 : memref<1x64xi32, #tpu.memory_space<vmem>> -> memref<64xi32, #tpu.memory_space<vmem>>
      %dma_start3A_703 = arith.constant 0 : i32
      %dma_start3A_704 = arith.constant 0 : i32
      %dma_start3A_705 = tpu.memref_slice %arg7[%dma_start3A_703, %dma_start3A_704] : memref<10240x128xi16, #tpu.memory_space<vmem_shared>> -> memref<10240x128xi16, #tpu.memory_space<vmem_shared>>
      tpu.enqueue_indirect_dma source(%dma_start3A_705 : memref<10240x128xi16, #tpu.memory_space<vmem_shared>>) target(%dma_start3A_699 : memref<64x128xi16, #tpu.memory_space<vmem>>) offsets(%dma_start3A_702 : memref<64xi32, #tpu.memory_space<vmem>>) semaphore(%arg15 : memref<!tpu.dma_semaphore, #tpu.memory_space<semaphore_mem>>)
      %add3A_706 = arith.constant 2 : i32
      %add3A_707 = arith.addi %add3A_581, %add3A_706 : i32
      %sub3A_708 = arith.constant 2 : i32
      %sub3A_709 = arith.subi %add3A_707, %sub3A_708 : i32
      %dma_wait3A_710 = arith.constant 0 : i32
      %dma_wait3A_711 = arith.constant 0 : i32
      %dma_wait3A_712 = arith.constant 0 : i32
      %dma_wait3A_713 = tpu.memref_slice %arg11[%dma_wait3A_710, %dma_wait3A_711, %dma_wait3A_712] : memref<4x64x128xi16, #tpu.memory_space<vmem>> -> memref<1x64x128xi16, #tpu.memory_space<vmem>>
      %dma_wait3A_714 = tpu.memref_squeeze %dma_wait3A_713 : memref<1x64x128xi16, #tpu.memory_space<vmem>> -> memref<64x128xi16, #tpu.memory_space<vmem>>
      %dma_wait3A_715 = arith.constant 0 : i32
      %dma_wait3A_716 = tpu.memref_slice %arg10[%sub3A_709, %dma_wait3A_715] : memref<160x64xi32, #tpu.memory_space<vmem>> -> memref<1x64xi32, #tpu.memory_space<vmem>>
      %dma_wait3A_717 = tpu.memref_squeeze %dma_wait3A_716 : memref<1x64xi32, #tpu.memory_space<vmem>> -> memref<64xi32, #tpu.memory_space<vmem>>
      %dma_wait3A_718 = arith.constant 0 : i32
      %dma_wait3A_719 = arith.constant 0 : i32
      %dma_wait3A_720 = tpu.memref_slice %arg8[%dma_wait3A_718, %dma_wait3A_719] : memref<10240x128xi16, #tpu.memory_space<vmem_shared>> -> memref<10240x128xi16, #tpu.memory_space<vmem_shared>>
      tpu.wait_indirect_dma semaphore(%arg16 : memref<!tpu.dma_semaphore, #tpu.memory_space<semaphore_mem>>) src(%dma_wait3A_714 : memref<64x128xi16, #tpu.memory_space<vmem>>) dst(%dma_wait3A_720 : memref<10240x128xi16, #tpu.memory_space<vmem_shared>>)
      %dma_wait3A_721 = arith.constant 0 : i32
      %dma_wait3A_722 = tpu.memref_slice %arg10[%sub3A_709, %dma_wait3A_721] : memref<160x64xi32, #tpu.memory_space<vmem>> -> memref<1x64xi32, #tpu.memory_space<vmem>>
      %dma_wait3A_723 = tpu.memref_squeeze %dma_wait3A_722 : memref<1x64xi32, #tpu.memory_space<vmem>> -> memref<64xi32, #tpu.memory_space<vmem>>
      %dma_wait3A_724 = arith.constant 0 : i32
      %dma_wait3A_725 = arith.constant 0 : i32
      %dma_wait3A_726 = tpu.memref_slice %arg20[%dma_wait3A_724, %dma_wait3A_725] : memref<10016x16xf32, #tpu.memory_space<vmem_shared>> -> memref<10016x16xf32, #tpu.memory_space<vmem_shared>>
      tpu.wait_indirect_dma semaphore(%arg22 : memref<!tpu.dma_semaphore, #tpu.memory_space<semaphore_mem>>) src(%arg21 : memref<64x16xf32, #tpu.memory_space<vmem>>) dst(%dma_wait3A_726 : memref<10016x16xf32, #tpu.memory_space<vmem_shared>>)
      %dma_wait3A_727 = arith.constant 2 : i32
      %dma_wait3A_728 = arith.constant 0 : i32
      %dma_wait3A_729 = arith.constant 0 : i32
      %dma_wait3A_730 = tpu.memref_slice %arg11[%dma_wait3A_727, %dma_wait3A_728, %dma_wait3A_729] : memref<4x64x128xi16, #tpu.memory_space<vmem>> -> memref<1x64x128xi16, #tpu.memory_space<vmem>>
      %dma_wait3A_731 = tpu.memref_squeeze %dma_wait3A_730 : memref<1x64x128xi16, #tpu.memory_space<vmem>> -> memref<64x128xi16, #tpu.memory_space<vmem>>
      %dma_wait3A_732 = arith.constant 0 : i32
      %dma_wait3A_733 = tpu.memref_slice %arg9[%add3A_707, %dma_wait3A_732] : memref<160x64xi32, #tpu.memory_space<vmem>> -> memref<1x64xi32, #tpu.memory_space<vmem>>
      %dma_wait3A_734 = tpu.memref_squeeze %dma_wait3A_733 : memref<1x64xi32, #tpu.memory_space<vmem>> -> memref<64xi32, #tpu.memory_space<vmem>>
      %dma_wait3A_735 = arith.constant 0 : i32
      %dma_wait3A_736 = arith.constant 0 : i32
      %dma_wait3A_737 = tpu.memref_slice %arg7[%dma_wait3A_735, %dma_wait3A_736] : memref<10240x128xi16, #tpu.memory_space<vmem_shared>> -> memref<10240x128xi16, #tpu.memory_space<vmem_shared>>
      tpu.wait_indirect_dma semaphore(%arg14 : memref<!tpu.dma_semaphore, #tpu.memory_space<semaphore_mem>>) src(%dma_wait3A_737 : memref<10240x128xi16, #tpu.memory_space<vmem_shared>>) dst(%dma_wait3A_731 : memref<64x128xi16, #tpu.memory_space<vmem>>)
      %dma_start3A_738 = arith.constant 2 : i32
      %dma_start3A_739 = arith.constant 0 : i32
      %dma_start3A_740 = arith.constant 0 : i32
      %dma_start3A_741 = tpu.memref_slice %arg11[%dma_start3A_738, %dma_start3A_739, %dma_start3A_740] : memref<4x64x128xi16, #tpu.memory_space<vmem>> -> memref<1x64x128xi16, #tpu.memory_space<vmem>>
      %dma_start3A_742 = tpu.memref_squeeze %dma_start3A_741 : memref<1x64x128xi16, #tpu.memory_space<vmem>> -> memref<64x128xi16, #tpu.memory_space<vmem>>
      %dma_start3A_743 = arith.constant 0 : i32
      %dma_start3A_744 = tpu.memref_slice %arg10[%add3A_707, %dma_start3A_743] : memref<160x64xi32, #tpu.memory_space<vmem>> -> memref<1x64xi32, #tpu.memory_space<vmem>>
      %dma_start3A_745 = tpu.memref_squeeze %dma_start3A_744 : memref<1x64xi32, #tpu.memory_space<vmem>> -> memref<64xi32, #tpu.memory_space<vmem>>
      %dma_start3A_746 = arith.constant 0 : i32
      %dma_start3A_747 = arith.constant 0 : i32
      %dma_start3A_748 = tpu.memref_slice %arg8[%dma_start3A_746, %dma_start3A_747] : memref<10240x128xi16, #tpu.memory_space<vmem_shared>> -> memref<10240x128xi16, #tpu.memory_space<vmem_shared>>
      tpu.enqueue_indirect_dma source(%dma_start3A_742 : memref<64x128xi16, #tpu.memory_space<vmem>>) target(%dma_start3A_748 : memref<10240x128xi16, #tpu.memory_space<vmem_shared>>) offsets(%dma_start3A_745 : memref<64xi32, #tpu.memory_space<vmem>>) semaphore(%arg18 : memref<!tpu.dma_semaphore, #tpu.memory_space<semaphore_mem>>) {add = true}
      %dma_start3A_749 = arith.constant 0 : i32
      %dma_start3A_750 = tpu.memref_slice %arg10[%add3A_707, %dma_start3A_749] : memref<160x64xi32, #tpu.memory_space<vmem>> -> memref<1x64xi32, #tpu.memory_space<vmem>>
      %dma_start3A_751 = tpu.memref_squeeze %dma_start3A_750 : memref<1x64xi32, #tpu.memory_space<vmem>> -> memref<64xi32, #tpu.memory_space<vmem>>
      %dma_start3A_752 = arith.constant 0 : i32
      %dma_start3A_753 = arith.constant 0 : i32
      %dma_start3A_754 = tpu.memref_slice %arg20[%dma_start3A_752, %dma_start3A_753] : memref<10016x16xf32, #tpu.memory_space<vmem_shared>> -> memref<10016x16xf32, #tpu.memory_space<vmem_shared>>
      tpu.enqueue_indirect_dma source(%arg21 : memref<64x16xf32, #tpu.memory_space<vmem>>) target(%dma_start3A_754 : memref<10016x16xf32, #tpu.memory_space<vmem_shared>>) offsets(%dma_start3A_751 : memref<64xi32, #tpu.memory_space<vmem>>) semaphore(%arg24 : memref<!tpu.dma_semaphore, #tpu.memory_space<semaphore_mem>>) {add = true}
      %add3A_755 = arith.constant 2 : i32
      %add3A_756 = arith.addi %add3A_707, %add3A_755 : i32
      %dma_start3A_757 = arith.constant 0 : i32
      %dma_start3A_758 = arith.constant 0 : i32
      %dma_start3A_759 = arith.constant 0 : i32
      %dma_start3A_760 = tpu.memref_slice %arg11[%dma_start3A_757, %dma_start3A_758, %dma_start3A_759] : memref<4x64x128xi16, #tpu.memory_space<vmem>> -> memref<1x64x128xi16, #tpu.memory_space<vmem>>
      %dma_start3A_761 = tpu.memref_squeeze %dma_start3A_760 : memref<1x64x128xi16, #tpu.memory_space<vmem>> -> memref<64x128xi16, #tpu.memory_space<vmem>>
      %dma_start3A_762 = arith.constant 0 : i32
      %dma_start3A_763 = tpu.memref_slice %arg9[%add3A_756, %dma_start3A_762] : memref<160x64xi32, #tpu.memory_space<vmem>> -> memref<1x64xi32, #tpu.memory_space<vmem>>
      %dma_start3A_764 = tpu.memref_squeeze %dma_start3A_763 : memref<1x64xi32, #tpu.memory_space<vmem>> -> memref<64xi32, #tpu.memory_space<vmem>>
      %dma_start3A_765 = arith.constant 0 : i32
      %dma_start3A_766 = arith.constant 0 : i32
      %dma_start3A_767 = tpu.memref_slice %arg7[%dma_start3A_765, %dma_start3A_766] : memref<10240x128xi16, #tpu.memory_space<vmem_shared>> -> memref<10240x128xi16, #tpu.memory_space<vmem_shared>>
      tpu.enqueue_indirect_dma source(%dma_start3A_767 : memref<10240x128xi16, #tpu.memory_space<vmem_shared>>) target(%dma_start3A_761 : memref<64x128xi16, #tpu.memory_space<vmem>>) offsets(%dma_start3A_764 : memref<64xi32, #tpu.memory_space<vmem>>) semaphore(%arg12 : memref<!tpu.dma_semaphore, #tpu.memory_space<semaphore_mem>>)
      %add3A_768 = arith.constant 3 : i32
      %add3A_769 = arith.addi %add3A_581, %add3A_768 : i32
      %sub3A_770 = arith.constant 2 : i32
      %sub3A_771 = arith.subi %add3A_769, %sub3A_770 : i32
      %dma_wait3A_772 = arith.constant 1 : i32
      %dma_wait3A_773 = arith.constant 0 : i32
      %dma_wait3A_774 = arith.constant 0 : i32
      %dma_wait3A_775 = tpu.memref_slice %arg11[%dma_wait3A_772, %dma_wait3A_773, %dma_wait3A_774] : memref<4x64x128xi16, #tpu.memory_space<vmem>> -> memref<1x64x128xi16, #tpu.memory_space<vmem>>
      %dma_wait3A_776 = tpu.memref_squeeze %dma_wait3A_775 : memref<1x64x128xi16, #tpu.memory_space<vmem>> -> memref<64x128xi16, #tpu.memory_space<vmem>>
      %dma_wait3A_777 = arith.constant 0 : i32
      %dma_wait3A_778 = tpu.memref_slice %arg10[%sub3A_771, %dma_wait3A_777] : memref<160x64xi32, #tpu.memory_space<vmem>> -> memref<1x64xi32, #tpu.memory_space<vmem>>
      %dma_wait3A_779 = tpu.memref_squeeze %dma_wait3A_778 : memref<1x64xi32, #tpu.memory_space<vmem>> -> memref<64xi32, #tpu.memory_space<vmem>>
      %dma_wait3A_780 = arith.constant 0 : i32
      %dma_wait3A_781 = arith.constant 0 : i32
      %dma_wait3A_782 = tpu.memref_slice %arg8[%dma_wait3A_780, %dma_wait3A_781] : memref<10240x128xi16, #tpu.memory_space<vmem_shared>> -> memref<10240x128xi16, #tpu.memory_space<vmem_shared>>
      tpu.wait_indirect_dma semaphore(%arg17 : memref<!tpu.dma_semaphore, #tpu.memory_space<semaphore_mem>>) src(%dma_wait3A_776 : memref<64x128xi16, #tpu.memory_space<vmem>>) dst(%dma_wait3A_782 : memref<10240x128xi16, #tpu.memory_space<vmem_shared>>)
      %dma_wait3A_783 = arith.constant 0 : i32
      %dma_wait3A_784 = tpu.memref_slice %arg10[%sub3A_771, %dma_wait3A_783] : memref<160x64xi32, #tpu.memory_space<vmem>> -> memref<1x64xi32, #tpu.memory_space<vmem>>
      %dma_wait3A_785 = tpu.memref_squeeze %dma_wait3A_784 : memref<1x64xi32, #tpu.memory_space<vmem>> -> memref<64xi32, #tpu.memory_space<vmem>>
      %dma_wait3A_786 = arith.constant 0 : i32
      %dma_wait3A_787 = arith.constant 0 : i32
      %dma_wait3A_788 = tpu.memref_slice %arg20[%dma_wait3A_786, %dma_wait3A_787] : memref<10016x16xf32, #tpu.memory_space<vmem_shared>> -> memref<10016x16xf32, #tpu.memory_space<vmem_shared>>
      tpu.wait_indirect_dma semaphore(%arg23 : memref<!tpu.dma_semaphore, #tpu.memory_space<semaphore_mem>>) src(%arg21 : memref<64x16xf32, #tpu.memory_space<vmem>>) dst(%dma_wait3A_788 : memref<10016x16xf32, #tpu.memory_space<vmem_shared>>)
      %dma_wait3A_789 = arith.constant 3 : i32
      %dma_wait3A_790 = arith.constant 0 : i32
      %dma_wait3A_791 = arith.constant 0 : i32
      %dma_wait3A_792 = tpu.memref_slice %arg11[%dma_wait3A_789, %dma_wait3A_790, %dma_wait3A_791] : memref<4x64x128xi16, #tpu.memory_space<vmem>> -> memref<1x64x128xi16, #tpu.memory_space<vmem>>
      %dma_wait3A_793 = tpu.memref_squeeze %dma_wait3A_792 : memref<1x64x128xi16, #tpu.memory_space<vmem>> -> memref<64x128xi16, #tpu.memory_space<vmem>>
      %dma_wait3A_794 = arith.constant 0 : i32
      %dma_wait3A_795 = tpu.memref_slice %arg9[%add3A_769, %dma_wait3A_794] : memref<160x64xi32, #tpu.memory_space<vmem>> -> memref<1x64xi32, #tpu.memory_space<vmem>>
      %dma_wait3A_796 = tpu.memref_squeeze %dma_wait3A_795 : memref<1x64xi32, #tpu.memory_space<vmem>> -> memref<64xi32, #tpu.memory_space<vmem>>
      %dma_wait3A_797 = arith.constant 0 : i32
      %dma_wait3A_798 = arith.constant 0 : i32
      %dma_wait3A_799 = tpu.memref_slice %arg7[%dma_wait3A_797, %dma_wait3A_798] : memref<10240x128xi16, #tpu.memory_space<vmem_shared>> -> memref<10240x128xi16, #tpu.memory_space<vmem_shared>>
      tpu.wait_indirect_dma semaphore(%arg15 : memref<!tpu.dma_semaphore, #tpu.memory_space<semaphore_mem>>) src(%dma_wait3A_799 : memref<10240x128xi16, #tpu.memory_space<vmem_shared>>) dst(%dma_wait3A_793 : memref<64x128xi16, #tpu.memory_space<vmem>>)
      %dma_start3A_800 = arith.constant 3 : i32
      %dma_start3A_801 = arith.constant 0 : i32
      %dma_start3A_802 = arith.constant 0 : i32
      %dma_start3A_803 = tpu.memref_slice %arg11[%dma_start3A_800, %dma_start3A_801, %dma_start3A_802] : memref<4x64x128xi16, #tpu.memory_space<vmem>> -> memref<1x64x128xi16, #tpu.memory_space<vmem>>
      %dma_start3A_804 = tpu.memref_squeeze %dma_start3A_803 : memref<1x64x128xi16, #tpu.memory_space<vmem>> -> memref<64x128xi16, #tpu.memory_space<vmem>>
      %dma_start3A_805 = arith.constant 0 : i32
      %dma_start3A_806 = tpu.memref_slice %arg10[%add3A_769, %dma_start3A_805] : memref<160x64xi32, #tpu.memory_space<vmem>> -> memref<1x64xi32, #tpu.memory_space<vmem>>
      %dma_start3A_807 = tpu.memref_squeeze %dma_start3A_806 : memref<1x64xi32, #tpu.memory_space<vmem>> -> memref<64xi32, #tpu.memory_space<vmem>>
      %dma_start3A_808 = arith.constant 0 : i32
      %dma_start3A_809 = arith.constant 0 : i32
      %dma_start3A_810 = tpu.memref_slice %arg8[%dma_start3A_808, %dma_start3A_809] : memref<10240x128xi16, #tpu.memory_space<vmem_shared>> -> memref<10240x128xi16, #tpu.memory_space<vmem_shared>>
      tpu.enqueue_indirect_dma source(%dma_start3A_804 : memref<64x128xi16, #tpu.memory_space<vmem>>) target(%dma_start3A_810 : memref<10240x128xi16, #tpu.memory_space<vmem_shared>>) offsets(%dma_start3A_807 : memref<64xi32, #tpu.memory_space<vmem>>) semaphore(%arg19 : memref<!tpu.dma_semaphore, #tpu.memory_space<semaphore_mem>>) {add = true}
      %dma_start3A_811 = arith.constant 0 : i32
      %dma_start3A_812 = tpu.memref_slice %arg10[%add3A_769, %dma_start3A_811] : memref<160x64xi32, #tpu.memory_space<vmem>> -> memref<1x64xi32, #tpu.memory_space<vmem>>
      %dma_start3A_813 = tpu.memref_squeeze %dma_start3A_812 : memref<1x64xi32, #tpu.memory_space<vmem>> -> memref<64xi32, #tpu.memory_space<vmem>>
      %dma_start3A_814 = arith.constant 0 : i32
      %dma_start3A_815 = arith.constant 0 : i32
      %dma_start3A_816 = tpu.memref_slice %arg20[%dma_start3A_814, %dma_start3A_815] : memref<10016x16xf32, #tpu.memory_space<vmem_shared>> -> memref<10016x16xf32, #tpu.memory_space<vmem_shared>>
      tpu.enqueue_indirect_dma source(%arg21 : memref<64x16xf32, #tpu.memory_space<vmem>>) target(%dma_start3A_816 : memref<10016x16xf32, #tpu.memory_space<vmem_shared>>) offsets(%dma_start3A_813 : memref<64xi32, #tpu.memory_space<vmem>>) semaphore(%arg25 : memref<!tpu.dma_semaphore, #tpu.memory_space<semaphore_mem>>) {add = true}
      %add3A_817 = arith.constant 2 : i32
      %add3A_818 = arith.addi %add3A_769, %add3A_817 : i32
      %dma_start3A_819 = arith.constant 1 : i32
      %dma_start3A_820 = arith.constant 0 : i32
      %dma_start3A_821 = arith.constant 0 : i32
      %dma_start3A_822 = tpu.memref_slice %arg11[%dma_start3A_819, %dma_start3A_820, %dma_start3A_821] : memref<4x64x128xi16, #tpu.memory_space<vmem>> -> memref<1x64x128xi16, #tpu.memory_space<vmem>>
      %dma_start3A_823 = tpu.memref_squeeze %dma_start3A_822 : memref<1x64x128xi16, #tpu.memory_space<vmem>> -> memref<64x128xi16, #tpu.memory_space<vmem>>
      %dma_start3A_824 = arith.constant 0 : i32
      %dma_start3A_825 = tpu.memref_slice %arg9[%add3A_818, %dma_start3A_824] : memref<160x64xi32, #tpu.memory_space<vmem>> -> memref<1x64xi32, #tpu.memory_space<vmem>>
      %dma_start3A_826 = tpu.memref_squeeze %dma_start3A_825 : memref<1x64xi32, #tpu.memory_space<vmem>> -> memref<64xi32, #tpu.memory_space<vmem>>
      %dma_start3A_827 = arith.constant 0 : i32
      %dma_start3A_828 = arith.constant 0 : i32
      %dma_start3A_829 = tpu.memref_slice %arg7[%dma_start3A_827, %dma_start3A_828] : memref<10240x128xi16, #tpu.memory_space<vmem_shared>> -> memref<10240x128xi16, #tpu.memory_space<vmem_shared>>
      tpu.enqueue_indirect_dma source(%dma_start3A_829 : memref<10240x128xi16, #tpu.memory_space<vmem_shared>>) target(%dma_start3A_823 : memref<64x128xi16, #tpu.memory_space<vmem>>) offsets(%dma_start3A_826 : memref<64xi32, #tpu.memory_space<vmem>>) semaphore(%arg13 : memref<!tpu.dma_semaphore, #tpu.memory_space<semaphore_mem>>)
    }
    %scan3A_309 = arith.constant 38 : i32
    %dma_wait3A_310 = arith.constant 2 : i32
    %dma_wait3A_311 = arith.constant 154 : i32
    %dma_wait3A_312 = arith.constant 0 : i32
    %dma_wait3A_313 = arith.constant 0 : i32
    %dma_wait3A_314 = tpu.memref_slice %arg11[%dma_wait3A_310, %dma_wait3A_312, %dma_wait3A_313] : memref<4x64x128xi16, #tpu.memory_space<vmem>> -> memref<1x64x128xi16, #tpu.memory_space<vmem>>
    %dma_wait3A_315 = tpu.memref_squeeze %dma_wait3A_314 : memref<1x64x128xi16, #tpu.memory_space<vmem>> -> memref<64x128xi16, #tpu.memory_space<vmem>>
    %dma_wait3A_316 = arith.constant 0 : i32
    %dma_wait3A_317 = tpu.memref_slice %arg10[%dma_wait3A_311, %dma_wait3A_316] : memref<160x64xi32, #tpu.memory_space<vmem>> -> memref<1x64xi32, #tpu.memory_space<vmem>>
    %dma_wait3A_318 = tpu.memref_squeeze %dma_wait3A_317 : memref<1x64xi32, #tpu.memory_space<vmem>> -> memref<64xi32, #tpu.memory_space<vmem>>
    %dma_wait3A_319 = arith.constant 0 : i32
    %dma_wait3A_320 = arith.constant 0 : i32
    %dma_wait3A_321 = tpu.memref_slice %arg8[%dma_wait3A_319, %dma_wait3A_320] : memref<10240x128xi16, #tpu.memory_space<vmem_shared>> -> memref<10240x128xi16, #tpu.memory_space<vmem_shared>>
    tpu.wait_indirect_dma semaphore(%arg18 : memref<!tpu.dma_semaphore, #tpu.memory_space<semaphore_mem>>) src(%dma_wait3A_315 : memref<64x128xi16, #tpu.memory_space<vmem>>) dst(%dma_wait3A_321 : memref<10240x128xi16, #tpu.memory_space<vmem_shared>>)
    %dma_wait3A_322 = arith.constant 154 : i32
    %dma_wait3A_323 = arith.constant 0 : i32
    %dma_wait3A_324 = tpu.memref_slice %arg10[%dma_wait3A_322, %dma_wait3A_323] : memref<160x64xi32, #tpu.memory_space<vmem>> -> memref<1x64xi32, #tpu.memory_space<vmem>>
    %dma_wait3A_325 = tpu.memref_squeeze %dma_wait3A_324 : memref<1x64xi32, #tpu.memory_space<vmem>> -> memref<64xi32, #tpu.memory_space<vmem>>
    %dma_wait3A_326 = arith.constant 0 : i32
    %dma_wait3A_327 = arith.constant 0 : i32
    %dma_wait3A_328 = tpu.memref_slice %arg20[%dma_wait3A_326, %dma_wait3A_327] : memref<10016x16xf32, #tpu.memory_space<vmem_shared>> -> memref<10016x16xf32, #tpu.memory_space<vmem_shared>>
    tpu.wait_indirect_dma semaphore(%arg24 : memref<!tpu.dma_semaphore, #tpu.memory_space<semaphore_mem>>) src(%arg21 : memref<64x16xf32, #tpu.memory_space<vmem>>) dst(%dma_wait3A_328 : memref<10016x16xf32, #tpu.memory_space<vmem_shared>>)
    %dma_start3A_329 = arith.constant 158 : i32
    %dma_start3A_330 = arith.constant 2 : i32
    %dma_start3A_331 = arith.constant 0 : i32
    %dma_start3A_332 = arith.constant 0 : i32
    %dma_start3A_333 = tpu.memref_slice %arg11[%dma_start3A_330, %dma_start3A_331, %dma_start3A_332] : memref<4x64x128xi16, #tpu.memory_space<vmem>> -> memref<1x64x128xi16, #tpu.memory_space<vmem>>
    %dma_start3A_334 = tpu.memref_squeeze %dma_start3A_333 : memref<1x64x128xi16, #tpu.memory_space<vmem>> -> memref<64x128xi16, #tpu.memory_space<vmem>>
    %dma_start3A_335 = arith.constant 0 : i32
    %dma_start3A_336 = tpu.memref_slice %arg9[%dma_start3A_329, %dma_start3A_335] : memref<160x64xi32, #tpu.memory_space<vmem>> -> memref<1x64xi32, #tpu.memory_space<vmem>>
    %dma_start3A_337 = tpu.memref_squeeze %dma_start3A_336 : memref<1x64xi32, #tpu.memory_space<vmem>> -> memref<64xi32, #tpu.memory_space<vmem>>
    %dma_start3A_338 = arith.constant 0 : i32
    %dma_start3A_339 = arith.constant 0 : i32
    %dma_start3A_340 = tpu.memref_slice %arg7[%dma_start3A_338, %dma_start3A_339] : memref<10240x128xi16, #tpu.memory_space<vmem_shared>> -> memref<10240x128xi16, #tpu.memory_space<vmem_shared>>
    tpu.enqueue_indirect_dma source(%dma_start3A_340 : memref<10240x128xi16, #tpu.memory_space<vmem_shared>>) target(%dma_start3A_334 : memref<64x128xi16, #tpu.memory_space<vmem>>) offsets(%dma_start3A_337 : memref<64xi32, #tpu.memory_space<vmem>>) semaphore(%arg14 : memref<!tpu.dma_semaphore, #tpu.memory_space<semaphore_mem>>)
    %dma_wait3A_341 = arith.constant 156 : i32
    %dma_wait3A_342 = arith.constant 0 : i32
    %dma_wait3A_343 = arith.constant 0 : i32
    %dma_wait3A_344 = arith.constant 0 : i32
    %dma_wait3A_345 = tpu.memref_slice %arg11[%dma_wait3A_342, %dma_wait3A_343, %dma_wait3A_344] : memref<4x64x128xi16, #tpu.memory_space<vmem>> -> memref<1x64x128xi16, #tpu.memory_space<vmem>>
    %dma_wait3A_346 = tpu.memref_squeeze %dma_wait3A_345 : memref<1x64x128xi16, #tpu.memory_space<vmem>> -> memref<64x128xi16, #tpu.memory_space<vmem>>
    %dma_wait3A_347 = arith.constant 0 : i32
    %dma_wait3A_348 = tpu.memref_slice %arg9[%dma_wait3A_341, %dma_wait3A_347] : memref<160x64xi32, #tpu.memory_space<vmem>> -> memref<1x64xi32, #tpu.memory_space<vmem>>
    %dma_wait3A_349 = tpu.memref_squeeze %dma_wait3A_348 : memref<1x64xi32, #tpu.memory_space<vmem>> -> memref<64xi32, #tpu.memory_space<vmem>>
    %dma_wait3A_350 = arith.constant 0 : i32
    %dma_wait3A_351 = arith.constant 0 : i32
    %dma_wait3A_352 = tpu.memref_slice %arg7[%dma_wait3A_350, %dma_wait3A_351] : memref<10240x128xi16, #tpu.memory_space<vmem_shared>> -> memref<10240x128xi16, #tpu.memory_space<vmem_shared>>
    tpu.wait_indirect_dma semaphore(%arg12 : memref<!tpu.dma_semaphore, #tpu.memory_space<semaphore_mem>>) src(%dma_wait3A_352 : memref<10240x128xi16, #tpu.memory_space<vmem_shared>>) dst(%dma_wait3A_346 : memref<64x128xi16, #tpu.memory_space<vmem>>)
    %dma_start3A_353 = arith.constant 0 : i32
    %dma_start3A_354 = arith.constant 156 : i32
    %dma_start3A_355 = arith.constant 0 : i32
    %dma_start3A_356 = arith.constant 0 : i32
    %dma_start3A_357 = tpu.memref_slice %arg11[%dma_start3A_353, %dma_start3A_355, %dma_start3A_356] : memref<4x64x128xi16, #tpu.memory_space<vmem>> -> memref<1x64x128xi16, #tpu.memory_space<vmem>>
    %dma_start3A_358 = tpu.memref_squeeze %dma_start3A_357 : memref<1x64x128xi16, #tpu.memory_space<vmem>> -> memref<64x128xi16, #tpu.memory_space<vmem>>
    %dma_start3A_359 = arith.constant 0 : i32
    %dma_start3A_360 = tpu.memref_slice %arg10[%dma_start3A_354, %dma_start3A_359] : memref<160x64xi32, #tpu.memory_space<vmem>> -> memref<1x64xi32, #tpu.memory_space<vmem>>
    %dma_start3A_361 = tpu.memref_squeeze %dma_start3A_360 : memref<1x64xi32, #tpu.memory_space<vmem>> -> memref<64xi32, #tpu.memory_space<vmem>>
    %dma_start3A_362 = arith.constant 0 : i32
    %dma_start3A_363 = arith.constant 0 : i32
    %dma_start3A_364 = tpu.memref_slice %arg8[%dma_start3A_362, %dma_start3A_363] : memref<10240x128xi16, #tpu.memory_space<vmem_shared>> -> memref<10240x128xi16, #tpu.memory_space<vmem_shared>>
    tpu.enqueue_indirect_dma source(%dma_start3A_358 : memref<64x128xi16, #tpu.memory_space<vmem>>) target(%dma_start3A_364 : memref<10240x128xi16, #tpu.memory_space<vmem_shared>>) offsets(%dma_start3A_361 : memref<64xi32, #tpu.memory_space<vmem>>) semaphore(%arg16 : memref<!tpu.dma_semaphore, #tpu.memory_space<semaphore_mem>>) {add = true}
    %dma_start3A_365 = arith.constant 156 : i32
    %dma_start3A_366 = arith.constant 0 : i32
    %dma_start3A_367 = tpu.memref_slice %arg10[%dma_start3A_365, %dma_start3A_366] : memref<160x64xi32, #tpu.memory_space<vmem>> -> memref<1x64xi32, #tpu.memory_space<vmem>>
    %dma_start3A_368 = tpu.memref_squeeze %dma_start3A_367 : memref<1x64xi32, #tpu.memory_space<vmem>> -> memref<64xi32, #tpu.memory_space<vmem>>
    %dma_start3A_369 = arith.constant 0 : i32
    %dma_start3A_370 = arith.constant 0 : i32
    %dma_start3A_371 = tpu.memref_slice %arg20[%dma_start3A_369, %dma_start3A_370] : memref<10016x16xf32, #tpu.memory_space<vmem_shared>> -> memref<10016x16xf32, #tpu.memory_space<vmem_shared>>
    tpu.enqueue_indirect_dma source(%arg21 : memref<64x16xf32, #tpu.memory_space<vmem>>) target(%dma_start3A_371 : memref<10016x16xf32, #tpu.memory_space<vmem_shared>>) offsets(%dma_start3A_368 : memref<64xi32, #tpu.memory_space<vmem>>) semaphore(%arg22 : memref<!tpu.dma_semaphore, #tpu.memory_space<semaphore_mem>>) {add = true}
    %dma_wait3A_372 = arith.constant 3 : i32
    %dma_wait3A_373 = arith.constant 155 : i32
    %dma_wait3A_374 = arith.constant 0 : i32
    %dma_wait3A_375 = arith.constant 0 : i32
    %dma_wait3A_376 = tpu.memref_slice %arg11[%dma_wait3A_372, %dma_wait3A_374, %dma_wait3A_375] : memref<4x64x128xi16, #tpu.memory_space<vmem>> -> memref<1x64x128xi16, #tpu.memory_space<vmem>>
    %dma_wait3A_377 = tpu.memref_squeeze %dma_wait3A_376 : memref<1x64x128xi16, #tpu.memory_space<vmem>> -> memref<64x128xi16, #tpu.memory_space<vmem>>
    %dma_wait3A_378 = arith.constant 0 : i32
    %dma_wait3A_379 = tpu.memref_slice %arg10[%dma_wait3A_373, %dma_wait3A_378] : memref<160x64xi32, #tpu.memory_space<vmem>> -> memref<1x64xi32, #tpu.memory_space<vmem>>
    %dma_wait3A_380 = tpu.memref_squeeze %dma_wait3A_379 : memref<1x64xi32, #tpu.memory_space<vmem>> -> memref<64xi32, #tpu.memory_space<vmem>>
    %dma_wait3A_381 = arith.constant 0 : i32
    %dma_wait3A_382 = arith.constant 0 : i32
    %dma_wait3A_383 = tpu.memref_slice %arg8[%dma_wait3A_381, %dma_wait3A_382] : memref<10240x128xi16, #tpu.memory_space<vmem_shared>> -> memref<10240x128xi16, #tpu.memory_space<vmem_shared>>
    tpu.wait_indirect_dma semaphore(%arg19 : memref<!tpu.dma_semaphore, #tpu.memory_space<semaphore_mem>>) src(%dma_wait3A_377 : memref<64x128xi16, #tpu.memory_space<vmem>>) dst(%dma_wait3A_383 : memref<10240x128xi16, #tpu.memory_space<vmem_shared>>)
    %dma_wait3A_384 = arith.constant 155 : i32
    %dma_wait3A_385 = arith.constant 0 : i32
    %dma_wait3A_386 = tpu.memref_slice %arg10[%dma_wait3A_384, %dma_wait3A_385] : memref<160x64xi32, #tpu.memory_space<vmem>> -> memref<1x64xi32, #tpu.memory_space<vmem>>
    %dma_wait3A_387 = tpu.memref_squeeze %dma_wait3A_386 : memref<1x64xi32, #tpu.memory_space<vmem>> -> memref<64xi32, #tpu.memory_space<vmem>>
    %dma_wait3A_388 = arith.constant 0 : i32
    %dma_wait3A_389 = arith.constant 0 : i32
    %dma_wait3A_390 = tpu.memref_slice %arg20[%dma_wait3A_388, %dma_wait3A_389] : memref<10016x16xf32, #tpu.memory_space<vmem_shared>> -> memref<10016x16xf32, #tpu.memory_space<vmem_shared>>
    tpu.wait_indirect_dma semaphore(%arg25 : memref<!tpu.dma_semaphore, #tpu.memory_space<semaphore_mem>>) src(%arg21 : memref<64x16xf32, #tpu.memory_space<vmem>>) dst(%dma_wait3A_390 : memref<10016x16xf32, #tpu.memory_space<vmem_shared>>)
    %dma_start3A_391 = arith.constant 159 : i32
    %dma_start3A_392 = arith.constant 3 : i32
    %dma_start3A_393 = arith.constant 0 : i32
    %dma_start3A_394 = arith.constant 0 : i32
    %dma_start3A_395 = tpu.memref_slice %arg11[%dma_start3A_392, %dma_start3A_393, %dma_start3A_394] : memref<4x64x128xi16, #tpu.memory_space<vmem>> -> memref<1x64x128xi16, #tpu.memory_space<vmem>>
    %dma_start3A_396 = tpu.memref_squeeze %dma_start3A_395 : memref<1x64x128xi16, #tpu.memory_space<vmem>> -> memref<64x128xi16, #tpu.memory_space<vmem>>
    %dma_start3A_397 = arith.constant 0 : i32
    %dma_start3A_398 = tpu.memref_slice %arg9[%dma_start3A_391, %dma_start3A_397] : memref<160x64xi32, #tpu.memory_space<vmem>> -> memref<1x64xi32, #tpu.memory_space<vmem>>
    %dma_start3A_399 = tpu.memref_squeeze %dma_start3A_398 : memref<1x64xi32, #tpu.memory_space<vmem>> -> memref<64xi32, #tpu.memory_space<vmem>>
    %dma_start3A_400 = arith.constant 0 : i32
    %dma_start3A_401 = arith.constant 0 : i32
    %dma_start3A_402 = tpu.memref_slice %arg7[%dma_start3A_400, %dma_start3A_401] : memref<10240x128xi16, #tpu.memory_space<vmem_shared>> -> memref<10240x128xi16, #tpu.memory_space<vmem_shared>>
    tpu.enqueue_indirect_dma source(%dma_start3A_402 : memref<10240x128xi16, #tpu.memory_space<vmem_shared>>) target(%dma_start3A_396 : memref<64x128xi16, #tpu.memory_space<vmem>>) offsets(%dma_start3A_399 : memref<64xi32, #tpu.memory_space<vmem>>) semaphore(%arg15 : memref<!tpu.dma_semaphore, #tpu.memory_space<semaphore_mem>>)
    %dma_wait3A_403 = arith.constant 157 : i32
    %dma_wait3A_404 = arith.constant 1 : i32
    %dma_wait3A_405 = arith.constant 0 : i32
    %dma_wait3A_406 = arith.constant 0 : i32
    %dma_wait3A_407 = tpu.memref_slice %arg11[%dma_wait3A_404, %dma_wait3A_405, %dma_wait3A_406] : memref<4x64x128xi16, #tpu.memory_space<vmem>> -> memref<1x64x128xi16, #tpu.memory_space<vmem>>
    %dma_wait3A_408 = tpu.memref_squeeze %dma_wait3A_407 : memref<1x64x128xi16, #tpu.memory_space<vmem>> -> memref<64x128xi16, #tpu.memory_space<vmem>>
    %dma_wait3A_409 = arith.constant 0 : i32
    %dma_wait3A_410 = tpu.memref_slice %arg9[%dma_wait3A_403, %dma_wait3A_409] : memref<160x64xi32, #tpu.memory_space<vmem>> -> memref<1x64xi32, #tpu.memory_space<vmem>>
    %dma_wait3A_411 = tpu.memref_squeeze %dma_wait3A_410 : memref<1x64xi32, #tpu.memory_space<vmem>> -> memref<64xi32, #tpu.memory_space<vmem>>
    %dma_wait3A_412 = arith.constant 0 : i32
    %dma_wait3A_413 = arith.constant 0 : i32
    %dma_wait3A_414 = tpu.memref_slice %arg7[%dma_wait3A_412, %dma_wait3A_413] : memref<10240x128xi16, #tpu.memory_space<vmem_shared>> -> memref<10240x128xi16, #tpu.memory_space<vmem_shared>>
    tpu.wait_indirect_dma semaphore(%arg13 : memref<!tpu.dma_semaphore, #tpu.memory_space<semaphore_mem>>) src(%dma_wait3A_414 : memref<10240x128xi16, #tpu.memory_space<vmem_shared>>) dst(%dma_wait3A_408 : memref<64x128xi16, #tpu.memory_space<vmem>>)
    %dma_start3A_415 = arith.constant 1 : i32
    %dma_start3A_416 = arith.constant 157 : i32
    %dma_start3A_417 = arith.constant 0 : i32
    %dma_start3A_418 = arith.constant 0 : i32
    %dma_start3A_419 = tpu.memref_slice %arg11[%dma_start3A_415, %dma_start3A_417, %dma_start3A_418] : memref<4x64x128xi16, #tpu.memory_space<vmem>> -> memref<1x64x128xi16, #tpu.memory_space<vmem>>
    %dma_start3A_420 = tpu.memref_squeeze %dma_start3A_419 : memref<1x64x128xi16, #tpu.memory_space<vmem>> -> memref<64x128xi16, #tpu.memory_space<vmem>>
    %dma_start3A_421 = arith.constant 0 : i32
    %dma_start3A_422 = tpu.memref_slice %arg10[%dma_start3A_416, %dma_start3A_421] : memref<160x64xi32, #tpu.memory_space<vmem>> -> memref<1x64xi32, #tpu.memory_space<vmem>>
    %dma_start3A_423 = tpu.memref_squeeze %dma_start3A_422 : memref<1x64xi32, #tpu.memory_space<vmem>> -> memref<64xi32, #tpu.memory_space<vmem>>
    %dma_start3A_424 = arith.constant 0 : i32
    %dma_start3A_425 = arith.constant 0 : i32
    %dma_start3A_426 = tpu.memref_slice %arg8[%dma_start3A_424, %dma_start3A_425] : memref<10240x128xi16, #tpu.memory_space<vmem_shared>> -> memref<10240x128xi16, #tpu.memory_space<vmem_shared>>
    tpu.enqueue_indirect_dma source(%dma_start3A_420 : memref<64x128xi16, #tpu.memory_space<vmem>>) target(%dma_start3A_426 : memref<10240x128xi16, #tpu.memory_space<vmem_shared>>) offsets(%dma_start3A_423 : memref<64xi32, #tpu.memory_space<vmem>>) semaphore(%arg17 : memref<!tpu.dma_semaphore, #tpu.memory_space<semaphore_mem>>) {add = true}
    %dma_start3A_427 = arith.constant 157 : i32
    %dma_start3A_428 = arith.constant 0 : i32
    %dma_start3A_429 = tpu.memref_slice %arg10[%dma_start3A_427, %dma_start3A_428] : memref<160x64xi32, #tpu.memory_space<vmem>> -> memref<1x64xi32, #tpu.memory_space<vmem>>
    %dma_start3A_430 = tpu.memref_squeeze %dma_start3A_429 : memref<1x64xi32, #tpu.memory_space<vmem>> -> memref<64xi32, #tpu.memory_space<vmem>>
    %dma_start3A_431 = arith.constant 0 : i32
    %dma_start3A_432 = arith.constant 0 : i32
    %dma_start3A_433 = tpu.memref_slice %arg20[%dma_start3A_431, %dma_start3A_432] : memref<10016x16xf32, #tpu.memory_space<vmem_shared>> -> memref<10016x16xf32, #tpu.memory_space<vmem_shared>>
    tpu.enqueue_indirect_dma source(%arg21 : memref<64x16xf32, #tpu.memory_space<vmem>>) target(%dma_start3A_433 : memref<10016x16xf32, #tpu.memory_space<vmem_shared>>) offsets(%dma_start3A_430 : memref<64xi32, #tpu.memory_space<vmem>>) semaphore(%arg23 : memref<!tpu.dma_semaphore, #tpu.memory_space<semaphore_mem>>) {add = true}
    %dma_wait3A_434 = arith.constant 0 : i32
    %dma_wait3A_435 = arith.constant 156 : i32
    %dma_wait3A_436 = arith.constant 0 : i32
    %dma_wait3A_437 = arith.constant 0 : i32
    %dma_wait3A_438 = tpu.memref_slice %arg11[%dma_wait3A_434, %dma_wait3A_436, %dma_wait3A_437] : memref<4x64x128xi16, #tpu.memory_space<vmem>> -> memref<1x64x128xi16, #tpu.memory_space<vmem>>
    %dma_wait3A_439 = tpu.memref_squeeze %dma_wait3A_438 : memref<1x64x128xi16, #tpu.memory_space<vmem>> -> memref<64x128xi16, #tpu.memory_space<vmem>>
    %dma_wait3A_440 = arith.constant 0 : i32
    %dma_wait3A_441 = tpu.memref_slice %arg10[%dma_wait3A_435, %dma_wait3A_440] : memref<160x64xi32, #tpu.memory_space<vmem>> -> memref<1x64xi32, #tpu.memory_space<vmem>>
    %dma_wait3A_442 = tpu.memref_squeeze %dma_wait3A_441 : memref<1x64xi32, #tpu.memory_space<vmem>> -> memref<64xi32, #tpu.memory_space<vmem>>
    %dma_wait3A_443 = arith.constant 0 : i32
    %dma_wait3A_444 = arith.constant 0 : i32
    %dma_wait3A_445 = tpu.memref_slice %arg8[%dma_wait3A_443, %dma_wait3A_444] : memref<10240x128xi16, #tpu.memory_space<vmem_shared>> -> memref<10240x128xi16, #tpu.memory_space<vmem_shared>>
    tpu.wait_indirect_dma semaphore(%arg16 : memref<!tpu.dma_semaphore, #tpu.memory_space<semaphore_mem>>) src(%dma_wait3A_439 : memref<64x128xi16, #tpu.memory_space<vmem>>) dst(%dma_wait3A_445 : memref<10240x128xi16, #tpu.memory_space<vmem_shared>>)
    %dma_wait3A_446 = arith.constant 156 : i32
    %dma_wait3A_447 = arith.constant 0 : i32
    %dma_wait3A_448 = tpu.memref_slice %arg10[%dma_wait3A_446, %dma_wait3A_447] : memref<160x64xi32, #tpu.memory_space<vmem>> -> memref<1x64xi32, #tpu.memory_space<vmem>>
    %dma_wait3A_449 = tpu.memref_squeeze %dma_wait3A_448 : memref<1x64xi32, #tpu.memory_space<vmem>> -> memref<64xi32, #tpu.memory_space<vmem>>
    %dma_wait3A_450 = arith.constant 0 : i32
    %dma_wait3A_451 = arith.constant 0 : i32
    %dma_wait3A_452 = tpu.memref_slice %arg20[%dma_wait3A_450, %dma_wait3A_451] : memref<10016x16xf32, #tpu.memory_space<vmem_shared>> -> memref<10016x16xf32, #tpu.memory_space<vmem_shared>>
    tpu.wait_indirect_dma semaphore(%arg22 : memref<!tpu.dma_semaphore, #tpu.memory_space<semaphore_mem>>) src(%arg21 : memref<64x16xf32, #tpu.memory_space<vmem>>) dst(%dma_wait3A_452 : memref<10016x16xf32, #tpu.memory_space<vmem_shared>>)
    %dma_wait3A_453 = arith.constant 158 : i32
    %dma_wait3A_454 = arith.constant 2 : i32
    %dma_wait3A_455 = arith.constant 0 : i32
    %dma_wait3A_456 = arith.constant 0 : i32
    %dma_wait3A_457 = tpu.memref_slice %arg11[%dma_wait3A_454, %dma_wait3A_455, %dma_wait3A_456] : memref<4x64x128xi16, #tpu.memory_space<vmem>> -> memref<1x64x128xi16, #tpu.memory_space<vmem>>
    %dma_wait3A_458 = tpu.memref_squeeze %dma_wait3A_457 : memref<1x64x128xi16, #tpu.memory_space<vmem>> -> memref<64x128xi16, #tpu.memory_space<vmem>>
    %dma_wait3A_459 = arith.constant 0 : i32
    %dma_wait3A_460 = tpu.memref_slice %arg9[%dma_wait3A_453, %dma_wait3A_459] : memref<160x64xi32, #tpu.memory_space<vmem>> -> memref<1x64xi32, #tpu.memory_space<vmem>>
    %dma_wait3A_461 = tpu.memref_squeeze %dma_wait3A_460 : memref<1x64xi32, #tpu.memory_space<vmem>> -> memref<64xi32, #tpu.memory_space<vmem>>
    %dma_wait3A_462 = arith.constant 0 : i32
    %dma_wait3A_463 = arith.constant 0 : i32
    %dma_wait3A_464 = tpu.memref_slice %arg7[%dma_wait3A_462, %dma_wait3A_463] : memref<10240x128xi16, #tpu.memory_space<vmem_shared>> -> memref<10240x128xi16, #tpu.memory_space<vmem_shared>>
    tpu.wait_indirect_dma semaphore(%arg14 : memref<!tpu.dma_semaphore, #tpu.memory_space<semaphore_mem>>) src(%dma_wait3A_464 : memref<10240x128xi16, #tpu.memory_space<vmem_shared>>) dst(%dma_wait3A_458 : memref<64x128xi16, #tpu.memory_space<vmem>>)
    %dma_start3A_465 = arith.constant 2 : i32
    %dma_start3A_466 = arith.constant 158 : i32
    %dma_start3A_467 = arith.constant 0 : i32
    %dma_start3A_468 = arith.constant 0 : i32
    %dma_start3A_469 = tpu.memref_slice %arg11[%dma_start3A_465, %dma_start3A_467, %dma_start3A_468] : memref<4x64x128xi16, #tpu.memory_space<vmem>> -> memref<1x64x128xi16, #tpu.memory_space<vmem>>
    %dma_start3A_470 = tpu.memref_squeeze %dma_start3A_469 : memref<1x64x128xi16, #tpu.memory_space<vmem>> -> memref<64x128xi16, #tpu.memory_space<vmem>>
    %dma_start3A_471 = arith.constant 0 : i32
    %dma_start3A_472 = tpu.memref_slice %arg10[%dma_start3A_466, %dma_start3A_471] : memref<160x64xi32, #tpu.memory_space<vmem>> -> memref<1x64xi32, #tpu.memory_space<vmem>>
    %dma_start3A_473 = tpu.memref_squeeze %dma_start3A_472 : memref<1x64xi32, #tpu.memory_space<vmem>> -> memref<64xi32, #tpu.memory_space<vmem>>
    %dma_start3A_474 = arith.constant 0 : i32
    %dma_start3A_475 = arith.constant 0 : i32
    %dma_start3A_476 = tpu.memref_slice %arg8[%dma_start3A_474, %dma_start3A_475] : memref<10240x128xi16, #tpu.memory_space<vmem_shared>> -> memref<10240x128xi16, #tpu.memory_space<vmem_shared>>
    tpu.enqueue_indirect_dma source(%dma_start3A_470 : memref<64x128xi16, #tpu.memory_space<vmem>>) target(%dma_start3A_476 : memref<10240x128xi16, #tpu.memory_space<vmem_shared>>) offsets(%dma_start3A_473 : memref<64xi32, #tpu.memory_space<vmem>>) semaphore(%arg18 : memref<!tpu.dma_semaphore, #tpu.memory_space<semaphore_mem>>) {add = true}
    %dma_start3A_477 = arith.constant 158 : i32
    %dma_start3A_478 = arith.constant 0 : i32
    %dma_start3A_479 = tpu.memref_slice %arg10[%dma_start3A_477, %dma_start3A_478] : memref<160x64xi32, #tpu.memory_space<vmem>> -> memref<1x64xi32, #tpu.memory_space<vmem>>
    %dma_start3A_480 = tpu.memref_squeeze %dma_start3A_479 : memref<1x64xi32, #tpu.memory_space<vmem>> -> memref<64xi32, #tpu.memory_space<vmem>>
    %dma_start3A_481 = arith.constant 0 : i32
    %dma_start3A_482 = arith.constant 0 : i32
    %dma_start3A_483 = tpu.memref_slice %arg20[%dma_start3A_481, %dma_start3A_482] : memref<10016x16xf32, #tpu.memory_space<vmem_shared>> -> memref<10016x16xf32, #tpu.memory_space<vmem_shared>>
    tpu.enqueue_indirect_dma source(%arg21 : memref<64x16xf32, #tpu.memory_space<vmem>>) target(%dma_start3A_483 : memref<10016x16xf32, #tpu.memory_space<vmem_shared>>) offsets(%dma_start3A_480 : memref<64xi32, #tpu.memory_space<vmem>>) semaphore(%arg24 : memref<!tpu.dma_semaphore, #tpu.memory_space<semaphore_mem>>) {add = true}
    %dma_wait3A_484 = arith.constant 1 : i32
    %dma_wait3A_485 = arith.constant 157 : i32
    %dma_wait3A_486 = arith.constant 0 : i32
    %dma_wait3A_487 = arith.constant 0 : i32
    %dma_wait3A_488 = tpu.memref_slice %arg11[%dma_wait3A_484, %dma_wait3A_486, %dma_wait3A_487] : memref<4x64x128xi16, #tpu.memory_space<vmem>> -> memref<1x64x128xi16, #tpu.memory_space<vmem>>
    %dma_wait3A_489 = tpu.memref_squeeze %dma_wait3A_488 : memref<1x64x128xi16, #tpu.memory_space<vmem>> -> memref<64x128xi16, #tpu.memory_space<vmem>>
    %dma_wait3A_490 = arith.constant 0 : i32
    %dma_wait3A_491 = tpu.memref_slice %arg10[%dma_wait3A_485, %dma_wait3A_490] : memref<160x64xi32, #tpu.memory_space<vmem>> -> memref<1x64xi32, #tpu.memory_space<vmem>>
    %dma_wait3A_492 = tpu.memref_squeeze %dma_wait3A_491 : memref<1x64xi32, #tpu.memory_space<vmem>> -> memref<64xi32, #tpu.memory_space<vmem>>
    %dma_wait3A_493 = arith.constant 0 : i32
    %dma_wait3A_494 = arith.constant 0 : i32
    %dma_wait3A_495 = tpu.memref_slice %arg8[%dma_wait3A_493, %dma_wait3A_494] : memref<10240x128xi16, #tpu.memory_space<vmem_shared>> -> memref<10240x128xi16, #tpu.memory_space<vmem_shared>>
    tpu.wait_indirect_dma semaphore(%arg17 : memref<!tpu.dma_semaphore, #tpu.memory_space<semaphore_mem>>) src(%dma_wait3A_489 : memref<64x128xi16, #tpu.memory_space<vmem>>) dst(%dma_wait3A_495 : memref<10240x128xi16, #tpu.memory_space<vmem_shared>>)
    %dma_wait3A_496 = arith.constant 157 : i32
    %dma_wait3A_497 = arith.constant 0 : i32
    %dma_wait3A_498 = tpu.memref_slice %arg10[%dma_wait3A_496, %dma_wait3A_497] : memref<160x64xi32, #tpu.memory_space<vmem>> -> memref<1x64xi32, #tpu.memory_space<vmem>>
    %dma_wait3A_499 = tpu.memref_squeeze %dma_wait3A_498 : memref<1x64xi32, #tpu.memory_space<vmem>> -> memref<64xi32, #tpu.memory_space<vmem>>
    %dma_wait3A_500 = arith.constant 0 : i32
    %dma_wait3A_501 = arith.constant 0 : i32
    %dma_wait3A_502 = tpu.memref_slice %arg20[%dma_wait3A_500, %dma_wait3A_501] : memref<10016x16xf32, #tpu.memory_space<vmem_shared>> -> memref<10016x16xf32, #tpu.memory_space<vmem_shared>>
    tpu.wait_indirect_dma semaphore(%arg23 : memref<!tpu.dma_semaphore, #tpu.memory_space<semaphore_mem>>) src(%arg21 : memref<64x16xf32, #tpu.memory_space<vmem>>) dst(%dma_wait3A_502 : memref<10016x16xf32, #tpu.memory_space<vmem_shared>>)
    %dma_wait3A_503 = arith.constant 159 : i32
    %dma_wait3A_504 = arith.constant 3 : i32
    %dma_wait3A_505 = arith.constant 0 : i32
    %dma_wait3A_506 = arith.constant 0 : i32
    %dma_wait3A_507 = tpu.memref_slice %arg11[%dma_wait3A_504, %dma_wait3A_505, %dma_wait3A_506] : memref<4x64x128xi16, #tpu.memory_space<vmem>> -> memref<1x64x128xi16, #tpu.memory_space<vmem>>
    %dma_wait3A_508 = tpu.memref_squeeze %dma_wait3A_507 : memref<1x64x128xi16, #tpu.memory_space<vmem>> -> memref<64x128xi16, #tpu.memory_space<vmem>>
    %dma_wait3A_509 = arith.constant 0 : i32
    %dma_wait3A_510 = tpu.memref_slice %arg9[%dma_wait3A_503, %dma_wait3A_509] : memref<160x64xi32, #tpu.memory_space<vmem>> -> memref<1x64xi32, #tpu.memory_space<vmem>>
    %dma_wait3A_511 = tpu.memref_squeeze %dma_wait3A_510 : memref<1x64xi32, #tpu.memory_space<vmem>> -> memref<64xi32, #tpu.memory_space<vmem>>
    %dma_wait3A_512 = arith.constant 0 : i32
    %dma_wait3A_513 = arith.constant 0 : i32
    %dma_wait3A_514 = tpu.memref_slice %arg7[%dma_wait3A_512, %dma_wait3A_513] : memref<10240x128xi16, #tpu.memory_space<vmem_shared>> -> memref<10240x128xi16, #tpu.memory_space<vmem_shared>>
    tpu.wait_indirect_dma semaphore(%arg15 : memref<!tpu.dma_semaphore, #tpu.memory_space<semaphore_mem>>) src(%dma_wait3A_514 : memref<10240x128xi16, #tpu.memory_space<vmem_shared>>) dst(%dma_wait3A_508 : memref<64x128xi16, #tpu.memory_space<vmem>>)
    %dma_start3A_515 = arith.constant 3 : i32
    %dma_start3A_516 = arith.constant 159 : i32
    %dma_start3A_517 = arith.constant 0 : i32
    %dma_start3A_518 = arith.constant 0 : i32
    %dma_start3A_519 = tpu.memref_slice %arg11[%dma_start3A_515, %dma_start3A_517, %dma_start3A_518] : memref<4x64x128xi16, #tpu.memory_space<vmem>> -> memref<1x64x128xi16, #tpu.memory_space<vmem>>
    %dma_start3A_520 = tpu.memref_squeeze %dma_start3A_519 : memref<1x64x128xi16, #tpu.memory_space<vmem>> -> memref<64x128xi16, #tpu.memory_space<vmem>>
    %dma_start3A_521 = arith.constant 0 : i32
    %dma_start3A_522 = tpu.memref_slice %arg10[%dma_start3A_516, %dma_start3A_521] : memref<160x64xi32, #tpu.memory_space<vmem>> -> memref<1x64xi32, #tpu.memory_space<vmem>>
    %dma_start3A_523 = tpu.memref_squeeze %dma_start3A_522 : memref<1x64xi32, #tpu.memory_space<vmem>> -> memref<64xi32, #tpu.memory_space<vmem>>
    %dma_start3A_524 = arith.constant 0 : i32
    %dma_start3A_525 = arith.constant 0 : i32
    %dma_start3A_526 = tpu.memref_slice %arg8[%dma_start3A_524, %dma_start3A_525] : memref<10240x128xi16, #tpu.memory_space<vmem_shared>> -> memref<10240x128xi16, #tpu.memory_space<vmem_shared>>
    tpu.enqueue_indirect_dma source(%dma_start3A_520 : memref<64x128xi16, #tpu.memory_space<vmem>>) target(%dma_start3A_526 : memref<10240x128xi16, #tpu.memory_space<vmem_shared>>) offsets(%dma_start3A_523 : memref<64xi32, #tpu.memory_space<vmem>>) semaphore(%arg19 : memref<!tpu.dma_semaphore, #tpu.memory_space<semaphore_mem>>) {add = true}
    %dma_start3A_527 = arith.constant 159 : i32
    %dma_start3A_528 = arith.constant 0 : i32
    %dma_start3A_529 = tpu.memref_slice %arg10[%dma_start3A_527, %dma_start3A_528] : memref<160x64xi32, #tpu.memory_space<vmem>> -> memref<1x64xi32, #tpu.memory_space<vmem>>
    %dma_start3A_530 = tpu.memref_squeeze %dma_start3A_529 : memref<1x64xi32, #tpu.memory_space<vmem>> -> memref<64xi32, #tpu.memory_space<vmem>>
    %dma_start3A_531 = arith.constant 0 : i32
    %dma_start3A_532 = arith.constant 0 : i32
    %dma_start3A_533 = tpu.memref_slice %arg20[%dma_start3A_531, %dma_start3A_532] : memref<10016x16xf32, #tpu.memory_space<vmem_shared>> -> memref<10016x16xf32, #tpu.memory_space<vmem_shared>>
    tpu.enqueue_indirect_dma source(%arg21 : memref<64x16xf32, #tpu.memory_space<vmem>>) target(%dma_start3A_533 : memref<10016x16xf32, #tpu.memory_space<vmem_shared>>) offsets(%dma_start3A_530 : memref<64xi32, #tpu.memory_space<vmem>>) semaphore(%arg25 : memref<!tpu.dma_semaphore, #tpu.memory_space<semaphore_mem>>) {add = true}
    %dma_wait3A_534 = arith.constant 2 : i32
    %dma_wait3A_535 = arith.constant 158 : i32
    %dma_wait3A_536 = arith.constant 0 : i32
    %dma_wait3A_537 = arith.constant 0 : i32
    %dma_wait3A_538 = tpu.memref_slice %arg11[%dma_wait3A_534, %dma_wait3A_536, %dma_wait3A_537] : memref<4x64x128xi16, #tpu.memory_space<vmem>> -> memref<1x64x128xi16, #tpu.memory_space<vmem>>
    %dma_wait3A_539 = tpu.memref_squeeze %dma_wait3A_538 : memref<1x64x128xi16, #tpu.memory_space<vmem>> -> memref<64x128xi16, #tpu.memory_space<vmem>>
    %dma_wait3A_540 = arith.constant 0 : i32
    %dma_wait3A_541 = tpu.memref_slice %arg10[%dma_wait3A_535, %dma_wait3A_540] : memref<160x64xi32, #tpu.memory_space<vmem>> -> memref<1x64xi32, #tpu.memory_space<vmem>>
    %dma_wait3A_542 = tpu.memref_squeeze %dma_wait3A_541 : memref<1x64xi32, #tpu.memory_space<vmem>> -> memref<64xi32, #tpu.memory_space<vmem>>
    %dma_wait3A_543 = arith.constant 0 : i32
    %dma_wait3A_544 = arith.constant 0 : i32
    %dma_wait3A_545 = tpu.memref_slice %arg8[%dma_wait3A_543, %dma_wait3A_544] : memref<10240x128xi16, #tpu.memory_space<vmem_shared>> -> memref<10240x128xi16, #tpu.memory_space<vmem_shared>>
    tpu.wait_indirect_dma semaphore(%arg18 : memref<!tpu.dma_semaphore, #tpu.memory_space<semaphore_mem>>) src(%dma_wait3A_539 : memref<64x128xi16, #tpu.memory_space<vmem>>) dst(%dma_wait3A_545 : memref<10240x128xi16, #tpu.memory_space<vmem_shared>>)
    %dma_wait3A_546 = arith.constant 158 : i32
    %dma_wait3A_547 = arith.constant 0 : i32
    %dma_wait3A_548 = tpu.memref_slice %arg10[%dma_wait3A_546, %dma_wait3A_547] : memref<160x64xi32, #tpu.memory_space<vmem>> -> memref<1x64xi32, #tpu.memory_space<vmem>>
    %dma_wait3A_549 = tpu.memref_squeeze %dma_wait3A_548 : memref<1x64xi32, #tpu.memory_space<vmem>> -> memref<64xi32, #tpu.memory_space<vmem>>
    %dma_wait3A_550 = arith.constant 0 : i32
    %dma_wait3A_551 = arith.constant 0 : i32
    %dma_wait3A_552 = tpu.memref_slice %arg20[%dma_wait3A_550, %dma_wait3A_551] : memref<10016x16xf32, #tpu.memory_space<vmem_shared>> -> memref<10016x16xf32, #tpu.memory_space<vmem_shared>>
    tpu.wait_indirect_dma semaphore(%arg24 : memref<!tpu.dma_semaphore, #tpu.memory_space<semaphore_mem>>) src(%arg21 : memref<64x16xf32, #tpu.memory_space<vmem>>) dst(%dma_wait3A_552 : memref<10016x16xf32, #tpu.memory_space<vmem_shared>>)
    %dma_wait3A_553 = arith.constant 3 : i32
    %dma_wait3A_554 = arith.constant 159 : i32
    %dma_wait3A_555 = arith.constant 0 : i32
    %dma_wait3A_556 = arith.constant 0 : i32
    %dma_wait3A_557 = tpu.memref_slice %arg11[%dma_wait3A_553, %dma_wait3A_555, %dma_wait3A_556] : memref<4x64x128xi16, #tpu.memory_space<vmem>> -> memref<1x64x128xi16, #tpu.memory_space<vmem>>
    %dma_wait3A_558 = tpu.memref_squeeze %dma_wait3A_557 : memref<1x64x128xi16, #tpu.memory_space<vmem>> -> memref<64x128xi16, #tpu.memory_space<vmem>>
    %dma_wait3A_559 = arith.constant 0 : i32
    %dma_wait3A_560 = tpu.memref_slice %arg10[%dma_wait3A_554, %dma_wait3A_559] : memref<160x64xi32, #tpu.memory_space<vmem>> -> memref<1x64xi32, #tpu.memory_space<vmem>>
    %dma_wait3A_561 = tpu.memref_squeeze %dma_wait3A_560 : memref<1x64xi32, #tpu.memory_space<vmem>> -> memref<64xi32, #tpu.memory_space<vmem>>
    %dma_wait3A_562 = arith.constant 0 : i32
    %dma_wait3A_563 = arith.constant 0 : i32
    %dma_wait3A_564 = tpu.memref_slice %arg8[%dma_wait3A_562, %dma_wait3A_563] : memref<10240x128xi16, #tpu.memory_space<vmem_shared>> -> memref<10240x128xi16, #tpu.memory_space<vmem_shared>>
    tpu.wait_indirect_dma semaphore(%arg19 : memref<!tpu.dma_semaphore, #tpu.memory_space<semaphore_mem>>) src(%dma_wait3A_558 : memref<64x128xi16, #tpu.memory_space<vmem>>) dst(%dma_wait3A_564 : memref<10240x128xi16, #tpu.memory_space<vmem_shared>>)
    %dma_wait3A_565 = arith.constant 159 : i32
    %dma_wait3A_566 = arith.constant 0 : i32
    %dma_wait3A_567 = tpu.memref_slice %arg10[%dma_wait3A_565, %dma_wait3A_566] : memref<160x64xi32, #tpu.memory_space<vmem>> -> memref<1x64xi32, #tpu.memory_space<vmem>>
    %dma_wait3A_568 = tpu.memref_squeeze %dma_wait3A_567 : memref<1x64xi32, #tpu.memory_space<vmem>> -> memref<64xi32, #tpu.memory_space<vmem>>
    %dma_wait3A_569 = arith.constant 0 : i32
    %dma_wait3A_570 = arith.constant 0 : i32
    %dma_wait3A_571 = tpu.memref_slice %arg20[%dma_wait3A_569, %dma_wait3A_570] : memref<10016x16xf32, #tpu.memory_space<vmem_shared>> -> memref<10016x16xf32, #tpu.memory_space<vmem_shared>>
    tpu.wait_indirect_dma semaphore(%arg25 : memref<!tpu.dma_semaphore, #tpu.memory_space<semaphore_mem>>) src(%arg21 : memref<64x16xf32, #tpu.memory_space<vmem>>) dst(%dma_wait3A_571 : memref<10016x16xf32, #tpu.memory_space<vmem_shared>>)
    %barrier3A_572 = arith.constant 0 : index
    tpu.barrier barrier_id(%barrier3A_572)
    "tpu.region"() ({
      %run_scoped3A_577 = tpu.sem_alloc : memref<!tpu.dma_semaphore, #tpu.memory_space<semaphore_mem>>
      %dma_start3A_578 = arith.constant 0 : i32
      %dma_start3A_579 = tpu.memref_slice %arg5[%arg0, %mul3A_2, %dma_start3A_578] : memref<2x10240x128xi16, #tpu.memory_space<hbm>> -> memref<1x640x128xi16, #tpu.memory_space<hbm>>
      %dma_start3A_580 = tpu.memref_squeeze %dma_start3A_579 : memref<1x640x128xi16, #tpu.memory_space<hbm>> -> memref<640x128xi16, #tpu.memory_space<hbm>>
      %dma_start3A_581 = arith.constant 0 : i32
      %dma_start3A_582 = tpu.memref_slice %arg8[%mul3A_2, %dma_start3A_581] : memref<10240x128xi16, #tpu.memory_space<vmem_shared>> -> memref<640x128xi16, #tpu.memory_space<vmem_shared>>
      tpu.enqueue_dma source(%dma_start3A_582 : memref<640x128xi16, #tpu.memory_space<vmem_shared>>) target(%dma_start3A_580 : memref<640x128xi16, #tpu.memory_space<hbm>>) target_semaphore(%run_scoped3A_577 : memref<!tpu.dma_semaphore, #tpu.memory_space<semaphore_mem>>)
      %dma_wait3A_583 = arith.constant 0 : i32
      %dma_wait3A_584 = tpu.memref_slice %arg5[%arg0, %mul3A_2, %dma_wait3A_583] : memref<2x10240x128xi16, #tpu.memory_space<hbm>> -> memref<1x640x128xi16, #tpu.memory_space<hbm>>
      %dma_wait3A_585 = tpu.memref_squeeze %dma_wait3A_584 : memref<1x640x128xi16, #tpu.memory_space<hbm>> -> memref<640x128xi16, #tpu.memory_space<hbm>>
      %dma_wait3A_586 = arith.constant 0 : i32
      %dma_wait3A_587 = tpu.memref_slice %arg8[%mul3A_2, %dma_wait3A_586] : memref<10240x128xi16, #tpu.memory_space<vmem_shared>> -> memref<640x128xi16, #tpu.memory_space<vmem_shared>>
      tpu.wait_dma2 semaphore(%run_scoped3A_577 : memref<!tpu.dma_semaphore, #tpu.memory_space<semaphore_mem>>) src(%dma_wait3A_587 : memref<640x128xi16, #tpu.memory_space<vmem_shared>>) dst(%dma_wait3A_585 : memref<640x128xi16, #tpu.memory_space<hbm>>)
      tpu.yield
    }) : () -> ()
    %mul3A_573 = arith.constant 626 : i32
    %mul3A_574 = arith.muli %arg1, %mul3A_573 : i32
    %mul3A_575 = arith.constant 626 : i32
    %mul3A_576 = arith.muli %arg1, %mul3A_575 : i32
    "tpu.region"() ({
      %run_scoped3A_577 = tpu.sem_alloc : memref<!tpu.dma_semaphore, #tpu.memory_space<semaphore_mem>>
      %dma_start3A_578 = arith.constant 0 : i32
      %dma_start3A_579 = tpu.memref_slice %arg6[%arg0, %mul3A_576, %dma_start3A_578] : memref<2x10240x16xf32, #tpu.memory_space<hbm>> -> memref<1x626x16xf32, #tpu.memory_space<hbm>>
      %dma_start3A_580 = tpu.memref_squeeze %dma_start3A_579 : memref<1x626x16xf32, #tpu.memory_space<hbm>> -> memref<626x16xf32, #tpu.memory_space<hbm>>
      %dma_start3A_581 = arith.constant 0 : i32
      %dma_start3A_582 = tpu.memref_slice %arg20[%mul3A_574, %dma_start3A_581] : memref<10016x16xf32, #tpu.memory_space<vmem_shared>> -> memref<626x16xf32, #tpu.memory_space<vmem_shared>>
      tpu.enqueue_dma source(%dma_start3A_582 : memref<626x16xf32, #tpu.memory_space<vmem_shared>>) target(%dma_start3A_580 : memref<626x16xf32, #tpu.memory_space<hbm>>) target_semaphore(%run_scoped3A_577 : memref<!tpu.dma_semaphore, #tpu.memory_space<semaphore_mem>>)
      %dma_wait3A_583 = arith.constant 0 : i32
      %dma_wait3A_584 = tpu.memref_slice %arg6[%arg0, %mul3A_576, %dma_wait3A_583] : memref<2x10240x16xf32, #tpu.memory_space<hbm>> -> memref<1x626x16xf32, #tpu.memory_space<hbm>>
      %dma_wait3A_585 = tpu.memref_squeeze %dma_wait3A_584 : memref<1x626x16xf32, #tpu.memory_space<hbm>> -> memref<626x16xf32, #tpu.memory_space<hbm>>
      %dma_wait3A_586 = arith.constant 0 : i32
      %dma_wait3A_587 = tpu.memref_slice %arg20[%mul3A_574, %dma_wait3A_586] : memref<10016x16xf32, #tpu.memory_space<vmem_shared>> -> memref<626x16xf32, #tpu.memory_space<vmem_shared>>
      tpu.wait_dma2 semaphore(%run_scoped3A_577 : memref<!tpu.dma_semaphore, #tpu.memory_space<semaphore_mem>>) src(%dma_wait3A_587 : memref<626x16xf32, #tpu.memory_space<vmem_shared>>) dst(%dma_wait3A_585 : memref<626x16xf32, #tpu.memory_space<hbm>>)
      tpu.yield
    }) : () -> ()
    return
  }
}

module attributes {stable_mosaic.version = 14 : i64} {
  func.func @body(%arg0: i32, %arg1: memref<2x1280x128xi16, #tpu.memory_space<vmem>>, %arg2: memref<2x1280x16xf32, #tpu.memory_space<vmem>>, %arg3: memref<1280x128xf32, #tpu.memory_space<vmem>>, %arg4: memref<128x128xf32, #tpu.memory_space<vmem>>, %arg5: memref<128x128xf32, #tpu.memory_space<vmem>>, %arg6: memref<1x128xf32, #tpu.memory_space<vmem>>, %arg7: memref<1280x128xf32, #tpu.memory_space<vmem>>, %arg8: memref<1280x128xi16, #tpu.memory_space<vmem>>) attributes {dimension_semantics = [#tpu.dimension_semantics<arbitrary>], iteration_bounds = array<i64: 8>, scalar_prefetch = 0 : i64, scratch_operands = 0 : i64, tpu.core_type = #tpu.core_type<tc>, window_params = [{transform_indices = @transform_0, window_bounds = array<i64: 2, 1280, 128>}, {transform_indices = @transform_1, window_bounds = array<i64: 2, 1280, 16>}, {transform_indices = @transform_2, window_bounds = array<i64: 1280, 128>}, {pipeline_mode = #tpu.pipeline_mode<synchronous>, transform_indices = @transform_3, window_bounds = array<i64: 128, 128>}, {pipeline_mode = #tpu.pipeline_mode<synchronous>, transform_indices = @transform_4, window_bounds = array<i64: 128, 128>}, {pipeline_mode = #tpu.pipeline_mode<synchronous>, transform_indices = @transform_5, window_bounds = array<i64: 1, 128>}, {transform_indices = @transform_6, window_bounds = array<i64: 1280, 128>}, {transform_indices = @transform_7, window_bounds = array<i64: 1280, 128>}]} {
    %get3A = arith.constant 0 : index
    %get3A_0 = arith.constant 0 : index
    %get3A_1 = arith.constant 0 : index
    %get3A_2 = vector.load %arg2[%get3A, %get3A_0, %get3A_1] : memref<2x1280x16xf32, #tpu.memory_space<vmem>>, vector<1x1280x16xf32>
    %get3A_3 = vector.shape_cast %get3A_2 : vector<1x1280x16xf32> to vector<1280x16xf32>
    %slice3A = vector.extract_strided_slice %get3A_3 {offsets = [0, 0], sizes = [1280, 1], strides = [1, 1]} : vector<1280x16xf32> to vector<1280x1xf32>
    %get3A_4 = arith.constant 1 : index
    %get3A_5 = arith.constant 0 : index
    %get3A_6 = arith.constant 0 : index
    %get3A_7 = vector.load %arg2[%get3A_4, %get3A_5, %get3A_6] : memref<2x1280x16xf32, #tpu.memory_space<vmem>>, vector<1x1280x16xf32>
    %get3A_8 = vector.shape_cast %get3A_7 : vector<1x1280x16xf32> to vector<1280x16xf32>
    %slice3A_9 = vector.extract_strided_slice %get3A_8 {offsets = [0, 0], sizes = [1280, 1], strides = [1, 1]} : vector<1280x16xf32> to vector<1280x1xf32>
    %add3A = arith.addf %slice3A, %slice3A_9 : vector<1280x1xf32>
    %max3A = arith.constant 1.000000e+00 : f32
    %max3A_10 = vector.broadcast %max3A : f32 to vector<1280x1xf32>
    %max3A_11 = arith.maximumf %add3A, %max3A_10 : vector<1280x1xf32>
    %div3A = arith.constant 3.906250e-03 : f32
    %div3A_12 = vector.broadcast %div3A : f32 to vector<1280x1xf32>
    %div3A_13 = arith.divf %div3A_12, %max3A_11 : vector<1280x1xf32>
    %get3A_14 = arith.constant 0 : index
    %get3A_15 = arith.constant 0 : index
    %get3A_16 = arith.constant 0 : index
    %get3A_17 = vector.load %arg1[%get3A_14, %get3A_15, %get3A_16] : memref<2x1280x128xi16, #tpu.memory_space<vmem>>, vector<1x1280x128xi16>
    %get3A_18 = vector.shape_cast %get3A_17 : vector<1x1280x128xi16> to vector<1280x128xi16>
    %convert_element_type3A = arith.sitofp %get3A_18 : vector<1280x128xi16> to vector<1280x128xf32>
    %get3A_19 = arith.constant 1 : index
    %get3A_20 = arith.constant 0 : index
    %get3A_21 = arith.constant 0 : index
    %get3A_22 = vector.load %arg1[%get3A_19, %get3A_20, %get3A_21] : memref<2x1280x128xi16, #tpu.memory_space<vmem>>, vector<1x1280x128xi16>
    %get3A_23 = vector.shape_cast %get3A_22 : vector<1x1280x128xi16> to vector<1280x128xi16>
    %convert_element_type3A_24 = arith.sitofp %get3A_23 : vector<1280x128xi16> to vector<1280x128xf32>
    %add3A_25 = arith.addf %convert_element_type3A, %convert_element_type3A_24 : vector<1280x128xf32>
    %mul3A = vector.broadcast %div3A_13 : vector<1280x1xf32> to vector<1280x128xf32>
    %mul3A_26 = arith.mulf %add3A_25, %mul3A : vector<1280x128xf32>
    %get3A_27 = arith.constant 0 : index
    %get3A_28 = arith.constant 0 : index
    %get3A_29 = vector.load %arg4[%get3A_27, %get3A_28] : memref<128x128xf32, #tpu.memory_space<vmem>>, vector<128x128xf32>
    %dot_general3A = arith.constant dense<0.000000e+00> : vector<1280x128xf32>
    %dot_general3A_30 = tpu.matmul %mul3A_26, %get3A_29, %dot_general3A {dimension_numbers = #tpu.dot_dimension_numbers<[1], [1], [0], [0], [0, 0, 1, 0], [], []>, precision = #tpu.contract_precision<fp32>, transpose_lhs_hint = false} : vector<1280x128xf32>, vector<128x128xf32>, vector<1280x128xf32> -> vector<1280x128xf32>
    %get3A_31 = arith.constant 0 : index
    %get3A_32 = arith.constant 0 : index
    %get3A_33 = vector.load %arg3[%get3A_31, %get3A_32] : memref<1280x128xf32, #tpu.memory_space<vmem>>, vector<1280x128xf32>
    %get3A_34 = arith.constant 0 : index
    %get3A_35 = arith.constant 0 : index
    %get3A_36 = vector.load %arg5[%get3A_34, %get3A_35] : memref<128x128xf32, #tpu.memory_space<vmem>>, vector<128x128xf32>
    %dot_general3A_37 = arith.constant dense<0.000000e+00> : vector<1280x128xf32>
    %dot_general3A_38 = tpu.matmul %get3A_33, %get3A_36, %dot_general3A_37 {dimension_numbers = #tpu.dot_dimension_numbers<[1], [1], [0], [0], [0, 0, 1, 0], [], []>, precision = #tpu.contract_precision<fp32>, transpose_lhs_hint = false} : vector<1280x128xf32>, vector<128x128xf32>, vector<1280x128xf32> -> vector<1280x128xf32>
    %add3A_39 = arith.addf %dot_general3A_30, %dot_general3A_38 : vector<1280x128xf32>
    %get3A_40 = arith.constant 0 : index
    %get3A_41 = arith.constant 0 : index
    %get3A_42 = vector.load %arg6[%get3A_40, %get3A_41] : memref<1x128xf32, #tpu.memory_space<vmem>>, vector<1x128xf32>
    %add3A_43 = vector.broadcast %get3A_42 : vector<1x128xf32> to vector<1280x128xf32>
    %add3A_44 = arith.addf %add3A_39, %add3A_43 : vector<1280x128xf32>
    %max3A_45 = arith.constant 0.000000e+00 : f32
    %max3A_46 = vector.broadcast %max3A_45 : f32 to vector<1280x128xf32>
    %max3A_47 = arith.maximumf %add3A_44, %max3A_46 : vector<1280x128xf32>
    %swap3A = arith.constant 0 : index
    %swap3A_48 = arith.constant 0 : index
    %swap3A_49 = vector.load %arg7[%swap3A, %swap3A_48] : memref<1280x128xf32, #tpu.memory_space<vmem>>, vector<1280x128xf32>
    tpu.vector_store %arg7[%swap3A, %swap3A_48], %max3A_47 {strides = array<i32>} : memref<1280x128xf32, #tpu.memory_space<vmem>>, vector<1280x128xf32>,
    %mul3A_50 = arith.constant 6.400000e+01 : f32
    %mul3A_51 = vector.broadcast %mul3A_50 : f32 to vector<1280x128xf32>
    %mul3A_52 = arith.mulf %max3A_47, %mul3A_51 : vector<1280x128xf32>
    %add3A_53 = arith.constant 5.000000e-01 : f32
    %add3A_54 = vector.broadcast %add3A_53 : f32 to vector<1280x128xf32>
    %add3A_55 = arith.addf %mul3A_52, %add3A_54 : vector<1280x128xf32>
    %min3A = arith.constant 3.200000e+04 : f32
    %min3A_56 = vector.broadcast %min3A : f32 to vector<1280x128xf32>
    %min3A_57 = arith.minimumf %add3A_55, %min3A_56 : vector<1280x128xf32>
    %convert_element_type3A_58 = arith.fptosi %min3A_57 : vector<1280x128xf32> to vector<1280x128xi16>
    %swap3A_59 = arith.constant 0 : index
    %swap3A_60 = arith.constant 0 : index
    %swap3A_61 = vector.load %arg8[%swap3A_59, %swap3A_60] : memref<1280x128xi16, #tpu.memory_space<vmem>>, vector<1280x128xi16>
    tpu.vector_store %arg8[%swap3A_59, %swap3A_60], %convert_element_type3A_58 {strides = array<i32>} : memref<1280x128xi16, #tpu.memory_space<vmem>>, vector<1280x128xi16>,
    return
  }
  func.func @transform_0(%arg0: i32) -> (i32, i32, i32) {
    %c0_i32 = arith.constant 0 : i32
    %c0_i32_0 = arith.constant 0 : i32
    %c0_i32_1 = arith.constant 0 : i32
    return %c0_i32, %arg0, %c0_i32_0 : i32, i32, i32
  }
  func.func @transform_1(%arg0: i32) -> (i32, i32, i32) {
    %c0_i32 = arith.constant 0 : i32
    %c0_i32_0 = arith.constant 0 : i32
    %c0_i32_1 = arith.constant 0 : i32
    return %c0_i32, %arg0, %c0_i32_0 : i32, i32, i32
  }
  func.func @transform_2(%arg0: i32) -> (i32, i32) {
    %c0_i32 = arith.constant 0 : i32
    %c0_i32_0 = arith.constant 0 : i32
    return %arg0, %c0_i32 : i32, i32
  }
  func.func @transform_3(%arg0: i32) -> (i32, i32) {
    %c0_i32 = arith.constant 0 : i32
    %c0_i32_0 = arith.constant 0 : i32
    %c0_i32_1 = arith.constant 0 : i32
    return %c0_i32, %c0_i32_0 : i32, i32
  }
  func.func @transform_4(%arg0: i32) -> (i32, i32) {
    %c0_i32 = arith.constant 0 : i32
    %c0_i32_0 = arith.constant 0 : i32
    %c0_i32_1 = arith.constant 0 : i32
    return %c0_i32, %c0_i32_0 : i32, i32
  }
  func.func @transform_5(%arg0: i32) -> (i32, i32) {
    %c0_i32 = arith.constant 0 : i32
    %c0_i32_0 = arith.constant 0 : i32
    %c0_i32_1 = arith.constant 0 : i32
    return %c0_i32, %c0_i32_0 : i32, i32
  }
  func.func @transform_6(%arg0: i32) -> (i32, i32) {
    %c0_i32 = arith.constant 0 : i32
    %c0_i32_0 = arith.constant 0 : i32
    return %arg0, %c0_i32 : i32, i32
  }
  func.func @transform_7(%arg0: i32) -> (i32, i32) {
    %c0_i32 = arith.constant 0 : i32
    %c0_i32_0 = arith.constant 0 : i32
    return %arg0, %c0_i32 : i32, i32
  }
}

module attributes {stable_mosaic.version = 14 : i64} {
  func.func @body(%arg0: i32, %arg1: memref<2x1280x128xi16, #tpu.memory_space<vmem>>, %arg2: memref<2x1280x16xf32, #tpu.memory_space<vmem>>, %arg3: memref<1280x128xf32, #tpu.memory_space<vmem>>, %arg4: memref<128x128xf32, #tpu.memory_space<vmem>>, %arg5: memref<128x128xf32, #tpu.memory_space<vmem>>, %arg6: memref<1x128xf32, #tpu.memory_space<vmem>>, %arg7: memref<2x128xf32, #tpu.memory_space<vmem>>, %arg8: memref<1x2xf32, #tpu.memory_space<vmem>>, %arg9: memref<1280x2xf32, #tpu.memory_space<vmem>>) attributes {dimension_semantics = [#tpu.dimension_semantics<arbitrary>], iteration_bounds = array<i64: 8>, scalar_prefetch = 0 : i64, scratch_operands = 0 : i64, tpu.core_type = #tpu.core_type<tc>, window_params = [{transform_indices = @transform_0, window_bounds = array<i64: 2, 1280, 128>}, {transform_indices = @transform_1, window_bounds = array<i64: 2, 1280, 16>}, {transform_indices = @transform_2, window_bounds = array<i64: 1280, 128>}, {pipeline_mode = #tpu.pipeline_mode<synchronous>, transform_indices = @transform_3, window_bounds = array<i64: 128, 128>}, {pipeline_mode = #tpu.pipeline_mode<synchronous>, transform_indices = @transform_4, window_bounds = array<i64: 128, 128>}, {pipeline_mode = #tpu.pipeline_mode<synchronous>, transform_indices = @transform_5, window_bounds = array<i64: 1, 128>}, {pipeline_mode = #tpu.pipeline_mode<synchronous>, transform_indices = @transform_6, window_bounds = array<i64: 2, 128>}, {pipeline_mode = #tpu.pipeline_mode<synchronous>, transform_indices = @transform_7, window_bounds = array<i64: 1, 2>}, {transform_indices = @transform_8, window_bounds = array<i64: 1280, 2>}]} {
    %get3A = arith.constant 0 : index
    %get3A_0 = arith.constant 0 : index
    %get3A_1 = arith.constant 0 : index
    %get3A_2 = vector.load %arg2[%get3A, %get3A_0, %get3A_1] : memref<2x1280x16xf32, #tpu.memory_space<vmem>>, vector<1x1280x16xf32>
    %get3A_3 = vector.shape_cast %get3A_2 : vector<1x1280x16xf32> to vector<1280x16xf32>
    %slice3A = vector.extract_strided_slice %get3A_3 {offsets = [0, 0], sizes = [1280, 1], strides = [1, 1]} : vector<1280x16xf32> to vector<1280x1xf32>
    %get3A_4 = arith.constant 1 : index
    %get3A_5 = arith.constant 0 : index
    %get3A_6 = arith.constant 0 : index
    %get3A_7 = vector.load %arg2[%get3A_4, %get3A_5, %get3A_6] : memref<2x1280x16xf32, #tpu.memory_space<vmem>>, vector<1x1280x16xf32>
    %get3A_8 = vector.shape_cast %get3A_7 : vector<1x1280x16xf32> to vector<1280x16xf32>
    %slice3A_9 = vector.extract_strided_slice %get3A_8 {offsets = [0, 0], sizes = [1280, 1], strides = [1, 1]} : vector<1280x16xf32> to vector<1280x1xf32>
    %add3A = arith.addf %slice3A, %slice3A_9 : vector<1280x1xf32>
    %max3A = arith.constant 1.000000e+00 : f32
    %max3A_10 = vector.broadcast %max3A : f32 to vector<1280x1xf32>
    %max3A_11 = arith.maximumf %add3A, %max3A_10 : vector<1280x1xf32>
    %div3A = arith.constant 1.562500e-02 : f32
    %div3A_12 = vector.broadcast %div3A : f32 to vector<1280x1xf32>
    %div3A_13 = arith.divf %div3A_12, %max3A_11 : vector<1280x1xf32>
    %get3A_14 = arith.constant 0 : index
    %get3A_15 = arith.constant 0 : index
    %get3A_16 = arith.constant 0 : index
    %get3A_17 = vector.load %arg1[%get3A_14, %get3A_15, %get3A_16] : memref<2x1280x128xi16, #tpu.memory_space<vmem>>, vector<1x1280x128xi16>
    %get3A_18 = vector.shape_cast %get3A_17 : vector<1x1280x128xi16> to vector<1280x128xi16>
    %convert_element_type3A = arith.sitofp %get3A_18 : vector<1280x128xi16> to vector<1280x128xf32>
    %get3A_19 = arith.constant 1 : index
    %get3A_20 = arith.constant 0 : index
    %get3A_21 = arith.constant 0 : index
    %get3A_22 = vector.load %arg1[%get3A_19, %get3A_20, %get3A_21] : memref<2x1280x128xi16, #tpu.memory_space<vmem>>, vector<1x1280x128xi16>
    %get3A_23 = vector.shape_cast %get3A_22 : vector<1x1280x128xi16> to vector<1280x128xi16>
    %convert_element_type3A_24 = arith.sitofp %get3A_23 : vector<1280x128xi16> to vector<1280x128xf32>
    %add3A_25 = arith.addf %convert_element_type3A, %convert_element_type3A_24 : vector<1280x128xf32>
    %mul3A = vector.broadcast %div3A_13 : vector<1280x1xf32> to vector<1280x128xf32>
    %mul3A_26 = arith.mulf %add3A_25, %mul3A : vector<1280x128xf32>
    %get3A_27 = arith.constant 0 : index
    %get3A_28 = arith.constant 0 : index
    %get3A_29 = vector.load %arg3[%get3A_27, %get3A_28] : memref<1280x128xf32, #tpu.memory_space<vmem>>, vector<1280x128xf32>
    %get3A_30 = arith.constant 0 : index
    %get3A_31 = arith.constant 0 : index
    %get3A_32 = vector.load %arg4[%get3A_30, %get3A_31] : memref<128x128xf32, #tpu.memory_space<vmem>>, vector<128x128xf32>
    %dot_general3A = arith.constant dense<0.000000e+00> : vector<1280x128xf32>
    %dot_general3A_33 = tpu.matmul %mul3A_26, %get3A_32, %dot_general3A {dimension_numbers = #tpu.dot_dimension_numbers<[1], [1], [0], [0], [0, 0, 1, 0], [], []>, precision = #tpu.contract_precision<fp32>, transpose_lhs_hint = false} : vector<1280x128xf32>, vector<128x128xf32>, vector<1280x128xf32> -> vector<1280x128xf32>
    %get3A_34 = arith.constant 0 : index
    %get3A_35 = arith.constant 0 : index
    %get3A_36 = vector.load %arg5[%get3A_34, %get3A_35] : memref<128x128xf32, #tpu.memory_space<vmem>>, vector<128x128xf32>
    %dot_general3A_37 = arith.constant dense<0.000000e+00> : vector<1280x128xf32>
    %dot_general3A_38 = tpu.matmul %get3A_29, %get3A_36, %dot_general3A_37 {dimension_numbers = #tpu.dot_dimension_numbers<[1], [1], [0], [0], [0, 0, 1, 0], [], []>, precision = #tpu.contract_precision<fp32>, transpose_lhs_hint = false} : vector<1280x128xf32>, vector<128x128xf32>, vector<1280x128xf32> -> vector<1280x128xf32>
    %add3A_39 = arith.addf %dot_general3A_33, %dot_general3A_38 : vector<1280x128xf32>
    %get3A_40 = arith.constant 0 : index
    %get3A_41 = arith.constant 0 : index
    %get3A_42 = vector.load %arg6[%get3A_40, %get3A_41] : memref<1x128xf32, #tpu.memory_space<vmem>>, vector<1x128xf32>
    %add3A_43 = vector.broadcast %get3A_42 : vector<1x128xf32> to vector<1280x128xf32>
    %add3A_44 = arith.addf %add3A_43, %get3A_29 : vector<1280x128xf32>
    %add3A_45 = arith.addf %add3A_39, %add3A_44 : vector<1280x128xf32>
    %reduce_sum3A = arith.constant dense<0.000000e+00> : vector<1280xf32>
    %reduce_sum3A_46 = vector.multi_reduction <add>, %add3A_45, %reduce_sum3A [1] : vector<1280x128xf32> to vector<1280xf32>
    %broadcast_in_dim3A = vector.shape_cast %reduce_sum3A_46 : vector<1280xf32> to vector<1280x1xf32>
    %div3A_47 = arith.constant 1.280000e+02 : f32
    %div3A_48 = vector.broadcast %div3A_47 : f32 to vector<1280x1xf32>
    %div3A_49 = arith.divf %broadcast_in_dim3A, %div3A_48 : vector<1280x1xf32>
    %sub3A = vector.broadcast %div3A_49 : vector<1280x1xf32> to vector<1280x128xf32>
    %sub3A_50 = arith.subf %add3A_45, %sub3A : vector<1280x128xf32>
    %integer_pow3A = arith.mulf %sub3A_50, %sub3A_50 : vector<1280x128xf32>
    %reduce_sum3A_51 = arith.constant dense<0.000000e+00> : vector<1280xf32>
    %reduce_sum3A_52 = vector.multi_reduction <add>, %integer_pow3A, %reduce_sum3A_51 [1] : vector<1280x128xf32> to vector<1280xf32>
    %broadcast_in_dim3A_53 = vector.shape_cast %reduce_sum3A_52 : vector<1280xf32> to vector<1280x1xf32>
    %div3A_54 = arith.constant 1.280000e+02 : f32
    %div3A_55 = vector.broadcast %div3A_54 : f32 to vector<1280x1xf32>
    %div3A_56 = arith.divf %broadcast_in_dim3A_53, %div3A_55 : vector<1280x1xf32>
    %sub3A_57 = vector.broadcast %div3A_49 : vector<1280x1xf32> to vector<1280x128xf32>
    %sub3A_58 = arith.subf %add3A_45, %sub3A_57 : vector<1280x128xf32>
    %add3A_59 = arith.constant 9.99999974E-6 : f32
    %add3A_60 = vector.broadcast %add3A_59 : f32 to vector<1280x1xf32>
    %add3A_61 = arith.addf %div3A_56, %add3A_60 : vector<1280x1xf32>
    %sqrt3A = math.sqrt %add3A_61 : vector<1280x1xf32>
    %div3A_62 = vector.broadcast %sqrt3A : vector<1280x1xf32> to vector<1280x128xf32>
    %div3A_63 = arith.divf %sub3A_58, %div3A_62 : vector<1280x128xf32>
    %max3A_64 = arith.constant 0.000000e+00 : f32
    %max3A_65 = vector.broadcast %max3A_64 : f32 to vector<1280x128xf32>
    %max3A_66 = arith.maximumf %div3A_63, %max3A_65 : vector<1280x128xf32>
    %get3A_67 = arith.constant 0 : index
    %get3A_68 = arith.constant 0 : index
    %get3A_69 = vector.load %arg7[%get3A_67, %get3A_68] : memref<2x128xf32, #tpu.memory_space<vmem>>, vector<2x128xf32>
    %dot_general3A_70 = arith.constant dense<0.000000e+00> : vector<1280x2xf32>
    %dot_general3A_71 = tpu.matmul %max3A_66, %get3A_69, %dot_general3A_70 {dimension_numbers = #tpu.dot_dimension_numbers<[1], [1], [0], [0], [0, 0, 1, 0], [], []>, precision = #tpu.contract_precision<fp32>, transpose_lhs_hint = false} : vector<1280x128xf32>, vector<2x128xf32>, vector<1280x2xf32> -> vector<1280x2xf32>
    %get3A_72 = arith.constant 0 : index
    %get3A_73 = arith.constant 0 : index
    %get3A_74 = vector.load %arg8[%get3A_72, %get3A_73] : memref<1x2xf32, #tpu.memory_space<vmem>>, vector<1x2xf32>
    %add3A_75 = vector.broadcast %get3A_74 : vector<1x2xf32> to vector<1280x2xf32>
    %add3A_76 = arith.addf %dot_general3A_71, %add3A_75 : vector<1280x2xf32>
    %swap3A = arith.constant 0 : index
    %swap3A_77 = arith.constant 0 : index
    %swap3A_78 = vector.load %arg9[%swap3A, %swap3A_77] : memref<1280x2xf32, #tpu.memory_space<vmem>>, vector<1280x2xf32>
    tpu.vector_store %arg9[%swap3A, %swap3A_77], %add3A_76 {strides = array<i32>} : memref<1280x2xf32, #tpu.memory_space<vmem>>, vector<1280x2xf32>,
    return
  }
  func.func @transform_0(%arg0: i32) -> (i32, i32, i32) {
    %c0_i32 = arith.constant 0 : i32
    %c0_i32_0 = arith.constant 0 : i32
    %c0_i32_1 = arith.constant 0 : i32
    return %c0_i32, %arg0, %c0_i32_0 : i32, i32, i32
  }
  func.func @transform_1(%arg0: i32) -> (i32, i32, i32) {
    %c0_i32 = arith.constant 0 : i32
    %c0_i32_0 = arith.constant 0 : i32
    %c0_i32_1 = arith.constant 0 : i32
    return %c0_i32, %arg0, %c0_i32_0 : i32, i32, i32
  }
  func.func @transform_2(%arg0: i32) -> (i32, i32) {
    %c0_i32 = arith.constant 0 : i32
    %c0_i32_0 = arith.constant 0 : i32
    return %arg0, %c0_i32 : i32, i32
  }
  func.func @transform_3(%arg0: i32) -> (i32, i32) {
    %c0_i32 = arith.constant 0 : i32
    %c0_i32_0 = arith.constant 0 : i32
    %c0_i32_1 = arith.constant 0 : i32
    return %c0_i32, %c0_i32_0 : i32, i32
  }
  func.func @transform_4(%arg0: i32) -> (i32, i32) {
    %c0_i32 = arith.constant 0 : i32
    %c0_i32_0 = arith.constant 0 : i32
    %c0_i32_1 = arith.constant 0 : i32
    return %c0_i32, %c0_i32_0 : i32, i32
  }
  func.func @transform_5(%arg0: i32) -> (i32, i32) {
    %c0_i32 = arith.constant 0 : i32
    %c0_i32_0 = arith.constant 0 : i32
    %c0_i32_1 = arith.constant 0 : i32
    return %c0_i32, %c0_i32_0 : i32, i32
  }
  func.func @transform_6(%arg0: i32) -> (i32, i32) {
    %c0_i32 = arith.constant 0 : i32
    %c0_i32_0 = arith.constant 0 : i32
    %c0_i32_1 = arith.constant 0 : i32
    return %c0_i32, %c0_i32_0 : i32, i32
  }
  func.func @transform_7(%arg0: i32) -> (i32, i32) {
    %c0_i32 = arith.constant 0 : i32
    %c0_i32_0 = arith.constant 0 : i32
    %c0_i32_1 = arith.constant 0 : i32
    return %c0_i32, %c0_i32_0 : i32, i32
  }
  func.func @transform_8(%arg0: i32) -> (i32, i32) {
    %c0_i32 = arith.constant 0 : i32
    %c0_i32_0 = arith.constant 0 : i32
    return %arg0, %c0_i32 : i32, i32
  }
}

</mosaic_0001>

<sc_bundles>
// kernel: kernel.6.cloned.1.call-start
scs
__scs_entry_jumppad:
0x0: {  	(pc) =	sbr.rel $0x88, $3  }
0x1: {  	(tag) =	ssettag $0x0;
	lr =	simm.s32 $0x1  }
0x2: {  	[smem:$0x3F95] =	sst lr;
	_ =	strace $0xD0000000  }
0x3: {  	_ = 	snop  }
0x4: {  	_ = 	snop  }
0x5: {  	_ = 	snop  }
0x6: {  	_ = 	snop  }
0x7: {  	_ = 	snop  }
__scs_overlays_trampoline_lowered:
0x8: {  	[smem:$0x3FA4] =	sst s0  }
0x9: {  	[smem:$0x3FA5] =	sst s1  }
0xa: {  	[smem:$0x3FA6] =	sst s2  }
0xb: {  	[smem:$0x3FA7] =	sst s3  }
0xc: {  	[smem:$0x3FA8] =	sst s4  }
0xd: {  	[smem:$0x3FA9] =	sst s5  }
0xe: {  	[smem:$0x3FAA] =	sst s6  }
0xf: {  	[smem:$0x3FAB] =	sst s7  }
0x10: {  	[smem:$0x3FAC] =	sst s8  }
0x11: {  	[smem:$0x3FAD] =	sst s9;
	s0 =	simm.s32 @!p0 $0x0  }
0x12: {  	s1 =	sld [smem:$0x3F93];
	s0 =	simm.s32 @p0 $0x1  }
0x13: {  	[smem:$0x3FAE] =	sst s0;
	s0 =	simm.s32 @!p1 $0x0  }
0x14: {  	s2 =	sld [smem:$0x3F92];
	s0 =	simm.s32 @p1 $0x1  }
0x15: {  	[smem:$0x3FAF] =	sst s0;
	s0 =	simm.s32 @!p2 $0x0  }
0x16: {  	s3 =	sld [smem:$0x3FDB];
	s0 =	simm.s32 @p2 $0x1  }
0x17: {  	s4 =	simm.s32 $0x1BF5;
	[smem:$0x3FB1] =	sst s0  }
0x18: {  	s0 =	sld [smem:$0x3F94];
	_ =	swait.ge [sflag:s4], $0x0  }
0x19: {  	s7 =	sld [smem:$0x3F95]  }
0x1a: {  	s8 =	sadd.s32 $0xFFFFE003, lr  }
0x1b: {  	s9 =	sadd.s32 $0xFFFFFEF7, lr;
	s5 =	simm.s32 $0xFFFFFFFF;
	p2 =	slt.u32 s8, $0xFFFFF086  }
0x1c: {  	p1 =	slt.u32 s9, $0xF7A;
	s5 =	simm.s32 @!p2 $0x0  }
0x1d: {  	s5 =	simm.s32 @p1 $0x1;
	p0 =	seq.s32 s7, s2  }
0x1e: {  	s7 =	smul.u32 @!p0 $0xF7A, s2;
	p2 =	seq.s32 @!p0 s5, $0x0  }
0x1f: {  	s9 =	smul.u32 $0xF7A, s1;
	s8 =	simm.s32 @!p0 $0x1BF5;
	p2 =	por !p2, p0  }
0x20: {  	[sflag:s8] =	ssyncset.s32 @!p0 $0xFFFFF086;
	s6 =	sadd.s32 @!p0 s3, s7;
	s7 =	simm.s32 @!p0 $0x108  }
0x21: {  	s3 =	sadd.s32 s3, s9;
	s6 =	sadd.s32 @!p0 $0x88, s6;
	s7 =	simm.s32 @p2 $0x1082  }
0x22: {  	[simem:s7], [sflag:s8] =	dma.local @!p0 [hbm:s6], $0xF7A  }
0x23: {  	s9 =	sor.u32 $0xD0000000, s2;
	s6 =	simm.s32 $0x108;
	_ =	swait.ge @!p0 [sflag:s8], $0x0  }
0x24: {  	s3 =	sadd.s32 $0x88, s3;
	s6 =	simm.s32 @!p1 $0x1082;
	[sflag:s4] =	ssyncset.s32 $0xFFFFF086  }
0x25: {  	[simem:s6], [sflag:s4] =	dma.local [hbm:s3], $0xF7A  }
0x26: {  	[smem:$0x3F95] =	sst s1;
	(tag) =	ssettag s2;
	_ =	strace s9  }
0x27: {  	s1 =	sld [smem:$0x3FA5]  }
0x28: {  	s2 =	sld [smem:$0x3FA6]  }
0x29: {  	s4 =	sld [smem:$0x3FA8]  }
0x2a: {  	p0 =	seq.s32 s5, $0x0;
	s5 =	sld [smem:$0x3FA9]  }
0x2b: {  	s6 =	sld [smem:$0x3FAA]  }
0x2c: {  	s7 =	sld [smem:$0x3FAB]  }
0x2d: {  	s3 =	simm.s32 $0x108;
	s8 =	sld [smem:$0x3FAC]  }
0x2e: {  	s3 =	simm.s32 @!p0 $0x1082;
	s9 =	sld [smem:$0x3FAD]  }
0x2f: {  	lr =	sadd.s32 s0, s3;
	s0 =	sld [smem:$0x3FA4]  }
0x30: {  	s3 =	sld [smem:$0x3FA7]  }
0x31: {  	[smem:$0x3FB0] =	sst s10  }
0x32: {  	s10 =	sld [smem:$0x3FAE];
	_ =	sdelay $0x3  }
0x33: {  	p0 =	seq.s32 s10, $0x1;
	s10 =	sld [smem:$0x3FB0];
	_ =	sdelay $0x3  }
0x34: {  	[smem:$0x3FB0] =	sst s10  }
0x35: {  	s10 =	sld [smem:$0x3FAF];
	_ =	sdelay $0x3  }
0x36: {  	p1 =	seq.s32 s10, $0x1;
	s10 =	sld [smem:$0x3FB0];
	_ =	sdelay $0x3  }
0x37: {  	[smem:$0x3FB0] =	sst s10  }
0x38: {  	s10 =	sld [smem:$0x3FB1]  }
0x39: {  	_ = 	snop;
	(pc) =	sbr.ind lr, $3  }
0x3a: {  	_ = 	snop  }
0x3b: {  	_ = 	snop  }
0x3c: {  	p2 =	seq.s32 s10, $0x1;
	s10 =	sld [smem:$0x3FB0]  }
0x3d: {  	_ =	shalt  }
0x3e: {  	_ =	shalt  }
0x3f: {  	_ =	shalt  }
0x40: {  	_ =	shalt  }
0x41: {  	_ =	shalt  }
0x42: {  	_ =	shalt  }
0x43: {  	_ =	shalt  }
0x44: {  	_ =	shalt  }
0x45: {  	_ =	shalt  }
0x46: {  	_ =	shalt  }
0x47: {  	_ =	shalt  }
0x48: {  	_ =	shalt  }
0x49: {  	_ =	shalt  }
0x4a: {  	_ =	shalt  }
0x4b: {  	_ =	shalt  }
0x4c: {  	_ =	shalt  }
0x4d: {  	_ =	shalt  }
0x4e: {  	_ =	shalt  }
0x4f: {  	_ =	shalt  }
0x50: {  	_ =	shalt  }
0x51: {  	_ =	shalt  }
0x52: {  	_ =	shalt  }
0x53: {  	_ =	shalt  }
0x54: {  	_ =	shalt  }
0x55: {  	_ =	shalt  }
0x56: {  	_ =	shalt  }
0x57: {  	_ =	shalt  }
0x58: {  	_ =	shalt  }
0x59: {  	_ =	shalt  }
0x5a: {  	_ =	shalt  }
0x5b: {  	_ =	shalt  }
0x5c: {  	_ =	shalt  }
0x5d: {  	_ =	shalt  }
0x5e: {  	_ =	shalt  }
0x5f: {  	_ =	shalt  }
0x60: {  	_ =	shalt  }
0x61: {  	_ =	shalt  }
0x62: {  	_ =	shalt  }
0x63: {  	_ =	shalt  }
0x64: {  	_ =	shalt  }
0x65: {  	_ =	shalt  }
0x66: {  	_ =	shalt  }
0x67: {  	_ =	shalt  }
0x68: {  	_ =	shalt  }
0x69: {  	_ =	shalt  }
0x6a: {  	_ =	shalt  }
0x6b: {  	_ =	shalt  }
0x6c: {  	_ =	shalt  }
0x6d: {  	_ =	shalt  }
0x6e: {  	_ =	shalt  }
0x6f: {  	_ =	shalt  }
0x70: {  	_ =	shalt  }
0x71: {  	_ =	shalt  }
0x72: {  	_ =	shalt  }
0x73: {  	_ =	shalt  }
0x74: {  	_ =	shalt  }
0x75: {  	_ =	shalt  }
0x76: {  	_ =	shalt  }
0x77: {  	_ =	shalt  }
0x78: {  	_ =	shalt  }
0x79: {  	_ =	shalt  }
0x7a: {  	_ =	shalt  }
0x7b: {  	_ =	shalt  }
0x7c: {  	_ =	shalt  }
0x7d: {  	_ =	shalt  }
0x7e: {  	_ =	shalt  }
0x7f: {  	_ =	shalt  }
0x80: {  	_ =	shalt  }
0x81: {  	_ =	shalt  }
0x82: {  	_ =	shalt  }
0x83: {  	_ =	shalt  }
0x84: {  	_ =	shalt  }
0x85: {  	_ =	shalt  }
0x86: {  	_ =	shalt  }
0x87: {  	_ =	shalt  }
.Lfunc_end0:
.L_simem_size_0:
called_computation_lowered:
.L_overlay_start_0:
0x88: {  	s2 =	sld [smem:$0x3FD9]  }
0x89: {  	s3 =	sld [smem:$0x3FFE];
	_ =	sdelay $0x1  }
0x8a: {  	s1 =	srdreg.scid  }
0x8b: {  	s0 =	sand.u32 $0x1, s1  }
0x8c: {  	s16 =	sshll.u32 s0, $0xA;
	s2 =	sadd.s32 s3, s2  }
0x8d: {  	s2 =	sadd.s32 s2, s16  }
0x8e: {  	[smem:$0x3FBC] =	sst s2  }
0x8f: {  	_ = 	snop  }
0x90: {  	(tm) =	ssettm $0x1  }
0x91: {  	s17 =	sld [smem:$0x3FFB];
	_ =	sdelay $0x3  }
0x92: {  	_ =	strace s17  }
0x93: {  	s2 =	sld [smem:$0x3FFC];
	_ =	sdelay $0x3  }
0x94: {  	_ =	strace s2  }
0x95: {  	s2 =	sld [smem:$0x3FFD];
	_ =	sdelay $0x3  }
0x96: {  	_ =	strace s2  }
0x97: {  	_ =	strace $0x8FFFFFFF  }
0x98: {  	s18 =	sld [smem:$0x3FDB];
	_ =	sdelay $0x1  }
0x99: {  	s19 =	simm.s32 $_scs_section_size  }
0x9a: {  	s4 =	simm.s32 $_size__tile_overlayer_lowered;
	s5 =	simm.s32 $_tile_overlayer_lowered  }
0x9b: {  	s22 =	simm.s32 $0x1BFF;
	s21 =	sshll.u32 s5, $0x1;
	s2 =	sadd.s32 s19, s18  }
0x9c: {  	s6 =	simm.s32 $0x0;
	s20 =	sshll.u32 s4, $0x1;
	s4 =	sadd.s32 s21, s2  }
0x9d: {  	[timem:s6], [sflag:s22] =	dma.local [hbm:s4], s20  }
0x9e: {  	_ =	swait.ge [sflag:s22], s20  }
0x9f: {  	s3 =	ssub.s32 $0x0, s20;
	[sflag:s22] =	ssyncset.done $0x0  }
0xa0: {  	[sflag:s22] =	ssyncadd.s32 s3;
	_ =	sdelay $0x1  }
0xa1: {  	s23 =	simm.s32 $0x1B8B  }
0xa2: {  	_ =	swait.ge [sflag:s23], $0x1  }
0xa3: {  	[sflag:s23] =	ssyncset.done $0x0  }
0xa4: {  	s25 =	simm.s32 $0x1B8E;
	s24 =	sld [smem:$0x3FFE];
	[sflag:s23] =	ssyncadd.s32 $0xFFFFFFFF  }
0xa5: {  	s26 =	simm.s32 $execute0_lowered;
	[smem:$0x3FD2] =	sst s25  }
0xa6: {  	s4 =	sshll.u32 s26, $0x1;
	_ =	strace $0x80000046;
	[dreg:$0x1] =	wrdreg $0xFFFFFFFF  }
0xa7: {  	s28 =	simm.s32 $_size_execute0_lowered;
	s2 =	sadd.s32 s2, s4;
	[dreg:$0x0] =	wrdreg $0x0  }
0xa8: {  	s4 =	sshll.u32 s28, $0x1;
	[dreg:$0x2] =	wrdreg s2  }
0xa9: {  	[dreg:$0x3] =	wrdreg s4  }
0xaa: {  	[dreg:$0x4] =	wrdreg $0xC0  }
0xab: {  	_ =	task [dreg:s6], $0x5FFFF  }
0xac: {  	[dreg:$0x1] =	wrdreg $0xFFFFFFFF  }
0xad: {  	[dreg:$0x0] =	wrdreg $0x60  }
0xae: {  	[dreg:$0x2] =	wrdreg s24  }
0xaf: {  	[dreg:$0x3] =	wrdreg $0x0  }
0xb0: {  	[dreg:$0x4] =	wrdreg $0xA0000  }
0xb1: {  	[dreg:$0x5] =	wrdreg $0x1D0000  }
0xb2: {  	[dreg:$0x6] =	wrdreg $0x9  }
0xb3: {  	_ =	task.clear_ibuf [dreg:s6], $0x7FFFF;
	_ =	strace $0x90000046  }
0xb4: {  	s29 =	simm.s32 $0x9;
	_ =	strace $0x80000048  }
0xb5: {  	_ =	swait.ge [sflag:s29], $0x1  }
0xb6: {  	[sflag:s29] =	ssyncadd.s32 $0xFFFFFFFF  }
0xb7: {  	_ =	strace $0x90000048  }
0xb8: {  	_ =	sfence  }
0xb9: {  	s30 =	sld [smem:$0x0];
	_ =	sdelay $0x2  }
0xba: {  	s31 =	sshll.u32 s1, $0xD;
	s1 =	sshrl.u32 s1, $0x2  }
0xbb: {  	s3 =	sand.u32 $0x4000, s31;
	s1 =	sadd.s32 s1, s30  }
0xbc: {  	s0 =	sor.u32 s3, s0;
	s1 =	sshll.u32 s1, $0x11  }
0xbd: {  	s0 =	sor.u32 s1, s0  }
0xbe: {  	s0 =	sadd.s32 $0x8F2B, s0  }
0xbf: {  	[sflag:s0] =	ssyncadd.remote.s32 $0x1  }
0xc0: {  	_ =	sfence.sel $0xFFFF  }
0xc1: {  	[dreg:$0x0] =	wrdreg $0xFFFFFFFF;
	(pc) =	sbr.abs _section_cstart, $3  }
0xc2: {  	[dreg:$0x1] =	wrdreg $0xFFFFFFFF  }
0xc3: {  	_ =	task.clear_ibuf [dreg:s6], $0x2FFFF;
	_ =	strace $0x9FFFFFFF  }
0xc4: {  	(tm) =	ssettm $0x7FFFFFFF  }
0xc5: {  	_ =	shalt  }
tec
execute0_lowered:
.L_overlay_start_1:
0x0: {  	(tag) =	ssettag $0x1  }
0x1: {  	s15 =	stileid.u32;
	s2 =	rddreg [dreg:$0x0]  }
0x2: {  	s0 =	srdreg.scid;
	s1 =	rddreg [dreg:$0x1]  }
0x3: {  	s5 =	simm.s32 $0x0;
	s28 =	simm.s32 $0xA;
	s6 =	smul.u32 $0x14000, s15  }
0x4: {  	s29 =	simm.s32 $0x4;
	s31 =	simm.s32 $0xB;
	s9 =	smul.u32 $0x2720, s15  }
0x5: {  	s30 =	simm.s32 $0x18FC0;
	s0 =	sand.u32 $0x1, s0;
	s13 =	smul.u32 $0x28000, s15  }
0x6: {  	s3 =	sshll.u32 s15, $0x1;
	[smem:$0x7FF] =	sst s5;
	s8 =	smul.u32 $0x140000, s0  }
0x7: {  	s4 =	sor.u32 s0, s3;
	s3 =	rddreg [dreg:$0x2];
	s11 =	smul.u32 $0x28000, s0  }
0x8: {  	s0 =	ssub.s32 $0x2, s0;
	s7 =	smul.u32 $0x500, s4;
	s4 =	rddreg [dreg:$0x3]  }
0x9: {  	s10 =	sshrl.u32 s6, $0x4;
	_ =	strace $0x80000047;
	s26 =	sshrl.u32 s0, $0x1  }
0xa: {  	s17 =	sshrl.u32 s13, $0x2;
	s10 =	sadd.s32 s10, s2;
	s8 =	sadd.s32 s6, s8  }
0xb: {  	s24 =	sadd.s32 s9, s11;
	s18 =	sadd.s32 s17, s3;
	s10 =	sadd.s32 $0xC000, s10  }
0xc: {  	s6 =	sshrl.u32 s6, $0x1;
	s19 =	sadd.s32 $0x2000, s18;
	[dreg:$0x5] =	wrdreg s10  }
0xd: {  	s0 =	ssub.s32 s0, s26;
	s21 =	sadd.s32 $0x3000, s18;
	[dreg:$0x7] =	wrdreg s19  }
0xe: {  	s23 =	sshrl.u32 s8, $0x4;
	s22 =	sadd.s32 $0x4000, s18;
	[dreg:$0x8] =	wrdreg s21  }
0xf: {  	s25 =	sshrl.u32 s24, $0x3;
	s24 =	sadd.s32 $0x6000, s18;
	[dreg:$0x9] =	wrdreg s22  }
0x10: {  	s14 =	sadd.s32 s6, s1;
	s26 =	sadd.s32 $0x8000, s18;
	[dreg:$0xb] =	wrdreg s24  }
0x11: {  	s8 =	sadd.s32 s6, s3;
	s6 =	sadd.s32 $0x9000, s18;
	[dreg:$0xd] =	wrdreg s26  }
0x12: {  	s16 =	sshll.u32 s15, $0x6;
	s0 =	smax.u32 s0, $0x1;
	[dreg:$0xe] =	wrdreg s6  }
0x13: {  	s12 =	sadd.s32 s7, s2;
	s10 =	sadd.s32 $0x1000, s18;
	[dreg:$0x1c] =	wrdreg s0  }
0x14: {  	s11 =	sadd.s32 s23, s2;
	s23 =	sadd.s32 $0x5000, s18;
	[dreg:$0x6] =	wrdreg s10  }
0x15: {  	s2 =	sadd.s32 s25, s2;
	s25 =	sadd.s32 $0x7000, s18;
	[dreg:$0xa] =	wrdreg s23  }
0x16: {  	s20 =	smul.u32 $0x9C80, s15;
	s24 =	sadd.s32 $0x2000, s12;
	[dreg:$0xc] =	wrdreg s25  }
0x17: {  	s7 =	sor.u32 $0x1C0D, s16;
	s26 =	sshrl.u32 s14, $0x3;
	[dreg:$0x19] =	wrdreg s24  }
0x18: {  	s18 =	sadd.s32 s9, s4;
	s23 =	sadd.s32 $0x20000, s12;
	[dreg:$0x1d] =	wrdreg s26  }
0x19: {  	s10 =	sshrl.u32 s20, $0x2;
	s25 =	sadd.s32 $0x34000, s11;
	[dreg:$0x18] =	wrdreg s23  }
0x1a: {  	s2 =	sadd.s32 $0x2A000, s2;
	s10 =	sadd.s32 s10, s4;
	[dreg:$0x1a] =	wrdreg s25  }
0x1b: {  	s9 =	simm.s32 $0xD;
	[dreg:$0x1b] =	wrdreg s2;
	s13 =	sadd.s32 $0x400, s10  }
0x1c: {  	s14 =	simm.s32 $0x40;
	s15 =	sadd.s32 $0x800, s10;
	[dreg:$0xf] =	wrdreg s13  }
0x1d: {  	s0 =	simm.s32 $0xC;
	s16 =	sadd.s32 $0xC00, s10;
	[dreg:$0x10] =	wrdreg s15  }
0x1e: {  	s11 =	simm.s32 $0x1F720;
	s17 =	sadd.s32 $0x1000, s10;
	[dreg:$0x11] =	wrdreg s16  }
0x1f: {  	s24 =	simm.s32 $0x3;
	s19 =	sadd.s32 $0x1400, s10;
	[dreg:$0x12] =	wrdreg s17  }
0x20: {  	s26 =	simm.s32 $0x6;
	s20 =	sadd.s32 $0x1800, s10;
	[dreg:$0x13] =	wrdreg s19  }
0x21: {  	s12 =	simm.s32 $0x7;
	s21 =	sadd.s32 $0x1C00, s10;
	[dreg:$0x14] =	wrdreg s20  }
0x22: {  	s23 =	simm.s32 $0x9;
	s22 =	sadd.s32 $0x2000, s10;
	[dreg:$0x15] =	wrdreg s21  }
0x23: {  	s2 =	simm.s32 $0x8;
	s6 =	sadd.s32 $0x2400, s10;
	[dreg:$0x16] =	wrdreg s22  }
0x24: {  	s10 =	simm.s32 $0x19000;
	[dreg:$0x17] =	wrdreg s6;
	s13 =	simm.s32 $0x16800  }
0x25: {  	s15 =	simm.s32 $0x1A000;
	s16 =	simm.s32 $0x1;
	s17 =	simm.s32 $0x1B000  }
0x26: {  	v0 =	vimm.s32 $0x0;
	v1 =	vimm.f32 $0.0e+00;
	v2 =	vimm.f32 $1.000000000e+00;
	s19 =	simm.s32 $0x2;
	s21 =	simm.s32 $0x1C000;
	s22 =	simm.s32 $0x5  }
.LBB2_1:
0x27: {  	s6 =	rddreg [dreg:$0x5]  }
0x28: {  	s20 =	rddreg [dreg:$0x1d]  }
0x29: {  	[spmem:s20], [sflag:s7] =	dma.local [hbm:s6], $0x1400  }
0x2a: {  	_ =	swait.ge [sflag:s9], $0x1400  }
0x2b: {  	[sflag:s9] =	ssyncset.done $0x0  }
0x2c: {  	s20 =	simm.s32 $0x100;
	s6 =	simm.s32 $0x0;
	[sflag:s9] =	ssyncadd.s32 $0xFFFFEC00  }
.LBB2_2:
0x2d: {  	p0 =	sne.s32 s20, $0x3F00;
	[tilespmem:s6+$0x19030] =	vst v0;
	s25 =	smov.u32 s20;
	s20 =	sadd.s32 $0x100, s20  }
.Ltmp0:
0x2e: {  	[tilespmem:s6+$0x19020] =	vst v0;
	(pc) =	sbr.rel @p0 .LBB2_2-.Ltmp0, $3  }
0x2f: {  	[tilespmem:s6+$0x19000] =	vst v0  }
0x30: {  	[tilespmem:s6+$0x19010] =	vst v0;
	_ =	sdelay $0x1  }
0x31: {  	s6 =	sshra.s32 s25, $0x2  }
0x32: {  	[tilespmem:s6+$0x19030] =	vst v0  }
0x33: {  	[tilespmem:s6+$0x19020] =	vst v0  }
0x34: {  	[tilespmem:s6+$0x19000] =	vst v0  }
0x35: {  	[tilespmem:s6+$0x19010] =	vst v0  }
0x36: {  	[spmem:s8] =	stream.linear.scatter [tilespmem:s10], [sflag:$0xD], $0x1000, $0x38;
	[tilespmem:$0x1FB20] =	vst v63  }
0x37: {  	_ =	swait.ge [sflag:s9], $0x1000  }
0x38: {  	[sflag:s9] =	ssyncset.done $0x0  }
0x39: {  	s25 =	rddreg [dreg:$0x6];
	[sflag:s9] =	ssyncadd.s32 $0xFFFFF000  }
0x3a: {  	[spmem:s25] =	stream.linear.scatter [tilespmem:s10], [sflag:$0xD], $0x1000, $0x38;
	[tilespmem:$0x1FB20] =	vst v63  }
0x3b: {  	_ =	swait.ge [sflag:s9], $0x1000  }
0x3c: {  	[sflag:s9] =	ssyncset.done $0x0  }
0x3d: {  	s20 =	rddreg [dreg:$0x7];
	[sflag:s9] =	ssyncadd.s32 $0xFFFFF000  }
0x3e: {  	[spmem:s20] =	stream.linear.scatter [tilespmem:s10], [sflag:$0xD], $0x1000, $0x38;
	[tilespmem:$0x1FB20] =	vst v63  }
0x3f: {  	_ =	swait.ge [sflag:s9], $0x1000  }
0x40: {  	[sflag:s9] =	ssyncset.done $0x0  }
0x41: {  	s25 =	rddreg [dreg:$0x8];
	[sflag:s9] =	ssyncadd.s32 $0xFFFFF000  }
0x42: {  	[spmem:s25] =	stream.linear.scatter [tilespmem:s10], [sflag:$0xD], $0x1000, $0x38;
	[tilespmem:$0x1FB20] =	vst v63  }
0x43: {  	_ =	swait.ge [sflag:s9], $0x1000  }
0x44: {  	[sflag:s9] =	ssyncset.done $0x0  }
0x45: {  	s20 =	rddreg [dreg:$0x9];
	[sflag:s9] =	ssyncadd.s32 $0xFFFFF000  }
0x46: {  	[spmem:s20] =	stream.linear.scatter [tilespmem:s10], [sflag:$0xD], $0x1000, $0x38;
	[tilespmem:$0x1FB20] =	vst v63  }
0x47: {  	_ =	swait.ge [sflag:s9], $0x1000  }
0x48: {  	[sflag:s9] =	ssyncset.done $0x0  }
0x49: {  	s25 =	rddreg [dreg:$0xa];
	[sflag:s9] =	ssyncadd.s32 $0xFFFFF000  }
0x4a: {  	[spmem:s25] =	stream.linear.scatter [tilespmem:s10], [sflag:$0xD], $0x1000, $0x38;
	[tilespmem:$0x1FB20] =	vst v63  }
0x4b: {  	_ =	swait.ge [sflag:s9], $0x1000  }
0x4c: {  	[sflag:s9] =	ssyncset.done $0x0  }
0x4d: {  	s20 =	rddreg [dreg:$0xb];
	[sflag:s9] =	ssyncadd.s32 $0xFFFFF000  }
0x4e: {  	[spmem:s20] =	stream.linear.scatter [tilespmem:s10], [sflag:$0xD], $0x1000, $0x38;
	[tilespmem:$0x1FB20] =	vst v63  }
0x4f: {  	_ =	swait.ge [sflag:s9], $0x1000  }
0x50: {  	[sflag:s9] =	ssyncset.done $0x0  }
0x51: {  	s25 =	rddreg [dreg:$0xc];
	[sflag:s9] =	ssyncadd.s32 $0xFFFFF000  }
0x52: {  	[spmem:s25] =	stream.linear.scatter [tilespmem:s10], [sflag:$0xD], $0x1000, $0x38;
	[tilespmem:$0x1FB20] =	vst v63  }
0x53: {  	_ =	swait.ge [sflag:s9], $0x1000  }
0x54: {  	[sflag:s9] =	ssyncset.done $0x0  }
0x55: {  	s20 =	rddreg [dreg:$0xd];
	[sflag:s9] =	ssyncadd.s32 $0xFFFFF000  }
0x56: {  	[spmem:s20] =	stream.linear.scatter [tilespmem:s10], [sflag:$0xD], $0x1000, $0x38;
	[tilespmem:$0x1FB20] =	vst v63  }
0x57: {  	_ =	swait.ge [sflag:s9], $0x1000  }
0x58: {  	[sflag:s9] =	ssyncset.done $0x0  }
0x59: {  	s25 =	rddreg [dreg:$0xe];
	[sflag:s9] =	ssyncadd.s32 $0xFFFFF000  }
0x5a: {  	[spmem:s25] =	stream.linear.scatter [tilespmem:s10], [sflag:$0xD], $0x1000, $0x38;
	[tilespmem:$0x1FB20] =	vst v63  }
0x5b: {  	_ =	swait.ge [sflag:s9], $0x1000  }
0x5c: {  	[sflag:s9] =	ssyncset.done $0x0  }
0x5d: {  	s6 =	simm.s32 $0x40;
	s20 =	simm.s32 $0x0;
	[sflag:s9] =	ssyncadd.s32 $0xFFFFF000  }
.LBB2_4:
0x5e: {  	p0 =	sne.s32 s6, $0xFC0;
	[tilespmem:s20+$0x1F720] =	vst v1;
	s20 =	smov.u32 s6;
	s6 =	sadd.s32 $0x40, s6  }
.Ltmp1:
0x5f: {  	(pc) =	sbr.rel @p0 .LBB2_4-.Ltmp1, $2  }
0x60: {  	_ =	sdelay $0x2  }
0x61: {  	s20 =	sshra.s32 s20, $0x2  }
0x62: {  	[tilespmem:s20+$0x1F720] =	vst v1  }
0x63: {  	[spmem:s18] =	stream.linear.scatter [tilespmem:s11], [sflag:$0xD], $0x400, $0x38;
	[tilespmem:$0x1FB20] =	vst v63  }
0x64: {  	_ =	swait.ge [sflag:s9], $0x400  }
0x65: {  	[sflag:s9] =	ssyncset.done $0x0  }
0x66: {  	s6 =	rddreg [dreg:$0xf];
	[sflag:s9] =	ssyncadd.s32 $0xFFFFFC00  }
0x67: {  	[spmem:s6] =	stream.linear.scatter [tilespmem:s11], [sflag:$0xD], $0x400, $0x38;
	[tilespmem:$0x1FB20] =	vst v63  }
0x68: {  	_ =	swait.ge [sflag:s9], $0x400  }
0x69: {  	[sflag:s9] =	ssyncset.done $0x0  }
0x6a: {  	s20 =	rddreg [dreg:$0x10];
	[sflag:s9] =	ssyncadd.s32 $0xFFFFFC00  }
0x6b: {  	[spmem:s20] =	stream.linear.scatter [tilespmem:s11], [sflag:$0xD], $0x400, $0x38;
	[tilespmem:$0x1FB20] =	vst v63  }
0x6c: {  	_ =	swait.ge [sflag:s9], $0x400  }
0x6d: {  	[sflag:s9] =	ssyncset.done $0x0  }
0x6e: {  	s25 =	rddreg [dreg:$0x11];
	[sflag:s9] =	ssyncadd.s32 $0xFFFFFC00  }
0x6f: {  	[spmem:s25] =	stream.linear.scatter [tilespmem:s11], [sflag:$0xD], $0x400, $0x38;
	[tilespmem:$0x1FB20] =	vst v63  }
0x70: {  	_ =	swait.ge [sflag:s9], $0x400  }
0x71: {  	[sflag:s9] =	ssyncset.done $0x0  }
0x72: {  	s20 =	rddreg [dreg:$0x12];
	[sflag:s9] =	ssyncadd.s32 $0xFFFFFC00  }
0x73: {  	[spmem:s20] =	stream.linear.scatter [tilespmem:s11], [sflag:$0xD], $0x400, $0x38;
	[tilespmem:$0x1FB20] =	vst v63  }
0x74: {  	_ =	swait.ge [sflag:s9], $0x400  }
0x75: {  	[sflag:s9] =	ssyncset.done $0x0  }
0x76: {  	s25 =	rddreg [dreg:$0x13];
	[sflag:s9] =	ssyncadd.s32 $0xFFFFFC00  }
0x77: {  	[spmem:s25] =	stream.linear.scatter [tilespmem:s11], [sflag:$0xD], $0x400, $0x38;
	[tilespmem:$0x1FB20] =	vst v63  }
0x78: {  	_ =	swait.ge [sflag:s9], $0x400  }
0x79: {  	[sflag:s9] =	ssyncset.done $0x0  }
0x7a: {  	s20 =	rddreg [dreg:$0x14];
	[sflag:s9] =	ssyncadd.s32 $0xFFFFFC00  }
0x7b: {  	[spmem:s20] =	stream.linear.scatter [tilespmem:s11], [sflag:$0xD], $0x400, $0x38;
	[tilespmem:$0x1FB20] =	vst v63  }
0x7c: {  	_ =	swait.ge [sflag:s9], $0x400  }
0x7d: {  	[sflag:s9] =	ssyncset.done $0x0  }
0x7e: {  	s25 =	rddreg [dreg:$0x15];
	[sflag:s9] =	ssyncadd.s32 $0xFFFFFC00  }
0x7f: {  	[spmem:s25] =	stream.linear.scatter [tilespmem:s11], [sflag:$0xD], $0x400, $0x38;
	[tilespmem:$0x1FB20] =	vst v63  }
0x80: {  	_ =	swait.ge [sflag:s9], $0x400  }
0x81: {  	[sflag:s9] =	ssyncset.done $0x0  }
0x82: {  	s20 =	rddreg [dreg:$0x16];
	[sflag:s9] =	ssyncadd.s32 $0xFFFFFC00  }
0x83: {  	[spmem:s20] =	stream.linear.scatter [tilespmem:s11], [sflag:$0xD], $0x400, $0x38;
	[tilespmem:$0x1FB20] =	vst v63  }
0x84: {  	_ =	swait.ge [sflag:s9], $0x400  }
0x85: {  	[sflag:s9] =	ssyncset.done $0x0  }
0x86: {  	s25 =	rddreg [dreg:$0x17];
	[sflag:s9] =	ssyncadd.s32 $0xFFFFFC00  }
0x87: {  	[spmem:s25] =	stream.linear.scatter [tilespmem:s11], [sflag:$0xD], $0x320, $0x38;
	[tilespmem:$0x1FB20] =	vst v63  }
0x88: {  	_ =	swait.ge [sflag:s9], $0x320  }
0x89: {  	[sflag:s9] =	ssyncset.done $0x0  }
0x8a: {  	s6 =	simm.s32 $0x40;
	s20 =	simm.s32 $0x0;
	[sflag:s9] =	ssyncadd.s32 $0xFFFFFCE0  }
.LBB2_6:
0x8b: {  	p0 =	sne.s32 s6, $0xFC0;
	[tilespmem:s20+$0x1F720] =	vst v2;
	s20 =	smov.u32 s6;
	s6 =	sadd.s32 $0x40, s6  }
.Ltmp2:
0x8c: {  	(pc) =	sbr.rel @p0 .LBB2_6-.Ltmp2, $2  }
0x8d: {  	_ =	sdelay $0x2  }
0x8e: {  	s20 =	sshra.s32 s20, $0x2  }
0x8f: {  	[tilespmem:s20+$0x1F720] =	vst v2;
	s6 =	simm.s32 $0x0;
	s20 =	rddreg [dreg:$0x18];
	s25 =	simm.s32 $0x14000  }
0x90: {  	[tilespmem:s25], [sflag:$0xD] =	stream.linear.gather [hbm4b:s20+s6], $0x2800, $0x38;
	[tilespmem:$0x1FB20] =	vst v63  }
0x91: {  	_ =	swait.ge [sflag:s9], $0x2800  }
0x92: {  	[sflag:s9] =	ssyncset.done $0x0  }
0x93: {  	s20 =	rddreg [dreg:$0x19];
	[sflag:s9] =	ssyncadd.s32 $0xFFFFD800  }
0x94: {  	[tilespmem:s13], [sflag:$0xD] =	stream.linear.gather [hbm4b:s20+s6], $0x2800, $0x38;
	[tilespmem:$0x1FB20] =	vst v63  }
0x95: {  	_ =	swait.ge [sflag:s9], $0x2800  }
0x96: {  	[sflag:s9] =	ssyncset.done $0x0  }
0x97: {  	[sflag:s9] =	ssyncadd.s32 $0xFFFFD800  }
0x98: {  	[bflag:$0x0] =	sbarrier.arrive $0xFFFF  }
0x99: {  	[tilespmem:s10], [sflag:$0x1] =	stream.indirect.gather [spmem:s1], $0x40, s25, s14, $0xb8;
	[tilespmem:$0x1FB20] =	vst v63  }
0x9a: {  	s25 =	simm.s32 $0x14040  }
0x9b: {  	[tilespmem:s15], [sflag:$0x2] =	stream.indirect.gather [spmem:s1], $0x40, s25, s14, $0xb8;
	[tilespmem:$0x1FB20] =	vst v63  }
0x9c: {  	_ =	swait.ge [sflag:s16], $0x1000  }
0x9d: {  	[sflag:s16] =	ssyncset.done $0x0  }
0x9e: {  	[sflag:s16] =	ssyncadd.s32 $0xFFFFF000  }
0x9f: {  	[spmem:s3] =	stream.indirect.scatter.add.s16 [tilespmem:s10], [sflag:$0x5], $0x40, s13, s14, $0xb8;
	[tilespmem:$0x1FB20] =	vst v63  }
0xa0: {  	_ = 	snop  }
0xa1: {  	[spmem:s4] =	stream.indirect.scatter.add.f32 [tilespmem:s11], [sflag:$0x9], $0x10, s13, s14, $0xb8;
	[tilespmem:$0x1FB20] =	vst v63  }
0xa2: {  	s20 =	simm.s32 $0x14080  }
0xa3: {  	[tilespmem:s17], [sflag:$0x3] =	stream.indirect.gather [spmem:s1], $0x40, s20, s14, $0xb8;
	[tilespmem:$0x1FB20] =	vst v63  }
0xa4: {  	_ =	swait.ge [sflag:s19], $0x1000  }
0xa5: {  	[sflag:s19] =	ssyncset.done $0x0  }
0xa6: {  	s25 =	simm.s32 $0x16840;
	[sflag:s19] =	ssyncadd.s32 $0xFFFFF000  }
0xa7: {  	[spmem:s3] =	stream.indirect.scatter.add.s16 [tilespmem:s15], [sflag:$0x6], $0x40, s25, s14, $0xb8;
	[tilespmem:$0x1FB20] =	vst v63  }
0xa8: {  	_ = 	snop  }
0xa9: {  	[spmem:s4] =	stream.indirect.scatter.add.f32 [tilespmem:s11], [sflag:$0xA], $0x10, s25, s14, $0xb8;
	[tilespmem:$0x1FB20] =	vst v63  }
0xaa: {  	s20 =	simm.s32 $0x140C0  }
0xab: {  	[tilespmem:s21], [sflag:$0x4] =	stream.indirect.gather [spmem:s1], $0x40, s20, s14, $0xb8;
	[tilespmem:$0x1FB20] =	vst v63  }
0xac: {  	_ =	swait.ge [sflag:s22], $0x1000  }
0xad: {  	[sflag:s22] =	ssyncset.done $0x0  }
0xae: {  	[sflag:s22] =	ssyncadd.s32 $0xFFFFF000  }
0xaf: {  	_ =	swait.ge [sflag:s23], $0x400  }
0xb0: {  	[sflag:s23] =	ssyncset.done $0x0  }
0xb1: {  	[sflag:s23] =	ssyncadd.s32 $0xFFFFFC00  }
0xb2: {  	_ =	swait.ge [sflag:s24], $0x1000  }
0xb3: {  	[sflag:s24] =	ssyncset.done $0x0  }
0xb4: {  	s25 =	simm.s32 $0x16880;
	[sflag:s24] =	ssyncadd.s32 $0xFFFFF000  }
0xb5: {  	[spmem:s3] =	stream.indirect.scatter.add.s16 [tilespmem:s17], [sflag:$0x7], $0x40, s25, s14, $0xb8;
	[tilespmem:$0x1FB20] =	vst v63  }
0xb6: {  	_ = 	snop  }
0xb7: {  	[spmem:s4] =	stream.indirect.scatter.add.f32 [tilespmem:s11], [sflag:$0xB], $0x10, s25, s14, $0xb8;
	[tilespmem:$0x1FB20] =	vst v63  }
0xb8: {  	s20 =	simm.s32 $0x14100  }
0xb9: {  	[tilespmem:s10], [sflag:$0x1] =	stream.indirect.gather [spmem:s1], $0x40, s20, s14, $0xb8;
	[tilespmem:$0x1FB20] =	vst v63  }
0xba: {  	_ =	swait.ge [sflag:s26], $0x1000  }
0xbb: {  	[sflag:s26] =	ssyncset.done $0x0  }
0xbc: {  	[sflag:s26] =	ssyncadd.s32 $0xFFFFF000  }
0xbd: {  	_ =	swait.ge [sflag:s28], $0x400  }
0xbe: {  	[sflag:s28] =	ssyncset.done $0x0  }
0xbf: {  	[sflag:s28] =	ssyncadd.s32 $0xFFFFFC00  }
0xc0: {  	_ =	swait.ge [sflag:s29], $0x1000  }
0xc1: {  	[sflag:s29] =	ssyncset.done $0x0  }
0xc2: {  	s25 =	simm.s32 $0x168C0;
	[sflag:s29] =	ssyncadd.s32 $0xFFFFF000  }
0xc3: {  	[spmem:s3] =	stream.indirect.scatter.add.s16 [tilespmem:s21], [sflag:$0x8], $0x40, s25, s14, $0xb8;
	[tilespmem:$0x1FB20] =	vst v63  }
0xc4: {  	_ = 	snop  }
0xc5: {  	[spmem:s4] =	stream.indirect.scatter.add.f32 [tilespmem:s11], [sflag:$0xC], $0x10, s25, s14, $0xb8;
	[tilespmem:$0x1FB20] =	vst v63  }
0xc6: {  	s20 =	simm.s32 $0x14140  }
0xc7: {  	[tilespmem:s15], [sflag:$0x2] =	stream.indirect.gather [spmem:s1], $0x40, s20, s14, $0xb8;
	[tilespmem:$0x1FB20] =	vst v63  }
0xc8: {  	_ =	swait.ge [sflag:s12], $0x1000  }
0xc9: {  	[sflag:s12] =	ssyncset.done $0x0  }
0xca: {  	[sflag:s12] =	ssyncadd.s32 $0xFFFFF000  }
0xcb: {  	_ =	swait.ge [sflag:s31], $0x400  }
0xcc: {  	[sflag:s31] =	ssyncset.done $0x0  }
0xcd: {  	[sflag:s31] =	ssyncadd.s32 $0xFFFFFC00  }
0xce: {  	_ =	swait.ge [sflag:s16], $0x1000  }
0xcf: {  	[sflag:s16] =	ssyncset.done $0x0  }
0xd0: {  	s25 =	simm.s32 $0x16900;
	[sflag:s16] =	ssyncadd.s32 $0xFFFFF000  }
0xd1: {  	[spmem:s3] =	stream.indirect.scatter.add.s16 [tilespmem:s10], [sflag:$0x5], $0x40, s25, s14, $0xb8;
	[tilespmem:$0x1FB20] =	vst v63  }
0xd2: {  	_ = 	snop  }
0xd3: {  	[spmem:s4] =	stream.indirect.scatter.add.f32 [tilespmem:s11], [sflag:$0x9], $0x10, s25, s14, $0xb8;
	[tilespmem:$0x1FB20] =	vst v63  }
0xd4: {  	s20 =	simm.s32 $0x14180  }
0xd5: {  	[tilespmem:s17], [sflag:$0x3] =	stream.indirect.gather [spmem:s1], $0x40, s20, s14, $0xb8;
	[tilespmem:$0x1FB20] =	vst v63  }
0xd6: {  	_ =	swait.ge [sflag:s2], $0x1000  }
0xd7: {  	[sflag:s2] =	ssyncset.done $0x0  }
0xd8: {  	[sflag:s2] =	ssyncadd.s32 $0xFFFFF000  }
0xd9: {  	_ =	swait.ge [sflag:s0], $0x400  }
0xda: {  	[sflag:s0] =	ssyncset.done $0x0  }
0xdb: {  	[sflag:s0] =	ssyncadd.s32 $0xFFFFFC00  }
0xdc: {  	_ =	swait.ge [sflag:s19], $0x1000  }
0xdd: {  	[sflag:s19] =	ssyncset.done $0x0  }
0xde: {  	s25 =	simm.s32 $0x16940;
	[sflag:s19] =	ssyncadd.s32 $0xFFFFF000  }
0xdf: {  	[spmem:s3] =	stream.indirect.scatter.add.s16 [tilespmem:s15], [sflag:$0x6], $0x40, s25, s14, $0xb8;
	[tilespmem:$0x1FB20] =	vst v63  }
0xe0: {  	_ = 	snop  }
0xe1: {  	[spmem:s4] =	stream.indirect.scatter.add.f32 [tilespmem:s11], [sflag:$0xA], $0x10, s25, s14, $0xb8;
	[tilespmem:$0x1FB20] =	vst v63  }
0xe2: {  	s20 =	simm.s32 $0x141C0  }
0xe3: {  	[tilespmem:s21], [sflag:$0x4] =	stream.indirect.gather [spmem:s1], $0x40, s20, s14, $0xb8;
	[tilespmem:$0x1FB20] =	vst v63  }
0xe4: {  	_ =	swait.ge [sflag:s22], $0x1000  }
0xe5: {  	[sflag:s22] =	ssyncset.done $0x0  }
0xe6: {  	[sflag:s22] =	ssyncadd.s32 $0xFFFFF000  }
0xe7: {  	_ =	swait.ge [sflag:s23], $0x400  }
0xe8: {  	[sflag:s23] =	ssyncset.done $0x0  }
0xe9: {  	[sflag:s23] =	ssyncadd.s32 $0xFFFFFC00  }
0xea: {  	_ =	swait.ge [sflag:s24], $0x1000  }
0xeb: {  	[sflag:s24] =	ssyncset.done $0x0  }
0xec: {  	s25 =	simm.s32 $0x16980;
	[sflag:s24] =	ssyncadd.s32 $0xFFFFF000  }
0xed: {  	[spmem:s3] =	stream.indirect.scatter.add.s16 [tilespmem:s17], [sflag:$0x7], $0x40, s25, s14, $0xb8;
	[tilespmem:$0x1FB20] =	vst v63  }
0xee: {  	_ = 	snop  }
0xef: {  	[spmem:s4] =	stream.indirect.scatter.add.f32 [tilespmem:s11], [sflag:$0xB], $0x10, s25, s14, $0xb8;
	[tilespmem:$0x1FB20] =	vst v63  }
0xf0: {  	s20 =	simm.s32 $0x14200  }
0xf1: {  	[tilespmem:s10], [sflag:$0x1] =	stream.indirect.gather [spmem:s1], $0x40, s20, s14, $0xb8;
	[tilespmem:$0x1FB20] =	vst v63  }
0xf2: {  	_ =	swait.ge [sflag:s26], $0x1000  }
0xf3: {  	[sflag:s26] =	ssyncset.done $0x0  }
0xf4: {  	[sflag:s26] =	ssyncadd.s32 $0xFFFFF000  }
0xf5: {  	_ =	swait.ge [sflag:s28], $0x400  }
0xf6: {  	[sflag:s28] =	ssyncset.done $0x0  }
0xf7: {  	[sflag:s28] =	ssyncadd.s32 $0xFFFFFC00  }
0xf8: {  	_ =	swait.ge [sflag:s29], $0x1000  }
0xf9: {  	[sflag:s29] =	ssyncset.done $0x0  }
0xfa: {  	s25 =	simm.s32 $0x169C0;
	[sflag:s29] =	ssyncadd.s32 $0xFFFFF000  }
0xfb: {  	[spmem:s3] =	stream.indirect.scatter.add.s16 [tilespmem:s21], [sflag:$0x8], $0x40, s25, s14, $0xb8;
	[tilespmem:$0x1FB20] =	vst v63  }
0xfc: {  	s6 =	simm.s32 $0x400;
	s20 =	simm.s32 $0x14240  }
0xfd: {  	[spmem:s4] =	stream.indirect.scatter.add.f32 [tilespmem:s11], [sflag:$0xC], $0x10, s25, s14, $0xb8;
	[tilespmem:$0x1FB20] =	vst v63  }
.LBB2_8:
0xfe: {  	[tilespmem:s15], [sflag:$0x2] =	stream.indirect.gather [spmem:s1], $0x40, s20, s14, $0xb8;
	[tilespmem:$0x1FB20] =	vst v63  }
0xff: {  	s20 =	smov.u32 s6  }
0x100: {  	p0 =	sne.s32 s6, $0x9400;
	s6 =	sadd.s32 $0x400, s6;
	_ =	swait.ge [sflag:s12], $0x1000  }
0x101: {  	[sflag:s12] =	ssyncset.done $0x0  }
0x102: {  	[sflag:s12] =	ssyncadd.s32 $0xFFFFF000  }
0x103: {  	_ =	swait.ge [sflag:s31], $0x400  }
0x104: {  	[sflag:s31] =	ssyncset.done $0x0  }
0x105: {  	[sflag:s31] =	ssyncadd.s32 $0xFFFFFC00  }
0x106: {  	_ =	swait.ge [sflag:s16], $0x1000  }
0x107: {  	s20 =	sshra.s32 s20, $0x2;
	[sflag:s16] =	ssyncset.done $0x0  }
0x108: {  	s25 =	sadd.s32 $0x16900, s20;
	[sflag:s16] =	ssyncadd.s32 $0xFFFFF000  }
0x109: {  	[spmem:s3] =	stream.indirect.scatter.add.s16 [tilespmem:s10], [sflag:$0x5], $0x40, s25, s14, $0xb8;
	[tilespmem:$0x1FB20] =	vst v63  }
0x10a: {  	_ = 	snop  }
0x10b: {  	[spmem:s4] =	stream.indirect.scatter.add.f32 [tilespmem:s11], [sflag:$0x9], $0x10, s25, s14, $0xb8;
	[tilespmem:$0x1FB20] =	vst v63  }
0x10c: {  	s25 =	sadd.s32 $0x14180, s20  }
0x10d: {  	[tilespmem:s17], [sflag:$0x3] =	stream.indirect.gather [spmem:s1], $0x40, s25, s14, $0xb8;
	[tilespmem:$0x1FB20] =	vst v63  }
0x10e: {  	_ =	swait.ge [sflag:s2], $0x1000  }
0x10f: {  	[sflag:s2] =	ssyncset.done $0x0  }
0x110: {  	[sflag:s2] =	ssyncadd.s32 $0xFFFFF000  }
0x111: {  	_ =	swait.ge [sflag:s0], $0x400  }
0x112: {  	[sflag:s0] =	ssyncset.done $0x0  }
0x113: {  	[sflag:s0] =	ssyncadd.s32 $0xFFFFFC00  }
0x114: {  	_ =	swait.ge [sflag:s19], $0x1000  }
0x115: {  	[sflag:s19] =	ssyncset.done $0x0  }
0x116: {  	s25 =	sadd.s32 $0x16940, s20;
	[sflag:s19] =	ssyncadd.s32 $0xFFFFF000  }
0x117: {  	[spmem:s3] =	stream.indirect.scatter.add.s16 [tilespmem:s15], [sflag:$0x6], $0x40, s25, s14, $0xb8;
	[tilespmem:$0x1FB20] =	vst v63  }
0x118: {  	_ = 	snop  }
0x119: {  	[spmem:s4] =	stream.indirect.scatter.add.f32 [tilespmem:s11], [sflag:$0xA], $0x10, s25, s14, $0xb8;
	[tilespmem:$0x1FB20] =	vst v63  }
0x11a: {  	s25 =	sadd.s32 $0x141C0, s20  }
0x11b: {  	[tilespmem:s21], [sflag:$0x4] =	stream.indirect.gather [spmem:s1], $0x40, s25, s14, $0xb8;
	[tilespmem:$0x1FB20] =	vst v63  }
0x11c: {  	_ =	swait.ge [sflag:s22], $0x1000  }
0x11d: {  	[sflag:s22] =	ssyncset.done $0x0  }
0x11e: {  	[sflag:s22] =	ssyncadd.s32 $0xFFFFF000  }
0x11f: {  	_ =	swait.ge [sflag:s23], $0x400  }
0x120: {  	[sflag:s23] =	ssyncset.done $0x0  }
0x121: {  	[sflag:s23] =	ssyncadd.s32 $0xFFFFFC00  }
0x122: {  	_ =	swait.ge [sflag:s24], $0x1000  }
0x123: {  	[sflag:s24] =	ssyncset.done $0x0  }
0x124: {  	s25 =	sadd.s32 $0x16980, s20;
	[sflag:s24] =	ssyncadd.s32 $0xFFFFF000  }
0x125: {  	[spmem:s3] =	stream.indirect.scatter.add.s16 [tilespmem:s17], [sflag:$0x7], $0x40, s25, s14, $0xb8;
	[tilespmem:$0x1FB20] =	vst v63  }
0x126: {  	_ = 	snop  }
0x127: {  	[spmem:s4] =	stream.indirect.scatter.add.f32 [tilespmem:s11], [sflag:$0xB], $0x10, s25, s14, $0xb8;
	[tilespmem:$0x1FB20] =	vst v63  }
0x128: {  	s25 =	sadd.s32 $0x14200, s20  }
0x129: {  	[tilespmem:s10], [sflag:$0x1] =	stream.indirect.gather [spmem:s1], $0x40, s25, s14, $0xb8;
	[tilespmem:$0x1FB20] =	vst v63  }
0x12a: {  	_ =	swait.ge [sflag:s26], $0x1000  }
0x12b: {  	[sflag:s26] =	ssyncset.done $0x0  }
0x12c: {  	[sflag:s26] =	ssyncadd.s32 $0xFFFFF000  }
0x12d: {  	_ =	swait.ge [sflag:s28], $0x400  }
0x12e: {  	[sflag:s28] =	ssyncset.done $0x0  }
0x12f: {  	[sflag:s28] =	ssyncadd.s32 $0xFFFFFC00  }
0x130: {  	_ =	swait.ge [sflag:s29], $0x1000  }
0x131: {  	[sflag:s29] =	ssyncset.done $0x0  }
.Ltmp3:
0x132: {  	s25 =	sadd.s32 $0x169C0, s20;
	[sflag:s29] =	ssyncadd.s32 $0xFFFFF000;
	(pc) =	sbr.rel @p0 .LBB2_8-.Ltmp3, $4  }
0x133: {  	[spmem:s3] =	stream.indirect.scatter.add.s16 [tilespmem:s21], [sflag:$0x8], $0x40, s25, s14, $0xb8;
	[tilespmem:$0x1FB20] =	vst v63  }
0x134: {  	_ = 	snop  }
0x135: {  	[spmem:s4] =	stream.indirect.scatter.add.f32 [tilespmem:s11], [sflag:$0xC], $0x10, s25, s14, $0xb8;
	[tilespmem:$0x1FB20] =	vst v63  }
0x136: {  	s20 =	sadd.s32 $0x14240, s20  }
0x137: {  	[tilespmem:s15], [sflag:$0x2] =	stream.indirect.gather [spmem:s1], $0x40, s20, s14, $0xb8;
	[tilespmem:$0x1FB20] =	vst v63  }
0x138: {  	_ =	swait.ge [sflag:s12], $0x1000  }
0x139: {  	[sflag:s12] =	ssyncset.done $0x0  }
0x13a: {  	[sflag:s12] =	ssyncadd.s32 $0xFFFFF000  }
0x13b: {  	_ =	swait.ge [sflag:s31], $0x400  }
0x13c: {  	[sflag:s31] =	ssyncset.done $0x0  }
0x13d: {  	s6 =	simm.s32 $0x16780;
	[sflag:s31] =	ssyncadd.s32 $0xFFFFFC00  }
0x13e: {  	[tilespmem:s17], [sflag:$0x3] =	stream.indirect.gather [spmem:s1], $0x40, s6, s14, $0xb8;
	[tilespmem:$0x1FB20] =	vst v63  }
0x13f: {  	_ =	swait.ge [sflag:s16], $0x1000  }
0x140: {  	[sflag:s16] =	ssyncset.done $0x0  }
0x141: {  	s20 =	simm.s32 $0x18F00;
	[sflag:s16] =	ssyncadd.s32 $0xFFFFF000  }
0x142: {  	[spmem:s3] =	stream.indirect.scatter.add.s16 [tilespmem:s10], [sflag:$0x5], $0x40, s20, s14, $0xb8;
	[tilespmem:$0x1FB20] =	vst v63  }
0x143: {  	_ = 	snop  }
0x144: {  	[spmem:s4] =	stream.indirect.scatter.add.f32 [tilespmem:s11], [sflag:$0x9], $0x10, s20, s14, $0xb8;
	[tilespmem:$0x1FB20] =	vst v63  }
0x145: {  	_ =	swait.ge [sflag:s2], $0x1000  }
0x146: {  	[sflag:s2] =	ssyncset.done $0x0  }
0x147: {  	[sflag:s2] =	ssyncadd.s32 $0xFFFFF000  }
0x148: {  	_ =	swait.ge [sflag:s0], $0x400  }
0x149: {  	[sflag:s0] =	ssyncset.done $0x0  }
0x14a: {  	s25 =	simm.s32 $0x167C0;
	[sflag:s0] =	ssyncadd.s32 $0xFFFFFC00  }
0x14b: {  	[tilespmem:s21], [sflag:$0x4] =	stream.indirect.gather [spmem:s1], $0x40, s25, s14, $0xb8;
	[tilespmem:$0x1FB20] =	vst v63  }
0x14c: {  	_ =	swait.ge [sflag:s19], $0x1000  }
0x14d: {  	[sflag:s19] =	ssyncset.done $0x0  }
0x14e: {  	s20 =	simm.s32 $0x18F40;
	[sflag:s19] =	ssyncadd.s32 $0xFFFFF000  }
0x14f: {  	[spmem:s3] =	stream.indirect.scatter.add.s16 [tilespmem:s15], [sflag:$0x6], $0x40, s20, s14, $0xb8;
	[tilespmem:$0x1FB20] =	vst v63  }
0x150: {  	_ = 	snop  }
0x151: {  	[spmem:s4] =	stream.indirect.scatter.add.f32 [tilespmem:s11], [sflag:$0xA], $0x10, s20, s14, $0xb8;
	[tilespmem:$0x1FB20] =	vst v63  }
0x152: {  	_ =	swait.ge [sflag:s22], $0x1000  }
0x153: {  	[sflag:s22] =	ssyncset.done $0x0  }
0x154: {  	[sflag:s22] =	ssyncadd.s32 $0xFFFFF000  }
0x155: {  	_ =	swait.ge [sflag:s23], $0x400  }
0x156: {  	[sflag:s23] =	ssyncset.done $0x0  }
0x157: {  	[sflag:s23] =	ssyncadd.s32 $0xFFFFFC00  }
0x158: {  	_ =	swait.ge [sflag:s24], $0x1000  }
0x159: {  	[sflag:s24] =	ssyncset.done $0x0  }
0x15a: {  	s25 =	simm.s32 $0x18F80;
	[sflag:s24] =	ssyncadd.s32 $0xFFFFF000  }
0x15b: {  	[spmem:s3] =	stream.indirect.scatter.add.s16 [tilespmem:s17], [sflag:$0x7], $0x40, s25, s14, $0xb8;
	[tilespmem:$0x1FB20] =	vst v63  }
0x15c: {  	_ = 	snop  }
0x15d: {  	[spmem:s4] =	stream.indirect.scatter.add.f32 [tilespmem:s11], [sflag:$0xB], $0x10, s25, s14, $0xb8;
	[tilespmem:$0x1FB20] =	vst v63  }
0x15e: {  	_ =	swait.ge [sflag:s26], $0x1000  }
0x15f: {  	[sflag:s26] =	ssyncset.done $0x0  }
0x160: {  	[sflag:s26] =	ssyncadd.s32 $0xFFFFF000  }
0x161: {  	_ =	swait.ge [sflag:s28], $0x400  }
0x162: {  	[sflag:s28] =	ssyncset.done $0x0  }
0x163: {  	[sflag:s28] =	ssyncadd.s32 $0xFFFFFC00  }
0x164: {  	_ =	swait.ge [sflag:s29], $0x1000  }
0x165: {  	[sflag:s29] =	ssyncset.done $0x0  }
0x166: {  	[sflag:s29] =	ssyncadd.s32 $0xFFFFF000  }
0x167: {  	[spmem:s3] =	stream.indirect.scatter.add.s16 [tilespmem:s21], [sflag:$0x8], $0x40, s30, s14, $0xb8;
	[tilespmem:$0x1FB20] =	vst v63  }
0x168: {  	_ = 	snop  }
0x169: {  	[spmem:s4] =	stream.indirect.scatter.add.f32 [tilespmem:s11], [sflag:$0xC], $0x10, s30, s14, $0xb8;
	[tilespmem:$0x1FB20] =	vst v63  }
0x16a: {  	_ =	swait.ge [sflag:s12], $0x1000  }
0x16b: {  	[sflag:s12] =	ssyncset.done $0x0  }
0x16c: {  	[sflag:s12] =	ssyncadd.s32 $0xFFFFF000  }
0x16d: {  	_ =	swait.ge [sflag:s31], $0x400  }
0x16e: {  	[sflag:s31] =	ssyncset.done $0x0  }
0x16f: {  	[sflag:s31] =	ssyncadd.s32 $0xFFFFFC00  }
0x170: {  	_ =	swait.ge [sflag:s2], $0x1000  }
0x171: {  	[sflag:s2] =	ssyncset.done $0x0  }
0x172: {  	[sflag:s2] =	ssyncadd.s32 $0xFFFFF000  }
0x173: {  	_ =	swait.ge [sflag:s0], $0x400  }
0x174: {  	[sflag:s0] =	ssyncset.done $0x0  }
0x175: {  	[sflag:s0] =	ssyncadd.s32 $0xFFFFFC00  }
0x176: {  	[bflag:$0x0] =	sbarrier.arrive $0xFFFF  }
0x177: {  	s20 =	sshrl.u32 s8, $0x3;
	s25 =	rddreg [dreg:$0x1a]  }
0x178: {  	[hbm:s25], [sflag:s7] =	dma.local [spmem:s20], $0x1400  }
0x179: {  	_ =	swait.ge [sflag:s9], $0x1400  }
0x17a: {  	[sflag:s9] =	ssyncset.done $0x0  }
0x17b: {  	s20 =	sshrl.u32 s18, $0x3;
	s25 =	rddreg [dreg:$0x1b];
	[sflag:s9] =	ssyncadd.s32 $0xFFFFEC00  }
0x17c: {  	[hbm:s25], [sflag:s7] =	dma.local [spmem:s20], $0x4E4  }
0x17d: {  	_ =	swait.ge [sflag:s9], $0x4E4  }
0x17e: {  	s5 =	sadd.s32 $0x1, s5;
	s25 =	rddreg [dreg:$0x1c]  }
0x17f: {  	p0 =	sne.s32 s5, s25  }
.Ltmp4:
0x180: {  	_ = 	snop;
	(pc) =	sbr.rel @p0 .LBB2_1-.Ltmp4, $3  }
0x181: {  	_ =	sdelay $0x1  }
0x182: {  	[sflag:s9] =	ssyncset.done $0x0  }
0x183: {  	[sflag:s9] =	ssyncadd.s32 $0xFFFFFB1C  }
0x184: {  	_ =	sfence.sel $0x180000  }
0x185: {  	[bflag:$0x0] =	sbarrier.arrive $0xFFFF  }
0x186: {  	_ =	strace $0x90000047  }
0x187: {  	s0 =	stileid.u32;
	[bflag:$0x2] =	sbarrier.arrive $0xFFFF  }
0x188: {  	p0 =	sne.s32 s0, $0x0;
	s0 =	rddreg [dreg:$0x4]  }
0x189: {  	s0 =	sadd.s32 @!p0 $0x100000, s0  }
0x18a: {  	[sflag:s0] =	ssyncadd.tile.s32 @!p0 $0x1;
	_ =	shalt  }
.Lfunc_end2:
_tile_overlayer_lowered:
.L_overlay_start_2:
0x18b: {  	(tag) =	ssettag $0x2  }
0x18c: {  	s0 =	rddreg [dreg:$0x0];
	s2 =	stileid.u32  }
0x18d: {  	s1 =	rddreg [dreg:$0x1];
	p0 =	sne.s32 s2, $0x0  }
0x18e: {  	s3 =	rddreg [dreg:$0x2];
	[bflag:$0x3] =	sbarrier.arrive $0xFFFF;
	s2 =	simm.s32 @!p0 $0x1C0D  }
0x18f: {  	[timem:s3], [sflag:s2] =	dma.local @!p0 [hbm:s0], s1  }
0x190: {  	s0 =	simm.s32 @!p0 $0xD  }
0x191: {  	_ =	swait.ge @!p0 [sflag:s0], s1  }
0x192: {  	s1 =	ssub.s32 @!p0 $0x0, s1;
	[sflag:s0] =	ssyncset.done @!p0 $0x0  }
0x193: {  	[sflag:s0] =	ssyncadd.s32 @!p0 s1  }
0x194: {  	[bflag:$0x3] =	sbarrier.arrive $0xFFFF  }
0x195: {  	_ =	shalt  }

// kernel: kernel.9.cloned.1.call-start
scs
__scs_entry_jumppad:
0x0: {  	(pc) =	sbr.rel $0x88, $3  }
0x1: {  	(tag) =	ssettag $0x0;
	lr =	simm.s32 $0x1  }
0x2: {  	[smem:$0x3F95] =	sst lr;
	_ =	strace $0xD0000000  }
0x3: {  	_ = 	snop  }
0x4: {  	_ = 	snop  }
0x5: {  	_ = 	snop  }
0x6: {  	_ = 	snop  }
0x7: {  	_ = 	snop  }
__scs_overlays_trampoline_lowered:
0x8: {  	[smem:$0x3FA4] =	sst s0  }
0x9: {  	[smem:$0x3FA5] =	sst s1  }
0xa: {  	[smem:$0x3FA6] =	sst s2  }
0xb: {  	[smem:$0x3FA7] =	sst s3  }
0xc: {  	[smem:$0x3FA8] =	sst s4  }
0xd: {  	[smem:$0x3FA9] =	sst s5  }
0xe: {  	[smem:$0x3FAA] =	sst s6  }
0xf: {  	[smem:$0x3FAB] =	sst s7  }
0x10: {  	[smem:$0x3FAC] =	sst s8  }
0x11: {  	[smem:$0x3FAD] =	sst s9;
	s0 =	simm.s32 @!p0 $0x0  }
0x12: {  	s1 =	sld [smem:$0x3F93];
	s0 =	simm.s32 @p0 $0x1  }
0x13: {  	[smem:$0x3FAE] =	sst s0;
	s0 =	simm.s32 @!p1 $0x0  }
0x14: {  	s2 =	sld [smem:$0x3F92];
	s0 =	simm.s32 @p1 $0x1  }
0x15: {  	[smem:$0x3FAF] =	sst s0;
	s0 =	simm.s32 @!p2 $0x0  }
0x16: {  	s3 =	sld [smem:$0x3FDB];
	s0 =	simm.s32 @p2 $0x1  }
0x17: {  	s4 =	simm.s32 $0x1BF5;
	[smem:$0x3FB1] =	sst s0  }
0x18: {  	s0 =	sld [smem:$0x3F94];
	_ =	swait.ge [sflag:s4], $0x0  }
0x19: {  	s7 =	sld [smem:$0x3F95]  }
0x1a: {  	s8 =	sadd.s32 $0xFFFFE003, lr  }
0x1b: {  	s9 =	sadd.s32 $0xFFFFFEF7, lr;
	s5 =	simm.s32 $0xFFFFFFFF;
	p2 =	slt.u32 s8, $0xFFFFF086  }
0x1c: {  	p1 =	slt.u32 s9, $0xF7A;
	s5 =	simm.s32 @!p2 $0x0  }
0x1d: {  	s5 =	simm.s32 @p1 $0x1;
	p0 =	seq.s32 s7, s2  }
0x1e: {  	s7 =	smul.u32 @!p0 $0xF7A, s2;
	p2 =	seq.s32 @!p0 s5, $0x0  }
0x1f: {  	s9 =	smul.u32 $0xF7A, s1;
	s8 =	simm.s32 @!p0 $0x1BF5;
	p2 =	por !p2, p0  }
0x20: {  	[sflag:s8] =	ssyncset.s32 @!p0 $0xFFFFF086;
	s6 =	sadd.s32 @!p0 s3, s7;
	s7 =	simm.s32 @!p0 $0x108  }
0x21: {  	s3 =	sadd.s32 s3, s9;
	s6 =	sadd.s32 @!p0 $0x88, s6;
	s7 =	simm.s32 @p2 $0x1082  }
0x22: {  	[simem:s7], [sflag:s8] =	dma.local @!p0 [hbm:s6], $0xF7A  }
0x23: {  	s9 =	sor.u32 $0xD0000000, s2;
	s6 =	simm.s32 $0x108;
	_ =	swait.ge @!p0 [sflag:s8], $0x0  }
0x24: {  	s3 =	sadd.s32 $0x88, s3;
	s6 =	simm.s32 @!p1 $0x1082;
	[sflag:s4] =	ssyncset.s32 $0xFFFFF086  }
0x25: {  	[simem:s6], [sflag:s4] =	dma.local [hbm:s3], $0xF7A  }
0x26: {  	[smem:$0x3F95] =	sst s1;
	(tag) =	ssettag s2;
	_ =	strace s9  }
0x27: {  	s1 =	sld [smem:$0x3FA5]  }
0x28: {  	s2 =	sld [smem:$0x3FA6]  }
0x29: {  	s4 =	sld [smem:$0x3FA8]  }
0x2a: {  	p0 =	seq.s32 s5, $0x0;
	s5 =	sld [smem:$0x3FA9]  }
0x2b: {  	s6 =	sld [smem:$0x3FAA]  }
0x2c: {  	s7 =	sld [smem:$0x3FAB]  }
0x2d: {  	s3 =	simm.s32 $0x108;
	s8 =	sld [smem:$0x3FAC]  }
0x2e: {  	s3 =	simm.s32 @!p0 $0x1082;
	s9 =	sld [smem:$0x3FAD]  }
0x2f: {  	lr =	sadd.s32 s0, s3;
	s0 =	sld [smem:$0x3FA4]  }
0x30: {  	s3 =	sld [smem:$0x3FA7]  }
0x31: {  	[smem:$0x3FB0] =	sst s10  }
0x32: {  	s10 =	sld [smem:$0x3FAE];
	_ =	sdelay $0x3  }
0x33: {  	p0 =	seq.s32 s10, $0x1;
	s10 =	sld [smem:$0x3FB0];
	_ =	sdelay $0x3  }
0x34: {  	[smem:$0x3FB0] =	sst s10  }
0x35: {  	s10 =	sld [smem:$0x3FAF];
	_ =	sdelay $0x3  }
0x36: {  	p1 =	seq.s32 s10, $0x1;
	s10 =	sld [smem:$0x3FB0];
	_ =	sdelay $0x3  }
0x37: {  	[smem:$0x3FB0] =	sst s10  }
0x38: {  	s10 =	sld [smem:$0x3FB1]  }
0x39: {  	_ = 	snop;
	(pc) =	sbr.ind lr, $3  }
0x3a: {  	_ = 	snop  }
0x3b: {  	_ = 	snop  }
0x3c: {  	p2 =	seq.s32 s10, $0x1;
	s10 =	sld [smem:$0x3FB0]  }
0x3d: {  	_ =	shalt  }
0x3e: {  	_ =	shalt  }
0x3f: {  	_ =	shalt  }
0x40: {  	_ =	shalt  }
0x41: {  	_ =	shalt  }
0x42: {  	_ =	shalt  }
0x43: {  	_ =	shalt  }
0x44: {  	_ =	shalt  }
0x45: {  	_ =	shalt  }
0x46: {  	_ =	shalt  }
0x47: {  	_ =	shalt  }
0x48: {  	_ =	shalt  }
0x49: {  	_ =	shalt  }
0x4a: {  	_ =	shalt  }
0x4b: {  	_ =	shalt  }
0x4c: {  	_ =	shalt  }
0x4d: {  	_ =	shalt  }
0x4e: {  	_ =	shalt  }
0x4f: {  	_ =	shalt  }
0x50: {  	_ =	shalt  }
0x51: {  	_ =	shalt  }
0x52: {  	_ =	shalt  }
0x53: {  	_ =	shalt  }
0x54: {  	_ =	shalt  }
0x55: {  	_ =	shalt  }
0x56: {  	_ =	shalt  }
0x57: {  	_ =	shalt  }
0x58: {  	_ =	shalt  }
0x59: {  	_ =	shalt  }
0x5a: {  	_ =	shalt  }
0x5b: {  	_ =	shalt  }
0x5c: {  	_ =	shalt  }
0x5d: {  	_ =	shalt  }
0x5e: {  	_ =	shalt  }
0x5f: {  	_ =	shalt  }
0x60: {  	_ =	shalt  }
0x61: {  	_ =	shalt  }
0x62: {  	_ =	shalt  }
0x63: {  	_ =	shalt  }
0x64: {  	_ =	shalt  }
0x65: {  	_ =	shalt  }
0x66: {  	_ =	shalt  }
0x67: {  	_ =	shalt  }
0x68: {  	_ =	shalt  }
0x69: {  	_ =	shalt  }
0x6a: {  	_ =	shalt  }
0x6b: {  	_ =	shalt  }
0x6c: {  	_ =	shalt  }
0x6d: {  	_ =	shalt  }
0x6e: {  	_ =	shalt  }
0x6f: {  	_ =	shalt  }
0x70: {  	_ =	shalt  }
0x71: {  	_ =	shalt  }
0x72: {  	_ =	shalt  }
0x73: {  	_ =	shalt  }
0x74: {  	_ =	shalt  }
0x75: {  	_ =	shalt  }
0x76: {  	_ =	shalt  }
0x77: {  	_ =	shalt  }
0x78: {  	_ =	shalt  }
0x79: {  	_ =	shalt  }
0x7a: {  	_ =	shalt  }
0x7b: {  	_ =	shalt  }
0x7c: {  	_ =	shalt  }
0x7d: {  	_ =	shalt  }
0x7e: {  	_ =	shalt  }
0x7f: {  	_ =	shalt  }
0x80: {  	_ =	shalt  }
0x81: {  	_ =	shalt  }
0x82: {  	_ =	shalt  }
0x83: {  	_ =	shalt  }
0x84: {  	_ =	shalt  }
0x85: {  	_ =	shalt  }
0x86: {  	_ =	shalt  }
0x87: {  	_ =	shalt  }
.Lfunc_end0:
.L_simem_size_0:
called_computation.1_lowered:
.L_overlay_start_0:
0x88: {  	s2 =	sld [smem:$0x3FD9]  }
0x89: {  	s3 =	sld [smem:$0x3FFE];
	_ =	sdelay $0x1  }
0x8a: {  	s1 =	srdreg.scid  }
0x8b: {  	s0 =	sand.u32 $0x1, s1  }
0x8c: {  	s16 =	sshll.u32 s0, $0xA;
	s2 =	sadd.s32 s3, s2  }
0x8d: {  	s2 =	sadd.s32 s2, s16  }
0x8e: {  	[smem:$0x3FBC] =	sst s2  }
0x8f: {  	_ = 	snop  }
0x90: {  	(tm) =	ssettm $0x1  }
0x91: {  	s17 =	sld [smem:$0x3FFB];
	_ =	sdelay $0x3  }
0x92: {  	_ =	strace s17  }
0x93: {  	s2 =	sld [smem:$0x3FFC];
	_ =	sdelay $0x3  }
0x94: {  	_ =	strace s2  }
0x95: {  	s2 =	sld [smem:$0x3FFD];
	_ =	sdelay $0x3  }
0x96: {  	_ =	strace s2  }
0x97: {  	_ =	strace $0x8FFFFFFF  }
0x98: {  	s18 =	sld [smem:$0x3FDB];
	_ =	sdelay $0x1  }
0x99: {  	s19 =	simm.s32 $_scs_section_size  }
0x9a: {  	s4 =	simm.s32 $_size__tile_overlayer_lowered;
	s5 =	simm.s32 $_tile_overlayer_lowered  }
0x9b: {  	s22 =	simm.s32 $0x1BFF;
	s21 =	sshll.u32 s5, $0x1;
	s2 =	sadd.s32 s19, s18  }
0x9c: {  	s6 =	simm.s32 $0x0;
	s20 =	sshll.u32 s4, $0x1;
	s4 =	sadd.s32 s21, s2  }
0x9d: {  	[timem:s6], [sflag:s22] =	dma.local [hbm:s4], s20  }
0x9e: {  	_ =	swait.ge [sflag:s22], s20  }
0x9f: {  	s3 =	ssub.s32 $0x0, s20;
	[sflag:s22] =	ssyncset.done $0x0  }
0xa0: {  	[sflag:s22] =	ssyncadd.s32 s3;
	_ =	sdelay $0x1  }
0xa1: {  	s23 =	simm.s32 $0x1B8B  }
0xa2: {  	_ =	swait.ge [sflag:s23], $0x1  }
0xa3: {  	[sflag:s23] =	ssyncset.done $0x0  }
0xa4: {  	s25 =	simm.s32 $0x1B8E;
	s24 =	sld [smem:$0x3FFE];
	[sflag:s23] =	ssyncadd.s32 $0xFFFFFFFF  }
0xa5: {  	s26 =	simm.s32 $execute0_lowered;
	[smem:$0x3FD2] =	sst s25  }
0xa6: {  	s4 =	sshll.u32 s26, $0x1;
	_ =	strace $0x80000049;
	[dreg:$0x1] =	wrdreg $0xFFFFFFFF  }
0xa7: {  	s28 =	simm.s32 $_size_execute0_lowered;
	s2 =	sadd.s32 s2, s4;
	[dreg:$0x0] =	wrdreg $0x0  }
0xa8: {  	s4 =	sshll.u32 s28, $0x1;
	[dreg:$0x2] =	wrdreg s2  }
0xa9: {  	[dreg:$0x3] =	wrdreg s4  }
0xaa: {  	[dreg:$0x4] =	wrdreg $0xC0  }
0xab: {  	_ =	task [dreg:s6], $0x5FFFF  }
0xac: {  	[dreg:$0x1] =	wrdreg $0xFFFFFFFF  }
0xad: {  	[dreg:$0x0] =	wrdreg $0x60  }
0xae: {  	[dreg:$0x2] =	wrdreg s24  }
0xaf: {  	[dreg:$0x3] =	wrdreg $0x0  }
0xb0: {  	[dreg:$0x4] =	wrdreg $0xA0000  }
0xb1: {  	[dreg:$0x5] =	wrdreg $0x9  }
0xb2: {  	_ =	task.clear_ibuf [dreg:s6], $0x6FFFF;
	_ =	strace $0x90000049  }
0xb3: {  	s29 =	simm.s32 $0x9;
	_ =	strace $0x8000004B  }
0xb4: {  	_ =	swait.ge [sflag:s29], $0x1  }
0xb5: {  	[sflag:s29] =	ssyncadd.s32 $0xFFFFFFFF  }
0xb6: {  	_ =	strace $0x9000004B  }
0xb7: {  	_ =	sfence  }
0xb8: {  	s30 =	sld [smem:$0x0];
	_ =	sdelay $0x2  }
0xb9: {  	s31 =	sshll.u32 s1, $0xD;
	s1 =	sshrl.u32 s1, $0x2  }
0xba: {  	s3 =	sand.u32 $0x4000, s31;
	s1 =	sadd.s32 s1, s30  }
0xbb: {  	s0 =	sor.u32 s3, s0;
	s1 =	sshll.u32 s1, $0x11  }
0xbc: {  	s0 =	sor.u32 s1, s0  }
0xbd: {  	s0 =	sadd.s32 $0x8F2B, s0  }
0xbe: {  	[sflag:s0] =	ssyncadd.remote.s32 $0x1  }
0xbf: {  	_ =	sfence.sel $0xFFFF  }
0xc0: {  	[dreg:$0x0] =	wrdreg $0xFFFFFFFF;
	(pc) =	sbr.abs _section_cstart, $3  }
0xc1: {  	[dreg:$0x1] =	wrdreg $0xFFFFFFFF  }
0xc2: {  	_ =	task.clear_ibuf [dreg:s6], $0x2FFFF;
	_ =	strace $0x9FFFFFFF  }
0xc3: {  	(tm) =	ssettm $0x7FFFFFFF  }
tec
execute0_lowered:
.L_overlay_start_1:
0x0: {  	(tag) =	ssettag $0x1  }
0x1: {  	s0 =	rddreg [dreg:$0x0];
	s11 =	stileid.u32  }
0x2: {  	s1 =	srdreg.scid;
	s2 =	rddreg [dreg:$0x1]  }
0x3: {  	s3 =	rddreg [dreg:$0x2];
	s29 =	simm.s32 $0x1A000;
	s30 =	simm.s32 $0x1  }
0x4: {  	s28 =	simm.s32 $0x1C000;
	s31 =	simm.s32 $0x5;
	s5 =	smul.u32 $0x14000, s11  }
0x5: {  	s1 =	sand.u32 $0x1, s1;
	s4 =	sshll.u32 s11, $0x1;
	s10 =	smul.u32 $0x28000, s11  }
0x6: {  	s19 =	sshll.u32 s11, $0x6;
	s11 =	simm.s32 $0x8;
	s6 =	sor.u32 s1, s4  }
0x7: {  	s4 =	simm.s32 $0x0;
	s8 =	smul.u32 $0x140000, s1;
	s1 =	ssub.s32 $0x2, s1  }
0x8: {  	s6 =	smul.u32 $0x500, s6;
	[smem:$0x7FF] =	sst s4;
	s7 =	sshrl.u32 s5, $0x4  }
0x9: {  	s13 =	sshrl.u32 s1, $0x1;
	s10 =	sshrl.u32 s10, $0x2;
	_ =	strace $0x8000004A  }
0xa: {  	s7 =	sadd.s32 s7, s0;
	s12 =	sadd.s32 s5, s8;
	s1 =	ssub.s32 s1, s13  }
0xb: {  	s5 =	sshrl.u32 s5, $0x1;
	s10 =	sadd.s32 s10, s3;
	s8 =	simm.s32 $0x6  }
0xc: {  	s9 =	sadd.s32 s6, s0;
	s6 =	sshrl.u32 s12, $0x4;
	s7 =	sadd.s32 $0xC000, s7  }
0xd: {  	s14 =	sadd.s32 s5, s2;
	s20 =	sadd.s32 $0x1000, s10;
	[dreg:$0x4] =	wrdreg s7  }
0xe: {  	s21 =	sadd.s32 $0x2000, s10;
	s22 =	sadd.s32 $0x3000, s10;
	[dreg:$0x5] =	wrdreg s20  }
0xf: {  	s23 =	sadd.s32 $0x4000, s10;
	s24 =	sadd.s32 $0x5000, s10;
	[dreg:$0x6] =	wrdreg s21  }
0x10: {  	s25 =	sadd.s32 $0x6000, s10;
	s26 =	sadd.s32 $0x7000, s10;
	[dreg:$0x7] =	wrdreg s22  }
0x11: {  	s15 =	sadd.s32 $0x8000, s10;
	s16 =	sadd.s32 $0x9000, s10;
	[dreg:$0x8] =	wrdreg s23  }
0x12: {  	s10 =	simm.s32 $0x7;
	s0 =	sadd.s32 s6, s0;
	[dreg:$0x9] =	wrdreg s24  }
0x13: {  	s6 =	sor.u32 $0x1C09, s19;
	s7 =	sadd.s32 s5, s3;
	[dreg:$0xa] =	wrdreg s25  }
0x14: {  	[dreg:$0xb] =	wrdreg s26;
	s17 =	sadd.s32 $0x20000, s9;
	s18 =	sadd.s32 $0x2000, s9  }
0x15: {  	s20 =	smax.u32 s1, $0x1;
	s21 =	sshrl.u32 s14, $0x3;
	s22 =	simm.s32 $0x9  }
0x16: {  	s23 =	simm.s32 $0x19000;
	s24 =	simm.s32 $0x14000;
	s25 =	simm.s32 $0x16800  }
0x17: {  	s26 =	simm.s32 $0x40;
	s1 =	simm.s32 $0x1B000;
	s5 =	simm.s32 $0x3  }
0x18: {  	v0 =	vimm.s32 $0x0;
	s9 =	simm.s32 $0x4;
	s19 =	sadd.s32 $0x2A000, s0;
	s0 =	simm.s32 $0x2  }
.LBB2_1:
0x19: {  	s12 =	rddreg [dreg:$0x4]  }
0x1a: {  	[spmem:s21], [sflag:s6] =	dma.local [hbm:s12], $0x1400  }
0x1b: {  	_ =	swait.ge [sflag:s22], $0x1400  }
0x1c: {  	[sflag:s22] =	ssyncset.done $0x0  }
0x1d: {  	s13 =	simm.s32 $0x100;
	s12 =	simm.s32 $0x0;
	[sflag:s22] =	ssyncadd.s32 $0xFFFFEC00  }
.LBB2_2:
0x1e: {  	p0 =	sne.s32 s13, $0x3F00;
	[tilespmem:s12+$0x19030] =	vst v0;
	s14 =	smov.u32 s13;
	s13 =	sadd.s32 $0x100, s13  }
.Ltmp0:
0x1f: {  	[tilespmem:s12+$0x19020] =	vst v0;
	(pc) =	sbr.rel @p0 .LBB2_2-.Ltmp0, $3  }
0x20: {  	[tilespmem:s12+$0x19000] =	vst v0  }
0x21: {  	[tilespmem:s12+$0x19010] =	vst v0;
	_ =	sdelay $0x1  }
0x22: {  	s12 =	sshra.s32 s14, $0x2  }
0x23: {  	[tilespmem:s12+$0x19030] =	vst v0  }
0x24: {  	[tilespmem:s12+$0x19020] =	vst v0  }
0x25: {  	[tilespmem:s12+$0x19000] =	vst v0  }
0x26: {  	[tilespmem:s12+$0x19010] =	vst v0  }
0x27: {  	[spmem:s7] =	stream.linear.scatter [tilespmem:s23], [sflag:$0x9], $0x1000, $0x38;
	[tilespmem:$0x1D000] =	vst v63  }
0x28: {  	_ =	swait.ge [sflag:s22], $0x1000  }
0x29: {  	[sflag:s22] =	ssyncset.done $0x0  }
0x2a: {  	s14 =	rddreg [dreg:$0x5];
	[sflag:s22] =	ssyncadd.s32 $0xFFFFF000  }
0x2b: {  	[spmem:s14] =	stream.linear.scatter [tilespmem:s23], [sflag:$0x9], $0x1000, $0x38;
	[tilespmem:$0x1D000] =	vst v63  }
0x2c: {  	_ =	swait.ge [sflag:s22], $0x1000  }
0x2d: {  	[sflag:s22] =	ssyncset.done $0x0  }
0x2e: {  	s13 =	rddreg [dreg:$0x6];
	[sflag:s22] =	ssyncadd.s32 $0xFFFFF000  }
0x2f: {  	[spmem:s13] =	stream.linear.scatter [tilespmem:s23], [sflag:$0x9], $0x1000, $0x38;
	[tilespmem:$0x1D000] =	vst v63  }
0x30: {  	_ =	swait.ge [sflag:s22], $0x1000  }
0x31: {  	[sflag:s22] =	ssyncset.done $0x0  }
0x32: {  	s14 =	rddreg [dreg:$0x7];
	[sflag:s22] =	ssyncadd.s32 $0xFFFFF000  }
0x33: {  	[spmem:s14] =	stream.linear.scatter [tilespmem:s23], [sflag:$0x9], $0x1000, $0x38;
	[tilespmem:$0x1D000] =	vst v63  }
0x34: {  	_ =	swait.ge [sflag:s22], $0x1000  }
0x35: {  	[sflag:s22] =	ssyncset.done $0x0  }
0x36: {  	s13 =	rddreg [dreg:$0x8];
	[sflag:s22] =	ssyncadd.s32 $0xFFFFF000  }
0x37: {  	[spmem:s13] =	stream.linear.scatter [tilespmem:s23], [sflag:$0x9], $0x1000, $0x38;
	[tilespmem:$0x1D000] =	vst v63  }
0x38: {  	_ =	swait.ge [sflag:s22], $0x1000  }
0x39: {  	[sflag:s22] =	ssyncset.done $0x0  }
0x3a: {  	s14 =	rddreg [dreg:$0x9];
	[sflag:s22] =	ssyncadd.s32 $0xFFFFF000  }
0x3b: {  	[spmem:s14] =	stream.linear.scatter [tilespmem:s23], [sflag:$0x9], $0x1000, $0x38;
	[tilespmem:$0x1D000] =	vst v63  }
0x3c: {  	_ =	swait.ge [sflag:s22], $0x1000  }
0x3d: {  	[sflag:s22] =	ssyncset.done $0x0  }
0x3e: {  	s13 =	rddreg [dreg:$0xa];
	[sflag:s22] =	ssyncadd.s32 $0xFFFFF000  }
0x3f: {  	[spmem:s13] =	stream.linear.scatter [tilespmem:s23], [sflag:$0x9], $0x1000, $0x38;
	[tilespmem:$0x1D000] =	vst v63  }
0x40: {  	_ =	swait.ge [sflag:s22], $0x1000  }
0x41: {  	[sflag:s22] =	ssyncset.done $0x0  }
0x42: {  	s14 =	rddreg [dreg:$0xb];
	[sflag:s22] =	ssyncadd.s32 $0xFFFFF000  }
0x43: {  	[spmem:s14] =	stream.linear.scatter [tilespmem:s23], [sflag:$0x9], $0x1000, $0x38;
	[tilespmem:$0x1D000] =	vst v63  }
0x44: {  	_ =	swait.ge [sflag:s22], $0x1000  }
0x45: {  	[sflag:s22] =	ssyncset.done $0x0  }
0x46: {  	[sflag:s22] =	ssyncadd.s32 $0xFFFFF000  }
0x47: {  	[spmem:s15] =	stream.linear.scatter [tilespmem:s23], [sflag:$0x9], $0x1000, $0x38;
	[tilespmem:$0x1D000] =	vst v63  }
0x48: {  	_ =	swait.ge [sflag:s22], $0x1000  }
0x49: {  	[sflag:s22] =	ssyncset.done $0x0  }
0x4a: {  	[sflag:s22] =	ssyncadd.s32 $0xFFFFF000  }
0x4b: {  	[spmem:s16] =	stream.linear.scatter [tilespmem:s23], [sflag:$0x9], $0x1000, $0x38;
	[tilespmem:$0x1D000] =	vst v63  }
0x4c: {  	_ =	swait.ge [sflag:s22], $0x1000  }
0x4d: {  	[sflag:s22] =	ssyncset.done $0x0  }
0x4e: {  	s13 =	simm.s32 $0x0;
	[sflag:s22] =	ssyncadd.s32 $0xFFFFF000  }
0x4f: {  	[tilespmem:s24], [sflag:$0x9] =	stream.linear.gather [hbm4b:s17+s13], $0x2800, $0x38;
	[tilespmem:$0x1D000] =	vst v63  }
0x50: {  	_ =	swait.ge [sflag:s22], $0x2800  }
0x51: {  	[sflag:s22] =	ssyncset.done $0x0  }
0x52: {  	[sflag:s22] =	ssyncadd.s32 $0xFFFFD800  }
0x53: {  	[tilespmem:s25], [sflag:$0x9] =	stream.linear.gather [hbm4b:s18+s13], $0x2800, $0x38;
	[tilespmem:$0x1D000] =	vst v63  }
0x54: {  	_ =	swait.ge [sflag:s22], $0x2800  }
0x55: {  	[sflag:s22] =	ssyncset.done $0x0  }
0x56: {  	[sflag:s22] =	ssyncadd.s32 $0xFFFFD800  }
0x57: {  	[bflag:$0x0] =	sbarrier.arrive $0xFFFF  }
0x58: {  	[tilespmem:s23], [sflag:$0x1] =	stream.indirect.gather [spmem:s2], $0x40, s24, s26, $0xb8;
	[tilespmem:$0x1D000] =	vst v63  }
0x59: {  	s14 =	simm.s32 $0x14040  }
0x5a: {  	[tilespmem:s29], [sflag:$0x2] =	stream.indirect.gather [spmem:s2], $0x40, s14, s26, $0xb8;
	[tilespmem:$0x1D000] =	vst v63  }
0x5b: {  	_ =	swait.ge [sflag:s30], $0x1000  }
0x5c: {  	[sflag:s30] =	ssyncset.done $0x0  }
0x5d: {  	[sflag:s30] =	ssyncadd.s32 $0xFFFFF000  }
0x5e: {  	[spmem:s3] =	stream.indirect.scatter.add.s16 [tilespmem:s23], [sflag:$0x5], $0x40, s25, s26, $0xb8;
	[tilespmem:$0x1D000] =	vst v63  }
0x5f: {  	s13 =	simm.s32 $0x14080  }
0x60: {  	[tilespmem:s1], [sflag:$0x3] =	stream.indirect.gather [spmem:s2], $0x40, s13, s26, $0xb8;
	[tilespmem:$0x1D000] =	vst v63  }
0x61: {  	_ =	swait.ge [sflag:s0], $0x1000  }
0x62: {  	[sflag:s0] =	ssyncset.done $0x0  }
0x63: {  	s14 =	simm.s32 $0x16840;
	[sflag:s0] =	ssyncadd.s32 $0xFFFFF000  }
0x64: {  	[spmem:s3] =	stream.indirect.scatter.add.s16 [tilespmem:s29], [sflag:$0x6], $0x40, s14, s26, $0xb8;
	[tilespmem:$0x1D000] =	vst v63  }
0x65: {  	s13 =	simm.s32 $0x140C0  }
0x66: {  	[tilespmem:s28], [sflag:$0x4] =	stream.indirect.gather [spmem:s2], $0x40, s13, s26, $0xb8;
	[tilespmem:$0x1D000] =	vst v63  }
0x67: {  	_ =	swait.ge [sflag:s31], $0x1000  }
0x68: {  	[sflag:s31] =	ssyncset.done $0x0  }
0x69: {  	[sflag:s31] =	ssyncadd.s32 $0xFFFFF000  }
0x6a: {  	_ =	swait.ge [sflag:s5], $0x1000  }
0x6b: {  	[sflag:s5] =	ssyncset.done $0x0  }
0x6c: {  	s14 =	simm.s32 $0x16880;
	[sflag:s5] =	ssyncadd.s32 $0xFFFFF000  }
0x6d: {  	[spmem:s3] =	stream.indirect.scatter.add.s16 [tilespmem:s1], [sflag:$0x7], $0x40, s14, s26, $0xb8;
	[tilespmem:$0x1D000] =	vst v63  }
0x6e: {  	s13 =	simm.s32 $0x14100  }
0x6f: {  	[tilespmem:s23], [sflag:$0x1] =	stream.indirect.gather [spmem:s2], $0x40, s13, s26, $0xb8;
	[tilespmem:$0x1D000] =	vst v63  }
0x70: {  	_ =	swait.ge [sflag:s8], $0x1000  }
0x71: {  	[sflag:s8] =	ssyncset.done $0x0  }
0x72: {  	[sflag:s8] =	ssyncadd.s32 $0xFFFFF000  }
0x73: {  	_ =	swait.ge [sflag:s9], $0x1000  }
0x74: {  	[sflag:s9] =	ssyncset.done $0x0  }
0x75: {  	s14 =	simm.s32 $0x168C0;
	[sflag:s9] =	ssyncadd.s32 $0xFFFFF000  }
0x76: {  	[spmem:s3] =	stream.indirect.scatter.add.s16 [tilespmem:s28], [sflag:$0x8], $0x40, s14, s26, $0xb8;
	[tilespmem:$0x1D000] =	vst v63  }
0x77: {  	s13 =	simm.s32 $0x14140  }
0x78: {  	[tilespmem:s29], [sflag:$0x2] =	stream.indirect.gather [spmem:s2], $0x40, s13, s26, $0xb8;
	[tilespmem:$0x1D000] =	vst v63  }
0x79: {  	_ =	swait.ge [sflag:s10], $0x1000  }
0x7a: {  	[sflag:s10] =	ssyncset.done $0x0  }
0x7b: {  	[sflag:s10] =	ssyncadd.s32 $0xFFFFF000  }
0x7c: {  	_ =	swait.ge [sflag:s30], $0x1000  }
0x7d: {  	[sflag:s30] =	ssyncset.done $0x0  }
0x7e: {  	s14 =	simm.s32 $0x16900;
	[sflag:s30] =	ssyncadd.s32 $0xFFFFF000  }
0x7f: {  	[spmem:s3] =	stream.indirect.scatter.add.s16 [tilespmem:s23], [sflag:$0x5], $0x40, s14, s26, $0xb8;
	[tilespmem:$0x1D000] =	vst v63  }
0x80: {  	s13 =	simm.s32 $0x14180  }
0x81: {  	[tilespmem:s1], [sflag:$0x3] =	stream.indirect.gather [spmem:s2], $0x40, s13, s26, $0xb8;
	[tilespmem:$0x1D000] =	vst v63  }
0x82: {  	_ =	swait.ge [sflag:s11], $0x1000  }
0x83: {  	[sflag:s11] =	ssyncset.done $0x0  }
0x84: {  	[sflag:s11] =	ssyncadd.s32 $0xFFFFF000  }
0x85: {  	_ =	swait.ge [sflag:s0], $0x1000  }
0x86: {  	[sflag:s0] =	ssyncset.done $0x0  }
0x87: {  	s14 =	simm.s32 $0x16940;
	[sflag:s0] =	ssyncadd.s32 $0xFFFFF000  }
0x88: {  	[spmem:s3] =	stream.indirect.scatter.add.s16 [tilespmem:s29], [sflag:$0x6], $0x40, s14, s26, $0xb8;
	[tilespmem:$0x1D000] =	vst v63  }
0x89: {  	s13 =	simm.s32 $0x141C0  }
0x8a: {  	[tilespmem:s28], [sflag:$0x4] =	stream.indirect.gather [spmem:s2], $0x40, s13, s26, $0xb8;
	[tilespmem:$0x1D000] =	vst v63  }
0x8b: {  	_ =	swait.ge [sflag:s31], $0x1000  }
0x8c: {  	[sflag:s31] =	ssyncset.done $0x0  }
0x8d: {  	[sflag:s31] =	ssyncadd.s32 $0xFFFFF000  }
0x8e: {  	_ =	swait.ge [sflag:s5], $0x1000  }
0x8f: {  	[sflag:s5] =	ssyncset.done $0x0  }
0x90: {  	s14 =	simm.s32 $0x16980;
	[sflag:s5] =	ssyncadd.s32 $0xFFFFF000  }
0x91: {  	[spmem:s3] =	stream.indirect.scatter.add.s16 [tilespmem:s1], [sflag:$0x7], $0x40, s14, s26, $0xb8;
	[tilespmem:$0x1D000] =	vst v63  }
0x92: {  	s13 =	simm.s32 $0x14200  }
0x93: {  	[tilespmem:s23], [sflag:$0x1] =	stream.indirect.gather [spmem:s2], $0x40, s13, s26, $0xb8;
	[tilespmem:$0x1D000] =	vst v63  }
0x94: {  	_ =	swait.ge [sflag:s8], $0x1000  }
0x95: {  	[sflag:s8] =	ssyncset.done $0x0  }
0x96: {  	[sflag:s8] =	ssyncadd.s32 $0xFFFFF000  }
0x97: {  	_ =	swait.ge [sflag:s9], $0x1000  }
0x98: {  	s12 =	simm.s32 $0x400;
	[sflag:s9] =	ssyncset.done $0x0  }
0x99: {  	s14 =	simm.s32 $0x169C0;
	s13 =	simm.s32 $0x14240;
	[sflag:s9] =	ssyncadd.s32 $0xFFFFF000  }
0x9a: {  	[spmem:s3] =	stream.indirect.scatter.add.s16 [tilespmem:s28], [sflag:$0x8], $0x40, s14, s26, $0xb8;
	[tilespmem:$0x1D000] =	vst v63  }
.LBB2_4:
0x9b: {  	[tilespmem:s29], [sflag:$0x2] =	stream.indirect.gather [spmem:s2], $0x40, s13, s26, $0xb8;
	[tilespmem:$0x1D000] =	vst v63  }
0x9c: {  	s13 =	smov.u32 s12  }
0x9d: {  	p0 =	sne.s32 s12, $0x9400;
	s12 =	sadd.s32 $0x400, s12;
	_ =	swait.ge [sflag:s10], $0x1000  }
0x9e: {  	[sflag:s10] =	ssyncset.done $0x0  }
0x9f: {  	[sflag:s10] =	ssyncadd.s32 $0xFFFFF000  }
0xa0: {  	_ =	swait.ge [sflag:s30], $0x1000  }
0xa1: {  	s13 =	sshra.s32 s13, $0x2;
	[sflag:s30] =	ssyncset.done $0x0  }
0xa2: {  	s14 =	sadd.s32 $0x16900, s13;
	[sflag:s30] =	ssyncadd.s32 $0xFFFFF000  }
0xa3: {  	[spmem:s3] =	stream.indirect.scatter.add.s16 [tilespmem:s23], [sflag:$0x5], $0x40, s14, s26, $0xb8;
	[tilespmem:$0x1D000] =	vst v63  }
0xa4: {  	s14 =	sadd.s32 $0x14180, s13  }
0xa5: {  	[tilespmem:s1], [sflag:$0x3] =	stream.indirect.gather [spmem:s2], $0x40, s14, s26, $0xb8;
	[tilespmem:$0x1D000] =	vst v63  }
0xa6: {  	_ =	swait.ge [sflag:s11], $0x1000  }
0xa7: {  	[sflag:s11] =	ssyncset.done $0x0  }
0xa8: {  	[sflag:s11] =	ssyncadd.s32 $0xFFFFF000  }
0xa9: {  	_ =	swait.ge [sflag:s0], $0x1000  }
0xaa: {  	[sflag:s0] =	ssyncset.done $0x0  }
0xab: {  	s14 =	sadd.s32 $0x16940, s13;
	[sflag:s0] =	ssyncadd.s32 $0xFFFFF000  }
0xac: {  	[spmem:s3] =	stream.indirect.scatter.add.s16 [tilespmem:s29], [sflag:$0x6], $0x40, s14, s26, $0xb8;
	[tilespmem:$0x1D000] =	vst v63  }
0xad: {  	s14 =	sadd.s32 $0x141C0, s13  }
0xae: {  	[tilespmem:s28], [sflag:$0x4] =	stream.indirect.gather [spmem:s2], $0x40, s14, s26, $0xb8;
	[tilespmem:$0x1D000] =	vst v63  }
0xaf: {  	_ =	swait.ge [sflag:s31], $0x1000  }
0xb0: {  	[sflag:s31] =	ssyncset.done $0x0  }
0xb1: {  	[sflag:s31] =	ssyncadd.s32 $0xFFFFF000  }
0xb2: {  	_ =	swait.ge [sflag:s5], $0x1000  }
0xb3: {  	[sflag:s5] =	ssyncset.done $0x0  }
0xb4: {  	s14 =	sadd.s32 $0x16980, s13;
	[sflag:s5] =	ssyncadd.s32 $0xFFFFF000  }
0xb5: {  	[spmem:s3] =	stream.indirect.scatter.add.s16 [tilespmem:s1], [sflag:$0x7], $0x40, s14, s26, $0xb8;
	[tilespmem:$0x1D000] =	vst v63  }
0xb6: {  	s14 =	sadd.s32 $0x14200, s13  }
0xb7: {  	[tilespmem:s23], [sflag:$0x1] =	stream.indirect.gather [spmem:s2], $0x40, s14, s26, $0xb8;
	[tilespmem:$0x1D000] =	vst v63  }
0xb8: {  	_ =	swait.ge [sflag:s8], $0x1000  }
0xb9: {  	[sflag:s8] =	ssyncset.done $0x0  }
0xba: {  	[sflag:s8] =	ssyncadd.s32 $0xFFFFF000  }
.Ltmp1:
0xbb: {  	_ =	swait.ge [sflag:s9], $0x1000;
	(pc) =	sbr.rel @p0 .LBB2_4-.Ltmp1, $4  }
0xbc: {  	[sflag:s9] =	ssyncset.done $0x0  }
0xbd: {  	s14 =	sadd.s32 $0x169C0, s13;
	[sflag:s9] =	ssyncadd.s32 $0xFFFFF000  }
0xbe: {  	[spmem:s3] =	stream.indirect.scatter.add.s16 [tilespmem:s28], [sflag:$0x8], $0x40, s14, s26, $0xb8;
	[tilespmem:$0x1D000] =	vst v63  }
0xbf: {  	s13 =	sadd.s32 $0x14240, s13  }
0xc0: {  	[tilespmem:s29], [sflag:$0x2] =	stream.indirect.gather [spmem:s2], $0x40, s13, s26, $0xb8;
	[tilespmem:$0x1D000] =	vst v63  }
0xc1: {  	_ =	swait.ge [sflag:s10], $0x1000  }
0xc2: {  	[sflag:s10] =	ssyncset.done $0x0  }
0xc3: {  	s12 =	simm.s32 $0x16780;
	[sflag:s10] =	ssyncadd.s32 $0xFFFFF000  }
0xc4: {  	[tilespmem:s1], [sflag:$0x3] =	stream.indirect.gather [spmem:s2], $0x40, s12, s26, $0xb8;
	[tilespmem:$0x1D000] =	vst v63  }
0xc5: {  	_ =	swait.ge [sflag:s30], $0x1000  }
0xc6: {  	[sflag:s30] =	ssyncset.done $0x0  }
0xc7: {  	s13 =	simm.s32 $0x18F00;
	[sflag:s30] =	ssyncadd.s32 $0xFFFFF000  }
0xc8: {  	[spmem:s3] =	stream.indirect.scatter.add.s16 [tilespmem:s23], [sflag:$0x5], $0x40, s13, s26, $0xb8;
	[tilespmem:$0x1D000] =	vst v63  }
0xc9: {  	_ =	swait.ge [sflag:s11], $0x1000  }
0xca: {  	[sflag:s11] =	ssyncset.done $0x0  }
0xcb: {  	s14 =	simm.s32 $0x167C0;
	[sflag:s11] =	ssyncadd.s32 $0xFFFFF000  }
0xcc: {  	[tilespmem:s28], [sflag:$0x4] =	stream.indirect.gather [spmem:s2], $0x40, s14, s26, $0xb8;
	[tilespmem:$0x1D000] =	vst v63  }
0xcd: {  	_ =	swait.ge [sflag:s0], $0x1000  }
0xce: {  	[sflag:s0] =	ssyncset.done $0x0  }
0xcf: {  	s13 =	simm.s32 $0x18F40;
	[sflag:s0] =	ssyncadd.s32 $0xFFFFF000  }
0xd0: {  	[spmem:s3] =	stream.indirect.scatter.add.s16 [tilespmem:s29], [sflag:$0x6], $0x40, s13, s26, $0xb8;
	[tilespmem:$0x1D000] =	vst v63  }
0xd1: {  	_ =	swait.ge [sflag:s31], $0x1000  }
0xd2: {  	[sflag:s31] =	ssyncset.done $0x0  }
0xd3: {  	[sflag:s31] =	ssyncadd.s32 $0xFFFFF000  }
0xd4: {  	_ =	swait.ge [sflag:s5], $0x1000  }
0xd5: {  	[sflag:s5] =	ssyncset.done $0x0  }
0xd6: {  	s14 =	simm.s32 $0x18F80;
	[sflag:s5] =	ssyncadd.s32 $0xFFFFF000  }
0xd7: {  	[spmem:s3] =	stream.indirect.scatter.add.s16 [tilespmem:s1], [sflag:$0x7], $0x40, s14, s26, $0xb8;
	[tilespmem:$0x1D000] =	vst v63  }
0xd8: {  	_ =	swait.ge [sflag:s8], $0x1000  }
0xd9: {  	[sflag:s8] =	ssyncset.done $0x0  }
0xda: {  	[sflag:s8] =	ssyncadd.s32 $0xFFFFF000  }
0xdb: {  	_ =	swait.ge [sflag:s9], $0x1000  }
0xdc: {  	[sflag:s9] =	ssyncset.done $0x0  }
0xdd: {  	s13 =	simm.s32 $0x18FC0;
	[sflag:s9] =	ssyncadd.s32 $0xFFFFF000  }
0xde: {  	[spmem:s3] =	stream.indirect.scatter.add.s16 [tilespmem:s28], [sflag:$0x8], $0x40, s13, s26, $0xb8;
	[tilespmem:$0x1D000] =	vst v63  }
0xdf: {  	_ =	swait.ge [sflag:s10], $0x1000  }
0xe0: {  	[sflag:s10] =	ssyncset.done $0x0  }
0xe1: {  	[sflag:s10] =	ssyncadd.s32 $0xFFFFF000  }
0xe2: {  	_ =	swait.ge [sflag:s11], $0x1000  }
0xe3: {  	s4 =	sadd.s32 $0x1, s4;
	[sflag:s11] =	ssyncset.done $0x0  }
0xe4: {  	p0 =	sne.s32 s4, s20;
	[sflag:s11] =	ssyncadd.s32 $0xFFFFF000  }
.Ltmp2:
0xe5: {  	s14 =	sshrl.u32 s7, $0x3;
	[bflag:$0x0] =	sbarrier.arrive $0xFFFF;
	(pc) =	sbr.rel @p0 .LBB2_1-.Ltmp2, $4  }
0xe6: {  	[hbm:s19], [sflag:s6] =	dma.local [spmem:s14], $0x1400  }
0xe7: {  	_ =	swait.ge [sflag:s22], $0x1400  }
0xe8: {  	[sflag:s22] =	ssyncset.done $0x0  }
0xe9: {  	[sflag:s22] =	ssyncadd.s32 $0xFFFFEC00  }
0xea: {  	_ =	sfence.sel $0x180000  }
0xeb: {  	[bflag:$0x0] =	sbarrier.arrive $0xFFFF  }
0xec: {  	_ =	strace $0x9000004A  }
0xed: {  	s0 =	stileid.u32;
	[bflag:$0x2] =	sbarrier.arrive $0xFFFF  }
0xee: {  	p0 =	sne.s32 s0, $0x0;
	s0 =	rddreg [dreg:$0x3]  }
0xef: {  	s0 =	sadd.s32 @!p0 $0x100000, s0  }
0xf0: {  	[sflag:s0] =	ssyncadd.tile.s32 @!p0 $0x1;
	_ =	shalt  }
.Lfunc_end2:
_tile_overlayer_lowered:
.L_overlay_start_2:
0xf1: {  	(tag) =	ssettag $0x2  }
0xf2: {  	s0 =	rddreg [dreg:$0x0];
	s2 =	stileid.u32  }
0xf3: {  	s1 =	rddreg [dreg:$0x1];
	p0 =	sne.s32 s2, $0x0  }
0xf4: {  	s3 =	rddreg [dreg:$0x2];
	[bflag:$0x3] =	sbarrier.arrive $0xFFFF;
	s2 =	simm.s32 @!p0 $0x1C09  }
0xf5: {  	[timem:s3], [sflag:s2] =	dma.local @!p0 [hbm:s0], s1  }
0xf6: {  	s0 =	simm.s32 @!p0 $0x9  }
0xf7: {  	_ =	swait.ge @!p0 [sflag:s0], s1  }
0xf8: {  	s1 =	ssub.s32 @!p0 $0x0, s1;
	[sflag:s0] =	ssyncset.done @!p0 $0x0  }
0xf9: {  	[sflag:s0] =	ssyncadd.s32 @!p0 s1  }
0xfa: {  	[bflag:$0x3] =	sbarrier.arrive $0xFFFF  }
0xfb: {  	_ =	shalt  }

</sc_bundles>
